<compile_context>
chip_gen: v7x
topology: tpu7x:2x2x1
jax: 0.10.2.dev20260603
libtpu: 0.0.44.dev20260713+nightly
codegen_flags: <defaults>
</compile_context>

<pallas_src>
import functools

import jax
import jax.numpy as jnp
from jax import lax
from jax.experimental import pallas as pl
from jax.experimental.pallas import tpu as pltpu
from jax.experimental.pallas import tpu_sc as plsc

B, E, H = 8, 16384, 256
MR = MC = MT = 2048
K_R, K_CT = 6, 4
M_RF = B * MR
M_CTF = B * (MC + MT)
NW = 32
CHUNK = 128
HW = H // 2


def _pack_body(x_ref, out_ref):
    x = x_ref[...]
    lo = lax.bitcast_convert_type(x[:, :HW].astype(jnp.bfloat16), jnp.uint16)
    hi = lax.bitcast_convert_type(x[:, HW:].astype(jnp.bfloat16), jnp.uint16)
    w = lo.astype(jnp.uint32) | (hi.astype(jnp.uint32) << 16)
    out_ref[...] = lax.bitcast_convert_type(w, jnp.int32)


def _pack_table(table):
    n = table.shape[0]
    rb = 4096
    return pl.pallas_call(
        _pack_body,
        grid=(n // rb,),
        in_specs=[pl.BlockSpec((rb, H), lambda i: (i, 0))],
        out_specs=pl.BlockSpec((rb, HW), lambda i: (i, 0)),
        out_shape=jax.ShapeDtypeStruct((n, HW), jnp.int32),
    )(table)


def _sc_gather(table, idx, k, m_rows, half, n_halves):
    mesh = plsc.VectorSubcoreMesh(core_axis_name="c", subcore_axis_name="s")
    m_half = m_rows // n_halves
    per_w = m_half // NW
    width = table.shape[1]
    dt = table.dtype

    @functools.partial(
        pl.kernel,
        mesh=mesh,
        out_type=tuple(
            jax.ShapeDtypeStruct((m_half, width), dt) for _ in range(k)
        ),
        scratch_types=[
            pltpu.VMEM((per_w,), jnp.int32),
            pltpu.VMEM((CHUNK, width), dt),
            pltpu.VMEM((CHUNK, width), dt),
            pltpu.SemaphoreType.DMA,
            pltpu.SemaphoreType.DMA,
        ],
    )
    def gather_kernel(table_hbm, idx_hbm, *refs):
        out_refs = refs[:k]
        idx_v, buf0, buf1, sem0, sem1 = refs[k:]
        wid = lax.axis_index("s") * 2 + lax.axis_index("c")

        def run(idx_base, out_hbm):
            base = wid * per_w
            nchunk = per_w // CHUNK
            pltpu.sync_copy(
                idx_hbm.at[pl.ds(idx_base + base, per_w)],
                idx_v.at[pl.ds(0, per_w)],
            )

            def issue(c, buf, sem):
                pltpu.async_copy(
                    table_hbm.at[idx_v.at[pl.ds(c * CHUNK, CHUNK)]], buf, sem
                )

            def drain(c, buf, sem):
                pltpu.make_async_copy(
                    table_hbm.at[idx_v.at[pl.ds(c * CHUNK, CHUNK)]], buf, sem
                ).wait()
                pltpu.sync_copy(buf, out_hbm.at[pl.ds(base + c * CHUNK, CHUNK)])

            issue(0, buf0, sem0)

            def body(p, carry):
                c0 = p * 2
                issue(c0 + 1, buf1, sem1)
                drain(c0, buf0, sem0)

                @pl.when(c0 + 2 < nchunk)
                def _issue_next():
                    issue(c0 + 2, buf0, sem0)

                drain(c0 + 1, buf1, sem1)
                return carry

            lax.fori_loop(0, nchunk // 2, body, 0)

        for j in range(k):
            run(j * m_rows + half * m_half, out_refs[j])

    return gather_kernel(table, idx)


def _mk_mlp_body(k, packed, row_block):
    def body(*refs):
        pid = pl.program_id(0)
        x_refs = refs[:k]
        (w1_ref, b1_ref, wcat_ref, bcat_ref,
         wa4t_ref, ba4_ref, out_ref) = refs[k:]
        f32 = jnp.float32
        bf16 = jnp.bfloat16

        def lin(h, i):
            return (jnp.dot(h, wcat_ref[i * H:(i + 1) * H, :],
                            preferred_element_type=f32)
                    + bcat_ref[pl.ds(i, 1), :])

        s = b1_ref[...].astype(f32)
        for j in range(k):
            w = x_refs[j][...]
            if packed:
                lo = lax.bitcast_convert_type(w << 16, f32)
                hi = lax.bitcast_convert_type(w & jnp.int32(-65536), f32)
                xj = jnp.concatenate([lo, hi], axis=1).astype(bf16)
            else:
                xj = w.astype(bf16)
            s = s + jnp.dot(xj, w1_ref[j * H:(j + 1) * H, :],
                            preferred_element_type=f32)
        h = jnp.maximum(s, 0.0).astype(bf16)
        m = lin(h, 0).astype(bf16)
        h = jnp.maximum(lin(m, 1), 0.0).astype(bf16)
        h = jnp.maximum(lin(h, 2), 0.0).astype(bf16)
        h = jnp.maximum(lin(h, 3), 0.0).astype(bf16)
        res = lax.dot_general(wa4t_ref[...], h, (((1,), (1,)), ((), ())),
                              preferred_element_type=f32) + ba4_ref[...]
        sub = MR // row_block
        out_ref[pl.ds(pid // sub, 1), pl.ds((pid % sub) * row_block, row_block)] = res
    return body


def _mlp_stack(xs, w1, b1, wcat, bcat, wa4t, ba4, row_block, packed):
    k = len(xs)
    n, width = xs[0].shape
    grid = (n // row_block,)
    rpb = row_block // MR
    fixed = lambda i: (0, 0)
    out = pl.pallas_call(
        _mk_mlp_body(k, packed, row_block),
        grid=grid,
        in_specs=[pl.BlockSpec((row_block, width), lambda i: (i, 0))] * k + [
            pl.BlockSpec((k * H, H), fixed),
            pl.BlockSpec((1, H), fixed),
            pl.BlockSpec((4 * H, H), fixed),
            pl.BlockSpec((4, H), fixed),
            pl.BlockSpec((1, H), fixed),
            pl.BlockSpec((1, 1), fixed),
        ],
        out_specs=pl.BlockSpec((n // MR, MR), fixed),
        out_shape=jax.ShapeDtypeStruct((n // MR, MR), jnp.float32),
    )(*xs, w1, b1, wcat, bcat, wa4t, ba4)
    return out


def kernel(e_emb, reloc_idx, cross_idx, twoopt_idx,
           Wr1, br1, Wr2, br2,
           Wc1, bc1, Wc2, bc2,
           Wa1, ba1, Wa2, ba2, Wa3, ba3, Wa4, ba4):
    bf16 = jnp.bfloat16
    offs = (jnp.arange(B, dtype=jnp.int32) * E)[:, None, None]
    ridx = jnp.transpose(reloc_idx.astype(jnp.int32) + offs, (2, 0, 1)).reshape(-1)
    cidx = jnp.transpose(cross_idx.astype(jnp.int32) + offs, (2, 0, 1)).reshape(K_CT, -1)
    tidx = jnp.transpose(twoopt_idx.astype(jnp.int32) + offs, (2, 0, 1)).reshape(K_CT, -1)
    ctidx = jnp.concatenate([cidx, tidx], axis=1).reshape(-1)

    table_pk = _pack_table(e_emb.reshape(B * E, H))
    xs_c = _sc_gather(table_pk, ctidx, K_CT, M_CTF, 0, 2)
    xs_t = _sc_gather(table_pk, ctidx, K_CT, M_CTF, 1, 2)
    xs_r1 = _sc_gather(table_pk, ridx, K_R, M_RF, 0, 2)
    xs_r2 = _sc_gather(table_pk, ridx, K_R, M_RF, 1, 2)

    r1 = lambda v: v.reshape(1, -1)
    wb = lambda w: w.astype(bf16)
    wacat = jnp.concatenate([wb(Wa1), wb(Wa2), wb(Wa3)], axis=0)
    bacat = jnp.stack([ba1, ba2, ba3], axis=0)
    args_r = (wb(Wr1), r1(br1),
              jnp.concatenate([wb(Wr2), wacat], axis=0),
              jnp.concatenate([r1(br2), bacat], axis=0),
              wb(Wa4).T, r1(ba4))
    args_c = (wb(Wc1), r1(bc1),
              jnp.concatenate([wb(Wc2), wacat], axis=0),
              jnp.concatenate([r1(bc2), bacat], axis=0),
              wb(Wa4).T, r1(ba4))
    lc = _mlp_stack(xs_c, *args_c, row_block=2048, packed=True)
    lt = _mlp_stack(xs_t, *args_c, row_block=2048, packed=True)
    lr1 = _mlp_stack(xs_r1, *args_r, row_block=1024, packed=True)
    lr2 = _mlp_stack(xs_r2, *args_r, row_block=1024, packed=True)

    lr = jnp.concatenate([lr1, lr2], axis=0)
    return jnp.concatenate([lr, lc, lt], axis=1)

# --- scband reference (transcript-rebuilt; emitter-appended) ---
"""Pipeline reference for scband-vrpaction-net-63763084476715 (READ-ONLY COPY).

The authoritative reference and input builder live on the scoring server;
editing this copy changes nothing except your own understanding.
"""

import jax, jax.numpy as jnp
import numpy as np

B, E, H = 8, 16384, 256
MR, MC, MT = 2048, 2048, 2048


def _lin_init(k, fin, fout):
    kw, kb = jax.random.split(k)
    s = 1.0 / np.sqrt(fin)
    W = jax.random.uniform(kw, (fin, fout), minval=-s, maxval=s, dtype=jnp.float32)
    b = jax.random.uniform(kb, (fout,), minval=-s, maxval=s, dtype=jnp.float32)
    return W, b


def setup_inputs(seed: int = 0) -> dict:
    key = jax.random.key(seed)
    ks = jax.random.split(key, 16)
    d = {}
    d["e_emb"] = jax.random.normal(ks[0], (B, E, H), dtype=jnp.float32)
    d["reloc_idx"] = jax.random.randint(ks[1], (B, MR, 6), 0, E, dtype=jnp.int64)
    d["cross_idx"] = jax.random.randint(ks[2], (B, MC, 4), 0, E, dtype=jnp.int64)
    d["twoopt_idx"] = jax.random.randint(ks[3], (B, MT, 4), 0, E, dtype=jnp.int64)
    # reloc_mlp: MLP(6H -> H -> H, L=1)
    d["Wr1"], d["br1"] = _lin_init(ks[4], 6 * H, H)
    d["Wr2"], d["br2"] = _lin_init(ks[5], H, H)
    # cross_mlp: MLP(4H -> H -> H, L=1) (shared by cross and two-opt moves)
    d["Wc1"], d["bc1"] = _lin_init(ks[6], 4 * H, H)
    d["Wc2"], d["bc2"] = _lin_init(ks[7], H, H)
    # action_net: MLP(H -> H, L=3 hidden) -> 1
    d["Wa1"], d["ba1"] = _lin_init(ks[8], H, H)
    d["Wa2"], d["ba2"] = _lin_init(ks[9], H, H)
    d["Wa3"], d["ba3"] = _lin_init(ks[10], H, H)
    d["Wa4"], d["ba4"] = _lin_init(ks[11], H, 1)
    return d


def reference(e_emb, reloc_idx, cross_idx, twoopt_idx,
              Wr1, br1, Wr2, br2,
              Wc1, bc1, Wc2, bc2,
              Wa1, ba1, Wa2, ba2, Wa3, ba3, Wa4, ba4):
    # get_second_move_logits: gather edge embeddings composing each candidate
    # move (ragged per instance, flat-concatenated), embed with move MLPs,
    # score with action_net, return padded per-instance logits.
    Bq, Eq, Hq = e_emb.shape
    relu = jax.nn.relu

    def gather_concat(idx):
        # idx: [B, M, k] edge ids -> [B, M, k*H] concatenated edge embeddings
        g = jax.vmap(lambda emb, ix: jnp.take(emb, ix.reshape(-1), axis=0))(e_emb, idx)
        return g.reshape(idx.shape[0], idx.shape[1], idx.shape[2] * Hq)

    def mlp1(x, W1, b1, W2, b2):
        return relu(x @ W1 + b1) @ W2 + b2

    reloc_emb = mlp1(gather_concat(reloc_idx), Wr1, br1, Wr2, br2)      # embed_reloc_heuristic
    cross_emb = mlp1(gather_concat(cross_idx), Wc1, bc1, Wc2, bc2)      # embed_cross_heuristic
    twoopt_emb = mlp1(gather_concat(twoopt_idx), Wc1, bc1, Wc2, bc2)    # embed_cross_heuristic (2-opt)

    all_moves = jnp.concatenate([reloc_emb, cross_emb, twoopt_emb], axis=1)  # [B, Mtot, H]

    h = relu(all_moves @ Wa1 + ba1)
    h = relu(h @ Wa2 + ba2)
    h = relu(h @ Wa3 + ba3)
    logits = (h @ Wa4 + ba4).squeeze(-1)  # [B, Mtot] (pad_sequence equivalent: equal counts)
    return logits

if __name__ == "__main__":
    import jax
    _d = setup_inputs()
    print(jax.jit(kernel)(*tuple(_d.values())))

</pallas_src>

<mosaic_0001>
#map = affine_map<(d0, d1) -> (0, 0)>
#map1 = affine_map<(d0, d1) -> (0)>
module attributes {stable_mosaic.version = 14 : i64} {
  func.func @gather_kernel(%arg0: i32, %arg1: i32, %arg2: memref<131072x128xi32, #tpu.memory_space<hbm>>, %arg3: memref<98304xi32, #tpu.memory_space<hbm>>, %arg4: memref<8192x128xi32, #tpu.memory_space<hbm>>, %arg5: memref<8192x128xi32, #tpu.memory_space<hbm>>, %arg6: memref<8192x128xi32, #tpu.memory_space<hbm>>, %arg7: memref<8192x128xi32, #tpu.memory_space<hbm>>, %arg8: memref<8192x128xi32, #tpu.memory_space<hbm>>, %arg9: memref<8192x128xi32, #tpu.memory_space<hbm>>, %arg10: memref<256xi32, #tpu.memory_space<vmem>>, %arg11: memref<128x128xi32, #tpu.memory_space<vmem>>, %arg12: memref<128x128xi32, #tpu.memory_space<vmem>>, %arg13: memref<!tpu.dma_semaphore, #tpu.memory_space<semaphore_mem>>, %arg14: memref<!tpu.dma_semaphore, #tpu.memory_space<semaphore_mem>>) attributes {dimension_semantics = [#tpu.dimension_semantics<core_parallel>, #tpu.dimension_semantics<subcore_parallel>], iteration_bounds = array<i64: 2, 16>, scalar_prefetch = 0 : i64, scratch_operands = 5 : i64, tpu.core_type = #tpu.core_type<sc_vector_subcore>, window_params = [{transform_indices = #map}, {transform_indices = #map1}, {transform_indices = #map}, {transform_indices = #map}, {transform_indices = #map}, {transform_indices = #map}, {transform_indices = #map}, {transform_indices = #map}]} {
    %mul3A = arith.constant 2 : i32
    %mul3A_0 = arith.muli %arg1, %mul3A : i32
    %add3A = arith.addi %mul3A_0, %arg0 : i32
    %mul3A_1 = arith.constant 256 : i32
    %mul3A_2 = arith.muli %add3A, %mul3A_1 : i32
    %add3A_3 = arith.constant 0 : i32
    %add3A_4 = arith.addi %add3A_3, %mul3A_2 : i32
    "tpu.region"() ({
      %run_scoped3A = tpu.sem_alloc : memref<!tpu.dma_semaphore, #tpu.memory_space<semaphore_mem>>
      %dma_start3A_289 = arith.constant 0 : i32
      %dma_start3A_290 = tpu.memref_slice %arg10[%dma_start3A_289] : memref<256xi32, #tpu.memory_space<vmem>> -> memref<256xi32, #tpu.memory_space<vmem>>
      %dma_start3A_291 = tpu.memref_slice %arg3[%add3A_4] : memref<98304xi32, #tpu.memory_space<hbm>> -> memref<256xi32, #tpu.memory_space<hbm>>
      %dma_start3A_292 = arith.constant 0 : i32
      %dma_start3A_293 = tpu.memref_slice %arg10[%dma_start3A_292] : memref<256xi32, #tpu.memory_space<vmem>> -> memref<256xi32, #tpu.memory_space<vmem>>
      %dma_start3A_294 = tpu.memref_slice %arg3[%add3A_4] : memref<98304xi32, #tpu.memory_space<hbm>> -> memref<256xi32, #tpu.memory_space<hbm>>
      tpu.enqueue_dma source(%dma_start3A_294 : memref<256xi32, #tpu.memory_space<hbm>>) target(%dma_start3A_293 : memref<256xi32, #tpu.memory_space<vmem>>) target_semaphore(%run_scoped3A : memref<!tpu.dma_semaphore, #tpu.memory_space<semaphore_mem>>)
      %dma_wait3A_295 = arith.constant 0 : i32
      %dma_wait3A_296 = tpu.memref_slice %arg10[%dma_wait3A_295] : memref<256xi32, #tpu.memory_space<vmem>> -> memref<256xi32, #tpu.memory_space<vmem>>
      %dma_wait3A_297 = tpu.memref_slice %arg3[%add3A_4] : memref<98304xi32, #tpu.memory_space<hbm>> -> memref<256xi32, #tpu.memory_space<hbm>>
      %dma_wait3A_298 = arith.constant 0 : i32
      %dma_wait3A_299 = tpu.memref_slice %arg10[%dma_wait3A_298] : memref<256xi32, #tpu.memory_space<vmem>> -> memref<256xi32, #tpu.memory_space<vmem>>
      %dma_wait3A_300 = tpu.memref_slice %arg3[%add3A_4] : memref<98304xi32, #tpu.memory_space<hbm>> -> memref<256xi32, #tpu.memory_space<hbm>>
      tpu.wait_dma2 semaphore(%run_scoped3A : memref<!tpu.dma_semaphore, #tpu.memory_space<semaphore_mem>>) src(%dma_wait3A_300 : memref<256xi32, #tpu.memory_space<hbm>>) dst(%dma_wait3A_299 : memref<256xi32, #tpu.memory_space<vmem>>)
      tpu.yield
    }) : () -> ()
    %dma_start3A = arith.constant 0 : i32
    %dma_start3A_5 = tpu.memref_slice %arg10[%dma_start3A] : memref<256xi32, #tpu.memory_space<vmem>> -> memref<128xi32, #tpu.memory_space<vmem>>
    %dma_start3A_6 = arith.constant 0 : i32
    %dma_start3A_7 = arith.constant 0 : i32
    %dma_start3A_8 = tpu.memref_slice %arg2[%dma_start3A_6, %dma_start3A_7] : memref<131072x128xi32, #tpu.memory_space<hbm>> -> memref<131072x128xi32, #tpu.memory_space<hbm>>
    tpu.enqueue_indirect_dma source(%dma_start3A_8 : memref<131072x128xi32, #tpu.memory_space<hbm>>) target(%arg11 : memref<128x128xi32, #tpu.memory_space<vmem>>) offsets(%dma_start3A_5 : memref<128xi32, #tpu.memory_space<vmem>>) semaphore(%arg13 : memref<!tpu.dma_semaphore, #tpu.memory_space<semaphore_mem>>)
    %scan3A = arith.constant 0 : i32
    %scan3A_9 = arith.constant 0 : i32
    %mul3A_10 = arith.constant 2 : i32
    %mul3A_11 = arith.muli %scan3A_9, %mul3A_10 : i32
    %add3A_12 = arith.constant 1 : i32
    %add3A_13 = arith.addi %mul3A_11, %add3A_12 : i32
    %mul3A_14 = arith.constant 128 : i32
    %mul3A_15 = arith.muli %add3A_13, %mul3A_14 : i32
    %dma_start3A_16 = tpu.memref_slice %arg10[%mul3A_15] : memref<256xi32, #tpu.memory_space<vmem>> -> memref<128xi32, #tpu.memory_space<vmem>>
    %dma_start3A_17 = arith.constant 0 : i32
    %dma_start3A_18 = arith.constant 0 : i32
    %dma_start3A_19 = tpu.memref_slice %arg2[%dma_start3A_17, %dma_start3A_18] : memref<131072x128xi32, #tpu.memory_space<hbm>> -> memref<131072x128xi32, #tpu.memory_space<hbm>>
    tpu.enqueue_indirect_dma source(%dma_start3A_19 : memref<131072x128xi32, #tpu.memory_space<hbm>>) target(%arg12 : memref<128x128xi32, #tpu.memory_space<vmem>>) offsets(%dma_start3A_16 : memref<128xi32, #tpu.memory_space<vmem>>) semaphore(%arg14 : memref<!tpu.dma_semaphore, #tpu.memory_space<semaphore_mem>>)
    %mul3A_20 = arith.constant 128 : i32
    %mul3A_21 = arith.muli %mul3A_11, %mul3A_20 : i32
    %dma_wait3A = tpu.memref_slice %arg10[%mul3A_21] : memref<256xi32, #tpu.memory_space<vmem>> -> memref<128xi32, #tpu.memory_space<vmem>>
    %dma_wait3A_22 = arith.constant 0 : i32
    %dma_wait3A_23 = arith.constant 0 : i32
    %dma_wait3A_24 = tpu.memref_slice %arg2[%dma_wait3A_22, %dma_wait3A_23] : memref<131072x128xi32, #tpu.memory_space<hbm>> -> memref<131072x128xi32, #tpu.memory_space<hbm>>
    tpu.wait_indirect_dma semaphore(%arg13 : memref<!tpu.dma_semaphore, #tpu.memory_space<semaphore_mem>>) src(%dma_wait3A_24 : memref<131072x128xi32, #tpu.memory_space<hbm>>) dst(%arg11 : memref<128x128xi32, #tpu.memory_space<vmem>>)
    %mul3A_25 = arith.constant 128 : i32
    %mul3A_26 = arith.muli %mul3A_11, %mul3A_25 : i32
    %add3A_27 = arith.addi %mul3A_2, %mul3A_26 : i32
    "tpu.region"() ({
      %run_scoped3A = tpu.sem_alloc : memref<!tpu.dma_semaphore, #tpu.memory_space<semaphore_mem>>
      %dma_start3A_289 = arith.constant 0 : i32
      %dma_start3A_290 = tpu.memref_slice %arg4[%add3A_27, %dma_start3A_289] : memref<8192x128xi32, #tpu.memory_space<hbm>> -> memref<128x128xi32, #tpu.memory_space<hbm>>
      %dma_start3A_291 = arith.constant 0 : i32
      %dma_start3A_292 = tpu.memref_slice %arg4[%add3A_27, %dma_start3A_291] : memref<8192x128xi32, #tpu.memory_space<hbm>> -> memref<128x128xi32, #tpu.memory_space<hbm>>
      tpu.enqueue_dma source(%arg11 : memref<128x128xi32, #tpu.memory_space<vmem>>) target(%dma_start3A_292 : memref<128x128xi32, #tpu.memory_space<hbm>>) target_semaphore(%run_scoped3A : memref<!tpu.dma_semaphore, #tpu.memory_space<semaphore_mem>>)
      %dma_wait3A_293 = arith.constant 0 : i32
      %dma_wait3A_294 = tpu.memref_slice %arg4[%add3A_27, %dma_wait3A_293] : memref<8192x128xi32, #tpu.memory_space<hbm>> -> memref<128x128xi32, #tpu.memory_space<hbm>>
      %dma_wait3A_295 = arith.constant 0 : i32
      %dma_wait3A_296 = tpu.memref_slice %arg4[%add3A_27, %dma_wait3A_295] : memref<8192x128xi32, #tpu.memory_space<hbm>> -> memref<128x128xi32, #tpu.memory_space<hbm>>
      tpu.wait_dma2 semaphore(%run_scoped3A : memref<!tpu.dma_semaphore, #tpu.memory_space<semaphore_mem>>) src(%arg11 : memref<128x128xi32, #tpu.memory_space<vmem>>) dst(%dma_wait3A_296 : memref<128x128xi32, #tpu.memory_space<hbm>>)
      tpu.yield
    }) : () -> ()
    %add3A_28 = arith.constant 2 : i32
    %add3A_29 = arith.addi %mul3A_11, %add3A_28 : i32
    %lt3A = arith.constant 2 : i32
    %lt3A_30 = arith.cmpi slt, %add3A_29, %lt3A : i32
    %convert_element_type3A = arith.extui %lt3A_30 : i1 to i32
    %cond3A = arith.constant 0 : i32
    %cond3A_31 = arith.cmpi ne, %convert_element_type3A, %cond3A : i32
    scf.if %cond3A_31 {
      %add3A_289 = arith.constant 2 : i32
      %add3A_290 = arith.addi %mul3A_11, %add3A_289 : i32
      %mul3A_291 = arith.constant 128 : i32
      %mul3A_292 = arith.muli %add3A_290, %mul3A_291 : i32
      %dma_start3A_293 = tpu.memref_slice %arg10[%mul3A_292] : memref<256xi32, #tpu.memory_space<vmem>> -> memref<128xi32, #tpu.memory_space<vmem>>
      %dma_start3A_294 = arith.constant 0 : i32
      %dma_start3A_295 = arith.constant 0 : i32
      %dma_start3A_296 = tpu.memref_slice %arg2[%dma_start3A_294, %dma_start3A_295] : memref<131072x128xi32, #tpu.memory_space<hbm>> -> memref<131072x128xi32, #tpu.memory_space<hbm>>
      tpu.enqueue_indirect_dma source(%dma_start3A_296 : memref<131072x128xi32, #tpu.memory_space<hbm>>) target(%arg11 : memref<128x128xi32, #tpu.memory_space<vmem>>) offsets(%dma_start3A_293 : memref<128xi32, #tpu.memory_space<vmem>>) semaphore(%arg13 : memref<!tpu.dma_semaphore, #tpu.memory_space<semaphore_mem>>)
    } else {
    }
    %add3A_32 = arith.constant 1 : i32
    %add3A_33 = arith.addi %mul3A_11, %add3A_32 : i32
    %mul3A_34 = arith.constant 128 : i32
    %mul3A_35 = arith.muli %add3A_33, %mul3A_34 : i32
    %dma_wait3A_36 = tpu.memref_slice %arg10[%mul3A_35] : memref<256xi32, #tpu.memory_space<vmem>> -> memref<128xi32, #tpu.memory_space<vmem>>
    %dma_wait3A_37 = arith.constant 0 : i32
    %dma_wait3A_38 = arith.constant 0 : i32
    %dma_wait3A_39 = tpu.memref_slice %arg2[%dma_wait3A_37, %dma_wait3A_38] : memref<131072x128xi32, #tpu.memory_space<hbm>> -> memref<131072x128xi32, #tpu.memory_space<hbm>>
    tpu.wait_indirect_dma semaphore(%arg14 : memref<!tpu.dma_semaphore, #tpu.memory_space<semaphore_mem>>) src(%dma_wait3A_39 : memref<131072x128xi32, #tpu.memory_space<hbm>>) dst(%arg12 : memref<128x128xi32, #tpu.memory_space<vmem>>)
    %mul3A_40 = arith.constant 128 : i32
    %mul3A_41 = arith.muli %add3A_33, %mul3A_40 : i32
    %add3A_42 = arith.addi %mul3A_2, %mul3A_41 : i32
    "tpu.region"() ({
      %run_scoped3A = tpu.sem_alloc : memref<!tpu.dma_semaphore, #tpu.memory_space<semaphore_mem>>
      %dma_start3A_289 = arith.constant 0 : i32
      %dma_start3A_290 = tpu.memref_slice %arg4[%add3A_42, %dma_start3A_289] : memref<8192x128xi32, #tpu.memory_space<hbm>> -> memref<128x128xi32, #tpu.memory_space<hbm>>
      %dma_start3A_291 = arith.constant 0 : i32
      %dma_start3A_292 = tpu.memref_slice %arg4[%add3A_42, %dma_start3A_291] : memref<8192x128xi32, #tpu.memory_space<hbm>> -> memref<128x128xi32, #tpu.memory_space<hbm>>
      tpu.enqueue_dma source(%arg12 : memref<128x128xi32, #tpu.memory_space<vmem>>) target(%dma_start3A_292 : memref<128x128xi32, #tpu.memory_space<hbm>>) target_semaphore(%run_scoped3A : memref<!tpu.dma_semaphore, #tpu.memory_space<semaphore_mem>>)
      %dma_wait3A_293 = arith.constant 0 : i32
      %dma_wait3A_294 = tpu.memref_slice %arg4[%add3A_42, %dma_wait3A_293] : memref<8192x128xi32, #tpu.memory_space<hbm>> -> memref<128x128xi32, #tpu.memory_space<hbm>>
      %dma_wait3A_295 = arith.constant 0 : i32
      %dma_wait3A_296 = tpu.memref_slice %arg4[%add3A_42, %dma_wait3A_295] : memref<8192x128xi32, #tpu.memory_space<hbm>> -> memref<128x128xi32, #tpu.memory_space<hbm>>
      tpu.wait_dma2 semaphore(%run_scoped3A : memref<!tpu.dma_semaphore, #tpu.memory_space<semaphore_mem>>) src(%arg12 : memref<128x128xi32, #tpu.memory_space<vmem>>) dst(%dma_wait3A_296 : memref<128x128xi32, #tpu.memory_space<hbm>>)
      tpu.yield
    }) : () -> ()
    %scan3A_43 = arith.constant 1 : i32
    %mul3A_44 = arith.constant 256 : i32
    %mul3A_45 = arith.muli %add3A, %mul3A_44 : i32
    %add3A_46 = arith.constant 16384 : i32
    %add3A_47 = arith.addi %add3A_46, %mul3A_45 : i32
    "tpu.region"() ({
      %run_scoped3A = tpu.sem_alloc : memref<!tpu.dma_semaphore, #tpu.memory_space<semaphore_mem>>
      %dma_start3A_289 = arith.constant 0 : i32
      %dma_start3A_290 = tpu.memref_slice %arg10[%dma_start3A_289] : memref<256xi32, #tpu.memory_space<vmem>> -> memref<256xi32, #tpu.memory_space<vmem>>
      %dma_start3A_291 = tpu.memref_slice %arg3[%add3A_47] : memref<98304xi32, #tpu.memory_space<hbm>> -> memref<256xi32, #tpu.memory_space<hbm>>
      %dma_start3A_292 = arith.constant 0 : i32
      %dma_start3A_293 = tpu.memref_slice %arg10[%dma_start3A_292] : memref<256xi32, #tpu.memory_space<vmem>> -> memref<256xi32, #tpu.memory_space<vmem>>
      %dma_start3A_294 = tpu.memref_slice %arg3[%add3A_47] : memref<98304xi32, #tpu.memory_space<hbm>> -> memref<256xi32, #tpu.memory_space<hbm>>
      tpu.enqueue_dma source(%dma_start3A_294 : memref<256xi32, #tpu.memory_space<hbm>>) target(%dma_start3A_293 : memref<256xi32, #tpu.memory_space<vmem>>) target_semaphore(%run_scoped3A : memref<!tpu.dma_semaphore, #tpu.memory_space<semaphore_mem>>)
      %dma_wait3A_295 = arith.constant 0 : i32
      %dma_wait3A_296 = tpu.memref_slice %arg10[%dma_wait3A_295] : memref<256xi32, #tpu.memory_space<vmem>> -> memref<256xi32, #tpu.memory_space<vmem>>
      %dma_wait3A_297 = tpu.memref_slice %arg3[%add3A_47] : memref<98304xi32, #tpu.memory_space<hbm>> -> memref<256xi32, #tpu.memory_space<hbm>>
      %dma_wait3A_298 = arith.constant 0 : i32
      %dma_wait3A_299 = tpu.memref_slice %arg10[%dma_wait3A_298] : memref<256xi32, #tpu.memory_space<vmem>> -> memref<256xi32, #tpu.memory_space<vmem>>
      %dma_wait3A_300 = tpu.memref_slice %arg3[%add3A_47] : memref<98304xi32, #tpu.memory_space<hbm>> -> memref<256xi32, #tpu.memory_space<hbm>>
      tpu.wait_dma2 semaphore(%run_scoped3A : memref<!tpu.dma_semaphore, #tpu.memory_space<semaphore_mem>>) src(%dma_wait3A_300 : memref<256xi32, #tpu.memory_space<hbm>>) dst(%dma_wait3A_299 : memref<256xi32, #tpu.memory_space<vmem>>)
      tpu.yield
    }) : () -> ()
    %dma_start3A_48 = arith.constant 0 : i32
    %dma_start3A_49 = tpu.memref_slice %arg10[%dma_start3A_48] : memref<256xi32, #tpu.memory_space<vmem>> -> memref<128xi32, #tpu.memory_space<vmem>>
    %dma_start3A_50 = arith.constant 0 : i32
    %dma_start3A_51 = arith.constant 0 : i32
    %dma_start3A_52 = tpu.memref_slice %arg2[%dma_start3A_50, %dma_start3A_51] : memref<131072x128xi32, #tpu.memory_space<hbm>> -> memref<131072x128xi32, #tpu.memory_space<hbm>>
    tpu.enqueue_indirect_dma source(%dma_start3A_52 : memref<131072x128xi32, #tpu.memory_space<hbm>>) target(%arg11 : memref<128x128xi32, #tpu.memory_space<vmem>>) offsets(%dma_start3A_49 : memref<128xi32, #tpu.memory_space<vmem>>) semaphore(%arg13 : memref<!tpu.dma_semaphore, #tpu.memory_space<semaphore_mem>>)
    %scan3A_53 = arith.constant 0 : i32
    %scan3A_54 = arith.constant 0 : i32
    %mul3A_55 = arith.constant 2 : i32
    %mul3A_56 = arith.muli %scan3A_54, %mul3A_55 : i32
    %add3A_57 = arith.constant 1 : i32
    %add3A_58 = arith.addi %mul3A_56, %add3A_57 : i32
    %mul3A_59 = arith.constant 128 : i32
    %mul3A_60 = arith.muli %add3A_58, %mul3A_59 : i32
    %dma_start3A_61 = tpu.memref_slice %arg10[%mul3A_60] : memref<256xi32, #tpu.memory_space<vmem>> -> memref<128xi32, #tpu.memory_space<vmem>>
    %dma_start3A_62 = arith.constant 0 : i32
    %dma_start3A_63 = arith.constant 0 : i32
    %dma_start3A_64 = tpu.memref_slice %arg2[%dma_start3A_62, %dma_start3A_63] : memref<131072x128xi32, #tpu.memory_space<hbm>> -> memref<131072x128xi32, #tpu.memory_space<hbm>>
    tpu.enqueue_indirect_dma source(%dma_start3A_64 : memref<131072x128xi32, #tpu.memory_space<hbm>>) target(%arg12 : memref<128x128xi32, #tpu.memory_space<vmem>>) offsets(%dma_start3A_61 : memref<128xi32, #tpu.memory_space<vmem>>) semaphore(%arg14 : memref<!tpu.dma_semaphore, #tpu.memory_space<semaphore_mem>>)
    %mul3A_65 = arith.constant 128 : i32
    %mul3A_66 = arith.muli %mul3A_56, %mul3A_65 : i32
    %dma_wait3A_67 = tpu.memref_slice %arg10[%mul3A_66] : memref<256xi32, #tpu.memory_space<vmem>> -> memref<128xi32, #tpu.memory_space<vmem>>
    %dma_wait3A_68 = arith.constant 0 : i32
    %dma_wait3A_69 = arith.constant 0 : i32
    %dma_wait3A_70 = tpu.memref_slice %arg2[%dma_wait3A_68, %dma_wait3A_69] : memref<131072x128xi32, #tpu.memory_space<hbm>> -> memref<131072x128xi32, #tpu.memory_space<hbm>>
    tpu.wait_indirect_dma semaphore(%arg13 : memref<!tpu.dma_semaphore, #tpu.memory_space<semaphore_mem>>) src(%dma_wait3A_70 : memref<131072x128xi32, #tpu.memory_space<hbm>>) dst(%arg11 : memref<128x128xi32, #tpu.memory_space<vmem>>)
    %mul3A_71 = arith.constant 128 : i32
    %mul3A_72 = arith.muli %mul3A_56, %mul3A_71 : i32
    %add3A_73 = arith.addi %mul3A_45, %mul3A_72 : i32
    "tpu.region"() ({
      %run_scoped3A = tpu.sem_alloc : memref<!tpu.dma_semaphore, #tpu.memory_space<semaphore_mem>>
      %dma_start3A_289 = arith.constant 0 : i32
      %dma_start3A_290 = tpu.memref_slice %arg5[%add3A_73, %dma_start3A_289] : memref<8192x128xi32, #tpu.memory_space<hbm>> -> memref<128x128xi32, #tpu.memory_space<hbm>>
      %dma_start3A_291 = arith.constant 0 : i32
      %dma_start3A_292 = tpu.memref_slice %arg5[%add3A_73, %dma_start3A_291] : memref<8192x128xi32, #tpu.memory_space<hbm>> -> memref<128x128xi32, #tpu.memory_space<hbm>>
      tpu.enqueue_dma source(%arg11 : memref<128x128xi32, #tpu.memory_space<vmem>>) target(%dma_start3A_292 : memref<128x128xi32, #tpu.memory_space<hbm>>) target_semaphore(%run_scoped3A : memref<!tpu.dma_semaphore, #tpu.memory_space<semaphore_mem>>)
      %dma_wait3A_293 = arith.constant 0 : i32
      %dma_wait3A_294 = tpu.memref_slice %arg5[%add3A_73, %dma_wait3A_293] : memref<8192x128xi32, #tpu.memory_space<hbm>> -> memref<128x128xi32, #tpu.memory_space<hbm>>
      %dma_wait3A_295 = arith.constant 0 : i32
      %dma_wait3A_296 = tpu.memref_slice %arg5[%add3A_73, %dma_wait3A_295] : memref<8192x128xi32, #tpu.memory_space<hbm>> -> memref<128x128xi32, #tpu.memory_space<hbm>>
      tpu.wait_dma2 semaphore(%run_scoped3A : memref<!tpu.dma_semaphore, #tpu.memory_space<semaphore_mem>>) src(%arg11 : memref<128x128xi32, #tpu.memory_space<vmem>>) dst(%dma_wait3A_296 : memref<128x128xi32, #tpu.memory_space<hbm>>)
      tpu.yield
    }) : () -> ()
    %add3A_74 = arith.constant 2 : i32
    %add3A_75 = arith.addi %mul3A_56, %add3A_74 : i32
    %lt3A_76 = arith.constant 2 : i32
    %lt3A_77 = arith.cmpi slt, %add3A_75, %lt3A_76 : i32
    %convert_element_type3A_78 = arith.extui %lt3A_77 : i1 to i32
    %cond3A_79 = arith.constant 0 : i32
    %cond3A_80 = arith.cmpi ne, %convert_element_type3A_78, %cond3A_79 : i32
    scf.if %cond3A_80 {
      %add3A_289 = arith.constant 2 : i32
      %add3A_290 = arith.addi %mul3A_56, %add3A_289 : i32
      %mul3A_291 = arith.constant 128 : i32
      %mul3A_292 = arith.muli %add3A_290, %mul3A_291 : i32
      %dma_start3A_293 = tpu.memref_slice %arg10[%mul3A_292] : memref<256xi32, #tpu.memory_space<vmem>> -> memref<128xi32, #tpu.memory_space<vmem>>
      %dma_start3A_294 = arith.constant 0 : i32
      %dma_start3A_295 = arith.constant 0 : i32
      %dma_start3A_296 = tpu.memref_slice %arg2[%dma_start3A_294, %dma_start3A_295] : memref<131072x128xi32, #tpu.memory_space<hbm>> -> memref<131072x128xi32, #tpu.memory_space<hbm>>
      tpu.enqueue_indirect_dma source(%dma_start3A_296 : memref<131072x128xi32, #tpu.memory_space<hbm>>) target(%arg11 : memref<128x128xi32, #tpu.memory_space<vmem>>) offsets(%dma_start3A_293 : memref<128xi32, #tpu.memory_space<vmem>>) semaphore(%arg13 : memref<!tpu.dma_semaphore, #tpu.memory_space<semaphore_mem>>)
    } else {
    }
    %add3A_81 = arith.constant 1 : i32
    %add3A_82 = arith.addi %mul3A_56, %add3A_81 : i32
    %mul3A_83 = arith.constant 128 : i32
    %mul3A_84 = arith.muli %add3A_82, %mul3A_83 : i32
    %dma_wait3A_85 = tpu.memref_slice %arg10[%mul3A_84] : memref<256xi32, #tpu.memory_space<vmem>> -> memref<128xi32, #tpu.memory_space<vmem>>
    %dma_wait3A_86 = arith.constant 0 : i32
    %dma_wait3A_87 = arith.constant 0 : i32
    %dma_wait3A_88 = tpu.memref_slice %arg2[%dma_wait3A_86, %dma_wait3A_87] : memref<131072x128xi32, #tpu.memory_space<hbm>> -> memref<131072x128xi32, #tpu.memory_space<hbm>>
    tpu.wait_indirect_dma semaphore(%arg14 : memref<!tpu.dma_semaphore, #tpu.memory_space<semaphore_mem>>) src(%dma_wait3A_88 : memref<131072x128xi32, #tpu.memory_space<hbm>>) dst(%arg12 : memref<128x128xi32, #tpu.memory_space<vmem>>)
    %mul3A_89 = arith.constant 128 : i32
    %mul3A_90 = arith.muli %add3A_82, %mul3A_89 : i32
    %add3A_91 = arith.addi %mul3A_45, %mul3A_90 : i32
    "tpu.region"() ({
      %run_scoped3A = tpu.sem_alloc : memref<!tpu.dma_semaphore, #tpu.memory_space<semaphore_mem>>
      %dma_start3A_289 = arith.constant 0 : i32
      %dma_start3A_290 = tpu.memref_slice %arg5[%add3A_91, %dma_start3A_289] : memref<8192x128xi32, #tpu.memory_space<hbm>> -> memref<128x128xi32, #tpu.memory_space<hbm>>
      %dma_start3A_291 = arith.constant 0 : i32
      %dma_start3A_292 = tpu.memref_slice %arg5[%add3A_91, %dma_start3A_291] : memref<8192x128xi32, #tpu.memory_space<hbm>> -> memref<128x128xi32, #tpu.memory_space<hbm>>
      tpu.enqueue_dma source(%arg12 : memref<128x128xi32, #tpu.memory_space<vmem>>) target(%dma_start3A_292 : memref<128x128xi32, #tpu.memory_space<hbm>>) target_semaphore(%run_scoped3A : memref<!tpu.dma_semaphore, #tpu.memory_space<semaphore_mem>>)
      %dma_wait3A_293 = arith.constant 0 : i32
      %dma_wait3A_294 = tpu.memref_slice %arg5[%add3A_91, %dma_wait3A_293] : memref<8192x128xi32, #tpu.memory_space<hbm>> -> memref<128x128xi32, #tpu.memory_space<hbm>>
      %dma_wait3A_295 = arith.constant 0 : i32
      %dma_wait3A_296 = tpu.memref_slice %arg5[%add3A_91, %dma_wait3A_295] : memref<8192x128xi32, #tpu.memory_space<hbm>> -> memref<128x128xi32, #tpu.memory_space<hbm>>
      tpu.wait_dma2 semaphore(%run_scoped3A : memref<!tpu.dma_semaphore, #tpu.memory_space<semaphore_mem>>) src(%arg12 : memref<128x128xi32, #tpu.memory_space<vmem>>) dst(%dma_wait3A_296 : memref<128x128xi32, #tpu.memory_space<hbm>>)
      tpu.yield
    }) : () -> ()
    %scan3A_92 = arith.constant 1 : i32
    %mul3A_93 = arith.constant 256 : i32
    %mul3A_94 = arith.muli %add3A, %mul3A_93 : i32
    %add3A_95 = arith.constant 32768 : i32
    %add3A_96 = arith.addi %add3A_95, %mul3A_94 : i32
    "tpu.region"() ({
      %run_scoped3A = tpu.sem_alloc : memref<!tpu.dma_semaphore, #tpu.memory_space<semaphore_mem>>
      %dma_start3A_289 = arith.constant 0 : i32
      %dma_start3A_290 = tpu.memref_slice %arg10[%dma_start3A_289] : memref<256xi32, #tpu.memory_space<vmem>> -> memref<256xi32, #tpu.memory_space<vmem>>
      %dma_start3A_291 = tpu.memref_slice %arg3[%add3A_96] : memref<98304xi32, #tpu.memory_space<hbm>> -> memref<256xi32, #tpu.memory_space<hbm>>
      %dma_start3A_292 = arith.constant 0 : i32
      %dma_start3A_293 = tpu.memref_slice %arg10[%dma_start3A_292] : memref<256xi32, #tpu.memory_space<vmem>> -> memref<256xi32, #tpu.memory_space<vmem>>
      %dma_start3A_294 = tpu.memref_slice %arg3[%add3A_96] : memref<98304xi32, #tpu.memory_space<hbm>> -> memref<256xi32, #tpu.memory_space<hbm>>
      tpu.enqueue_dma source(%dma_start3A_294 : memref<256xi32, #tpu.memory_space<hbm>>) target(%dma_start3A_293 : memref<256xi32, #tpu.memory_space<vmem>>) target_semaphore(%run_scoped3A : memref<!tpu.dma_semaphore, #tpu.memory_space<semaphore_mem>>)
      %dma_wait3A_295 = arith.constant 0 : i32
      %dma_wait3A_296 = tpu.memref_slice %arg10[%dma_wait3A_295] : memref<256xi32, #tpu.memory_space<vmem>> -> memref<256xi32, #tpu.memory_space<vmem>>
      %dma_wait3A_297 = tpu.memref_slice %arg3[%add3A_96] : memref<98304xi32, #tpu.memory_space<hbm>> -> memref<256xi32, #tpu.memory_space<hbm>>
      %dma_wait3A_298 = arith.constant 0 : i32
      %dma_wait3A_299 = tpu.memref_slice %arg10[%dma_wait3A_298] : memref<256xi32, #tpu.memory_space<vmem>> -> memref<256xi32, #tpu.memory_space<vmem>>
      %dma_wait3A_300 = tpu.memref_slice %arg3[%add3A_96] : memref<98304xi32, #tpu.memory_space<hbm>> -> memref<256xi32, #tpu.memory_space<hbm>>
      tpu.wait_dma2 semaphore(%run_scoped3A : memref<!tpu.dma_semaphore, #tpu.memory_space<semaphore_mem>>) src(%dma_wait3A_300 : memref<256xi32, #tpu.memory_space<hbm>>) dst(%dma_wait3A_299 : memref<256xi32, #tpu.memory_space<vmem>>)
      tpu.yield
    }) : () -> ()
    %dma_start3A_97 = arith.constant 0 : i32
    %dma_start3A_98 = tpu.memref_slice %arg10[%dma_start3A_97] : memref<256xi32, #tpu.memory_space<vmem>> -> memref<128xi32, #tpu.memory_space<vmem>>
    %dma_start3A_99 = arith.constant 0 : i32
    %dma_start3A_100 = arith.constant 0 : i32
    %dma_start3A_101 = tpu.memref_slice %arg2[%dma_start3A_99, %dma_start3A_100] : memref<131072x128xi32, #tpu.memory_space<hbm>> -> memref<131072x128xi32, #tpu.memory_space<hbm>>
    tpu.enqueue_indirect_dma source(%dma_start3A_101 : memref<131072x128xi32, #tpu.memory_space<hbm>>) target(%arg11 : memref<128x128xi32, #tpu.memory_space<vmem>>) offsets(%dma_start3A_98 : memref<128xi32, #tpu.memory_space<vmem>>) semaphore(%arg13 : memref<!tpu.dma_semaphore, #tpu.memory_space<semaphore_mem>>)
    %scan3A_102 = arith.constant 0 : i32
    %scan3A_103 = arith.constant 0 : i32
    %mul3A_104 = arith.constant 2 : i32
    %mul3A_105 = arith.muli %scan3A_103, %mul3A_104 : i32
    %add3A_106 = arith.constant 1 : i32
    %add3A_107 = arith.addi %mul3A_105, %add3A_106 : i32
    %mul3A_108 = arith.constant 128 : i32
    %mul3A_109 = arith.muli %add3A_107, %mul3A_108 : i32
    %dma_start3A_110 = tpu.memref_slice %arg10[%mul3A_109] : memref<256xi32, #tpu.memory_space<vmem>> -> memref<128xi32, #tpu.memory_space<vmem>>
    %dma_start3A_111 = arith.constant 0 : i32
    %dma_start3A_112 = arith.constant 0 : i32
    %dma_start3A_113 = tpu.memref_slice %arg2[%dma_start3A_111, %dma_start3A_112] : memref<131072x128xi32, #tpu.memory_space<hbm>> -> memref<131072x128xi32, #tpu.memory_space<hbm>>
    tpu.enqueue_indirect_dma source(%dma_start3A_113 : memref<131072x128xi32, #tpu.memory_space<hbm>>) target(%arg12 : memref<128x128xi32, #tpu.memory_space<vmem>>) offsets(%dma_start3A_110 : memref<128xi32, #tpu.memory_space<vmem>>) semaphore(%arg14 : memref<!tpu.dma_semaphore, #tpu.memory_space<semaphore_mem>>)
    %mul3A_114 = arith.constant 128 : i32
    %mul3A_115 = arith.muli %mul3A_105, %mul3A_114 : i32
    %dma_wait3A_116 = tpu.memref_slice %arg10[%mul3A_115] : memref<256xi32, #tpu.memory_space<vmem>> -> memref<128xi32, #tpu.memory_space<vmem>>
    %dma_wait3A_117 = arith.constant 0 : i32
    %dma_wait3A_118 = arith.constant 0 : i32
    %dma_wait3A_119 = tpu.memref_slice %arg2[%dma_wait3A_117, %dma_wait3A_118] : memref<131072x128xi32, #tpu.memory_space<hbm>> -> memref<131072x128xi32, #tpu.memory_space<hbm>>
    tpu.wait_indirect_dma semaphore(%arg13 : memref<!tpu.dma_semaphore, #tpu.memory_space<semaphore_mem>>) src(%dma_wait3A_119 : memref<131072x128xi32, #tpu.memory_space<hbm>>) dst(%arg11 : memref<128x128xi32, #tpu.memory_space<vmem>>)
    %mul3A_120 = arith.constant 128 : i32
    %mul3A_121 = arith.muli %mul3A_105, %mul3A_120 : i32
    %add3A_122 = arith.addi %mul3A_94, %mul3A_121 : i32
    "tpu.region"() ({
      %run_scoped3A = tpu.sem_alloc : memref<!tpu.dma_semaphore, #tpu.memory_space<semaphore_mem>>
      %dma_start3A_289 = arith.constant 0 : i32
      %dma_start3A_290 = tpu.memref_slice %arg6[%add3A_122, %dma_start3A_289] : memref<8192x128xi32, #tpu.memory_space<hbm>> -> memref<128x128xi32, #tpu.memory_space<hbm>>
      %dma_start3A_291 = arith.constant 0 : i32
      %dma_start3A_292 = tpu.memref_slice %arg6[%add3A_122, %dma_start3A_291] : memref<8192x128xi32, #tpu.memory_space<hbm>> -> memref<128x128xi32, #tpu.memory_space<hbm>>
      tpu.enqueue_dma source(%arg11 : memref<128x128xi32, #tpu.memory_space<vmem>>) target(%dma_start3A_292 : memref<128x128xi32, #tpu.memory_space<hbm>>) target_semaphore(%run_scoped3A : memref<!tpu.dma_semaphore, #tpu.memory_space<semaphore_mem>>)
      %dma_wait3A_293 = arith.constant 0 : i32
      %dma_wait3A_294 = tpu.memref_slice %arg6[%add3A_122, %dma_wait3A_293] : memref<8192x128xi32, #tpu.memory_space<hbm>> -> memref<128x128xi32, #tpu.memory_space<hbm>>
      %dma_wait3A_295 = arith.constant 0 : i32
      %dma_wait3A_296 = tpu.memref_slice %arg6[%add3A_122, %dma_wait3A_295] : memref<8192x128xi32, #tpu.memory_space<hbm>> -> memref<128x128xi32, #tpu.memory_space<hbm>>
      tpu.wait_dma2 semaphore(%run_scoped3A : memref<!tpu.dma_semaphore, #tpu.memory_space<semaphore_mem>>) src(%arg11 : memref<128x128xi32, #tpu.memory_space<vmem>>) dst(%dma_wait3A_296 : memref<128x128xi32, #tpu.memory_space<hbm>>)
      tpu.yield
    }) : () -> ()
    %add3A_123 = arith.constant 2 : i32
    %add3A_124 = arith.addi %mul3A_105, %add3A_123 : i32
    %lt3A_125 = arith.constant 2 : i32
    %lt3A_126 = arith.cmpi slt, %add3A_124, %lt3A_125 : i32
    %convert_element_type3A_127 = arith.extui %lt3A_126 : i1 to i32
    %cond3A_128 = arith.constant 0 : i32
    %cond3A_129 = arith.cmpi ne, %convert_element_type3A_127, %cond3A_128 : i32
    scf.if %cond3A_129 {
      %add3A_289 = arith.constant 2 : i32
      %add3A_290 = arith.addi %mul3A_105, %add3A_289 : i32
      %mul3A_291 = arith.constant 128 : i32
      %mul3A_292 = arith.muli %add3A_290, %mul3A_291 : i32
      %dma_start3A_293 = tpu.memref_slice %arg10[%mul3A_292] : memref<256xi32, #tpu.memory_space<vmem>> -> memref<128xi32, #tpu.memory_space<vmem>>
      %dma_start3A_294 = arith.constant 0 : i32
      %dma_start3A_295 = arith.constant 0 : i32
      %dma_start3A_296 = tpu.memref_slice %arg2[%dma_start3A_294, %dma_start3A_295] : memref<131072x128xi32, #tpu.memory_space<hbm>> -> memref<131072x128xi32, #tpu.memory_space<hbm>>
      tpu.enqueue_indirect_dma source(%dma_start3A_296 : memref<131072x128xi32, #tpu.memory_space<hbm>>) target(%arg11 : memref<128x128xi32, #tpu.memory_space<vmem>>) offsets(%dma_start3A_293 : memref<128xi32, #tpu.memory_space<vmem>>) semaphore(%arg13 : memref<!tpu.dma_semaphore, #tpu.memory_space<semaphore_mem>>)
    } else {
    }
    %add3A_130 = arith.constant 1 : i32
    %add3A_131 = arith.addi %mul3A_105, %add3A_130 : i32
    %mul3A_132 = arith.constant 128 : i32
    %mul3A_133 = arith.muli %add3A_131, %mul3A_132 : i32
    %dma_wait3A_134 = tpu.memref_slice %arg10[%mul3A_133] : memref<256xi32, #tpu.memory_space<vmem>> -> memref<128xi32, #tpu.memory_space<vmem>>
    %dma_wait3A_135 = arith.constant 0 : i32
    %dma_wait3A_136 = arith.constant 0 : i32
    %dma_wait3A_137 = tpu.memref_slice %arg2[%dma_wait3A_135, %dma_wait3A_136] : memref<131072x128xi32, #tpu.memory_space<hbm>> -> memref<131072x128xi32, #tpu.memory_space<hbm>>
    tpu.wait_indirect_dma semaphore(%arg14 : memref<!tpu.dma_semaphore, #tpu.memory_space<semaphore_mem>>) src(%dma_wait3A_137 : memref<131072x128xi32, #tpu.memory_space<hbm>>) dst(%arg12 : memref<128x128xi32, #tpu.memory_space<vmem>>)
    %mul3A_138 = arith.constant 128 : i32
    %mul3A_139 = arith.muli %add3A_131, %mul3A_138 : i32
    %add3A_140 = arith.addi %mul3A_94, %mul3A_139 : i32
    "tpu.region"() ({
      %run_scoped3A = tpu.sem_alloc : memref<!tpu.dma_semaphore, #tpu.memory_space<semaphore_mem>>
      %dma_start3A_289 = arith.constant 0 : i32
      %dma_start3A_290 = tpu.memref_slice %arg6[%add3A_140, %dma_start3A_289] : memref<8192x128xi32, #tpu.memory_space<hbm>> -> memref<128x128xi32, #tpu.memory_space<hbm>>
      %dma_start3A_291 = arith.constant 0 : i32
      %dma_start3A_292 = tpu.memref_slice %arg6[%add3A_140, %dma_start3A_291] : memref<8192x128xi32, #tpu.memory_space<hbm>> -> memref<128x128xi32, #tpu.memory_space<hbm>>
      tpu.enqueue_dma source(%arg12 : memref<128x128xi32, #tpu.memory_space<vmem>>) target(%dma_start3A_292 : memref<128x128xi32, #tpu.memory_space<hbm>>) target_semaphore(%run_scoped3A : memref<!tpu.dma_semaphore, #tpu.memory_space<semaphore_mem>>)
      %dma_wait3A_293 = arith.constant 0 : i32
      %dma_wait3A_294 = tpu.memref_slice %arg6[%add3A_140, %dma_wait3A_293] : memref<8192x128xi32, #tpu.memory_space<hbm>> -> memref<128x128xi32, #tpu.memory_space<hbm>>
      %dma_wait3A_295 = arith.constant 0 : i32
      %dma_wait3A_296 = tpu.memref_slice %arg6[%add3A_140, %dma_wait3A_295] : memref<8192x128xi32, #tpu.memory_space<hbm>> -> memref<128x128xi32, #tpu.memory_space<hbm>>
      tpu.wait_dma2 semaphore(%run_scoped3A : memref<!tpu.dma_semaphore, #tpu.memory_space<semaphore_mem>>) src(%arg12 : memref<128x128xi32, #tpu.memory_space<vmem>>) dst(%dma_wait3A_296 : memref<128x128xi32, #tpu.memory_space<hbm>>)
      tpu.yield
    }) : () -> ()
    %scan3A_141 = arith.constant 1 : i32
    %mul3A_142 = arith.constant 256 : i32
    %mul3A_143 = arith.muli %add3A, %mul3A_142 : i32
    %add3A_144 = arith.constant 49152 : i32
    %add3A_145 = arith.addi %add3A_144, %mul3A_143 : i32
    "tpu.region"() ({
      %run_scoped3A = tpu.sem_alloc : memref<!tpu.dma_semaphore, #tpu.memory_space<semaphore_mem>>
      %dma_start3A_289 = arith.constant 0 : i32
      %dma_start3A_290 = tpu.memref_slice %arg10[%dma_start3A_289] : memref<256xi32, #tpu.memory_space<vmem>> -> memref<256xi32, #tpu.memory_space<vmem>>
      %dma_start3A_291 = tpu.memref_slice %arg3[%add3A_145] : memref<98304xi32, #tpu.memory_space<hbm>> -> memref<256xi32, #tpu.memory_space<hbm>>
      %dma_start3A_292 = arith.constant 0 : i32
      %dma_start3A_293 = tpu.memref_slice %arg10[%dma_start3A_292] : memref<256xi32, #tpu.memory_space<vmem>> -> memref<256xi32, #tpu.memory_space<vmem>>
      %dma_start3A_294 = tpu.memref_slice %arg3[%add3A_145] : memref<98304xi32, #tpu.memory_space<hbm>> -> memref<256xi32, #tpu.memory_space<hbm>>
      tpu.enqueue_dma source(%dma_start3A_294 : memref<256xi32, #tpu.memory_space<hbm>>) target(%dma_start3A_293 : memref<256xi32, #tpu.memory_space<vmem>>) target_semaphore(%run_scoped3A : memref<!tpu.dma_semaphore, #tpu.memory_space<semaphore_mem>>)
      %dma_wait3A_295 = arith.constant 0 : i32
      %dma_wait3A_296 = tpu.memref_slice %arg10[%dma_wait3A_295] : memref<256xi32, #tpu.memory_space<vmem>> -> memref<256xi32, #tpu.memory_space<vmem>>
      %dma_wait3A_297 = tpu.memref_slice %arg3[%add3A_145] : memref<98304xi32, #tpu.memory_space<hbm>> -> memref<256xi32, #tpu.memory_space<hbm>>
      %dma_wait3A_298 = arith.constant 0 : i32
      %dma_wait3A_299 = tpu.memref_slice %arg10[%dma_wait3A_298] : memref<256xi32, #tpu.memory_space<vmem>> -> memref<256xi32, #tpu.memory_space<vmem>>
      %dma_wait3A_300 = tpu.memref_slice %arg3[%add3A_145] : memref<98304xi32, #tpu.memory_space<hbm>> -> memref<256xi32, #tpu.memory_space<hbm>>
      tpu.wait_dma2 semaphore(%run_scoped3A : memref<!tpu.dma_semaphore, #tpu.memory_space<semaphore_mem>>) src(%dma_wait3A_300 : memref<256xi32, #tpu.memory_space<hbm>>) dst(%dma_wait3A_299 : memref<256xi32, #tpu.memory_space<vmem>>)
      tpu.yield
    }) : () -> ()
    %dma_start3A_146 = arith.constant 0 : i32
    %dma_start3A_147 = tpu.memref_slice %arg10[%dma_start3A_146] : memref<256xi32, #tpu.memory_space<vmem>> -> memref<128xi32, #tpu.memory_space<vmem>>
    %dma_start3A_148 = arith.constant 0 : i32
    %dma_start3A_149 = arith.constant 0 : i32
    %dma_start3A_150 = tpu.memref_slice %arg2[%dma_start3A_148, %dma_start3A_149] : memref<131072x128xi32, #tpu.memory_space<hbm>> -> memref<131072x128xi32, #tpu.memory_space<hbm>>
    tpu.enqueue_indirect_dma source(%dma_start3A_150 : memref<131072x128xi32, #tpu.memory_space<hbm>>) target(%arg11 : memref<128x128xi32, #tpu.memory_space<vmem>>) offsets(%dma_start3A_147 : memref<128xi32, #tpu.memory_space<vmem>>) semaphore(%arg13 : memref<!tpu.dma_semaphore, #tpu.memory_space<semaphore_mem>>)
    %scan3A_151 = arith.constant 0 : i32
    %scan3A_152 = arith.constant 0 : i32
    %mul3A_153 = arith.constant 2 : i32
    %mul3A_154 = arith.muli %scan3A_152, %mul3A_153 : i32
    %add3A_155 = arith.constant 1 : i32
    %add3A_156 = arith.addi %mul3A_154, %add3A_155 : i32
    %mul3A_157 = arith.constant 128 : i32
    %mul3A_158 = arith.muli %add3A_156, %mul3A_157 : i32
    %dma_start3A_159 = tpu.memref_slice %arg10[%mul3A_158] : memref<256xi32, #tpu.memory_space<vmem>> -> memref<128xi32, #tpu.memory_space<vmem>>
    %dma_start3A_160 = arith.constant 0 : i32
    %dma_start3A_161 = arith.constant 0 : i32
    %dma_start3A_162 = tpu.memref_slice %arg2[%dma_start3A_160, %dma_start3A_161] : memref<131072x128xi32, #tpu.memory_space<hbm>> -> memref<131072x128xi32, #tpu.memory_space<hbm>>
    tpu.enqueue_indirect_dma source(%dma_start3A_162 : memref<131072x128xi32, #tpu.memory_space<hbm>>) target(%arg12 : memref<128x128xi32, #tpu.memory_space<vmem>>) offsets(%dma_start3A_159 : memref<128xi32, #tpu.memory_space<vmem>>) semaphore(%arg14 : memref<!tpu.dma_semaphore, #tpu.memory_space<semaphore_mem>>)
    %mul3A_163 = arith.constant 128 : i32
    %mul3A_164 = arith.muli %mul3A_154, %mul3A_163 : i32
    %dma_wait3A_165 = tpu.memref_slice %arg10[%mul3A_164] : memref<256xi32, #tpu.memory_space<vmem>> -> memref<128xi32, #tpu.memory_space<vmem>>
    %dma_wait3A_166 = arith.constant 0 : i32
    %dma_wait3A_167 = arith.constant 0 : i32
    %dma_wait3A_168 = tpu.memref_slice %arg2[%dma_wait3A_166, %dma_wait3A_167] : memref<131072x128xi32, #tpu.memory_space<hbm>> -> memref<131072x128xi32, #tpu.memory_space<hbm>>
    tpu.wait_indirect_dma semaphore(%arg13 : memref<!tpu.dma_semaphore, #tpu.memory_space<semaphore_mem>>) src(%dma_wait3A_168 : memref<131072x128xi32, #tpu.memory_space<hbm>>) dst(%arg11 : memref<128x128xi32, #tpu.memory_space<vmem>>)
    %mul3A_169 = arith.constant 128 : i32
    %mul3A_170 = arith.muli %mul3A_154, %mul3A_169 : i32
    %add3A_171 = arith.addi %mul3A_143, %mul3A_170 : i32
    "tpu.region"() ({
      %run_scoped3A = tpu.sem_alloc : memref<!tpu.dma_semaphore, #tpu.memory_space<semaphore_mem>>
      %dma_start3A_289 = arith.constant 0 : i32
      %dma_start3A_290 = tpu.memref_slice %arg7[%add3A_171, %dma_start3A_289] : memref<8192x128xi32, #tpu.memory_space<hbm>> -> memref<128x128xi32, #tpu.memory_space<hbm>>
      %dma_start3A_291 = arith.constant 0 : i32
      %dma_start3A_292 = tpu.memref_slice %arg7[%add3A_171, %dma_start3A_291] : memref<8192x128xi32, #tpu.memory_space<hbm>> -> memref<128x128xi32, #tpu.memory_space<hbm>>
      tpu.enqueue_dma source(%arg11 : memref<128x128xi32, #tpu.memory_space<vmem>>) target(%dma_start3A_292 : memref<128x128xi32, #tpu.memory_space<hbm>>) target_semaphore(%run_scoped3A : memref<!tpu.dma_semaphore, #tpu.memory_space<semaphore_mem>>)
      %dma_wait3A_293 = arith.constant 0 : i32
      %dma_wait3A_294 = tpu.memref_slice %arg7[%add3A_171, %dma_wait3A_293] : memref<8192x128xi32, #tpu.memory_space<hbm>> -> memref<128x128xi32, #tpu.memory_space<hbm>>
      %dma_wait3A_295 = arith.constant 0 : i32
      %dma_wait3A_296 = tpu.memref_slice %arg7[%add3A_171, %dma_wait3A_295] : memref<8192x128xi32, #tpu.memory_space<hbm>> -> memref<128x128xi32, #tpu.memory_space<hbm>>
      tpu.wait_dma2 semaphore(%run_scoped3A : memref<!tpu.dma_semaphore, #tpu.memory_space<semaphore_mem>>) src(%arg11 : memref<128x128xi32, #tpu.memory_space<vmem>>) dst(%dma_wait3A_296 : memref<128x128xi32, #tpu.memory_space<hbm>>)
      tpu.yield
    }) : () -> ()
    %add3A_172 = arith.constant 2 : i32
    %add3A_173 = arith.addi %mul3A_154, %add3A_172 : i32
    %lt3A_174 = arith.constant 2 : i32
    %lt3A_175 = arith.cmpi slt, %add3A_173, %lt3A_174 : i32
    %convert_element_type3A_176 = arith.extui %lt3A_175 : i1 to i32
    %cond3A_177 = arith.constant 0 : i32
    %cond3A_178 = arith.cmpi ne, %convert_element_type3A_176, %cond3A_177 : i32
    scf.if %cond3A_178 {
      %add3A_289 = arith.constant 2 : i32
      %add3A_290 = arith.addi %mul3A_154, %add3A_289 : i32
      %mul3A_291 = arith.constant 128 : i32
      %mul3A_292 = arith.muli %add3A_290, %mul3A_291 : i32
      %dma_start3A_293 = tpu.memref_slice %arg10[%mul3A_292] : memref<256xi32, #tpu.memory_space<vmem>> -> memref<128xi32, #tpu.memory_space<vmem>>
      %dma_start3A_294 = arith.constant 0 : i32
      %dma_start3A_295 = arith.constant 0 : i32
      %dma_start3A_296 = tpu.memref_slice %arg2[%dma_start3A_294, %dma_start3A_295] : memref<131072x128xi32, #tpu.memory_space<hbm>> -> memref<131072x128xi32, #tpu.memory_space<hbm>>
      tpu.enqueue_indirect_dma source(%dma_start3A_296 : memref<131072x128xi32, #tpu.memory_space<hbm>>) target(%arg11 : memref<128x128xi32, #tpu.memory_space<vmem>>) offsets(%dma_start3A_293 : memref<128xi32, #tpu.memory_space<vmem>>) semaphore(%arg13 : memref<!tpu.dma_semaphore, #tpu.memory_space<semaphore_mem>>)
    } else {
    }
    %add3A_179 = arith.constant 1 : i32
    %add3A_180 = arith.addi %mul3A_154, %add3A_179 : i32
    %mul3A_181 = arith.constant 128 : i32
    %mul3A_182 = arith.muli %add3A_180, %mul3A_181 : i32
    %dma_wait3A_183 = tpu.memref_slice %arg10[%mul3A_182] : memref<256xi32, #tpu.memory_space<vmem>> -> memref<128xi32, #tpu.memory_space<vmem>>
    %dma_wait3A_184 = arith.constant 0 : i32
    %dma_wait3A_185 = arith.constant 0 : i32
    %dma_wait3A_186 = tpu.memref_slice %arg2[%dma_wait3A_184, %dma_wait3A_185] : memref<131072x128xi32, #tpu.memory_space<hbm>> -> memref<131072x128xi32, #tpu.memory_space<hbm>>
    tpu.wait_indirect_dma semaphore(%arg14 : memref<!tpu.dma_semaphore, #tpu.memory_space<semaphore_mem>>) src(%dma_wait3A_186 : memref<131072x128xi32, #tpu.memory_space<hbm>>) dst(%arg12 : memref<128x128xi32, #tpu.memory_space<vmem>>)
    %mul3A_187 = arith.constant 128 : i32
    %mul3A_188 = arith.muli %add3A_180, %mul3A_187 : i32
    %add3A_189 = arith.addi %mul3A_143, %mul3A_188 : i32
    "tpu.region"() ({
      %run_scoped3A = tpu.sem_alloc : memref<!tpu.dma_semaphore, #tpu.memory_space<semaphore_mem>>
      %dma_start3A_289 = arith.constant 0 : i32
      %dma_start3A_290 = tpu.memref_slice %arg7[%add3A_189, %dma_start3A_289] : memref<8192x128xi32, #tpu.memory_space<hbm>> -> memref<128x128xi32, #tpu.memory_space<hbm>>
      %dma_start3A_291 = arith.constant 0 : i32
      %dma_start3A_292 = tpu.memref_slice %arg7[%add3A_189, %dma_start3A_291] : memref<8192x128xi32, #tpu.memory_space<hbm>> -> memref<128x128xi32, #tpu.memory_space<hbm>>
      tpu.enqueue_dma source(%arg12 : memref<128x128xi32, #tpu.memory_space<vmem>>) target(%dma_start3A_292 : memref<128x128xi32, #tpu.memory_space<hbm>>) target_semaphore(%run_scoped3A : memref<!tpu.dma_semaphore, #tpu.memory_space<semaphore_mem>>)
      %dma_wait3A_293 = arith.constant 0 : i32
      %dma_wait3A_294 = tpu.memref_slice %arg7[%add3A_189, %dma_wait3A_293] : memref<8192x128xi32, #tpu.memory_space<hbm>> -> memref<128x128xi32, #tpu.memory_space<hbm>>
      %dma_wait3A_295 = arith.constant 0 : i32
      %dma_wait3A_296 = tpu.memref_slice %arg7[%add3A_189, %dma_wait3A_295] : memref<8192x128xi32, #tpu.memory_space<hbm>> -> memref<128x128xi32, #tpu.memory_space<hbm>>
      tpu.wait_dma2 semaphore(%run_scoped3A : memref<!tpu.dma_semaphore, #tpu.memory_space<semaphore_mem>>) src(%arg12 : memref<128x128xi32, #tpu.memory_space<vmem>>) dst(%dma_wait3A_296 : memref<128x128xi32, #tpu.memory_space<hbm>>)
      tpu.yield
    }) : () -> ()
    %scan3A_190 = arith.constant 1 : i32
    %mul3A_191 = arith.constant 256 : i32
    %mul3A_192 = arith.muli %add3A, %mul3A_191 : i32
    %add3A_193 = arith.constant 65536 : i32
    %add3A_194 = arith.addi %add3A_193, %mul3A_192 : i32
    "tpu.region"() ({
      %run_scoped3A = tpu.sem_alloc : memref<!tpu.dma_semaphore, #tpu.memory_space<semaphore_mem>>
      %dma_start3A_289 = arith.constant 0 : i32
      %dma_start3A_290 = tpu.memref_slice %arg10[%dma_start3A_289] : memref<256xi32, #tpu.memory_space<vmem>> -> memref<256xi32, #tpu.memory_space<vmem>>
      %dma_start3A_291 = tpu.memref_slice %arg3[%add3A_194] : memref<98304xi32, #tpu.memory_space<hbm>> -> memref<256xi32, #tpu.memory_space<hbm>>
      %dma_start3A_292 = arith.constant 0 : i32
      %dma_start3A_293 = tpu.memref_slice %arg10[%dma_start3A_292] : memref<256xi32, #tpu.memory_space<vmem>> -> memref<256xi32, #tpu.memory_space<vmem>>
      %dma_start3A_294 = tpu.memref_slice %arg3[%add3A_194] : memref<98304xi32, #tpu.memory_space<hbm>> -> memref<256xi32, #tpu.memory_space<hbm>>
      tpu.enqueue_dma source(%dma_start3A_294 : memref<256xi32, #tpu.memory_space<hbm>>) target(%dma_start3A_293 : memref<256xi32, #tpu.memory_space<vmem>>) target_semaphore(%run_scoped3A : memref<!tpu.dma_semaphore, #tpu.memory_space<semaphore_mem>>)
      %dma_wait3A_295 = arith.constant 0 : i32
      %dma_wait3A_296 = tpu.memref_slice %arg10[%dma_wait3A_295] : memref<256xi32, #tpu.memory_space<vmem>> -> memref<256xi32, #tpu.memory_space<vmem>>
      %dma_wait3A_297 = tpu.memref_slice %arg3[%add3A_194] : memref<98304xi32, #tpu.memory_space<hbm>> -> memref<256xi32, #tpu.memory_space<hbm>>
      %dma_wait3A_298 = arith.constant 0 : i32
      %dma_wait3A_299 = tpu.memref_slice %arg10[%dma_wait3A_298] : memref<256xi32, #tpu.memory_space<vmem>> -> memref<256xi32, #tpu.memory_space<vmem>>
      %dma_wait3A_300 = tpu.memref_slice %arg3[%add3A_194] : memref<98304xi32, #tpu.memory_space<hbm>> -> memref<256xi32, #tpu.memory_space<hbm>>
      tpu.wait_dma2 semaphore(%run_scoped3A : memref<!tpu.dma_semaphore, #tpu.memory_space<semaphore_mem>>) src(%dma_wait3A_300 : memref<256xi32, #tpu.memory_space<hbm>>) dst(%dma_wait3A_299 : memref<256xi32, #tpu.memory_space<vmem>>)
      tpu.yield
    }) : () -> ()
    %dma_start3A_195 = arith.constant 0 : i32
    %dma_start3A_196 = tpu.memref_slice %arg10[%dma_start3A_195] : memref<256xi32, #tpu.memory_space<vmem>> -> memref<128xi32, #tpu.memory_space<vmem>>
    %dma_start3A_197 = arith.constant 0 : i32
    %dma_start3A_198 = arith.constant 0 : i32
    %dma_start3A_199 = tpu.memref_slice %arg2[%dma_start3A_197, %dma_start3A_198] : memref<131072x128xi32, #tpu.memory_space<hbm>> -> memref<131072x128xi32, #tpu.memory_space<hbm>>
    tpu.enqueue_indirect_dma source(%dma_start3A_199 : memref<131072x128xi32, #tpu.memory_space<hbm>>) target(%arg11 : memref<128x128xi32, #tpu.memory_space<vmem>>) offsets(%dma_start3A_196 : memref<128xi32, #tpu.memory_space<vmem>>) semaphore(%arg13 : memref<!tpu.dma_semaphore, #tpu.memory_space<semaphore_mem>>)
    %scan3A_200 = arith.constant 0 : i32
    %scan3A_201 = arith.constant 0 : i32
    %mul3A_202 = arith.constant 2 : i32
    %mul3A_203 = arith.muli %scan3A_201, %mul3A_202 : i32
    %add3A_204 = arith.constant 1 : i32
    %add3A_205 = arith.addi %mul3A_203, %add3A_204 : i32
    %mul3A_206 = arith.constant 128 : i32
    %mul3A_207 = arith.muli %add3A_205, %mul3A_206 : i32
    %dma_start3A_208 = tpu.memref_slice %arg10[%mul3A_207] : memref<256xi32, #tpu.memory_space<vmem>> -> memref<128xi32, #tpu.memory_space<vmem>>
    %dma_start3A_209 = arith.constant 0 : i32
    %dma_start3A_210 = arith.constant 0 : i32
    %dma_start3A_211 = tpu.memref_slice %arg2[%dma_start3A_209, %dma_start3A_210] : memref<131072x128xi32, #tpu.memory_space<hbm>> -> memref<131072x128xi32, #tpu.memory_space<hbm>>
    tpu.enqueue_indirect_dma source(%dma_start3A_211 : memref<131072x128xi32, #tpu.memory_space<hbm>>) target(%arg12 : memref<128x128xi32, #tpu.memory_space<vmem>>) offsets(%dma_start3A_208 : memref<128xi32, #tpu.memory_space<vmem>>) semaphore(%arg14 : memref<!tpu.dma_semaphore, #tpu.memory_space<semaphore_mem>>)
    %mul3A_212 = arith.constant 128 : i32
    %mul3A_213 = arith.muli %mul3A_203, %mul3A_212 : i32
    %dma_wait3A_214 = tpu.memref_slice %arg10[%mul3A_213] : memref<256xi32, #tpu.memory_space<vmem>> -> memref<128xi32, #tpu.memory_space<vmem>>
    %dma_wait3A_215 = arith.constant 0 : i32
    %dma_wait3A_216 = arith.constant 0 : i32
    %dma_wait3A_217 = tpu.memref_slice %arg2[%dma_wait3A_215, %dma_wait3A_216] : memref<131072x128xi32, #tpu.memory_space<hbm>> -> memref<131072x128xi32, #tpu.memory_space<hbm>>
    tpu.wait_indirect_dma semaphore(%arg13 : memref<!tpu.dma_semaphore, #tpu.memory_space<semaphore_mem>>) src(%dma_wait3A_217 : memref<131072x128xi32, #tpu.memory_space<hbm>>) dst(%arg11 : memref<128x128xi32, #tpu.memory_space<vmem>>)
    %mul3A_218 = arith.constant 128 : i32
    %mul3A_219 = arith.muli %mul3A_203, %mul3A_218 : i32
    %add3A_220 = arith.addi %mul3A_192, %mul3A_219 : i32
    "tpu.region"() ({
      %run_scoped3A = tpu.sem_alloc : memref<!tpu.dma_semaphore, #tpu.memory_space<semaphore_mem>>
      %dma_start3A_289 = arith.constant 0 : i32
      %dma_start3A_290 = tpu.memref_slice %arg8[%add3A_220, %dma_start3A_289] : memref<8192x128xi32, #tpu.memory_space<hbm>> -> memref<128x128xi32, #tpu.memory_space<hbm>>
      %dma_start3A_291 = arith.constant 0 : i32
      %dma_start3A_292 = tpu.memref_slice %arg8[%add3A_220, %dma_start3A_291] : memref<8192x128xi32, #tpu.memory_space<hbm>> -> memref<128x128xi32, #tpu.memory_space<hbm>>
      tpu.enqueue_dma source(%arg11 : memref<128x128xi32, #tpu.memory_space<vmem>>) target(%dma_start3A_292 : memref<128x128xi32, #tpu.memory_space<hbm>>) target_semaphore(%run_scoped3A : memref<!tpu.dma_semaphore, #tpu.memory_space<semaphore_mem>>)
      %dma_wait3A_293 = arith.constant 0 : i32
      %dma_wait3A_294 = tpu.memref_slice %arg8[%add3A_220, %dma_wait3A_293] : memref<8192x128xi32, #tpu.memory_space<hbm>> -> memref<128x128xi32, #tpu.memory_space<hbm>>
      %dma_wait3A_295 = arith.constant 0 : i32
      %dma_wait3A_296 = tpu.memref_slice %arg8[%add3A_220, %dma_wait3A_295] : memref<8192x128xi32, #tpu.memory_space<hbm>> -> memref<128x128xi32, #tpu.memory_space<hbm>>
      tpu.wait_dma2 semaphore(%run_scoped3A : memref<!tpu.dma_semaphore, #tpu.memory_space<semaphore_mem>>) src(%arg11 : memref<128x128xi32, #tpu.memory_space<vmem>>) dst(%dma_wait3A_296 : memref<128x128xi32, #tpu.memory_space<hbm>>)
      tpu.yield
    }) : () -> ()
    %add3A_221 = arith.constant 2 : i32
    %add3A_222 = arith.addi %mul3A_203, %add3A_221 : i32
    %lt3A_223 = arith.constant 2 : i32
    %lt3A_224 = arith.cmpi slt, %add3A_222, %lt3A_223 : i32
    %convert_element_type3A_225 = arith.extui %lt3A_224 : i1 to i32
    %cond3A_226 = arith.constant 0 : i32
    %cond3A_227 = arith.cmpi ne, %convert_element_type3A_225, %cond3A_226 : i32
    scf.if %cond3A_227 {
      %add3A_289 = arith.constant 2 : i32
      %add3A_290 = arith.addi %mul3A_203, %add3A_289 : i32
      %mul3A_291 = arith.constant 128 : i32
      %mul3A_292 = arith.muli %add3A_290, %mul3A_291 : i32
      %dma_start3A_293 = tpu.memref_slice %arg10[%mul3A_292] : memref<256xi32, #tpu.memory_space<vmem>> -> memref<128xi32, #tpu.memory_space<vmem>>
      %dma_start3A_294 = arith.constant 0 : i32
      %dma_start3A_295 = arith.constant 0 : i32
      %dma_start3A_296 = tpu.memref_slice %arg2[%dma_start3A_294, %dma_start3A_295] : memref<131072x128xi32, #tpu.memory_space<hbm>> -> memref<131072x128xi32, #tpu.memory_space<hbm>>
      tpu.enqueue_indirect_dma source(%dma_start3A_296 : memref<131072x128xi32, #tpu.memory_space<hbm>>) target(%arg11 : memref<128x128xi32, #tpu.memory_space<vmem>>) offsets(%dma_start3A_293 : memref<128xi32, #tpu.memory_space<vmem>>) semaphore(%arg13 : memref<!tpu.dma_semaphore, #tpu.memory_space<semaphore_mem>>)
    } else {
    }
    %add3A_228 = arith.constant 1 : i32
    %add3A_229 = arith.addi %mul3A_203, %add3A_228 : i32
    %mul3A_230 = arith.constant 128 : i32
    %mul3A_231 = arith.muli %add3A_229, %mul3A_230 : i32
    %dma_wait3A_232 = tpu.memref_slice %arg10[%mul3A_231] : memref<256xi32, #tpu.memory_space<vmem>> -> memref<128xi32, #tpu.memory_space<vmem>>
    %dma_wait3A_233 = arith.constant 0 : i32
    %dma_wait3A_234 = arith.constant 0 : i32
    %dma_wait3A_235 = tpu.memref_slice %arg2[%dma_wait3A_233, %dma_wait3A_234] : memref<131072x128xi32, #tpu.memory_space<hbm>> -> memref<131072x128xi32, #tpu.memory_space<hbm>>
    tpu.wait_indirect_dma semaphore(%arg14 : memref<!tpu.dma_semaphore, #tpu.memory_space<semaphore_mem>>) src(%dma_wait3A_235 : memref<131072x128xi32, #tpu.memory_space<hbm>>) dst(%arg12 : memref<128x128xi32, #tpu.memory_space<vmem>>)
    %mul3A_236 = arith.constant 128 : i32
    %mul3A_237 = arith.muli %add3A_229, %mul3A_236 : i32
    %add3A_238 = arith.addi %mul3A_192, %mul3A_237 : i32
    "tpu.region"() ({
      %run_scoped3A = tpu.sem_alloc : memref<!tpu.dma_semaphore, #tpu.memory_space<semaphore_mem>>
      %dma_start3A_289 = arith.constant 0 : i32
      %dma_start3A_290 = tpu.memref_slice %arg8[%add3A_238, %dma_start3A_289] : memref<8192x128xi32, #tpu.memory_space<hbm>> -> memref<128x128xi32, #tpu.memory_space<hbm>>
      %dma_start3A_291 = arith.constant 0 : i32
      %dma_start3A_292 = tpu.memref_slice %arg8[%add3A_238, %dma_start3A_291] : memref<8192x128xi32, #tpu.memory_space<hbm>> -> memref<128x128xi32, #tpu.memory_space<hbm>>
      tpu.enqueue_dma source(%arg12 : memref<128x128xi32, #tpu.memory_space<vmem>>) target(%dma_start3A_292 : memref<128x128xi32, #tpu.memory_space<hbm>>) target_semaphore(%run_scoped3A : memref<!tpu.dma_semaphore, #tpu.memory_space<semaphore_mem>>)
      %dma_wait3A_293 = arith.constant 0 : i32
      %dma_wait3A_294 = tpu.memref_slice %arg8[%add3A_238, %dma_wait3A_293] : memref<8192x128xi32, #tpu.memory_space<hbm>> -> memref<128x128xi32, #tpu.memory_space<hbm>>
      %dma_wait3A_295 = arith.constant 0 : i32
      %dma_wait3A_296 = tpu.memref_slice %arg8[%add3A_238, %dma_wait3A_295] : memref<8192x128xi32, #tpu.memory_space<hbm>> -> memref<128x128xi32, #tpu.memory_space<hbm>>
      tpu.wait_dma2 semaphore(%run_scoped3A : memref<!tpu.dma_semaphore, #tpu.memory_space<semaphore_mem>>) src(%arg12 : memref<128x128xi32, #tpu.memory_space<vmem>>) dst(%dma_wait3A_296 : memref<128x128xi32, #tpu.memory_space<hbm>>)
      tpu.yield
    }) : () -> ()
    %scan3A_239 = arith.constant 1 : i32
    %mul3A_240 = arith.constant 256 : i32
    %mul3A_241 = arith.muli %add3A, %mul3A_240 : i32
    %add3A_242 = arith.constant 81920 : i32
    %add3A_243 = arith.addi %add3A_242, %mul3A_241 : i32
    "tpu.region"() ({
      %run_scoped3A = tpu.sem_alloc : memref<!tpu.dma_semaphore, #tpu.memory_space<semaphore_mem>>
      %dma_start3A_289 = arith.constant 0 : i32
      %dma_start3A_290 = tpu.memref_slice %arg10[%dma_start3A_289] : memref<256xi32, #tpu.memory_space<vmem>> -> memref<256xi32, #tpu.memory_space<vmem>>
      %dma_start3A_291 = tpu.memref_slice %arg3[%add3A_243] : memref<98304xi32, #tpu.memory_space<hbm>> -> memref<256xi32, #tpu.memory_space<hbm>>
      %dma_start3A_292 = arith.constant 0 : i32
      %dma_start3A_293 = tpu.memref_slice %arg10[%dma_start3A_292] : memref<256xi32, #tpu.memory_space<vmem>> -> memref<256xi32, #tpu.memory_space<vmem>>
      %dma_start3A_294 = tpu.memref_slice %arg3[%add3A_243] : memref<98304xi32, #tpu.memory_space<hbm>> -> memref<256xi32, #tpu.memory_space<hbm>>
      tpu.enqueue_dma source(%dma_start3A_294 : memref<256xi32, #tpu.memory_space<hbm>>) target(%dma_start3A_293 : memref<256xi32, #tpu.memory_space<vmem>>) target_semaphore(%run_scoped3A : memref<!tpu.dma_semaphore, #tpu.memory_space<semaphore_mem>>)
      %dma_wait3A_295 = arith.constant 0 : i32
      %dma_wait3A_296 = tpu.memref_slice %arg10[%dma_wait3A_295] : memref<256xi32, #tpu.memory_space<vmem>> -> memref<256xi32, #tpu.memory_space<vmem>>
      %dma_wait3A_297 = tpu.memref_slice %arg3[%add3A_243] : memref<98304xi32, #tpu.memory_space<hbm>> -> memref<256xi32, #tpu.memory_space<hbm>>
      %dma_wait3A_298 = arith.constant 0 : i32
      %dma_wait3A_299 = tpu.memref_slice %arg10[%dma_wait3A_298] : memref<256xi32, #tpu.memory_space<vmem>> -> memref<256xi32, #tpu.memory_space<vmem>>
      %dma_wait3A_300 = tpu.memref_slice %arg3[%add3A_243] : memref<98304xi32, #tpu.memory_space<hbm>> -> memref<256xi32, #tpu.memory_space<hbm>>
      tpu.wait_dma2 semaphore(%run_scoped3A : memref<!tpu.dma_semaphore, #tpu.memory_space<semaphore_mem>>) src(%dma_wait3A_300 : memref<256xi32, #tpu.memory_space<hbm>>) dst(%dma_wait3A_299 : memref<256xi32, #tpu.memory_space<vmem>>)
      tpu.yield
    }) : () -> ()
    %dma_start3A_244 = arith.constant 0 : i32
    %dma_start3A_245 = tpu.memref_slice %arg10[%dma_start3A_244] : memref<256xi32, #tpu.memory_space<vmem>> -> memref<128xi32, #tpu.memory_space<vmem>>
    %dma_start3A_246 = arith.constant 0 : i32
    %dma_start3A_247 = arith.constant 0 : i32
    %dma_start3A_248 = tpu.memref_slice %arg2[%dma_start3A_246, %dma_start3A_247] : memref<131072x128xi32, #tpu.memory_space<hbm>> -> memref<131072x128xi32, #tpu.memory_space<hbm>>
    tpu.enqueue_indirect_dma source(%dma_start3A_248 : memref<131072x128xi32, #tpu.memory_space<hbm>>) target(%arg11 : memref<128x128xi32, #tpu.memory_space<vmem>>) offsets(%dma_start3A_245 : memref<128xi32, #tpu.memory_space<vmem>>) semaphore(%arg13 : memref<!tpu.dma_semaphore, #tpu.memory_space<semaphore_mem>>)
    %scan3A_249 = arith.constant 0 : i32
    %scan3A_250 = arith.constant 0 : i32
    %mul3A_251 = arith.constant 2 : i32
    %mul3A_252 = arith.muli %scan3A_250, %mul3A_251 : i32
    %add3A_253 = arith.constant 1 : i32
    %add3A_254 = arith.addi %mul3A_252, %add3A_253 : i32
    %mul3A_255 = arith.constant 128 : i32
    %mul3A_256 = arith.muli %add3A_254, %mul3A_255 : i32
    %dma_start3A_257 = tpu.memref_slice %arg10[%mul3A_256] : memref<256xi32, #tpu.memory_space<vmem>> -> memref<128xi32, #tpu.memory_space<vmem>>
    %dma_start3A_258 = arith.constant 0 : i32
    %dma_start3A_259 = arith.constant 0 : i32
    %dma_start3A_260 = tpu.memref_slice %arg2[%dma_start3A_258, %dma_start3A_259] : memref<131072x128xi32, #tpu.memory_space<hbm>> -> memref<131072x128xi32, #tpu.memory_space<hbm>>
    tpu.enqueue_indirect_dma source(%dma_start3A_260 : memref<131072x128xi32, #tpu.memory_space<hbm>>) target(%arg12 : memref<128x128xi32, #tpu.memory_space<vmem>>) offsets(%dma_start3A_257 : memref<128xi32, #tpu.memory_space<vmem>>) semaphore(%arg14 : memref<!tpu.dma_semaphore, #tpu.memory_space<semaphore_mem>>)
    %mul3A_261 = arith.constant 128 : i32
    %mul3A_262 = arith.muli %mul3A_252, %mul3A_261 : i32
    %dma_wait3A_263 = tpu.memref_slice %arg10[%mul3A_262] : memref<256xi32, #tpu.memory_space<vmem>> -> memref<128xi32, #tpu.memory_space<vmem>>
    %dma_wait3A_264 = arith.constant 0 : i32
    %dma_wait3A_265 = arith.constant 0 : i32
    %dma_wait3A_266 = tpu.memref_slice %arg2[%dma_wait3A_264, %dma_wait3A_265] : memref<131072x128xi32, #tpu.memory_space<hbm>> -> memref<131072x128xi32, #tpu.memory_space<hbm>>
    tpu.wait_indirect_dma semaphore(%arg13 : memref<!tpu.dma_semaphore, #tpu.memory_space<semaphore_mem>>) src(%dma_wait3A_266 : memref<131072x128xi32, #tpu.memory_space<hbm>>) dst(%arg11 : memref<128x128xi32, #tpu.memory_space<vmem>>)
    %mul3A_267 = arith.constant 128 : i32
    %mul3A_268 = arith.muli %mul3A_252, %mul3A_267 : i32
    %add3A_269 = arith.addi %mul3A_241, %mul3A_268 : i32
    "tpu.region"() ({
      %run_scoped3A = tpu.sem_alloc : memref<!tpu.dma_semaphore, #tpu.memory_space<semaphore_mem>>
      %dma_start3A_289 = arith.constant 0 : i32
      %dma_start3A_290 = tpu.memref_slice %arg9[%add3A_269, %dma_start3A_289] : memref<8192x128xi32, #tpu.memory_space<hbm>> -> memref<128x128xi32, #tpu.memory_space<hbm>>
      %dma_start3A_291 = arith.constant 0 : i32
      %dma_start3A_292 = tpu.memref_slice %arg9[%add3A_269, %dma_start3A_291] : memref<8192x128xi32, #tpu.memory_space<hbm>> -> memref<128x128xi32, #tpu.memory_space<hbm>>
      tpu.enqueue_dma source(%arg11 : memref<128x128xi32, #tpu.memory_space<vmem>>) target(%dma_start3A_292 : memref<128x128xi32, #tpu.memory_space<hbm>>) target_semaphore(%run_scoped3A : memref<!tpu.dma_semaphore, #tpu.memory_space<semaphore_mem>>)
      %dma_wait3A_293 = arith.constant 0 : i32
      %dma_wait3A_294 = tpu.memref_slice %arg9[%add3A_269, %dma_wait3A_293] : memref<8192x128xi32, #tpu.memory_space<hbm>> -> memref<128x128xi32, #tpu.memory_space<hbm>>
      %dma_wait3A_295 = arith.constant 0 : i32
      %dma_wait3A_296 = tpu.memref_slice %arg9[%add3A_269, %dma_wait3A_295] : memref<8192x128xi32, #tpu.memory_space<hbm>> -> memref<128x128xi32, #tpu.memory_space<hbm>>
      tpu.wait_dma2 semaphore(%run_scoped3A : memref<!tpu.dma_semaphore, #tpu.memory_space<semaphore_mem>>) src(%arg11 : memref<128x128xi32, #tpu.memory_space<vmem>>) dst(%dma_wait3A_296 : memref<128x128xi32, #tpu.memory_space<hbm>>)
      tpu.yield
    }) : () -> ()
    %add3A_270 = arith.constant 2 : i32
    %add3A_271 = arith.addi %mul3A_252, %add3A_270 : i32
    %lt3A_272 = arith.constant 2 : i32
    %lt3A_273 = arith.cmpi slt, %add3A_271, %lt3A_272 : i32
    %convert_element_type3A_274 = arith.extui %lt3A_273 : i1 to i32
    %cond3A_275 = arith.constant 0 : i32
    %cond3A_276 = arith.cmpi ne, %convert_element_type3A_274, %cond3A_275 : i32
    scf.if %cond3A_276 {
      %add3A_289 = arith.constant 2 : i32
      %add3A_290 = arith.addi %mul3A_252, %add3A_289 : i32
      %mul3A_291 = arith.constant 128 : i32
      %mul3A_292 = arith.muli %add3A_290, %mul3A_291 : i32
      %dma_start3A_293 = tpu.memref_slice %arg10[%mul3A_292] : memref<256xi32, #tpu.memory_space<vmem>> -> memref<128xi32, #tpu.memory_space<vmem>>
      %dma_start3A_294 = arith.constant 0 : i32
      %dma_start3A_295 = arith.constant 0 : i32
      %dma_start3A_296 = tpu.memref_slice %arg2[%dma_start3A_294, %dma_start3A_295] : memref<131072x128xi32, #tpu.memory_space<hbm>> -> memref<131072x128xi32, #tpu.memory_space<hbm>>
      tpu.enqueue_indirect_dma source(%dma_start3A_296 : memref<131072x128xi32, #tpu.memory_space<hbm>>) target(%arg11 : memref<128x128xi32, #tpu.memory_space<vmem>>) offsets(%dma_start3A_293 : memref<128xi32, #tpu.memory_space<vmem>>) semaphore(%arg13 : memref<!tpu.dma_semaphore, #tpu.memory_space<semaphore_mem>>)
    } else {
    }
    %add3A_277 = arith.constant 1 : i32
    %add3A_278 = arith.addi %mul3A_252, %add3A_277 : i32
    %mul3A_279 = arith.constant 128 : i32
    %mul3A_280 = arith.muli %add3A_278, %mul3A_279 : i32
    %dma_wait3A_281 = tpu.memref_slice %arg10[%mul3A_280] : memref<256xi32, #tpu.memory_space<vmem>> -> memref<128xi32, #tpu.memory_space<vmem>>
    %dma_wait3A_282 = arith.constant 0 : i32
    %dma_wait3A_283 = arith.constant 0 : i32
    %dma_wait3A_284 = tpu.memref_slice %arg2[%dma_wait3A_282, %dma_wait3A_283] : memref<131072x128xi32, #tpu.memory_space<hbm>> -> memref<131072x128xi32, #tpu.memory_space<hbm>>
    tpu.wait_indirect_dma semaphore(%arg14 : memref<!tpu.dma_semaphore, #tpu.memory_space<semaphore_mem>>) src(%dma_wait3A_284 : memref<131072x128xi32, #tpu.memory_space<hbm>>) dst(%arg12 : memref<128x128xi32, #tpu.memory_space<vmem>>)
    %mul3A_285 = arith.constant 128 : i32
    %mul3A_286 = arith.muli %add3A_278, %mul3A_285 : i32
    %add3A_287 = arith.addi %mul3A_241, %mul3A_286 : i32
    "tpu.region"() ({
      %run_scoped3A = tpu.sem_alloc : memref<!tpu.dma_semaphore, #tpu.memory_space<semaphore_mem>>
      %dma_start3A_289 = arith.constant 0 : i32
      %dma_start3A_290 = tpu.memref_slice %arg9[%add3A_287, %dma_start3A_289] : memref<8192x128xi32, #tpu.memory_space<hbm>> -> memref<128x128xi32, #tpu.memory_space<hbm>>
      %dma_start3A_291 = arith.constant 0 : i32
      %dma_start3A_292 = tpu.memref_slice %arg9[%add3A_287, %dma_start3A_291] : memref<8192x128xi32, #tpu.memory_space<hbm>> -> memref<128x128xi32, #tpu.memory_space<hbm>>
      tpu.enqueue_dma source(%arg12 : memref<128x128xi32, #tpu.memory_space<vmem>>) target(%dma_start3A_292 : memref<128x128xi32, #tpu.memory_space<hbm>>) target_semaphore(%run_scoped3A : memref<!tpu.dma_semaphore, #tpu.memory_space<semaphore_mem>>)
      %dma_wait3A_293 = arith.constant 0 : i32
      %dma_wait3A_294 = tpu.memref_slice %arg9[%add3A_287, %dma_wait3A_293] : memref<8192x128xi32, #tpu.memory_space<hbm>> -> memref<128x128xi32, #tpu.memory_space<hbm>>
      %dma_wait3A_295 = arith.constant 0 : i32
      %dma_wait3A_296 = tpu.memref_slice %arg9[%add3A_287, %dma_wait3A_295] : memref<8192x128xi32, #tpu.memory_space<hbm>> -> memref<128x128xi32, #tpu.memory_space<hbm>>
      tpu.wait_dma2 semaphore(%run_scoped3A : memref<!tpu.dma_semaphore, #tpu.memory_space<semaphore_mem>>) src(%arg12 : memref<128x128xi32, #tpu.memory_space<vmem>>) dst(%dma_wait3A_296 : memref<128x128xi32, #tpu.memory_space<hbm>>)
      tpu.yield
    }) : () -> ()
    %scan3A_288 = arith.constant 1 : i32
    return
  }
}

#map = affine_map<(d0, d1) -> (0, 0)>
#map1 = affine_map<(d0, d1) -> (0)>
module attributes {stable_mosaic.version = 14 : i64} {
  func.func @gather_kernel(%arg0: i32, %arg1: i32, %arg2: memref<131072x128xi32, #tpu.memory_space<hbm>>, %arg3: memref<131072xi32, #tpu.memory_space<hbm>>, %arg4: memref<16384x128xi32, #tpu.memory_space<hbm>>, %arg5: memref<16384x128xi32, #tpu.memory_space<hbm>>, %arg6: memref<16384x128xi32, #tpu.memory_space<hbm>>, %arg7: memref<16384x128xi32, #tpu.memory_space<hbm>>, %arg8: memref<512xi32, #tpu.memory_space<vmem>>, %arg9: memref<128x128xi32, #tpu.memory_space<vmem>>, %arg10: memref<128x128xi32, #tpu.memory_space<vmem>>, %arg11: memref<!tpu.dma_semaphore, #tpu.memory_space<semaphore_mem>>, %arg12: memref<!tpu.dma_semaphore, #tpu.memory_space<semaphore_mem>>) attributes {dimension_semantics = [#tpu.dimension_semantics<core_parallel>, #tpu.dimension_semantics<subcore_parallel>], iteration_bounds = array<i64: 2, 16>, scalar_prefetch = 0 : i64, scratch_operands = 5 : i64, tpu.core_type = #tpu.core_type<sc_vector_subcore>, window_params = [{transform_indices = #map}, {transform_indices = #map1}, {transform_indices = #map}, {transform_indices = #map}, {transform_indices = #map}, {transform_indices = #map}]} {
    %mul3A = arith.constant 2 : i32
    %mul3A_0 = arith.muli %arg1, %mul3A : i32
    %add3A = arith.addi %mul3A_0, %arg0 : i32
    %mul3A_1 = arith.constant 512 : i32
    %mul3A_2 = arith.muli %add3A, %mul3A_1 : i32
    %add3A_3 = arith.constant 16384 : i32
    %add3A_4 = arith.addi %add3A_3, %mul3A_2 : i32
    "tpu.region"() ({
      %run_scoped3A = tpu.sem_alloc : memref<!tpu.dma_semaphore, #tpu.memory_space<semaphore_mem>>
      %dma_start3A_59 = arith.constant 0 : i32
      %dma_start3A_60 = tpu.memref_slice %arg8[%dma_start3A_59] : memref<512xi32, #tpu.memory_space<vmem>> -> memref<512xi32, #tpu.memory_space<vmem>>
      %dma_start3A_61 = tpu.memref_slice %arg3[%add3A_4] : memref<131072xi32, #tpu.memory_space<hbm>> -> memref<512xi32, #tpu.memory_space<hbm>>
      %dma_start3A_62 = arith.constant 0 : i32
      %dma_start3A_63 = tpu.memref_slice %arg8[%dma_start3A_62] : memref<512xi32, #tpu.memory_space<vmem>> -> memref<512xi32, #tpu.memory_space<vmem>>
      %dma_start3A_64 = tpu.memref_slice %arg3[%add3A_4] : memref<131072xi32, #tpu.memory_space<hbm>> -> memref<512xi32, #tpu.memory_space<hbm>>
      tpu.enqueue_dma source(%dma_start3A_64 : memref<512xi32, #tpu.memory_space<hbm>>) target(%dma_start3A_63 : memref<512xi32, #tpu.memory_space<vmem>>) target_semaphore(%run_scoped3A : memref<!tpu.dma_semaphore, #tpu.memory_space<semaphore_mem>>)
      %dma_wait3A = arith.constant 0 : i32
      %dma_wait3A_65 = tpu.memref_slice %arg8[%dma_wait3A] : memref<512xi32, #tpu.memory_space<vmem>> -> memref<512xi32, #tpu.memory_space<vmem>>
      %dma_wait3A_66 = tpu.memref_slice %arg3[%add3A_4] : memref<131072xi32, #tpu.memory_space<hbm>> -> memref<512xi32, #tpu.memory_space<hbm>>
      %dma_wait3A_67 = arith.constant 0 : i32
      %dma_wait3A_68 = tpu.memref_slice %arg8[%dma_wait3A_67] : memref<512xi32, #tpu.memory_space<vmem>> -> memref<512xi32, #tpu.memory_space<vmem>>
      %dma_wait3A_69 = tpu.memref_slice %arg3[%add3A_4] : memref<131072xi32, #tpu.memory_space<hbm>> -> memref<512xi32, #tpu.memory_space<hbm>>
      tpu.wait_dma2 semaphore(%run_scoped3A : memref<!tpu.dma_semaphore, #tpu.memory_space<semaphore_mem>>) src(%dma_wait3A_69 : memref<512xi32, #tpu.memory_space<hbm>>) dst(%dma_wait3A_68 : memref<512xi32, #tpu.memory_space<vmem>>)
      tpu.yield
    }) : () -> ()
    %dma_start3A = arith.constant 0 : i32
    %dma_start3A_5 = tpu.memref_slice %arg8[%dma_start3A] : memref<512xi32, #tpu.memory_space<vmem>> -> memref<128xi32, #tpu.memory_space<vmem>>
    %dma_start3A_6 = arith.constant 0 : i32
    %dma_start3A_7 = arith.constant 0 : i32
    %dma_start3A_8 = tpu.memref_slice %arg2[%dma_start3A_6, %dma_start3A_7] : memref<131072x128xi32, #tpu.memory_space<hbm>> -> memref<131072x128xi32, #tpu.memory_space<hbm>>
    tpu.enqueue_indirect_dma source(%dma_start3A_8 : memref<131072x128xi32, #tpu.memory_space<hbm>>) target(%arg9 : memref<128x128xi32, #tpu.memory_space<vmem>>) offsets(%dma_start3A_5 : memref<128xi32, #tpu.memory_space<vmem>>) semaphore(%arg11 : memref<!tpu.dma_semaphore, #tpu.memory_space<semaphore_mem>>)
    %scan3A = arith.constant 0 : i32
    %scan3A_9 = arith.constant 0 : i32
    %scan3A_10 = arith.constant 2 : i32
    %scan3A_11 = arith.addi %scan3A_9, %scan3A_10 : i32
    %scan3A_12 = arith.constant 1 : i32
    scf.for %scan3A_59 = %scan3A_9 to %scan3A_11 step %scan3A_12  : i32 {
      %mul3A_60 = arith.constant 2 : i32
      %mul3A_61 = arith.muli %scan3A_59, %mul3A_60 : i32
      %add3A_62 = arith.constant 1 : i32
      %add3A_63 = arith.addi %mul3A_61, %add3A_62 : i32
      %mul3A_64 = arith.constant 128 : i32
      %mul3A_65 = arith.muli %add3A_63, %mul3A_64 : i32
      %dma_start3A_66 = tpu.memref_slice %arg8[%mul3A_65] : memref<512xi32, #tpu.memory_space<vmem>> -> memref<128xi32, #tpu.memory_space<vmem>>
      %dma_start3A_67 = arith.constant 0 : i32
      %dma_start3A_68 = arith.constant 0 : i32
      %dma_start3A_69 = tpu.memref_slice %arg2[%dma_start3A_67, %dma_start3A_68] : memref<131072x128xi32, #tpu.memory_space<hbm>> -> memref<131072x128xi32, #tpu.memory_space<hbm>>
      tpu.enqueue_indirect_dma source(%dma_start3A_69 : memref<131072x128xi32, #tpu.memory_space<hbm>>) target(%arg10 : memref<128x128xi32, #tpu.memory_space<vmem>>) offsets(%dma_start3A_66 : memref<128xi32, #tpu.memory_space<vmem>>) semaphore(%arg12 : memref<!tpu.dma_semaphore, #tpu.memory_space<semaphore_mem>>)
      %mul3A_70 = arith.constant 128 : i32
      %mul3A_71 = arith.muli %mul3A_61, %mul3A_70 : i32
      %dma_wait3A = tpu.memref_slice %arg8[%mul3A_71] : memref<512xi32, #tpu.memory_space<vmem>> -> memref<128xi32, #tpu.memory_space<vmem>>
      %dma_wait3A_72 = arith.constant 0 : i32
      %dma_wait3A_73 = arith.constant 0 : i32
      %dma_wait3A_74 = tpu.memref_slice %arg2[%dma_wait3A_72, %dma_wait3A_73] : memref<131072x128xi32, #tpu.memory_space<hbm>> -> memref<131072x128xi32, #tpu.memory_space<hbm>>
      tpu.wait_indirect_dma semaphore(%arg11 : memref<!tpu.dma_semaphore, #tpu.memory_space<semaphore_mem>>) src(%dma_wait3A_74 : memref<131072x128xi32, #tpu.memory_space<hbm>>) dst(%arg9 : memref<128x128xi32, #tpu.memory_space<vmem>>)
      %mul3A_75 = arith.constant 128 : i32
      %mul3A_76 = arith.muli %mul3A_61, %mul3A_75 : i32
      %add3A_77 = arith.addi %mul3A_2, %mul3A_76 : i32
      "tpu.region"() ({
        %run_scoped3A = tpu.sem_alloc : memref<!tpu.dma_semaphore, #tpu.memory_space<semaphore_mem>>
        %dma_start3A_93 = arith.constant 0 : i32
        %dma_start3A_94 = tpu.memref_slice %arg4[%add3A_77, %dma_start3A_93] : memref<16384x128xi32, #tpu.memory_space<hbm>> -> memref<128x128xi32, #tpu.memory_space<hbm>>
        %dma_start3A_95 = arith.constant 0 : i32
        %dma_start3A_96 = tpu.memref_slice %arg4[%add3A_77, %dma_start3A_95] : memref<16384x128xi32, #tpu.memory_space<hbm>> -> memref<128x128xi32, #tpu.memory_space<hbm>>
        tpu.enqueue_dma source(%arg9 : memref<128x128xi32, #tpu.memory_space<vmem>>) target(%dma_start3A_96 : memref<128x128xi32, #tpu.memory_space<hbm>>) target_semaphore(%run_scoped3A : memref<!tpu.dma_semaphore, #tpu.memory_space<semaphore_mem>>)
        %dma_wait3A_97 = arith.constant 0 : i32
        %dma_wait3A_98 = tpu.memref_slice %arg4[%add3A_77, %dma_wait3A_97] : memref<16384x128xi32, #tpu.memory_space<hbm>> -> memref<128x128xi32, #tpu.memory_space<hbm>>
        %dma_wait3A_99 = arith.constant 0 : i32
        %dma_wait3A_100 = tpu.memref_slice %arg4[%add3A_77, %dma_wait3A_99] : memref<16384x128xi32, #tpu.memory_space<hbm>> -> memref<128x128xi32, #tpu.memory_space<hbm>>
        tpu.wait_dma2 semaphore(%run_scoped3A : memref<!tpu.dma_semaphore, #tpu.memory_space<semaphore_mem>>) src(%arg9 : memref<128x128xi32, #tpu.memory_space<vmem>>) dst(%dma_wait3A_100 : memref<128x128xi32, #tpu.memory_space<hbm>>)
        tpu.yield
      }) : () -> ()
      %add3A_78 = arith.constant 2 : i32
      %add3A_79 = arith.addi %mul3A_61, %add3A_78 : i32
      %lt3A = arith.constant 4 : i32
      %lt3A_80 = arith.cmpi slt, %add3A_79, %lt3A : i32
      %convert_element_type3A = arith.extui %lt3A_80 : i1 to i32
      %cond3A = arith.constant 0 : i32
      %cond3A_81 = arith.cmpi ne, %convert_element_type3A, %cond3A : i32
      scf.if %cond3A_81 {
        %add3A_93 = arith.constant 2 : i32
        %add3A_94 = arith.addi %mul3A_61, %add3A_93 : i32
        %mul3A_95 = arith.constant 128 : i32
        %mul3A_96 = arith.muli %add3A_94, %mul3A_95 : i32
        %dma_start3A_97 = tpu.memref_slice %arg8[%mul3A_96] : memref<512xi32, #tpu.memory_space<vmem>> -> memref<128xi32, #tpu.memory_space<vmem>>
        %dma_start3A_98 = arith.constant 0 : i32
        %dma_start3A_99 = arith.constant 0 : i32
        %dma_start3A_100 = tpu.memref_slice %arg2[%dma_start3A_98, %dma_start3A_99] : memref<131072x128xi32, #tpu.memory_space<hbm>> -> memref<131072x128xi32, #tpu.memory_space<hbm>>
        tpu.enqueue_indirect_dma source(%dma_start3A_100 : memref<131072x128xi32, #tpu.memory_space<hbm>>) target(%arg9 : memref<128x128xi32, #tpu.memory_space<vmem>>) offsets(%dma_start3A_97 : memref<128xi32, #tpu.memory_space<vmem>>) semaphore(%arg11 : memref<!tpu.dma_semaphore, #tpu.memory_space<semaphore_mem>>)
      } else {
      }
      %add3A_82 = arith.constant 1 : i32
      %add3A_83 = arith.addi %mul3A_61, %add3A_82 : i32
      %mul3A_84 = arith.constant 128 : i32
      %mul3A_85 = arith.muli %add3A_83, %mul3A_84 : i32
      %dma_wait3A_86 = tpu.memref_slice %arg8[%mul3A_85] : memref<512xi32, #tpu.memory_space<vmem>> -> memref<128xi32, #tpu.memory_space<vmem>>
      %dma_wait3A_87 = arith.constant 0 : i32
      %dma_wait3A_88 = arith.constant 0 : i32
      %dma_wait3A_89 = tpu.memref_slice %arg2[%dma_wait3A_87, %dma_wait3A_88] : memref<131072x128xi32, #tpu.memory_space<hbm>> -> memref<131072x128xi32, #tpu.memory_space<hbm>>
      tpu.wait_indirect_dma semaphore(%arg12 : memref<!tpu.dma_semaphore, #tpu.memory_space<semaphore_mem>>) src(%dma_wait3A_89 : memref<131072x128xi32, #tpu.memory_space<hbm>>) dst(%arg10 : memref<128x128xi32, #tpu.memory_space<vmem>>)
      %mul3A_90 = arith.constant 128 : i32
      %mul3A_91 = arith.muli %add3A_83, %mul3A_90 : i32
      %add3A_92 = arith.addi %mul3A_2, %mul3A_91 : i32
      "tpu.region"() ({
        %run_scoped3A = tpu.sem_alloc : memref<!tpu.dma_semaphore, #tpu.memory_space<semaphore_mem>>
        %dma_start3A_93 = arith.constant 0 : i32
        %dma_start3A_94 = tpu.memref_slice %arg4[%add3A_92, %dma_start3A_93] : memref<16384x128xi32, #tpu.memory_space<hbm>> -> memref<128x128xi32, #tpu.memory_space<hbm>>
        %dma_start3A_95 = arith.constant 0 : i32
        %dma_start3A_96 = tpu.memref_slice %arg4[%add3A_92, %dma_start3A_95] : memref<16384x128xi32, #tpu.memory_space<hbm>> -> memref<128x128xi32, #tpu.memory_space<hbm>>
        tpu.enqueue_dma source(%arg10 : memref<128x128xi32, #tpu.memory_space<vmem>>) target(%dma_start3A_96 : memref<128x128xi32, #tpu.memory_space<hbm>>) target_semaphore(%run_scoped3A : memref<!tpu.dma_semaphore, #tpu.memory_space<semaphore_mem>>)
        %dma_wait3A_97 = arith.constant 0 : i32
        %dma_wait3A_98 = tpu.memref_slice %arg4[%add3A_92, %dma_wait3A_97] : memref<16384x128xi32, #tpu.memory_space<hbm>> -> memref<128x128xi32, #tpu.memory_space<hbm>>
        %dma_wait3A_99 = arith.constant 0 : i32
        %dma_wait3A_100 = tpu.memref_slice %arg4[%add3A_92, %dma_wait3A_99] : memref<16384x128xi32, #tpu.memory_space<hbm>> -> memref<128x128xi32, #tpu.memory_space<hbm>>
        tpu.wait_dma2 semaphore(%run_scoped3A : memref<!tpu.dma_semaphore, #tpu.memory_space<semaphore_mem>>) src(%arg10 : memref<128x128xi32, #tpu.memory_space<vmem>>) dst(%dma_wait3A_100 : memref<128x128xi32, #tpu.memory_space<hbm>>)
        tpu.yield
      }) : () -> ()
    }
    %scan3A_13 = arith.constant 2 : i32
    %mul3A_14 = arith.constant 512 : i32
    %mul3A_15 = arith.muli %add3A, %mul3A_14 : i32
    %add3A_16 = arith.constant 49152 : i32
    %add3A_17 = arith.addi %add3A_16, %mul3A_15 : i32
    "tpu.region"() ({
      %run_scoped3A = tpu.sem_alloc : memref<!tpu.dma_semaphore, #tpu.memory_space<semaphore_mem>>
      %dma_start3A_59 = arith.constant 0 : i32
      %dma_start3A_60 = tpu.memref_slice %arg8[%dma_start3A_59] : memref<512xi32, #tpu.memory_space<vmem>> -> memref<512xi32, #tpu.memory_space<vmem>>
      %dma_start3A_61 = tpu.memref_slice %arg3[%add3A_17] : memref<131072xi32, #tpu.memory_space<hbm>> -> memref<512xi32, #tpu.memory_space<hbm>>
      %dma_start3A_62 = arith.constant 0 : i32
      %dma_start3A_63 = tpu.memref_slice %arg8[%dma_start3A_62] : memref<512xi32, #tpu.memory_space<vmem>> -> memref<512xi32, #tpu.memory_space<vmem>>
      %dma_start3A_64 = tpu.memref_slice %arg3[%add3A_17] : memref<131072xi32, #tpu.memory_space<hbm>> -> memref<512xi32, #tpu.memory_space<hbm>>
      tpu.enqueue_dma source(%dma_start3A_64 : memref<512xi32, #tpu.memory_space<hbm>>) target(%dma_start3A_63 : memref<512xi32, #tpu.memory_space<vmem>>) target_semaphore(%run_scoped3A : memref<!tpu.dma_semaphore, #tpu.memory_space<semaphore_mem>>)
      %dma_wait3A = arith.constant 0 : i32
      %dma_wait3A_65 = tpu.memref_slice %arg8[%dma_wait3A] : memref<512xi32, #tpu.memory_space<vmem>> -> memref<512xi32, #tpu.memory_space<vmem>>
      %dma_wait3A_66 = tpu.memref_slice %arg3[%add3A_17] : memref<131072xi32, #tpu.memory_space<hbm>> -> memref<512xi32, #tpu.memory_space<hbm>>
      %dma_wait3A_67 = arith.constant 0 : i32
      %dma_wait3A_68 = tpu.memref_slice %arg8[%dma_wait3A_67] : memref<512xi32, #tpu.memory_space<vmem>> -> memref<512xi32, #tpu.memory_space<vmem>>
      %dma_wait3A_69 = tpu.memref_slice %arg3[%add3A_17] : memref<131072xi32, #tpu.memory_space<hbm>> -> memref<512xi32, #tpu.memory_space<hbm>>
      tpu.wait_dma2 semaphore(%run_scoped3A : memref<!tpu.dma_semaphore, #tpu.memory_space<semaphore_mem>>) src(%dma_wait3A_69 : memref<512xi32, #tpu.memory_space<hbm>>) dst(%dma_wait3A_68 : memref<512xi32, #tpu.memory_space<vmem>>)
      tpu.yield
    }) : () -> ()
    %dma_start3A_18 = arith.constant 0 : i32
    %dma_start3A_19 = tpu.memref_slice %arg8[%dma_start3A_18] : memref<512xi32, #tpu.memory_space<vmem>> -> memref<128xi32, #tpu.memory_space<vmem>>
    %dma_start3A_20 = arith.constant 0 : i32
    %dma_start3A_21 = arith.constant 0 : i32
    %dma_start3A_22 = tpu.memref_slice %arg2[%dma_start3A_20, %dma_start3A_21] : memref<131072x128xi32, #tpu.memory_space<hbm>> -> memref<131072x128xi32, #tpu.memory_space<hbm>>
    tpu.enqueue_indirect_dma source(%dma_start3A_22 : memref<131072x128xi32, #tpu.memory_space<hbm>>) target(%arg9 : memref<128x128xi32, #tpu.memory_space<vmem>>) offsets(%dma_start3A_19 : memref<128xi32, #tpu.memory_space<vmem>>) semaphore(%arg11 : memref<!tpu.dma_semaphore, #tpu.memory_space<semaphore_mem>>)
    %scan3A_23 = arith.constant 0 : i32
    %scan3A_24 = arith.constant 0 : i32
    %scan3A_25 = arith.constant 2 : i32
    %scan3A_26 = arith.addi %scan3A_24, %scan3A_25 : i32
    %scan3A_27 = arith.constant 1 : i32
    scf.for %scan3A_59 = %scan3A_24 to %scan3A_26 step %scan3A_27  : i32 {
      %mul3A_60 = arith.constant 2 : i32
      %mul3A_61 = arith.muli %scan3A_59, %mul3A_60 : i32
      %add3A_62 = arith.constant 1 : i32
      %add3A_63 = arith.addi %mul3A_61, %add3A_62 : i32
      %mul3A_64 = arith.constant 128 : i32
      %mul3A_65 = arith.muli %add3A_63, %mul3A_64 : i32
      %dma_start3A_66 = tpu.memref_slice %arg8[%mul3A_65] : memref<512xi32, #tpu.memory_space<vmem>> -> memref<128xi32, #tpu.memory_space<vmem>>
      %dma_start3A_67 = arith.constant 0 : i32
      %dma_start3A_68 = arith.constant 0 : i32
      %dma_start3A_69 = tpu.memref_slice %arg2[%dma_start3A_67, %dma_start3A_68] : memref<131072x128xi32, #tpu.memory_space<hbm>> -> memref<131072x128xi32, #tpu.memory_space<hbm>>
      tpu.enqueue_indirect_dma source(%dma_start3A_69 : memref<131072x128xi32, #tpu.memory_space<hbm>>) target(%arg10 : memref<128x128xi32, #tpu.memory_space<vmem>>) offsets(%dma_start3A_66 : memref<128xi32, #tpu.memory_space<vmem>>) semaphore(%arg12 : memref<!tpu.dma_semaphore, #tpu.memory_space<semaphore_mem>>)
      %mul3A_70 = arith.constant 128 : i32
      %mul3A_71 = arith.muli %mul3A_61, %mul3A_70 : i32
      %dma_wait3A = tpu.memref_slice %arg8[%mul3A_71] : memref<512xi32, #tpu.memory_space<vmem>> -> memref<128xi32, #tpu.memory_space<vmem>>
      %dma_wait3A_72 = arith.constant 0 : i32
      %dma_wait3A_73 = arith.constant 0 : i32
      %dma_wait3A_74 = tpu.memref_slice %arg2[%dma_wait3A_72, %dma_wait3A_73] : memref<131072x128xi32, #tpu.memory_space<hbm>> -> memref<131072x128xi32, #tpu.memory_space<hbm>>
      tpu.wait_indirect_dma semaphore(%arg11 : memref<!tpu.dma_semaphore, #tpu.memory_space<semaphore_mem>>) src(%dma_wait3A_74 : memref<131072x128xi32, #tpu.memory_space<hbm>>) dst(%arg9 : memref<128x128xi32, #tpu.memory_space<vmem>>)
      %mul3A_75 = arith.constant 128 : i32
      %mul3A_76 = arith.muli %mul3A_61, %mul3A_75 : i32
      %add3A_77 = arith.addi %mul3A_15, %mul3A_76 : i32
      "tpu.region"() ({
        %run_scoped3A = tpu.sem_alloc : memref<!tpu.dma_semaphore, #tpu.memory_space<semaphore_mem>>
        %dma_start3A_93 = arith.constant 0 : i32
        %dma_start3A_94 = tpu.memref_slice %arg5[%add3A_77, %dma_start3A_93] : memref<16384x128xi32, #tpu.memory_space<hbm>> -> memref<128x128xi32, #tpu.memory_space<hbm>>
        %dma_start3A_95 = arith.constant 0 : i32
        %dma_start3A_96 = tpu.memref_slice %arg5[%add3A_77, %dma_start3A_95] : memref<16384x128xi32, #tpu.memory_space<hbm>> -> memref<128x128xi32, #tpu.memory_space<hbm>>
        tpu.enqueue_dma source(%arg9 : memref<128x128xi32, #tpu.memory_space<vmem>>) target(%dma_start3A_96 : memref<128x128xi32, #tpu.memory_space<hbm>>) target_semaphore(%run_scoped3A : memref<!tpu.dma_semaphore, #tpu.memory_space<semaphore_mem>>)
        %dma_wait3A_97 = arith.constant 0 : i32
        %dma_wait3A_98 = tpu.memref_slice %arg5[%add3A_77, %dma_wait3A_97] : memref<16384x128xi32, #tpu.memory_space<hbm>> -> memref<128x128xi32, #tpu.memory_space<hbm>>
        %dma_wait3A_99 = arith.constant 0 : i32
        %dma_wait3A_100 = tpu.memref_slice %arg5[%add3A_77, %dma_wait3A_99] : memref<16384x128xi32, #tpu.memory_space<hbm>> -> memref<128x128xi32, #tpu.memory_space<hbm>>
        tpu.wait_dma2 semaphore(%run_scoped3A : memref<!tpu.dma_semaphore, #tpu.memory_space<semaphore_mem>>) src(%arg9 : memref<128x128xi32, #tpu.memory_space<vmem>>) dst(%dma_wait3A_100 : memref<128x128xi32, #tpu.memory_space<hbm>>)
        tpu.yield
      }) : () -> ()
      %add3A_78 = arith.constant 2 : i32
      %add3A_79 = arith.addi %mul3A_61, %add3A_78 : i32
      %lt3A = arith.constant 4 : i32
      %lt3A_80 = arith.cmpi slt, %add3A_79, %lt3A : i32
      %convert_element_type3A = arith.extui %lt3A_80 : i1 to i32
      %cond3A = arith.constant 0 : i32
      %cond3A_81 = arith.cmpi ne, %convert_element_type3A, %cond3A : i32
      scf.if %cond3A_81 {
        %add3A_93 = arith.constant 2 : i32
        %add3A_94 = arith.addi %mul3A_61, %add3A_93 : i32
        %mul3A_95 = arith.constant 128 : i32
        %mul3A_96 = arith.muli %add3A_94, %mul3A_95 : i32
        %dma_start3A_97 = tpu.memref_slice %arg8[%mul3A_96] : memref<512xi32, #tpu.memory_space<vmem>> -> memref<128xi32, #tpu.memory_space<vmem>>
        %dma_start3A_98 = arith.constant 0 : i32
        %dma_start3A_99 = arith.constant 0 : i32
        %dma_start3A_100 = tpu.memref_slice %arg2[%dma_start3A_98, %dma_start3A_99] : memref<131072x128xi32, #tpu.memory_space<hbm>> -> memref<131072x128xi32, #tpu.memory_space<hbm>>
        tpu.enqueue_indirect_dma source(%dma_start3A_100 : memref<131072x128xi32, #tpu.memory_space<hbm>>) target(%arg9 : memref<128x128xi32, #tpu.memory_space<vmem>>) offsets(%dma_start3A_97 : memref<128xi32, #tpu.memory_space<vmem>>) semaphore(%arg11 : memref<!tpu.dma_semaphore, #tpu.memory_space<semaphore_mem>>)
      } else {
      }
      %add3A_82 = arith.constant 1 : i32
      %add3A_83 = arith.addi %mul3A_61, %add3A_82 : i32
      %mul3A_84 = arith.constant 128 : i32
      %mul3A_85 = arith.muli %add3A_83, %mul3A_84 : i32
      %dma_wait3A_86 = tpu.memref_slice %arg8[%mul3A_85] : memref<512xi32, #tpu.memory_space<vmem>> -> memref<128xi32, #tpu.memory_space<vmem>>
      %dma_wait3A_87 = arith.constant 0 : i32
      %dma_wait3A_88 = arith.constant 0 : i32
      %dma_wait3A_89 = tpu.memref_slice %arg2[%dma_wait3A_87, %dma_wait3A_88] : memref<131072x128xi32, #tpu.memory_space<hbm>> -> memref<131072x128xi32, #tpu.memory_space<hbm>>
      tpu.wait_indirect_dma semaphore(%arg12 : memref<!tpu.dma_semaphore, #tpu.memory_space<semaphore_mem>>) src(%dma_wait3A_89 : memref<131072x128xi32, #tpu.memory_space<hbm>>) dst(%arg10 : memref<128x128xi32, #tpu.memory_space<vmem>>)
      %mul3A_90 = arith.constant 128 : i32
      %mul3A_91 = arith.muli %add3A_83, %mul3A_90 : i32
      %add3A_92 = arith.addi %mul3A_15, %mul3A_91 : i32
      "tpu.region"() ({
        %run_scoped3A = tpu.sem_alloc : memref<!tpu.dma_semaphore, #tpu.memory_space<semaphore_mem>>
        %dma_start3A_93 = arith.constant 0 : i32
        %dma_start3A_94 = tpu.memref_slice %arg5[%add3A_92, %dma_start3A_93] : memref<16384x128xi32, #tpu.memory_space<hbm>> -> memref<128x128xi32, #tpu.memory_space<hbm>>
        %dma_start3A_95 = arith.constant 0 : i32
        %dma_start3A_96 = tpu.memref_slice %arg5[%add3A_92, %dma_start3A_95] : memref<16384x128xi32, #tpu.memory_space<hbm>> -> memref<128x128xi32, #tpu.memory_space<hbm>>
        tpu.enqueue_dma source(%arg10 : memref<128x128xi32, #tpu.memory_space<vmem>>) target(%dma_start3A_96 : memref<128x128xi32, #tpu.memory_space<hbm>>) target_semaphore(%run_scoped3A : memref<!tpu.dma_semaphore, #tpu.memory_space<semaphore_mem>>)
        %dma_wait3A_97 = arith.constant 0 : i32
        %dma_wait3A_98 = tpu.memref_slice %arg5[%add3A_92, %dma_wait3A_97] : memref<16384x128xi32, #tpu.memory_space<hbm>> -> memref<128x128xi32, #tpu.memory_space<hbm>>
        %dma_wait3A_99 = arith.constant 0 : i32
        %dma_wait3A_100 = tpu.memref_slice %arg5[%add3A_92, %dma_wait3A_99] : memref<16384x128xi32, #tpu.memory_space<hbm>> -> memref<128x128xi32, #tpu.memory_space<hbm>>
        tpu.wait_dma2 semaphore(%run_scoped3A : memref<!tpu.dma_semaphore, #tpu.memory_space<semaphore_mem>>) src(%arg10 : memref<128x128xi32, #tpu.memory_space<vmem>>) dst(%dma_wait3A_100 : memref<128x128xi32, #tpu.memory_space<hbm>>)
        tpu.yield
      }) : () -> ()
    }
    %scan3A_28 = arith.constant 2 : i32
    %mul3A_29 = arith.constant 512 : i32
    %mul3A_30 = arith.muli %add3A, %mul3A_29 : i32
    %add3A_31 = arith.constant 81920 : i32
    %add3A_32 = arith.addi %add3A_31, %mul3A_30 : i32
    "tpu.region"() ({
      %run_scoped3A = tpu.sem_alloc : memref<!tpu.dma_semaphore, #tpu.memory_space<semaphore_mem>>
      %dma_start3A_59 = arith.constant 0 : i32
      %dma_start3A_60 = tpu.memref_slice %arg8[%dma_start3A_59] : memref<512xi32, #tpu.memory_space<vmem>> -> memref<512xi32, #tpu.memory_space<vmem>>
      %dma_start3A_61 = tpu.memref_slice %arg3[%add3A_32] : memref<131072xi32, #tpu.memory_space<hbm>> -> memref<512xi32, #tpu.memory_space<hbm>>
      %dma_start3A_62 = arith.constant 0 : i32
      %dma_start3A_63 = tpu.memref_slice %arg8[%dma_start3A_62] : memref<512xi32, #tpu.memory_space<vmem>> -> memref<512xi32, #tpu.memory_space<vmem>>
      %dma_start3A_64 = tpu.memref_slice %arg3[%add3A_32] : memref<131072xi32, #tpu.memory_space<hbm>> -> memref<512xi32, #tpu.memory_space<hbm>>
      tpu.enqueue_dma source(%dma_start3A_64 : memref<512xi32, #tpu.memory_space<hbm>>) target(%dma_start3A_63 : memref<512xi32, #tpu.memory_space<vmem>>) target_semaphore(%run_scoped3A : memref<!tpu.dma_semaphore, #tpu.memory_space<semaphore_mem>>)
      %dma_wait3A = arith.constant 0 : i32
      %dma_wait3A_65 = tpu.memref_slice %arg8[%dma_wait3A] : memref<512xi32, #tpu.memory_space<vmem>> -> memref<512xi32, #tpu.memory_space<vmem>>
      %dma_wait3A_66 = tpu.memref_slice %arg3[%add3A_32] : memref<131072xi32, #tpu.memory_space<hbm>> -> memref<512xi32, #tpu.memory_space<hbm>>
      %dma_wait3A_67 = arith.constant 0 : i32
      %dma_wait3A_68 = tpu.memref_slice %arg8[%dma_wait3A_67] : memref<512xi32, #tpu.memory_space<vmem>> -> memref<512xi32, #tpu.memory_space<vmem>>
      %dma_wait3A_69 = tpu.memref_slice %arg3[%add3A_32] : memref<131072xi32, #tpu.memory_space<hbm>> -> memref<512xi32, #tpu.memory_space<hbm>>
      tpu.wait_dma2 semaphore(%run_scoped3A : memref<!tpu.dma_semaphore, #tpu.memory_space<semaphore_mem>>) src(%dma_wait3A_69 : memref<512xi32, #tpu.memory_space<hbm>>) dst(%dma_wait3A_68 : memref<512xi32, #tpu.memory_space<vmem>>)
      tpu.yield
    }) : () -> ()
    %dma_start3A_33 = arith.constant 0 : i32
    %dma_start3A_34 = tpu.memref_slice %arg8[%dma_start3A_33] : memref<512xi32, #tpu.memory_space<vmem>> -> memref<128xi32, #tpu.memory_space<vmem>>
    %dma_start3A_35 = arith.constant 0 : i32
    %dma_start3A_36 = arith.constant 0 : i32
    %dma_start3A_37 = tpu.memref_slice %arg2[%dma_start3A_35, %dma_start3A_36] : memref<131072x128xi32, #tpu.memory_space<hbm>> -> memref<131072x128xi32, #tpu.memory_space<hbm>>
    tpu.enqueue_indirect_dma source(%dma_start3A_37 : memref<131072x128xi32, #tpu.memory_space<hbm>>) target(%arg9 : memref<128x128xi32, #tpu.memory_space<vmem>>) offsets(%dma_start3A_34 : memref<128xi32, #tpu.memory_space<vmem>>) semaphore(%arg11 : memref<!tpu.dma_semaphore, #tpu.memory_space<semaphore_mem>>)
    %scan3A_38 = arith.constant 0 : i32
    %scan3A_39 = arith.constant 0 : i32
    %scan3A_40 = arith.constant 2 : i32
    %scan3A_41 = arith.addi %scan3A_39, %scan3A_40 : i32
    %scan3A_42 = arith.constant 1 : i32
    scf.for %scan3A_59 = %scan3A_39 to %scan3A_41 step %scan3A_42  : i32 {
      %mul3A_60 = arith.constant 2 : i32
      %mul3A_61 = arith.muli %scan3A_59, %mul3A_60 : i32
      %add3A_62 = arith.constant 1 : i32
      %add3A_63 = arith.addi %mul3A_61, %add3A_62 : i32
      %mul3A_64 = arith.constant 128 : i32
      %mul3A_65 = arith.muli %add3A_63, %mul3A_64 : i32
      %dma_start3A_66 = tpu.memref_slice %arg8[%mul3A_65] : memref<512xi32, #tpu.memory_space<vmem>> -> memref<128xi32, #tpu.memory_space<vmem>>
      %dma_start3A_67 = arith.constant 0 : i32
      %dma_start3A_68 = arith.constant 0 : i32
      %dma_start3A_69 = tpu.memref_slice %arg2[%dma_start3A_67, %dma_start3A_68] : memref<131072x128xi32, #tpu.memory_space<hbm>> -> memref<131072x128xi32, #tpu.memory_space<hbm>>
      tpu.enqueue_indirect_dma source(%dma_start3A_69 : memref<131072x128xi32, #tpu.memory_space<hbm>>) target(%arg10 : memref<128x128xi32, #tpu.memory_space<vmem>>) offsets(%dma_start3A_66 : memref<128xi32, #tpu.memory_space<vmem>>) semaphore(%arg12 : memref<!tpu.dma_semaphore, #tpu.memory_space<semaphore_mem>>)
      %mul3A_70 = arith.constant 128 : i32
      %mul3A_71 = arith.muli %mul3A_61, %mul3A_70 : i32
      %dma_wait3A = tpu.memref_slice %arg8[%mul3A_71] : memref<512xi32, #tpu.memory_space<vmem>> -> memref<128xi32, #tpu.memory_space<vmem>>
      %dma_wait3A_72 = arith.constant 0 : i32
      %dma_wait3A_73 = arith.constant 0 : i32
      %dma_wait3A_74 = tpu.memref_slice %arg2[%dma_wait3A_72, %dma_wait3A_73] : memref<131072x128xi32, #tpu.memory_space<hbm>> -> memref<131072x128xi32, #tpu.memory_space<hbm>>
      tpu.wait_indirect_dma semaphore(%arg11 : memref<!tpu.dma_semaphore, #tpu.memory_space<semaphore_mem>>) src(%dma_wait3A_74 : memref<131072x128xi32, #tpu.memory_space<hbm>>) dst(%arg9 : memref<128x128xi32, #tpu.memory_space<vmem>>)
      %mul3A_75 = arith.constant 128 : i32
      %mul3A_76 = arith.muli %mul3A_61, %mul3A_75 : i32
      %add3A_77 = arith.addi %mul3A_30, %mul3A_76 : i32
      "tpu.region"() ({
        %run_scoped3A = tpu.sem_alloc : memref<!tpu.dma_semaphore, #tpu.memory_space<semaphore_mem>>
        %dma_start3A_93 = arith.constant 0 : i32
        %dma_start3A_94 = tpu.memref_slice %arg6[%add3A_77, %dma_start3A_93] : memref<16384x128xi32, #tpu.memory_space<hbm>> -> memref<128x128xi32, #tpu.memory_space<hbm>>
        %dma_start3A_95 = arith.constant 0 : i32
        %dma_start3A_96 = tpu.memref_slice %arg6[%add3A_77, %dma_start3A_95] : memref<16384x128xi32, #tpu.memory_space<hbm>> -> memref<128x128xi32, #tpu.memory_space<hbm>>
        tpu.enqueue_dma source(%arg9 : memref<128x128xi32, #tpu.memory_space<vmem>>) target(%dma_start3A_96 : memref<128x128xi32, #tpu.memory_space<hbm>>) target_semaphore(%run_scoped3A : memref<!tpu.dma_semaphore, #tpu.memory_space<semaphore_mem>>)
        %dma_wait3A_97 = arith.constant 0 : i32
        %dma_wait3A_98 = tpu.memref_slice %arg6[%add3A_77, %dma_wait3A_97] : memref<16384x128xi32, #tpu.memory_space<hbm>> -> memref<128x128xi32, #tpu.memory_space<hbm>>
        %dma_wait3A_99 = arith.constant 0 : i32
        %dma_wait3A_100 = tpu.memref_slice %arg6[%add3A_77, %dma_wait3A_99] : memref<16384x128xi32, #tpu.memory_space<hbm>> -> memref<128x128xi32, #tpu.memory_space<hbm>>
        tpu.wait_dma2 semaphore(%run_scoped3A : memref<!tpu.dma_semaphore, #tpu.memory_space<semaphore_mem>>) src(%arg9 : memref<128x128xi32, #tpu.memory_space<vmem>>) dst(%dma_wait3A_100 : memref<128x128xi32, #tpu.memory_space<hbm>>)
        tpu.yield
      }) : () -> ()
      %add3A_78 = arith.constant 2 : i32
      %add3A_79 = arith.addi %mul3A_61, %add3A_78 : i32
      %lt3A = arith.constant 4 : i32
      %lt3A_80 = arith.cmpi slt, %add3A_79, %lt3A : i32
      %convert_element_type3A = arith.extui %lt3A_80 : i1 to i32
      %cond3A = arith.constant 0 : i32
      %cond3A_81 = arith.cmpi ne, %convert_element_type3A, %cond3A : i32
      scf.if %cond3A_81 {
        %add3A_93 = arith.constant 2 : i32
        %add3A_94 = arith.addi %mul3A_61, %add3A_93 : i32
        %mul3A_95 = arith.constant 128 : i32
        %mul3A_96 = arith.muli %add3A_94, %mul3A_95 : i32
        %dma_start3A_97 = tpu.memref_slice %arg8[%mul3A_96] : memref<512xi32, #tpu.memory_space<vmem>> -> memref<128xi32, #tpu.memory_space<vmem>>
        %dma_start3A_98 = arith.constant 0 : i32
        %dma_start3A_99 = arith.constant 0 : i32
        %dma_start3A_100 = tpu.memref_slice %arg2[%dma_start3A_98, %dma_start3A_99] : memref<131072x128xi32, #tpu.memory_space<hbm>> -> memref<131072x128xi32, #tpu.memory_space<hbm>>
        tpu.enqueue_indirect_dma source(%dma_start3A_100 : memref<131072x128xi32, #tpu.memory_space<hbm>>) target(%arg9 : memref<128x128xi32, #tpu.memory_space<vmem>>) offsets(%dma_start3A_97 : memref<128xi32, #tpu.memory_space<vmem>>) semaphore(%arg11 : memref<!tpu.dma_semaphore, #tpu.memory_space<semaphore_mem>>)
      } else {
      }
      %add3A_82 = arith.constant 1 : i32
      %add3A_83 = arith.addi %mul3A_61, %add3A_82 : i32
      %mul3A_84 = arith.constant 128 : i32
      %mul3A_85 = arith.muli %add3A_83, %mul3A_84 : i32
      %dma_wait3A_86 = tpu.memref_slice %arg8[%mul3A_85] : memref<512xi32, #tpu.memory_space<vmem>> -> memref<128xi32, #tpu.memory_space<vmem>>
      %dma_wait3A_87 = arith.constant 0 : i32
      %dma_wait3A_88 = arith.constant 0 : i32
      %dma_wait3A_89 = tpu.memref_slice %arg2[%dma_wait3A_87, %dma_wait3A_88] : memref<131072x128xi32, #tpu.memory_space<hbm>> -> memref<131072x128xi32, #tpu.memory_space<hbm>>
      tpu.wait_indirect_dma semaphore(%arg12 : memref<!tpu.dma_semaphore, #tpu.memory_space<semaphore_mem>>) src(%dma_wait3A_89 : memref<131072x128xi32, #tpu.memory_space<hbm>>) dst(%arg10 : memref<128x128xi32, #tpu.memory_space<vmem>>)
      %mul3A_90 = arith.constant 128 : i32
      %mul3A_91 = arith.muli %add3A_83, %mul3A_90 : i32
      %add3A_92 = arith.addi %mul3A_30, %mul3A_91 : i32
      "tpu.region"() ({
        %run_scoped3A = tpu.sem_alloc : memref<!tpu.dma_semaphore, #tpu.memory_space<semaphore_mem>>
        %dma_start3A_93 = arith.constant 0 : i32
        %dma_start3A_94 = tpu.memref_slice %arg6[%add3A_92, %dma_start3A_93] : memref<16384x128xi32, #tpu.memory_space<hbm>> -> memref<128x128xi32, #tpu.memory_space<hbm>>
        %dma_start3A_95 = arith.constant 0 : i32
        %dma_start3A_96 = tpu.memref_slice %arg6[%add3A_92, %dma_start3A_95] : memref<16384x128xi32, #tpu.memory_space<hbm>> -> memref<128x128xi32, #tpu.memory_space<hbm>>
        tpu.enqueue_dma source(%arg10 : memref<128x128xi32, #tpu.memory_space<vmem>>) target(%dma_start3A_96 : memref<128x128xi32, #tpu.memory_space<hbm>>) target_semaphore(%run_scoped3A : memref<!tpu.dma_semaphore, #tpu.memory_space<semaphore_mem>>)
        %dma_wait3A_97 = arith.constant 0 : i32
        %dma_wait3A_98 = tpu.memref_slice %arg6[%add3A_92, %dma_wait3A_97] : memref<16384x128xi32, #tpu.memory_space<hbm>> -> memref<128x128xi32, #tpu.memory_space<hbm>>
        %dma_wait3A_99 = arith.constant 0 : i32
        %dma_wait3A_100 = tpu.memref_slice %arg6[%add3A_92, %dma_wait3A_99] : memref<16384x128xi32, #tpu.memory_space<hbm>> -> memref<128x128xi32, #tpu.memory_space<hbm>>
        tpu.wait_dma2 semaphore(%run_scoped3A : memref<!tpu.dma_semaphore, #tpu.memory_space<semaphore_mem>>) src(%arg10 : memref<128x128xi32, #tpu.memory_space<vmem>>) dst(%dma_wait3A_100 : memref<128x128xi32, #tpu.memory_space<hbm>>)
        tpu.yield
      }) : () -> ()
    }
    %scan3A_43 = arith.constant 2 : i32
    %mul3A_44 = arith.constant 512 : i32
    %mul3A_45 = arith.muli %add3A, %mul3A_44 : i32
    %add3A_46 = arith.constant 114688 : i32
    %add3A_47 = arith.addi %add3A_46, %mul3A_45 : i32
    "tpu.region"() ({
      %run_scoped3A = tpu.sem_alloc : memref<!tpu.dma_semaphore, #tpu.memory_space<semaphore_mem>>
      %dma_start3A_59 = arith.constant 0 : i32
      %dma_start3A_60 = tpu.memref_slice %arg8[%dma_start3A_59] : memref<512xi32, #tpu.memory_space<vmem>> -> memref<512xi32, #tpu.memory_space<vmem>>
      %dma_start3A_61 = tpu.memref_slice %arg3[%add3A_47] : memref<131072xi32, #tpu.memory_space<hbm>> -> memref<512xi32, #tpu.memory_space<hbm>>
      %dma_start3A_62 = arith.constant 0 : i32
      %dma_start3A_63 = tpu.memref_slice %arg8[%dma_start3A_62] : memref<512xi32, #tpu.memory_space<vmem>> -> memref<512xi32, #tpu.memory_space<vmem>>
      %dma_start3A_64 = tpu.memref_slice %arg3[%add3A_47] : memref<131072xi32, #tpu.memory_space<hbm>> -> memref<512xi32, #tpu.memory_space<hbm>>
      tpu.enqueue_dma source(%dma_start3A_64 : memref<512xi32, #tpu.memory_space<hbm>>) target(%dma_start3A_63 : memref<512xi32, #tpu.memory_space<vmem>>) target_semaphore(%run_scoped3A : memref<!tpu.dma_semaphore, #tpu.memory_space<semaphore_mem>>)
      %dma_wait3A = arith.constant 0 : i32
      %dma_wait3A_65 = tpu.memref_slice %arg8[%dma_wait3A] : memref<512xi32, #tpu.memory_space<vmem>> -> memref<512xi32, #tpu.memory_space<vmem>>
      %dma_wait3A_66 = tpu.memref_slice %arg3[%add3A_47] : memref<131072xi32, #tpu.memory_space<hbm>> -> memref<512xi32, #tpu.memory_space<hbm>>
      %dma_wait3A_67 = arith.constant 0 : i32
      %dma_wait3A_68 = tpu.memref_slice %arg8[%dma_wait3A_67] : memref<512xi32, #tpu.memory_space<vmem>> -> memref<512xi32, #tpu.memory_space<vmem>>
      %dma_wait3A_69 = tpu.memref_slice %arg3[%add3A_47] : memref<131072xi32, #tpu.memory_space<hbm>> -> memref<512xi32, #tpu.memory_space<hbm>>
      tpu.wait_dma2 semaphore(%run_scoped3A : memref<!tpu.dma_semaphore, #tpu.memory_space<semaphore_mem>>) src(%dma_wait3A_69 : memref<512xi32, #tpu.memory_space<hbm>>) dst(%dma_wait3A_68 : memref<512xi32, #tpu.memory_space<vmem>>)
      tpu.yield
    }) : () -> ()
    %dma_start3A_48 = arith.constant 0 : i32
    %dma_start3A_49 = tpu.memref_slice %arg8[%dma_start3A_48] : memref<512xi32, #tpu.memory_space<vmem>> -> memref<128xi32, #tpu.memory_space<vmem>>
    %dma_start3A_50 = arith.constant 0 : i32
    %dma_start3A_51 = arith.constant 0 : i32
    %dma_start3A_52 = tpu.memref_slice %arg2[%dma_start3A_50, %dma_start3A_51] : memref<131072x128xi32, #tpu.memory_space<hbm>> -> memref<131072x128xi32, #tpu.memory_space<hbm>>
    tpu.enqueue_indirect_dma source(%dma_start3A_52 : memref<131072x128xi32, #tpu.memory_space<hbm>>) target(%arg9 : memref<128x128xi32, #tpu.memory_space<vmem>>) offsets(%dma_start3A_49 : memref<128xi32, #tpu.memory_space<vmem>>) semaphore(%arg11 : memref<!tpu.dma_semaphore, #tpu.memory_space<semaphore_mem>>)
    %scan3A_53 = arith.constant 0 : i32
    %scan3A_54 = arith.constant 0 : i32
    %scan3A_55 = arith.constant 2 : i32
    %scan3A_56 = arith.addi %scan3A_54, %scan3A_55 : i32
    %scan3A_57 = arith.constant 1 : i32
    scf.for %scan3A_59 = %scan3A_54 to %scan3A_56 step %scan3A_57  : i32 {
      %mul3A_60 = arith.constant 2 : i32
      %mul3A_61 = arith.muli %scan3A_59, %mul3A_60 : i32
      %add3A_62 = arith.constant 1 : i32
      %add3A_63 = arith.addi %mul3A_61, %add3A_62 : i32
      %mul3A_64 = arith.constant 128 : i32
      %mul3A_65 = arith.muli %add3A_63, %mul3A_64 : i32
      %dma_start3A_66 = tpu.memref_slice %arg8[%mul3A_65] : memref<512xi32, #tpu.memory_space<vmem>> -> memref<128xi32, #tpu.memory_space<vmem>>
      %dma_start3A_67 = arith.constant 0 : i32
      %dma_start3A_68 = arith.constant 0 : i32
      %dma_start3A_69 = tpu.memref_slice %arg2[%dma_start3A_67, %dma_start3A_68] : memref<131072x128xi32, #tpu.memory_space<hbm>> -> memref<131072x128xi32, #tpu.memory_space<hbm>>
      tpu.enqueue_indirect_dma source(%dma_start3A_69 : memref<131072x128xi32, #tpu.memory_space<hbm>>) target(%arg10 : memref<128x128xi32, #tpu.memory_space<vmem>>) offsets(%dma_start3A_66 : memref<128xi32, #tpu.memory_space<vmem>>) semaphore(%arg12 : memref<!tpu.dma_semaphore, #tpu.memory_space<semaphore_mem>>)
      %mul3A_70 = arith.constant 128 : i32
      %mul3A_71 = arith.muli %mul3A_61, %mul3A_70 : i32
      %dma_wait3A = tpu.memref_slice %arg8[%mul3A_71] : memref<512xi32, #tpu.memory_space<vmem>> -> memref<128xi32, #tpu.memory_space<vmem>>
      %dma_wait3A_72 = arith.constant 0 : i32
      %dma_wait3A_73 = arith.constant 0 : i32
      %dma_wait3A_74 = tpu.memref_slice %arg2[%dma_wait3A_72, %dma_wait3A_73] : memref<131072x128xi32, #tpu.memory_space<hbm>> -> memref<131072x128xi32, #tpu.memory_space<hbm>>
      tpu.wait_indirect_dma semaphore(%arg11 : memref<!tpu.dma_semaphore, #tpu.memory_space<semaphore_mem>>) src(%dma_wait3A_74 : memref<131072x128xi32, #tpu.memory_space<hbm>>) dst(%arg9 : memref<128x128xi32, #tpu.memory_space<vmem>>)
      %mul3A_75 = arith.constant 128 : i32
      %mul3A_76 = arith.muli %mul3A_61, %mul3A_75 : i32
      %add3A_77 = arith.addi %mul3A_45, %mul3A_76 : i32
      "tpu.region"() ({
        %run_scoped3A = tpu.sem_alloc : memref<!tpu.dma_semaphore, #tpu.memory_space<semaphore_mem>>
        %dma_start3A_93 = arith.constant 0 : i32
        %dma_start3A_94 = tpu.memref_slice %arg7[%add3A_77, %dma_start3A_93] : memref<16384x128xi32, #tpu.memory_space<hbm>> -> memref<128x128xi32, #tpu.memory_space<hbm>>
        %dma_start3A_95 = arith.constant 0 : i32
        %dma_start3A_96 = tpu.memref_slice %arg7[%add3A_77, %dma_start3A_95] : memref<16384x128xi32, #tpu.memory_space<hbm>> -> memref<128x128xi32, #tpu.memory_space<hbm>>
        tpu.enqueue_dma source(%arg9 : memref<128x128xi32, #tpu.memory_space<vmem>>) target(%dma_start3A_96 : memref<128x128xi32, #tpu.memory_space<hbm>>) target_semaphore(%run_scoped3A : memref<!tpu.dma_semaphore, #tpu.memory_space<semaphore_mem>>)
        %dma_wait3A_97 = arith.constant 0 : i32
        %dma_wait3A_98 = tpu.memref_slice %arg7[%add3A_77, %dma_wait3A_97] : memref<16384x128xi32, #tpu.memory_space<hbm>> -> memref<128x128xi32, #tpu.memory_space<hbm>>
        %dma_wait3A_99 = arith.constant 0 : i32
        %dma_wait3A_100 = tpu.memref_slice %arg7[%add3A_77, %dma_wait3A_99] : memref<16384x128xi32, #tpu.memory_space<hbm>> -> memref<128x128xi32, #tpu.memory_space<hbm>>
        tpu.wait_dma2 semaphore(%run_scoped3A : memref<!tpu.dma_semaphore, #tpu.memory_space<semaphore_mem>>) src(%arg9 : memref<128x128xi32, #tpu.memory_space<vmem>>) dst(%dma_wait3A_100 : memref<128x128xi32, #tpu.memory_space<hbm>>)
        tpu.yield
      }) : () -> ()
      %add3A_78 = arith.constant 2 : i32
      %add3A_79 = arith.addi %mul3A_61, %add3A_78 : i32
      %lt3A = arith.constant 4 : i32
      %lt3A_80 = arith.cmpi slt, %add3A_79, %lt3A : i32
      %convert_element_type3A = arith.extui %lt3A_80 : i1 to i32
      %cond3A = arith.constant 0 : i32
      %cond3A_81 = arith.cmpi ne, %convert_element_type3A, %cond3A : i32
      scf.if %cond3A_81 {
        %add3A_93 = arith.constant 2 : i32
        %add3A_94 = arith.addi %mul3A_61, %add3A_93 : i32
        %mul3A_95 = arith.constant 128 : i32
        %mul3A_96 = arith.muli %add3A_94, %mul3A_95 : i32
        %dma_start3A_97 = tpu.memref_slice %arg8[%mul3A_96] : memref<512xi32, #tpu.memory_space<vmem>> -> memref<128xi32, #tpu.memory_space<vmem>>
        %dma_start3A_98 = arith.constant 0 : i32
        %dma_start3A_99 = arith.constant 0 : i32
        %dma_start3A_100 = tpu.memref_slice %arg2[%dma_start3A_98, %dma_start3A_99] : memref<131072x128xi32, #tpu.memory_space<hbm>> -> memref<131072x128xi32, #tpu.memory_space<hbm>>
        tpu.enqueue_indirect_dma source(%dma_start3A_100 : memref<131072x128xi32, #tpu.memory_space<hbm>>) target(%arg9 : memref<128x128xi32, #tpu.memory_space<vmem>>) offsets(%dma_start3A_97 : memref<128xi32, #tpu.memory_space<vmem>>) semaphore(%arg11 : memref<!tpu.dma_semaphore, #tpu.memory_space<semaphore_mem>>)
      } else {
      }
      %add3A_82 = arith.constant 1 : i32
      %add3A_83 = arith.addi %mul3A_61, %add3A_82 : i32
      %mul3A_84 = arith.constant 128 : i32
      %mul3A_85 = arith.muli %add3A_83, %mul3A_84 : i32
      %dma_wait3A_86 = tpu.memref_slice %arg8[%mul3A_85] : memref<512xi32, #tpu.memory_space<vmem>> -> memref<128xi32, #tpu.memory_space<vmem>>
      %dma_wait3A_87 = arith.constant 0 : i32
      %dma_wait3A_88 = arith.constant 0 : i32
      %dma_wait3A_89 = tpu.memref_slice %arg2[%dma_wait3A_87, %dma_wait3A_88] : memref<131072x128xi32, #tpu.memory_space<hbm>> -> memref<131072x128xi32, #tpu.memory_space<hbm>>
      tpu.wait_indirect_dma semaphore(%arg12 : memref<!tpu.dma_semaphore, #tpu.memory_space<semaphore_mem>>) src(%dma_wait3A_89 : memref<131072x128xi32, #tpu.memory_space<hbm>>) dst(%arg10 : memref<128x128xi32, #tpu.memory_space<vmem>>)
      %mul3A_90 = arith.constant 128 : i32
      %mul3A_91 = arith.muli %add3A_83, %mul3A_90 : i32
      %add3A_92 = arith.addi %mul3A_45, %mul3A_91 : i32
      "tpu.region"() ({
        %run_scoped3A = tpu.sem_alloc : memref<!tpu.dma_semaphore, #tpu.memory_space<semaphore_mem>>
        %dma_start3A_93 = arith.constant 0 : i32
        %dma_start3A_94 = tpu.memref_slice %arg7[%add3A_92, %dma_start3A_93] : memref<16384x128xi32, #tpu.memory_space<hbm>> -> memref<128x128xi32, #tpu.memory_space<hbm>>
        %dma_start3A_95 = arith.constant 0 : i32
        %dma_start3A_96 = tpu.memref_slice %arg7[%add3A_92, %dma_start3A_95] : memref<16384x128xi32, #tpu.memory_space<hbm>> -> memref<128x128xi32, #tpu.memory_space<hbm>>
        tpu.enqueue_dma source(%arg10 : memref<128x128xi32, #tpu.memory_space<vmem>>) target(%dma_start3A_96 : memref<128x128xi32, #tpu.memory_space<hbm>>) target_semaphore(%run_scoped3A : memref<!tpu.dma_semaphore, #tpu.memory_space<semaphore_mem>>)
        %dma_wait3A_97 = arith.constant 0 : i32
        %dma_wait3A_98 = tpu.memref_slice %arg7[%add3A_92, %dma_wait3A_97] : memref<16384x128xi32, #tpu.memory_space<hbm>> -> memref<128x128xi32, #tpu.memory_space<hbm>>
        %dma_wait3A_99 = arith.constant 0 : i32
        %dma_wait3A_100 = tpu.memref_slice %arg7[%add3A_92, %dma_wait3A_99] : memref<16384x128xi32, #tpu.memory_space<hbm>> -> memref<128x128xi32, #tpu.memory_space<hbm>>
        tpu.wait_dma2 semaphore(%run_scoped3A : memref<!tpu.dma_semaphore, #tpu.memory_space<semaphore_mem>>) src(%arg10 : memref<128x128xi32, #tpu.memory_space<vmem>>) dst(%dma_wait3A_100 : memref<128x128xi32, #tpu.memory_space<hbm>>)
        tpu.yield
      }) : () -> ()
    }
    %scan3A_58 = arith.constant 2 : i32
    return
  }
}

#map = affine_map<(d0, d1) -> (0, 0)>
#map1 = affine_map<(d0, d1) -> (0)>
module attributes {stable_mosaic.version = 14 : i64} {
  func.func @gather_kernel(%arg0: i32, %arg1: i32, %arg2: memref<131072x128xi32, #tpu.memory_space<hbm>>, %arg3: memref<98304xi32, #tpu.memory_space<hbm>>, %arg4: memref<8192x128xi32, #tpu.memory_space<hbm>>, %arg5: memref<8192x128xi32, #tpu.memory_space<hbm>>, %arg6: memref<8192x128xi32, #tpu.memory_space<hbm>>, %arg7: memref<8192x128xi32, #tpu.memory_space<hbm>>, %arg8: memref<8192x128xi32, #tpu.memory_space<hbm>>, %arg9: memref<8192x128xi32, #tpu.memory_space<hbm>>, %arg10: memref<256xi32, #tpu.memory_space<vmem>>, %arg11: memref<128x128xi32, #tpu.memory_space<vmem>>, %arg12: memref<128x128xi32, #tpu.memory_space<vmem>>, %arg13: memref<!tpu.dma_semaphore, #tpu.memory_space<semaphore_mem>>, %arg14: memref<!tpu.dma_semaphore, #tpu.memory_space<semaphore_mem>>) attributes {dimension_semantics = [#tpu.dimension_semantics<core_parallel>, #tpu.dimension_semantics<subcore_parallel>], iteration_bounds = array<i64: 2, 16>, scalar_prefetch = 0 : i64, scratch_operands = 5 : i64, tpu.core_type = #tpu.core_type<sc_vector_subcore>, window_params = [{transform_indices = #map}, {transform_indices = #map1}, {transform_indices = #map}, {transform_indices = #map}, {transform_indices = #map}, {transform_indices = #map}, {transform_indices = #map}, {transform_indices = #map}]} {
    %mul3A = arith.constant 2 : i32
    %mul3A_0 = arith.muli %arg1, %mul3A : i32
    %add3A = arith.addi %mul3A_0, %arg0 : i32
    %mul3A_1 = arith.constant 256 : i32
    %mul3A_2 = arith.muli %add3A, %mul3A_1 : i32
    %add3A_3 = arith.constant 8192 : i32
    %add3A_4 = arith.addi %add3A_3, %mul3A_2 : i32
    "tpu.region"() ({
      %run_scoped3A = tpu.sem_alloc : memref<!tpu.dma_semaphore, #tpu.memory_space<semaphore_mem>>
      %dma_start3A_289 = arith.constant 0 : i32
      %dma_start3A_290 = tpu.memref_slice %arg10[%dma_start3A_289] : memref<256xi32, #tpu.memory_space<vmem>> -> memref<256xi32, #tpu.memory_space<vmem>>
      %dma_start3A_291 = tpu.memref_slice %arg3[%add3A_4] : memref<98304xi32, #tpu.memory_space<hbm>> -> memref<256xi32, #tpu.memory_space<hbm>>
      %dma_start3A_292 = arith.constant 0 : i32
      %dma_start3A_293 = tpu.memref_slice %arg10[%dma_start3A_292] : memref<256xi32, #tpu.memory_space<vmem>> -> memref<256xi32, #tpu.memory_space<vmem>>
      %dma_start3A_294 = tpu.memref_slice %arg3[%add3A_4] : memref<98304xi32, #tpu.memory_space<hbm>> -> memref<256xi32, #tpu.memory_space<hbm>>
      tpu.enqueue_dma source(%dma_start3A_294 : memref<256xi32, #tpu.memory_space<hbm>>) target(%dma_start3A_293 : memref<256xi32, #tpu.memory_space<vmem>>) target_semaphore(%run_scoped3A : memref<!tpu.dma_semaphore, #tpu.memory_space<semaphore_mem>>)
      %dma_wait3A_295 = arith.constant 0 : i32
      %dma_wait3A_296 = tpu.memref_slice %arg10[%dma_wait3A_295] : memref<256xi32, #tpu.memory_space<vmem>> -> memref<256xi32, #tpu.memory_space<vmem>>
      %dma_wait3A_297 = tpu.memref_slice %arg3[%add3A_4] : memref<98304xi32, #tpu.memory_space<hbm>> -> memref<256xi32, #tpu.memory_space<hbm>>
      %dma_wait3A_298 = arith.constant 0 : i32
      %dma_wait3A_299 = tpu.memref_slice %arg10[%dma_wait3A_298] : memref<256xi32, #tpu.memory_space<vmem>> -> memref<256xi32, #tpu.memory_space<vmem>>
      %dma_wait3A_300 = tpu.memref_slice %arg3[%add3A_4] : memref<98304xi32, #tpu.memory_space<hbm>> -> memref<256xi32, #tpu.memory_space<hbm>>
      tpu.wait_dma2 semaphore(%run_scoped3A : memref<!tpu.dma_semaphore, #tpu.memory_space<semaphore_mem>>) src(%dma_wait3A_300 : memref<256xi32, #tpu.memory_space<hbm>>) dst(%dma_wait3A_299 : memref<256xi32, #tpu.memory_space<vmem>>)
      tpu.yield
    }) : () -> ()
    %dma_start3A = arith.constant 0 : i32
    %dma_start3A_5 = tpu.memref_slice %arg10[%dma_start3A] : memref<256xi32, #tpu.memory_space<vmem>> -> memref<128xi32, #tpu.memory_space<vmem>>
    %dma_start3A_6 = arith.constant 0 : i32
    %dma_start3A_7 = arith.constant 0 : i32
    %dma_start3A_8 = tpu.memref_slice %arg2[%dma_start3A_6, %dma_start3A_7] : memref<131072x128xi32, #tpu.memory_space<hbm>> -> memref<131072x128xi32, #tpu.memory_space<hbm>>
    tpu.enqueue_indirect_dma source(%dma_start3A_8 : memref<131072x128xi32, #tpu.memory_space<hbm>>) target(%arg11 : memref<128x128xi32, #tpu.memory_space<vmem>>) offsets(%dma_start3A_5 : memref<128xi32, #tpu.memory_space<vmem>>) semaphore(%arg13 : memref<!tpu.dma_semaphore, #tpu.memory_space<semaphore_mem>>)
    %scan3A = arith.constant 0 : i32
    %scan3A_9 = arith.constant 0 : i32
    %mul3A_10 = arith.constant 2 : i32
    %mul3A_11 = arith.muli %scan3A_9, %mul3A_10 : i32
    %add3A_12 = arith.constant 1 : i32
    %add3A_13 = arith.addi %mul3A_11, %add3A_12 : i32
    %mul3A_14 = arith.constant 128 : i32
    %mul3A_15 = arith.muli %add3A_13, %mul3A_14 : i32
    %dma_start3A_16 = tpu.memref_slice %arg10[%mul3A_15] : memref<256xi32, #tpu.memory_space<vmem>> -> memref<128xi32, #tpu.memory_space<vmem>>
    %dma_start3A_17 = arith.constant 0 : i32
    %dma_start3A_18 = arith.constant 0 : i32
    %dma_start3A_19 = tpu.memref_slice %arg2[%dma_start3A_17, %dma_start3A_18] : memref<131072x128xi32, #tpu.memory_space<hbm>> -> memref<131072x128xi32, #tpu.memory_space<hbm>>
    tpu.enqueue_indirect_dma source(%dma_start3A_19 : memref<131072x128xi32, #tpu.memory_space<hbm>>) target(%arg12 : memref<128x128xi32, #tpu.memory_space<vmem>>) offsets(%dma_start3A_16 : memref<128xi32, #tpu.memory_space<vmem>>) semaphore(%arg14 : memref<!tpu.dma_semaphore, #tpu.memory_space<semaphore_mem>>)
    %mul3A_20 = arith.constant 128 : i32
    %mul3A_21 = arith.muli %mul3A_11, %mul3A_20 : i32
    %dma_wait3A = tpu.memref_slice %arg10[%mul3A_21] : memref<256xi32, #tpu.memory_space<vmem>> -> memref<128xi32, #tpu.memory_space<vmem>>
    %dma_wait3A_22 = arith.constant 0 : i32
    %dma_wait3A_23 = arith.constant 0 : i32
    %dma_wait3A_24 = tpu.memref_slice %arg2[%dma_wait3A_22, %dma_wait3A_23] : memref<131072x128xi32, #tpu.memory_space<hbm>> -> memref<131072x128xi32, #tpu.memory_space<hbm>>
    tpu.wait_indirect_dma semaphore(%arg13 : memref<!tpu.dma_semaphore, #tpu.memory_space<semaphore_mem>>) src(%dma_wait3A_24 : memref<131072x128xi32, #tpu.memory_space<hbm>>) dst(%arg11 : memref<128x128xi32, #tpu.memory_space<vmem>>)
    %mul3A_25 = arith.constant 128 : i32
    %mul3A_26 = arith.muli %mul3A_11, %mul3A_25 : i32
    %add3A_27 = arith.addi %mul3A_2, %mul3A_26 : i32
    "tpu.region"() ({
      %run_scoped3A = tpu.sem_alloc : memref<!tpu.dma_semaphore, #tpu.memory_space<semaphore_mem>>
      %dma_start3A_289 = arith.constant 0 : i32
      %dma_start3A_290 = tpu.memref_slice %arg4[%add3A_27, %dma_start3A_289] : memref<8192x128xi32, #tpu.memory_space<hbm>> -> memref<128x128xi32, #tpu.memory_space<hbm>>
      %dma_start3A_291 = arith.constant 0 : i32
      %dma_start3A_292 = tpu.memref_slice %arg4[%add3A_27, %dma_start3A_291] : memref<8192x128xi32, #tpu.memory_space<hbm>> -> memref<128x128xi32, #tpu.memory_space<hbm>>
      tpu.enqueue_dma source(%arg11 : memref<128x128xi32, #tpu.memory_space<vmem>>) target(%dma_start3A_292 : memref<128x128xi32, #tpu.memory_space<hbm>>) target_semaphore(%run_scoped3A : memref<!tpu.dma_semaphore, #tpu.memory_space<semaphore_mem>>)
      %dma_wait3A_293 = arith.constant 0 : i32
      %dma_wait3A_294 = tpu.memref_slice %arg4[%add3A_27, %dma_wait3A_293] : memref<8192x128xi32, #tpu.memory_space<hbm>> -> memref<128x128xi32, #tpu.memory_space<hbm>>
      %dma_wait3A_295 = arith.constant 0 : i32
      %dma_wait3A_296 = tpu.memref_slice %arg4[%add3A_27, %dma_wait3A_295] : memref<8192x128xi32, #tpu.memory_space<hbm>> -> memref<128x128xi32, #tpu.memory_space<hbm>>
      tpu.wait_dma2 semaphore(%run_scoped3A : memref<!tpu.dma_semaphore, #tpu.memory_space<semaphore_mem>>) src(%arg11 : memref<128x128xi32, #tpu.memory_space<vmem>>) dst(%dma_wait3A_296 : memref<128x128xi32, #tpu.memory_space<hbm>>)
      tpu.yield
    }) : () -> ()
    %add3A_28 = arith.constant 2 : i32
    %add3A_29 = arith.addi %mul3A_11, %add3A_28 : i32
    %lt3A = arith.constant 2 : i32
    %lt3A_30 = arith.cmpi slt, %add3A_29, %lt3A : i32
    %convert_element_type3A = arith.extui %lt3A_30 : i1 to i32
    %cond3A = arith.constant 0 : i32
    %cond3A_31 = arith.cmpi ne, %convert_element_type3A, %cond3A : i32
    scf.if %cond3A_31 {
      %add3A_289 = arith.constant 2 : i32
      %add3A_290 = arith.addi %mul3A_11, %add3A_289 : i32
      %mul3A_291 = arith.constant 128 : i32
      %mul3A_292 = arith.muli %add3A_290, %mul3A_291 : i32
      %dma_start3A_293 = tpu.memref_slice %arg10[%mul3A_292] : memref<256xi32, #tpu.memory_space<vmem>> -> memref<128xi32, #tpu.memory_space<vmem>>
      %dma_start3A_294 = arith.constant 0 : i32
      %dma_start3A_295 = arith.constant 0 : i32
      %dma_start3A_296 = tpu.memref_slice %arg2[%dma_start3A_294, %dma_start3A_295] : memref<131072x128xi32, #tpu.memory_space<hbm>> -> memref<131072x128xi32, #tpu.memory_space<hbm>>
      tpu.enqueue_indirect_dma source(%dma_start3A_296 : memref<131072x128xi32, #tpu.memory_space<hbm>>) target(%arg11 : memref<128x128xi32, #tpu.memory_space<vmem>>) offsets(%dma_start3A_293 : memref<128xi32, #tpu.memory_space<vmem>>) semaphore(%arg13 : memref<!tpu.dma_semaphore, #tpu.memory_space<semaphore_mem>>)
    } else {
    }
    %add3A_32 = arith.constant 1 : i32
    %add3A_33 = arith.addi %mul3A_11, %add3A_32 : i32
    %mul3A_34 = arith.constant 128 : i32
    %mul3A_35 = arith.muli %add3A_33, %mul3A_34 : i32
    %dma_wait3A_36 = tpu.memref_slice %arg10[%mul3A_35] : memref<256xi32, #tpu.memory_space<vmem>> -> memref<128xi32, #tpu.memory_space<vmem>>
    %dma_wait3A_37 = arith.constant 0 : i32
    %dma_wait3A_38 = arith.constant 0 : i32
    %dma_wait3A_39 = tpu.memref_slice %arg2[%dma_wait3A_37, %dma_wait3A_38] : memref<131072x128xi32, #tpu.memory_space<hbm>> -> memref<131072x128xi32, #tpu.memory_space<hbm>>
    tpu.wait_indirect_dma semaphore(%arg14 : memref<!tpu.dma_semaphore, #tpu.memory_space<semaphore_mem>>) src(%dma_wait3A_39 : memref<131072x128xi32, #tpu.memory_space<hbm>>) dst(%arg12 : memref<128x128xi32, #tpu.memory_space<vmem>>)
    %mul3A_40 = arith.constant 128 : i32
    %mul3A_41 = arith.muli %add3A_33, %mul3A_40 : i32
    %add3A_42 = arith.addi %mul3A_2, %mul3A_41 : i32
    "tpu.region"() ({
      %run_scoped3A = tpu.sem_alloc : memref<!tpu.dma_semaphore, #tpu.memory_space<semaphore_mem>>
      %dma_start3A_289 = arith.constant 0 : i32
      %dma_start3A_290 = tpu.memref_slice %arg4[%add3A_42, %dma_start3A_289] : memref<8192x128xi32, #tpu.memory_space<hbm>> -> memref<128x128xi32, #tpu.memory_space<hbm>>
      %dma_start3A_291 = arith.constant 0 : i32
      %dma_start3A_292 = tpu.memref_slice %arg4[%add3A_42, %dma_start3A_291] : memref<8192x128xi32, #tpu.memory_space<hbm>> -> memref<128x128xi32, #tpu.memory_space<hbm>>
      tpu.enqueue_dma source(%arg12 : memref<128x128xi32, #tpu.memory_space<vmem>>) target(%dma_start3A_292 : memref<128x128xi32, #tpu.memory_space<hbm>>) target_semaphore(%run_scoped3A : memref<!tpu.dma_semaphore, #tpu.memory_space<semaphore_mem>>)
      %dma_wait3A_293 = arith.constant 0 : i32
      %dma_wait3A_294 = tpu.memref_slice %arg4[%add3A_42, %dma_wait3A_293] : memref<8192x128xi32, #tpu.memory_space<hbm>> -> memref<128x128xi32, #tpu.memory_space<hbm>>
      %dma_wait3A_295 = arith.constant 0 : i32
      %dma_wait3A_296 = tpu.memref_slice %arg4[%add3A_42, %dma_wait3A_295] : memref<8192x128xi32, #tpu.memory_space<hbm>> -> memref<128x128xi32, #tpu.memory_space<hbm>>
      tpu.wait_dma2 semaphore(%run_scoped3A : memref<!tpu.dma_semaphore, #tpu.memory_space<semaphore_mem>>) src(%arg12 : memref<128x128xi32, #tpu.memory_space<vmem>>) dst(%dma_wait3A_296 : memref<128x128xi32, #tpu.memory_space<hbm>>)
      tpu.yield
    }) : () -> ()
    %scan3A_43 = arith.constant 1 : i32
    %mul3A_44 = arith.constant 256 : i32
    %mul3A_45 = arith.muli %add3A, %mul3A_44 : i32
    %add3A_46 = arith.constant 24576 : i32
    %add3A_47 = arith.addi %add3A_46, %mul3A_45 : i32
    "tpu.region"() ({
      %run_scoped3A = tpu.sem_alloc : memref<!tpu.dma_semaphore, #tpu.memory_space<semaphore_mem>>
      %dma_start3A_289 = arith.constant 0 : i32
      %dma_start3A_290 = tpu.memref_slice %arg10[%dma_start3A_289] : memref<256xi32, #tpu.memory_space<vmem>> -> memref<256xi32, #tpu.memory_space<vmem>>
      %dma_start3A_291 = tpu.memref_slice %arg3[%add3A_47] : memref<98304xi32, #tpu.memory_space<hbm>> -> memref<256xi32, #tpu.memory_space<hbm>>
      %dma_start3A_292 = arith.constant 0 : i32
      %dma_start3A_293 = tpu.memref_slice %arg10[%dma_start3A_292] : memref<256xi32, #tpu.memory_space<vmem>> -> memref<256xi32, #tpu.memory_space<vmem>>
      %dma_start3A_294 = tpu.memref_slice %arg3[%add3A_47] : memref<98304xi32, #tpu.memory_space<hbm>> -> memref<256xi32, #tpu.memory_space<hbm>>
      tpu.enqueue_dma source(%dma_start3A_294 : memref<256xi32, #tpu.memory_space<hbm>>) target(%dma_start3A_293 : memref<256xi32, #tpu.memory_space<vmem>>) target_semaphore(%run_scoped3A : memref<!tpu.dma_semaphore, #tpu.memory_space<semaphore_mem>>)
      %dma_wait3A_295 = arith.constant 0 : i32
      %dma_wait3A_296 = tpu.memref_slice %arg10[%dma_wait3A_295] : memref<256xi32, #tpu.memory_space<vmem>> -> memref<256xi32, #tpu.memory_space<vmem>>
      %dma_wait3A_297 = tpu.memref_slice %arg3[%add3A_47] : memref<98304xi32, #tpu.memory_space<hbm>> -> memref<256xi32, #tpu.memory_space<hbm>>
      %dma_wait3A_298 = arith.constant 0 : i32
      %dma_wait3A_299 = tpu.memref_slice %arg10[%dma_wait3A_298] : memref<256xi32, #tpu.memory_space<vmem>> -> memref<256xi32, #tpu.memory_space<vmem>>
      %dma_wait3A_300 = tpu.memref_slice %arg3[%add3A_47] : memref<98304xi32, #tpu.memory_space<hbm>> -> memref<256xi32, #tpu.memory_space<hbm>>
      tpu.wait_dma2 semaphore(%run_scoped3A : memref<!tpu.dma_semaphore, #tpu.memory_space<semaphore_mem>>) src(%dma_wait3A_300 : memref<256xi32, #tpu.memory_space<hbm>>) dst(%dma_wait3A_299 : memref<256xi32, #tpu.memory_space<vmem>>)
      tpu.yield
    }) : () -> ()
    %dma_start3A_48 = arith.constant 0 : i32
    %dma_start3A_49 = tpu.memref_slice %arg10[%dma_start3A_48] : memref<256xi32, #tpu.memory_space<vmem>> -> memref<128xi32, #tpu.memory_space<vmem>>
    %dma_start3A_50 = arith.constant 0 : i32
    %dma_start3A_51 = arith.constant 0 : i32
    %dma_start3A_52 = tpu.memref_slice %arg2[%dma_start3A_50, %dma_start3A_51] : memref<131072x128xi32, #tpu.memory_space<hbm>> -> memref<131072x128xi32, #tpu.memory_space<hbm>>
    tpu.enqueue_indirect_dma source(%dma_start3A_52 : memref<131072x128xi32, #tpu.memory_space<hbm>>) target(%arg11 : memref<128x128xi32, #tpu.memory_space<vmem>>) offsets(%dma_start3A_49 : memref<128xi32, #tpu.memory_space<vmem>>) semaphore(%arg13 : memref<!tpu.dma_semaphore, #tpu.memory_space<semaphore_mem>>)
    %scan3A_53 = arith.constant 0 : i32
    %scan3A_54 = arith.constant 0 : i32
    %mul3A_55 = arith.constant 2 : i32
    %mul3A_56 = arith.muli %scan3A_54, %mul3A_55 : i32
    %add3A_57 = arith.constant 1 : i32
    %add3A_58 = arith.addi %mul3A_56, %add3A_57 : i32
    %mul3A_59 = arith.constant 128 : i32
    %mul3A_60 = arith.muli %add3A_58, %mul3A_59 : i32
    %dma_start3A_61 = tpu.memref_slice %arg10[%mul3A_60] : memref<256xi32, #tpu.memory_space<vmem>> -> memref<128xi32, #tpu.memory_space<vmem>>
    %dma_start3A_62 = arith.constant 0 : i32
    %dma_start3A_63 = arith.constant 0 : i32
    %dma_start3A_64 = tpu.memref_slice %arg2[%dma_start3A_62, %dma_start3A_63] : memref<131072x128xi32, #tpu.memory_space<hbm>> -> memref<131072x128xi32, #tpu.memory_space<hbm>>
    tpu.enqueue_indirect_dma source(%dma_start3A_64 : memref<131072x128xi32, #tpu.memory_space<hbm>>) target(%arg12 : memref<128x128xi32, #tpu.memory_space<vmem>>) offsets(%dma_start3A_61 : memref<128xi32, #tpu.memory_space<vmem>>) semaphore(%arg14 : memref<!tpu.dma_semaphore, #tpu.memory_space<semaphore_mem>>)
    %mul3A_65 = arith.constant 128 : i32
    %mul3A_66 = arith.muli %mul3A_56, %mul3A_65 : i32
    %dma_wait3A_67 = tpu.memref_slice %arg10[%mul3A_66] : memref<256xi32, #tpu.memory_space<vmem>> -> memref<128xi32, #tpu.memory_space<vmem>>
    %dma_wait3A_68 = arith.constant 0 : i32
    %dma_wait3A_69 = arith.constant 0 : i32
    %dma_wait3A_70 = tpu.memref_slice %arg2[%dma_wait3A_68, %dma_wait3A_69] : memref<131072x128xi32, #tpu.memory_space<hbm>> -> memref<131072x128xi32, #tpu.memory_space<hbm>>
    tpu.wait_indirect_dma semaphore(%arg13 : memref<!tpu.dma_semaphore, #tpu.memory_space<semaphore_mem>>) src(%dma_wait3A_70 : memref<131072x128xi32, #tpu.memory_space<hbm>>) dst(%arg11 : memref<128x128xi32, #tpu.memory_space<vmem>>)
    %mul3A_71 = arith.constant 128 : i32
    %mul3A_72 = arith.muli %mul3A_56, %mul3A_71 : i32
    %add3A_73 = arith.addi %mul3A_45, %mul3A_72 : i32
    "tpu.region"() ({
      %run_scoped3A = tpu.sem_alloc : memref<!tpu.dma_semaphore, #tpu.memory_space<semaphore_mem>>
      %dma_start3A_289 = arith.constant 0 : i32
      %dma_start3A_290 = tpu.memref_slice %arg5[%add3A_73, %dma_start3A_289] : memref<8192x128xi32, #tpu.memory_space<hbm>> -> memref<128x128xi32, #tpu.memory_space<hbm>>
      %dma_start3A_291 = arith.constant 0 : i32
      %dma_start3A_292 = tpu.memref_slice %arg5[%add3A_73, %dma_start3A_291] : memref<8192x128xi32, #tpu.memory_space<hbm>> -> memref<128x128xi32, #tpu.memory_space<hbm>>
      tpu.enqueue_dma source(%arg11 : memref<128x128xi32, #tpu.memory_space<vmem>>) target(%dma_start3A_292 : memref<128x128xi32, #tpu.memory_space<hbm>>) target_semaphore(%run_scoped3A : memref<!tpu.dma_semaphore, #tpu.memory_space<semaphore_mem>>)
      %dma_wait3A_293 = arith.constant 0 : i32
      %dma_wait3A_294 = tpu.memref_slice %arg5[%add3A_73, %dma_wait3A_293] : memref<8192x128xi32, #tpu.memory_space<hbm>> -> memref<128x128xi32, #tpu.memory_space<hbm>>
      %dma_wait3A_295 = arith.constant 0 : i32
      %dma_wait3A_296 = tpu.memref_slice %arg5[%add3A_73, %dma_wait3A_295] : memref<8192x128xi32, #tpu.memory_space<hbm>> -> memref<128x128xi32, #tpu.memory_space<hbm>>
      tpu.wait_dma2 semaphore(%run_scoped3A : memref<!tpu.dma_semaphore, #tpu.memory_space<semaphore_mem>>) src(%arg11 : memref<128x128xi32, #tpu.memory_space<vmem>>) dst(%dma_wait3A_296 : memref<128x128xi32, #tpu.memory_space<hbm>>)
      tpu.yield
    }) : () -> ()
    %add3A_74 = arith.constant 2 : i32
    %add3A_75 = arith.addi %mul3A_56, %add3A_74 : i32
    %lt3A_76 = arith.constant 2 : i32
    %lt3A_77 = arith.cmpi slt, %add3A_75, %lt3A_76 : i32
    %convert_element_type3A_78 = arith.extui %lt3A_77 : i1 to i32
    %cond3A_79 = arith.constant 0 : i32
    %cond3A_80 = arith.cmpi ne, %convert_element_type3A_78, %cond3A_79 : i32
    scf.if %cond3A_80 {
      %add3A_289 = arith.constant 2 : i32
      %add3A_290 = arith.addi %mul3A_56, %add3A_289 : i32
      %mul3A_291 = arith.constant 128 : i32
      %mul3A_292 = arith.muli %add3A_290, %mul3A_291 : i32
      %dma_start3A_293 = tpu.memref_slice %arg10[%mul3A_292] : memref<256xi32, #tpu.memory_space<vmem>> -> memref<128xi32, #tpu.memory_space<vmem>>
      %dma_start3A_294 = arith.constant 0 : i32
      %dma_start3A_295 = arith.constant 0 : i32
      %dma_start3A_296 = tpu.memref_slice %arg2[%dma_start3A_294, %dma_start3A_295] : memref<131072x128xi32, #tpu.memory_space<hbm>> -> memref<131072x128xi32, #tpu.memory_space<hbm>>
      tpu.enqueue_indirect_dma source(%dma_start3A_296 : memref<131072x128xi32, #tpu.memory_space<hbm>>) target(%arg11 : memref<128x128xi32, #tpu.memory_space<vmem>>) offsets(%dma_start3A_293 : memref<128xi32, #tpu.memory_space<vmem>>) semaphore(%arg13 : memref<!tpu.dma_semaphore, #tpu.memory_space<semaphore_mem>>)
    } else {
    }
    %add3A_81 = arith.constant 1 : i32
    %add3A_82 = arith.addi %mul3A_56, %add3A_81 : i32
    %mul3A_83 = arith.constant 128 : i32
    %mul3A_84 = arith.muli %add3A_82, %mul3A_83 : i32
    %dma_wait3A_85 = tpu.memref_slice %arg10[%mul3A_84] : memref<256xi32, #tpu.memory_space<vmem>> -> memref<128xi32, #tpu.memory_space<vmem>>
    %dma_wait3A_86 = arith.constant 0 : i32
    %dma_wait3A_87 = arith.constant 0 : i32
    %dma_wait3A_88 = tpu.memref_slice %arg2[%dma_wait3A_86, %dma_wait3A_87] : memref<131072x128xi32, #tpu.memory_space<hbm>> -> memref<131072x128xi32, #tpu.memory_space<hbm>>
    tpu.wait_indirect_dma semaphore(%arg14 : memref<!tpu.dma_semaphore, #tpu.memory_space<semaphore_mem>>) src(%dma_wait3A_88 : memref<131072x128xi32, #tpu.memory_space<hbm>>) dst(%arg12 : memref<128x128xi32, #tpu.memory_space<vmem>>)
    %mul3A_89 = arith.constant 128 : i32
    %mul3A_90 = arith.muli %add3A_82, %mul3A_89 : i32
    %add3A_91 = arith.addi %mul3A_45, %mul3A_90 : i32
    "tpu.region"() ({
      %run_scoped3A = tpu.sem_alloc : memref<!tpu.dma_semaphore, #tpu.memory_space<semaphore_mem>>
      %dma_start3A_289 = arith.constant 0 : i32
      %dma_start3A_290 = tpu.memref_slice %arg5[%add3A_91, %dma_start3A_289] : memref<8192x128xi32, #tpu.memory_space<hbm>> -> memref<128x128xi32, #tpu.memory_space<hbm>>
      %dma_start3A_291 = arith.constant 0 : i32
      %dma_start3A_292 = tpu.memref_slice %arg5[%add3A_91, %dma_start3A_291] : memref<8192x128xi32, #tpu.memory_space<hbm>> -> memref<128x128xi32, #tpu.memory_space<hbm>>
      tpu.enqueue_dma source(%arg12 : memref<128x128xi32, #tpu.memory_space<vmem>>) target(%dma_start3A_292 : memref<128x128xi32, #tpu.memory_space<hbm>>) target_semaphore(%run_scoped3A : memref<!tpu.dma_semaphore, #tpu.memory_space<semaphore_mem>>)
      %dma_wait3A_293 = arith.constant 0 : i32
      %dma_wait3A_294 = tpu.memref_slice %arg5[%add3A_91, %dma_wait3A_293] : memref<8192x128xi32, #tpu.memory_space<hbm>> -> memref<128x128xi32, #tpu.memory_space<hbm>>
      %dma_wait3A_295 = arith.constant 0 : i32
      %dma_wait3A_296 = tpu.memref_slice %arg5[%add3A_91, %dma_wait3A_295] : memref<8192x128xi32, #tpu.memory_space<hbm>> -> memref<128x128xi32, #tpu.memory_space<hbm>>
      tpu.wait_dma2 semaphore(%run_scoped3A : memref<!tpu.dma_semaphore, #tpu.memory_space<semaphore_mem>>) src(%arg12 : memref<128x128xi32, #tpu.memory_space<vmem>>) dst(%dma_wait3A_296 : memref<128x128xi32, #tpu.memory_space<hbm>>)
      tpu.yield
    }) : () -> ()
    %scan3A_92 = arith.constant 1 : i32
    %mul3A_93 = arith.constant 256 : i32
    %mul3A_94 = arith.muli %add3A, %mul3A_93 : i32
    %add3A_95 = arith.constant 40960 : i32
    %add3A_96 = arith.addi %add3A_95, %mul3A_94 : i32
    "tpu.region"() ({
      %run_scoped3A = tpu.sem_alloc : memref<!tpu.dma_semaphore, #tpu.memory_space<semaphore_mem>>
      %dma_start3A_289 = arith.constant 0 : i32
      %dma_start3A_290 = tpu.memref_slice %arg10[%dma_start3A_289] : memref<256xi32, #tpu.memory_space<vmem>> -> memref<256xi32, #tpu.memory_space<vmem>>
      %dma_start3A_291 = tpu.memref_slice %arg3[%add3A_96] : memref<98304xi32, #tpu.memory_space<hbm>> -> memref<256xi32, #tpu.memory_space<hbm>>
      %dma_start3A_292 = arith.constant 0 : i32
      %dma_start3A_293 = tpu.memref_slice %arg10[%dma_start3A_292] : memref<256xi32, #tpu.memory_space<vmem>> -> memref<256xi32, #tpu.memory_space<vmem>>
      %dma_start3A_294 = tpu.memref_slice %arg3[%add3A_96] : memref<98304xi32, #tpu.memory_space<hbm>> -> memref<256xi32, #tpu.memory_space<hbm>>
      tpu.enqueue_dma source(%dma_start3A_294 : memref<256xi32, #tpu.memory_space<hbm>>) target(%dma_start3A_293 : memref<256xi32, #tpu.memory_space<vmem>>) target_semaphore(%run_scoped3A : memref<!tpu.dma_semaphore, #tpu.memory_space<semaphore_mem>>)
      %dma_wait3A_295 = arith.constant 0 : i32
      %dma_wait3A_296 = tpu.memref_slice %arg10[%dma_wait3A_295] : memref<256xi32, #tpu.memory_space<vmem>> -> memref<256xi32, #tpu.memory_space<vmem>>
      %dma_wait3A_297 = tpu.memref_slice %arg3[%add3A_96] : memref<98304xi32, #tpu.memory_space<hbm>> -> memref<256xi32, #tpu.memory_space<hbm>>
      %dma_wait3A_298 = arith.constant 0 : i32
      %dma_wait3A_299 = tpu.memref_slice %arg10[%dma_wait3A_298] : memref<256xi32, #tpu.memory_space<vmem>> -> memref<256xi32, #tpu.memory_space<vmem>>
      %dma_wait3A_300 = tpu.memref_slice %arg3[%add3A_96] : memref<98304xi32, #tpu.memory_space<hbm>> -> memref<256xi32, #tpu.memory_space<hbm>>
      tpu.wait_dma2 semaphore(%run_scoped3A : memref<!tpu.dma_semaphore, #tpu.memory_space<semaphore_mem>>) src(%dma_wait3A_300 : memref<256xi32, #tpu.memory_space<hbm>>) dst(%dma_wait3A_299 : memref<256xi32, #tpu.memory_space<vmem>>)
      tpu.yield
    }) : () -> ()
    %dma_start3A_97 = arith.constant 0 : i32
    %dma_start3A_98 = tpu.memref_slice %arg10[%dma_start3A_97] : memref<256xi32, #tpu.memory_space<vmem>> -> memref<128xi32, #tpu.memory_space<vmem>>
    %dma_start3A_99 = arith.constant 0 : i32
    %dma_start3A_100 = arith.constant 0 : i32
    %dma_start3A_101 = tpu.memref_slice %arg2[%dma_start3A_99, %dma_start3A_100] : memref<131072x128xi32, #tpu.memory_space<hbm>> -> memref<131072x128xi32, #tpu.memory_space<hbm>>
    tpu.enqueue_indirect_dma source(%dma_start3A_101 : memref<131072x128xi32, #tpu.memory_space<hbm>>) target(%arg11 : memref<128x128xi32, #tpu.memory_space<vmem>>) offsets(%dma_start3A_98 : memref<128xi32, #tpu.memory_space<vmem>>) semaphore(%arg13 : memref<!tpu.dma_semaphore, #tpu.memory_space<semaphore_mem>>)
    %scan3A_102 = arith.constant 0 : i32
    %scan3A_103 = arith.constant 0 : i32
    %mul3A_104 = arith.constant 2 : i32
    %mul3A_105 = arith.muli %scan3A_103, %mul3A_104 : i32
    %add3A_106 = arith.constant 1 : i32
    %add3A_107 = arith.addi %mul3A_105, %add3A_106 : i32
    %mul3A_108 = arith.constant 128 : i32
    %mul3A_109 = arith.muli %add3A_107, %mul3A_108 : i32
    %dma_start3A_110 = tpu.memref_slice %arg10[%mul3A_109] : memref<256xi32, #tpu.memory_space<vmem>> -> memref<128xi32, #tpu.memory_space<vmem>>
    %dma_start3A_111 = arith.constant 0 : i32
    %dma_start3A_112 = arith.constant 0 : i32
    %dma_start3A_113 = tpu.memref_slice %arg2[%dma_start3A_111, %dma_start3A_112] : memref<131072x128xi32, #tpu.memory_space<hbm>> -> memref<131072x128xi32, #tpu.memory_space<hbm>>
    tpu.enqueue_indirect_dma source(%dma_start3A_113 : memref<131072x128xi32, #tpu.memory_space<hbm>>) target(%arg12 : memref<128x128xi32, #tpu.memory_space<vmem>>) offsets(%dma_start3A_110 : memref<128xi32, #tpu.memory_space<vmem>>) semaphore(%arg14 : memref<!tpu.dma_semaphore, #tpu.memory_space<semaphore_mem>>)
    %mul3A_114 = arith.constant 128 : i32
    %mul3A_115 = arith.muli %mul3A_105, %mul3A_114 : i32
    %dma_wait3A_116 = tpu.memref_slice %arg10[%mul3A_115] : memref<256xi32, #tpu.memory_space<vmem>> -> memref<128xi32, #tpu.memory_space<vmem>>
    %dma_wait3A_117 = arith.constant 0 : i32
    %dma_wait3A_118 = arith.constant 0 : i32
    %dma_wait3A_119 = tpu.memref_slice %arg2[%dma_wait3A_117, %dma_wait3A_118] : memref<131072x128xi32, #tpu.memory_space<hbm>> -> memref<131072x128xi32, #tpu.memory_space<hbm>>
    tpu.wait_indirect_dma semaphore(%arg13 : memref<!tpu.dma_semaphore, #tpu.memory_space<semaphore_mem>>) src(%dma_wait3A_119 : memref<131072x128xi32, #tpu.memory_space<hbm>>) dst(%arg11 : memref<128x128xi32, #tpu.memory_space<vmem>>)
    %mul3A_120 = arith.constant 128 : i32
    %mul3A_121 = arith.muli %mul3A_105, %mul3A_120 : i32
    %add3A_122 = arith.addi %mul3A_94, %mul3A_121 : i32
    "tpu.region"() ({
      %run_scoped3A = tpu.sem_alloc : memref<!tpu.dma_semaphore, #tpu.memory_space<semaphore_mem>>
      %dma_start3A_289 = arith.constant 0 : i32
      %dma_start3A_290 = tpu.memref_slice %arg6[%add3A_122, %dma_start3A_289] : memref<8192x128xi32, #tpu.memory_space<hbm>> -> memref<128x128xi32, #tpu.memory_space<hbm>>
      %dma_start3A_291 = arith.constant 0 : i32
      %dma_start3A_292 = tpu.memref_slice %arg6[%add3A_122, %dma_start3A_291] : memref<8192x128xi32, #tpu.memory_space<hbm>> -> memref<128x128xi32, #tpu.memory_space<hbm>>
      tpu.enqueue_dma source(%arg11 : memref<128x128xi32, #tpu.memory_space<vmem>>) target(%dma_start3A_292 : memref<128x128xi32, #tpu.memory_space<hbm>>) target_semaphore(%run_scoped3A : memref<!tpu.dma_semaphore, #tpu.memory_space<semaphore_mem>>)
      %dma_wait3A_293 = arith.constant 0 : i32
      %dma_wait3A_294 = tpu.memref_slice %arg6[%add3A_122, %dma_wait3A_293] : memref<8192x128xi32, #tpu.memory_space<hbm>> -> memref<128x128xi32, #tpu.memory_space<hbm>>
      %dma_wait3A_295 = arith.constant 0 : i32
      %dma_wait3A_296 = tpu.memref_slice %arg6[%add3A_122, %dma_wait3A_295] : memref<8192x128xi32, #tpu.memory_space<hbm>> -> memref<128x128xi32, #tpu.memory_space<hbm>>
      tpu.wait_dma2 semaphore(%run_scoped3A : memref<!tpu.dma_semaphore, #tpu.memory_space<semaphore_mem>>) src(%arg11 : memref<128x128xi32, #tpu.memory_space<vmem>>) dst(%dma_wait3A_296 : memref<128x128xi32, #tpu.memory_space<hbm>>)
      tpu.yield
    }) : () -> ()
    %add3A_123 = arith.constant 2 : i32
    %add3A_124 = arith.addi %mul3A_105, %add3A_123 : i32
    %lt3A_125 = arith.constant 2 : i32
    %lt3A_126 = arith.cmpi slt, %add3A_124, %lt3A_125 : i32
    %convert_element_type3A_127 = arith.extui %lt3A_126 : i1 to i32
    %cond3A_128 = arith.constant 0 : i32
    %cond3A_129 = arith.cmpi ne, %convert_element_type3A_127, %cond3A_128 : i32
    scf.if %cond3A_129 {
      %add3A_289 = arith.constant 2 : i32
      %add3A_290 = arith.addi %mul3A_105, %add3A_289 : i32
      %mul3A_291 = arith.constant 128 : i32
      %mul3A_292 = arith.muli %add3A_290, %mul3A_291 : i32
      %dma_start3A_293 = tpu.memref_slice %arg10[%mul3A_292] : memref<256xi32, #tpu.memory_space<vmem>> -> memref<128xi32, #tpu.memory_space<vmem>>
      %dma_start3A_294 = arith.constant 0 : i32
      %dma_start3A_295 = arith.constant 0 : i32
      %dma_start3A_296 = tpu.memref_slice %arg2[%dma_start3A_294, %dma_start3A_295] : memref<131072x128xi32, #tpu.memory_space<hbm>> -> memref<131072x128xi32, #tpu.memory_space<hbm>>
      tpu.enqueue_indirect_dma source(%dma_start3A_296 : memref<131072x128xi32, #tpu.memory_space<hbm>>) target(%arg11 : memref<128x128xi32, #tpu.memory_space<vmem>>) offsets(%dma_start3A_293 : memref<128xi32, #tpu.memory_space<vmem>>) semaphore(%arg13 : memref<!tpu.dma_semaphore, #tpu.memory_space<semaphore_mem>>)
    } else {
    }
    %add3A_130 = arith.constant 1 : i32
    %add3A_131 = arith.addi %mul3A_105, %add3A_130 : i32
    %mul3A_132 = arith.constant 128 : i32
    %mul3A_133 = arith.muli %add3A_131, %mul3A_132 : i32
    %dma_wait3A_134 = tpu.memref_slice %arg10[%mul3A_133] : memref<256xi32, #tpu.memory_space<vmem>> -> memref<128xi32, #tpu.memory_space<vmem>>
    %dma_wait3A_135 = arith.constant 0 : i32
    %dma_wait3A_136 = arith.constant 0 : i32
    %dma_wait3A_137 = tpu.memref_slice %arg2[%dma_wait3A_135, %dma_wait3A_136] : memref<131072x128xi32, #tpu.memory_space<hbm>> -> memref<131072x128xi32, #tpu.memory_space<hbm>>
    tpu.wait_indirect_dma semaphore(%arg14 : memref<!tpu.dma_semaphore, #tpu.memory_space<semaphore_mem>>) src(%dma_wait3A_137 : memref<131072x128xi32, #tpu.memory_space<hbm>>) dst(%arg12 : memref<128x128xi32, #tpu.memory_space<vmem>>)
    %mul3A_138 = arith.constant 128 : i32
    %mul3A_139 = arith.muli %add3A_131, %mul3A_138 : i32
    %add3A_140 = arith.addi %mul3A_94, %mul3A_139 : i32
    "tpu.region"() ({
      %run_scoped3A = tpu.sem_alloc : memref<!tpu.dma_semaphore, #tpu.memory_space<semaphore_mem>>
      %dma_start3A_289 = arith.constant 0 : i32
      %dma_start3A_290 = tpu.memref_slice %arg6[%add3A_140, %dma_start3A_289] : memref<8192x128xi32, #tpu.memory_space<hbm>> -> memref<128x128xi32, #tpu.memory_space<hbm>>
      %dma_start3A_291 = arith.constant 0 : i32
      %dma_start3A_292 = tpu.memref_slice %arg6[%add3A_140, %dma_start3A_291] : memref<8192x128xi32, #tpu.memory_space<hbm>> -> memref<128x128xi32, #tpu.memory_space<hbm>>
      tpu.enqueue_dma source(%arg12 : memref<128x128xi32, #tpu.memory_space<vmem>>) target(%dma_start3A_292 : memref<128x128xi32, #tpu.memory_space<hbm>>) target_semaphore(%run_scoped3A : memref<!tpu.dma_semaphore, #tpu.memory_space<semaphore_mem>>)
      %dma_wait3A_293 = arith.constant 0 : i32
      %dma_wait3A_294 = tpu.memref_slice %arg6[%add3A_140, %dma_wait3A_293] : memref<8192x128xi32, #tpu.memory_space<hbm>> -> memref<128x128xi32, #tpu.memory_space<hbm>>
      %dma_wait3A_295 = arith.constant 0 : i32
      %dma_wait3A_296 = tpu.memref_slice %arg6[%add3A_140, %dma_wait3A_295] : memref<8192x128xi32, #tpu.memory_space<hbm>> -> memref<128x128xi32, #tpu.memory_space<hbm>>
      tpu.wait_dma2 semaphore(%run_scoped3A : memref<!tpu.dma_semaphore, #tpu.memory_space<semaphore_mem>>) src(%arg12 : memref<128x128xi32, #tpu.memory_space<vmem>>) dst(%dma_wait3A_296 : memref<128x128xi32, #tpu.memory_space<hbm>>)
      tpu.yield
    }) : () -> ()
    %scan3A_141 = arith.constant 1 : i32
    %mul3A_142 = arith.constant 256 : i32
    %mul3A_143 = arith.muli %add3A, %mul3A_142 : i32
    %add3A_144 = arith.constant 57344 : i32
    %add3A_145 = arith.addi %add3A_144, %mul3A_143 : i32
    "tpu.region"() ({
      %run_scoped3A = tpu.sem_alloc : memref<!tpu.dma_semaphore, #tpu.memory_space<semaphore_mem>>
      %dma_start3A_289 = arith.constant 0 : i32
      %dma_start3A_290 = tpu.memref_slice %arg10[%dma_start3A_289] : memref<256xi32, #tpu.memory_space<vmem>> -> memref<256xi32, #tpu.memory_space<vmem>>
      %dma_start3A_291 = tpu.memref_slice %arg3[%add3A_145] : memref<98304xi32, #tpu.memory_space<hbm>> -> memref<256xi32, #tpu.memory_space<hbm>>
      %dma_start3A_292 = arith.constant 0 : i32
      %dma_start3A_293 = tpu.memref_slice %arg10[%dma_start3A_292] : memref<256xi32, #tpu.memory_space<vmem>> -> memref<256xi32, #tpu.memory_space<vmem>>
      %dma_start3A_294 = tpu.memref_slice %arg3[%add3A_145] : memref<98304xi32, #tpu.memory_space<hbm>> -> memref<256xi32, #tpu.memory_space<hbm>>
      tpu.enqueue_dma source(%dma_start3A_294 : memref<256xi32, #tpu.memory_space<hbm>>) target(%dma_start3A_293 : memref<256xi32, #tpu.memory_space<vmem>>) target_semaphore(%run_scoped3A : memref<!tpu.dma_semaphore, #tpu.memory_space<semaphore_mem>>)
      %dma_wait3A_295 = arith.constant 0 : i32
      %dma_wait3A_296 = tpu.memref_slice %arg10[%dma_wait3A_295] : memref<256xi32, #tpu.memory_space<vmem>> -> memref<256xi32, #tpu.memory_space<vmem>>
      %dma_wait3A_297 = tpu.memref_slice %arg3[%add3A_145] : memref<98304xi32, #tpu.memory_space<hbm>> -> memref<256xi32, #tpu.memory_space<hbm>>
      %dma_wait3A_298 = arith.constant 0 : i32
      %dma_wait3A_299 = tpu.memref_slice %arg10[%dma_wait3A_298] : memref<256xi32, #tpu.memory_space<vmem>> -> memref<256xi32, #tpu.memory_space<vmem>>
      %dma_wait3A_300 = tpu.memref_slice %arg3[%add3A_145] : memref<98304xi32, #tpu.memory_space<hbm>> -> memref<256xi32, #tpu.memory_space<hbm>>
      tpu.wait_dma2 semaphore(%run_scoped3A : memref<!tpu.dma_semaphore, #tpu.memory_space<semaphore_mem>>) src(%dma_wait3A_300 : memref<256xi32, #tpu.memory_space<hbm>>) dst(%dma_wait3A_299 : memref<256xi32, #tpu.memory_space<vmem>>)
      tpu.yield
    }) : () -> ()
    %dma_start3A_146 = arith.constant 0 : i32
    %dma_start3A_147 = tpu.memref_slice %arg10[%dma_start3A_146] : memref<256xi32, #tpu.memory_space<vmem>> -> memref<128xi32, #tpu.memory_space<vmem>>
    %dma_start3A_148 = arith.constant 0 : i32
    %dma_start3A_149 = arith.constant 0 : i32
    %dma_start3A_150 = tpu.memref_slice %arg2[%dma_start3A_148, %dma_start3A_149] : memref<131072x128xi32, #tpu.memory_space<hbm>> -> memref<131072x128xi32, #tpu.memory_space<hbm>>
    tpu.enqueue_indirect_dma source(%dma_start3A_150 : memref<131072x128xi32, #tpu.memory_space<hbm>>) target(%arg11 : memref<128x128xi32, #tpu.memory_space<vmem>>) offsets(%dma_start3A_147 : memref<128xi32, #tpu.memory_space<vmem>>) semaphore(%arg13 : memref<!tpu.dma_semaphore, #tpu.memory_space<semaphore_mem>>)
    %scan3A_151 = arith.constant 0 : i32
    %scan3A_152 = arith.constant 0 : i32
    %mul3A_153 = arith.constant 2 : i32
    %mul3A_154 = arith.muli %scan3A_152, %mul3A_153 : i32
    %add3A_155 = arith.constant 1 : i32
    %add3A_156 = arith.addi %mul3A_154, %add3A_155 : i32
    %mul3A_157 = arith.constant 128 : i32
    %mul3A_158 = arith.muli %add3A_156, %mul3A_157 : i32
    %dma_start3A_159 = tpu.memref_slice %arg10[%mul3A_158] : memref<256xi32, #tpu.memory_space<vmem>> -> memref<128xi32, #tpu.memory_space<vmem>>
    %dma_start3A_160 = arith.constant 0 : i32
    %dma_start3A_161 = arith.constant 0 : i32
    %dma_start3A_162 = tpu.memref_slice %arg2[%dma_start3A_160, %dma_start3A_161] : memref<131072x128xi32, #tpu.memory_space<hbm>> -> memref<131072x128xi32, #tpu.memory_space<hbm>>
    tpu.enqueue_indirect_dma source(%dma_start3A_162 : memref<131072x128xi32, #tpu.memory_space<hbm>>) target(%arg12 : memref<128x128xi32, #tpu.memory_space<vmem>>) offsets(%dma_start3A_159 : memref<128xi32, #tpu.memory_space<vmem>>) semaphore(%arg14 : memref<!tpu.dma_semaphore, #tpu.memory_space<semaphore_mem>>)
    %mul3A_163 = arith.constant 128 : i32
    %mul3A_164 = arith.muli %mul3A_154, %mul3A_163 : i32
    %dma_wait3A_165 = tpu.memref_slice %arg10[%mul3A_164] : memref<256xi32, #tpu.memory_space<vmem>> -> memref<128xi32, #tpu.memory_space<vmem>>
    %dma_wait3A_166 = arith.constant 0 : i32
    %dma_wait3A_167 = arith.constant 0 : i32
    %dma_wait3A_168 = tpu.memref_slice %arg2[%dma_wait3A_166, %dma_wait3A_167] : memref<131072x128xi32, #tpu.memory_space<hbm>> -> memref<131072x128xi32, #tpu.memory_space<hbm>>
    tpu.wait_indirect_dma semaphore(%arg13 : memref<!tpu.dma_semaphore, #tpu.memory_space<semaphore_mem>>) src(%dma_wait3A_168 : memref<131072x128xi32, #tpu.memory_space<hbm>>) dst(%arg11 : memref<128x128xi32, #tpu.memory_space<vmem>>)
    %mul3A_169 = arith.constant 128 : i32
    %mul3A_170 = arith.muli %mul3A_154, %mul3A_169 : i32
    %add3A_171 = arith.addi %mul3A_143, %mul3A_170 : i32
    "tpu.region"() ({
      %run_scoped3A = tpu.sem_alloc : memref<!tpu.dma_semaphore, #tpu.memory_space<semaphore_mem>>
      %dma_start3A_289 = arith.constant 0 : i32
      %dma_start3A_290 = tpu.memref_slice %arg7[%add3A_171, %dma_start3A_289] : memref<8192x128xi32, #tpu.memory_space<hbm>> -> memref<128x128xi32, #tpu.memory_space<hbm>>
      %dma_start3A_291 = arith.constant 0 : i32
      %dma_start3A_292 = tpu.memref_slice %arg7[%add3A_171, %dma_start3A_291] : memref<8192x128xi32, #tpu.memory_space<hbm>> -> memref<128x128xi32, #tpu.memory_space<hbm>>
      tpu.enqueue_dma source(%arg11 : memref<128x128xi32, #tpu.memory_space<vmem>>) target(%dma_start3A_292 : memref<128x128xi32, #tpu.memory_space<hbm>>) target_semaphore(%run_scoped3A : memref<!tpu.dma_semaphore, #tpu.memory_space<semaphore_mem>>)
      %dma_wait3A_293 = arith.constant 0 : i32
      %dma_wait3A_294 = tpu.memref_slice %arg7[%add3A_171, %dma_wait3A_293] : memref<8192x128xi32, #tpu.memory_space<hbm>> -> memref<128x128xi32, #tpu.memory_space<hbm>>
      %dma_wait3A_295 = arith.constant 0 : i32
      %dma_wait3A_296 = tpu.memref_slice %arg7[%add3A_171, %dma_wait3A_295] : memref<8192x128xi32, #tpu.memory_space<hbm>> -> memref<128x128xi32, #tpu.memory_space<hbm>>
      tpu.wait_dma2 semaphore(%run_scoped3A : memref<!tpu.dma_semaphore, #tpu.memory_space<semaphore_mem>>) src(%arg11 : memref<128x128xi32, #tpu.memory_space<vmem>>) dst(%dma_wait3A_296 : memref<128x128xi32, #tpu.memory_space<hbm>>)
      tpu.yield
    }) : () -> ()
    %add3A_172 = arith.constant 2 : i32
    %add3A_173 = arith.addi %mul3A_154, %add3A_172 : i32
    %lt3A_174 = arith.constant 2 : i32
    %lt3A_175 = arith.cmpi slt, %add3A_173, %lt3A_174 : i32
    %convert_element_type3A_176 = arith.extui %lt3A_175 : i1 to i32
    %cond3A_177 = arith.constant 0 : i32
    %cond3A_178 = arith.cmpi ne, %convert_element_type3A_176, %cond3A_177 : i32
    scf.if %cond3A_178 {
      %add3A_289 = arith.constant 2 : i32
      %add3A_290 = arith.addi %mul3A_154, %add3A_289 : i32
      %mul3A_291 = arith.constant 128 : i32
      %mul3A_292 = arith.muli %add3A_290, %mul3A_291 : i32
      %dma_start3A_293 = tpu.memref_slice %arg10[%mul3A_292] : memref<256xi32, #tpu.memory_space<vmem>> -> memref<128xi32, #tpu.memory_space<vmem>>
      %dma_start3A_294 = arith.constant 0 : i32
      %dma_start3A_295 = arith.constant 0 : i32
      %dma_start3A_296 = tpu.memref_slice %arg2[%dma_start3A_294, %dma_start3A_295] : memref<131072x128xi32, #tpu.memory_space<hbm>> -> memref<131072x128xi32, #tpu.memory_space<hbm>>
      tpu.enqueue_indirect_dma source(%dma_start3A_296 : memref<131072x128xi32, #tpu.memory_space<hbm>>) target(%arg11 : memref<128x128xi32, #tpu.memory_space<vmem>>) offsets(%dma_start3A_293 : memref<128xi32, #tpu.memory_space<vmem>>) semaphore(%arg13 : memref<!tpu.dma_semaphore, #tpu.memory_space<semaphore_mem>>)
    } else {
    }
    %add3A_179 = arith.constant 1 : i32
    %add3A_180 = arith.addi %mul3A_154, %add3A_179 : i32
    %mul3A_181 = arith.constant 128 : i32
    %mul3A_182 = arith.muli %add3A_180, %mul3A_181 : i32
    %dma_wait3A_183 = tpu.memref_slice %arg10[%mul3A_182] : memref<256xi32, #tpu.memory_space<vmem>> -> memref<128xi32, #tpu.memory_space<vmem>>
    %dma_wait3A_184 = arith.constant 0 : i32
    %dma_wait3A_185 = arith.constant 0 : i32
    %dma_wait3A_186 = tpu.memref_slice %arg2[%dma_wait3A_184, %dma_wait3A_185] : memref<131072x128xi32, #tpu.memory_space<hbm>> -> memref<131072x128xi32, #tpu.memory_space<hbm>>
    tpu.wait_indirect_dma semaphore(%arg14 : memref<!tpu.dma_semaphore, #tpu.memory_space<semaphore_mem>>) src(%dma_wait3A_186 : memref<131072x128xi32, #tpu.memory_space<hbm>>) dst(%arg12 : memref<128x128xi32, #tpu.memory_space<vmem>>)
    %mul3A_187 = arith.constant 128 : i32
    %mul3A_188 = arith.muli %add3A_180, %mul3A_187 : i32
    %add3A_189 = arith.addi %mul3A_143, %mul3A_188 : i32
    "tpu.region"() ({
      %run_scoped3A = tpu.sem_alloc : memref<!tpu.dma_semaphore, #tpu.memory_space<semaphore_mem>>
      %dma_start3A_289 = arith.constant 0 : i32
      %dma_start3A_290 = tpu.memref_slice %arg7[%add3A_189, %dma_start3A_289] : memref<8192x128xi32, #tpu.memory_space<hbm>> -> memref<128x128xi32, #tpu.memory_space<hbm>>
      %dma_start3A_291 = arith.constant 0 : i32
      %dma_start3A_292 = tpu.memref_slice %arg7[%add3A_189, %dma_start3A_291] : memref<8192x128xi32, #tpu.memory_space<hbm>> -> memref<128x128xi32, #tpu.memory_space<hbm>>
      tpu.enqueue_dma source(%arg12 : memref<128x128xi32, #tpu.memory_space<vmem>>) target(%dma_start3A_292 : memref<128x128xi32, #tpu.memory_space<hbm>>) target_semaphore(%run_scoped3A : memref<!tpu.dma_semaphore, #tpu.memory_space<semaphore_mem>>)
      %dma_wait3A_293 = arith.constant 0 : i32
      %dma_wait3A_294 = tpu.memref_slice %arg7[%add3A_189, %dma_wait3A_293] : memref<8192x128xi32, #tpu.memory_space<hbm>> -> memref<128x128xi32, #tpu.memory_space<hbm>>
      %dma_wait3A_295 = arith.constant 0 : i32
      %dma_wait3A_296 = tpu.memref_slice %arg7[%add3A_189, %dma_wait3A_295] : memref<8192x128xi32, #tpu.memory_space<hbm>> -> memref<128x128xi32, #tpu.memory_space<hbm>>
      tpu.wait_dma2 semaphore(%run_scoped3A : memref<!tpu.dma_semaphore, #tpu.memory_space<semaphore_mem>>) src(%arg12 : memref<128x128xi32, #tpu.memory_space<vmem>>) dst(%dma_wait3A_296 : memref<128x128xi32, #tpu.memory_space<hbm>>)
      tpu.yield
    }) : () -> ()
    %scan3A_190 = arith.constant 1 : i32
    %mul3A_191 = arith.constant 256 : i32
    %mul3A_192 = arith.muli %add3A, %mul3A_191 : i32
    %add3A_193 = arith.constant 73728 : i32
    %add3A_194 = arith.addi %add3A_193, %mul3A_192 : i32
    "tpu.region"() ({
      %run_scoped3A = tpu.sem_alloc : memref<!tpu.dma_semaphore, #tpu.memory_space<semaphore_mem>>
      %dma_start3A_289 = arith.constant 0 : i32
      %dma_start3A_290 = tpu.memref_slice %arg10[%dma_start3A_289] : memref<256xi32, #tpu.memory_space<vmem>> -> memref<256xi32, #tpu.memory_space<vmem>>
      %dma_start3A_291 = tpu.memref_slice %arg3[%add3A_194] : memref<98304xi32, #tpu.memory_space<hbm>> -> memref<256xi32, #tpu.memory_space<hbm>>
      %dma_start3A_292 = arith.constant 0 : i32
      %dma_start3A_293 = tpu.memref_slice %arg10[%dma_start3A_292] : memref<256xi32, #tpu.memory_space<vmem>> -> memref<256xi32, #tpu.memory_space<vmem>>
      %dma_start3A_294 = tpu.memref_slice %arg3[%add3A_194] : memref<98304xi32, #tpu.memory_space<hbm>> -> memref<256xi32, #tpu.memory_space<hbm>>
      tpu.enqueue_dma source(%dma_start3A_294 : memref<256xi32, #tpu.memory_space<hbm>>) target(%dma_start3A_293 : memref<256xi32, #tpu.memory_space<vmem>>) target_semaphore(%run_scoped3A : memref<!tpu.dma_semaphore, #tpu.memory_space<semaphore_mem>>)
      %dma_wait3A_295 = arith.constant 0 : i32
      %dma_wait3A_296 = tpu.memref_slice %arg10[%dma_wait3A_295] : memref<256xi32, #tpu.memory_space<vmem>> -> memref<256xi32, #tpu.memory_space<vmem>>
      %dma_wait3A_297 = tpu.memref_slice %arg3[%add3A_194] : memref<98304xi32, #tpu.memory_space<hbm>> -> memref<256xi32, #tpu.memory_space<hbm>>
      %dma_wait3A_298 = arith.constant 0 : i32
      %dma_wait3A_299 = tpu.memref_slice %arg10[%dma_wait3A_298] : memref<256xi32, #tpu.memory_space<vmem>> -> memref<256xi32, #tpu.memory_space<vmem>>
      %dma_wait3A_300 = tpu.memref_slice %arg3[%add3A_194] : memref<98304xi32, #tpu.memory_space<hbm>> -> memref<256xi32, #tpu.memory_space<hbm>>
      tpu.wait_dma2 semaphore(%run_scoped3A : memref<!tpu.dma_semaphore, #tpu.memory_space<semaphore_mem>>) src(%dma_wait3A_300 : memref<256xi32, #tpu.memory_space<hbm>>) dst(%dma_wait3A_299 : memref<256xi32, #tpu.memory_space<vmem>>)
      tpu.yield
    }) : () -> ()
    %dma_start3A_195 = arith.constant 0 : i32
    %dma_start3A_196 = tpu.memref_slice %arg10[%dma_start3A_195] : memref<256xi32, #tpu.memory_space<vmem>> -> memref<128xi32, #tpu.memory_space<vmem>>
    %dma_start3A_197 = arith.constant 0 : i32
    %dma_start3A_198 = arith.constant 0 : i32
    %dma_start3A_199 = tpu.memref_slice %arg2[%dma_start3A_197, %dma_start3A_198] : memref<131072x128xi32, #tpu.memory_space<hbm>> -> memref<131072x128xi32, #tpu.memory_space<hbm>>
    tpu.enqueue_indirect_dma source(%dma_start3A_199 : memref<131072x128xi32, #tpu.memory_space<hbm>>) target(%arg11 : memref<128x128xi32, #tpu.memory_space<vmem>>) offsets(%dma_start3A_196 : memref<128xi32, #tpu.memory_space<vmem>>) semaphore(%arg13 : memref<!tpu.dma_semaphore, #tpu.memory_space<semaphore_mem>>)
    %scan3A_200 = arith.constant 0 : i32
    %scan3A_201 = arith.constant 0 : i32
    %mul3A_202 = arith.constant 2 : i32
    %mul3A_203 = arith.muli %scan3A_201, %mul3A_202 : i32
    %add3A_204 = arith.constant 1 : i32
    %add3A_205 = arith.addi %mul3A_203, %add3A_204 : i32
    %mul3A_206 = arith.constant 128 : i32
    %mul3A_207 = arith.muli %add3A_205, %mul3A_206 : i32
    %dma_start3A_208 = tpu.memref_slice %arg10[%mul3A_207] : memref<256xi32, #tpu.memory_space<vmem>> -> memref<128xi32, #tpu.memory_space<vmem>>
    %dma_start3A_209 = arith.constant 0 : i32
    %dma_start3A_210 = arith.constant 0 : i32
    %dma_start3A_211 = tpu.memref_slice %arg2[%dma_start3A_209, %dma_start3A_210] : memref<131072x128xi32, #tpu.memory_space<hbm>> -> memref<131072x128xi32, #tpu.memory_space<hbm>>
    tpu.enqueue_indirect_dma source(%dma_start3A_211 : memref<131072x128xi32, #tpu.memory_space<hbm>>) target(%arg12 : memref<128x128xi32, #tpu.memory_space<vmem>>) offsets(%dma_start3A_208 : memref<128xi32, #tpu.memory_space<vmem>>) semaphore(%arg14 : memref<!tpu.dma_semaphore, #tpu.memory_space<semaphore_mem>>)
    %mul3A_212 = arith.constant 128 : i32
    %mul3A_213 = arith.muli %mul3A_203, %mul3A_212 : i32
    %dma_wait3A_214 = tpu.memref_slice %arg10[%mul3A_213] : memref<256xi32, #tpu.memory_space<vmem>> -> memref<128xi32, #tpu.memory_space<vmem>>
    %dma_wait3A_215 = arith.constant 0 : i32
    %dma_wait3A_216 = arith.constant 0 : i32
    %dma_wait3A_217 = tpu.memref_slice %arg2[%dma_wait3A_215, %dma_wait3A_216] : memref<131072x128xi32, #tpu.memory_space<hbm>> -> memref<131072x128xi32, #tpu.memory_space<hbm>>
    tpu.wait_indirect_dma semaphore(%arg13 : memref<!tpu.dma_semaphore, #tpu.memory_space<semaphore_mem>>) src(%dma_wait3A_217 : memref<131072x128xi32, #tpu.memory_space<hbm>>) dst(%arg11 : memref<128x128xi32, #tpu.memory_space<vmem>>)
    %mul3A_218 = arith.constant 128 : i32
    %mul3A_219 = arith.muli %mul3A_203, %mul3A_218 : i32
    %add3A_220 = arith.addi %mul3A_192, %mul3A_219 : i32
    "tpu.region"() ({
      %run_scoped3A = tpu.sem_alloc : memref<!tpu.dma_semaphore, #tpu.memory_space<semaphore_mem>>
      %dma_start3A_289 = arith.constant 0 : i32
      %dma_start3A_290 = tpu.memref_slice %arg8[%add3A_220, %dma_start3A_289] : memref<8192x128xi32, #tpu.memory_space<hbm>> -> memref<128x128xi32, #tpu.memory_space<hbm>>
      %dma_start3A_291 = arith.constant 0 : i32
      %dma_start3A_292 = tpu.memref_slice %arg8[%add3A_220, %dma_start3A_291] : memref<8192x128xi32, #tpu.memory_space<hbm>> -> memref<128x128xi32, #tpu.memory_space<hbm>>
      tpu.enqueue_dma source(%arg11 : memref<128x128xi32, #tpu.memory_space<vmem>>) target(%dma_start3A_292 : memref<128x128xi32, #tpu.memory_space<hbm>>) target_semaphore(%run_scoped3A : memref<!tpu.dma_semaphore, #tpu.memory_space<semaphore_mem>>)
      %dma_wait3A_293 = arith.constant 0 : i32
      %dma_wait3A_294 = tpu.memref_slice %arg8[%add3A_220, %dma_wait3A_293] : memref<8192x128xi32, #tpu.memory_space<hbm>> -> memref<128x128xi32, #tpu.memory_space<hbm>>
      %dma_wait3A_295 = arith.constant 0 : i32
      %dma_wait3A_296 = tpu.memref_slice %arg8[%add3A_220, %dma_wait3A_295] : memref<8192x128xi32, #tpu.memory_space<hbm>> -> memref<128x128xi32, #tpu.memory_space<hbm>>
      tpu.wait_dma2 semaphore(%run_scoped3A : memref<!tpu.dma_semaphore, #tpu.memory_space<semaphore_mem>>) src(%arg11 : memref<128x128xi32, #tpu.memory_space<vmem>>) dst(%dma_wait3A_296 : memref<128x128xi32, #tpu.memory_space<hbm>>)
      tpu.yield
    }) : () -> ()
    %add3A_221 = arith.constant 2 : i32
    %add3A_222 = arith.addi %mul3A_203, %add3A_221 : i32
    %lt3A_223 = arith.constant 2 : i32
    %lt3A_224 = arith.cmpi slt, %add3A_222, %lt3A_223 : i32
    %convert_element_type3A_225 = arith.extui %lt3A_224 : i1 to i32
    %cond3A_226 = arith.constant 0 : i32
    %cond3A_227 = arith.cmpi ne, %convert_element_type3A_225, %cond3A_226 : i32
    scf.if %cond3A_227 {
      %add3A_289 = arith.constant 2 : i32
      %add3A_290 = arith.addi %mul3A_203, %add3A_289 : i32
      %mul3A_291 = arith.constant 128 : i32
      %mul3A_292 = arith.muli %add3A_290, %mul3A_291 : i32
      %dma_start3A_293 = tpu.memref_slice %arg10[%mul3A_292] : memref<256xi32, #tpu.memory_space<vmem>> -> memref<128xi32, #tpu.memory_space<vmem>>
      %dma_start3A_294 = arith.constant 0 : i32
      %dma_start3A_295 = arith.constant 0 : i32
      %dma_start3A_296 = tpu.memref_slice %arg2[%dma_start3A_294, %dma_start3A_295] : memref<131072x128xi32, #tpu.memory_space<hbm>> -> memref<131072x128xi32, #tpu.memory_space<hbm>>
      tpu.enqueue_indirect_dma source(%dma_start3A_296 : memref<131072x128xi32, #tpu.memory_space<hbm>>) target(%arg11 : memref<128x128xi32, #tpu.memory_space<vmem>>) offsets(%dma_start3A_293 : memref<128xi32, #tpu.memory_space<vmem>>) semaphore(%arg13 : memref<!tpu.dma_semaphore, #tpu.memory_space<semaphore_mem>>)
    } else {
    }
    %add3A_228 = arith.constant 1 : i32
    %add3A_229 = arith.addi %mul3A_203, %add3A_228 : i32
    %mul3A_230 = arith.constant 128 : i32
    %mul3A_231 = arith.muli %add3A_229, %mul3A_230 : i32
    %dma_wait3A_232 = tpu.memref_slice %arg10[%mul3A_231] : memref<256xi32, #tpu.memory_space<vmem>> -> memref<128xi32, #tpu.memory_space<vmem>>
    %dma_wait3A_233 = arith.constant 0 : i32
    %dma_wait3A_234 = arith.constant 0 : i32
    %dma_wait3A_235 = tpu.memref_slice %arg2[%dma_wait3A_233, %dma_wait3A_234] : memref<131072x128xi32, #tpu.memory_space<hbm>> -> memref<131072x128xi32, #tpu.memory_space<hbm>>
    tpu.wait_indirect_dma semaphore(%arg14 : memref<!tpu.dma_semaphore, #tpu.memory_space<semaphore_mem>>) src(%dma_wait3A_235 : memref<131072x128xi32, #tpu.memory_space<hbm>>) dst(%arg12 : memref<128x128xi32, #tpu.memory_space<vmem>>)
    %mul3A_236 = arith.constant 128 : i32
    %mul3A_237 = arith.muli %add3A_229, %mul3A_236 : i32
    %add3A_238 = arith.addi %mul3A_192, %mul3A_237 : i32
    "tpu.region"() ({
      %run_scoped3A = tpu.sem_alloc : memref<!tpu.dma_semaphore, #tpu.memory_space<semaphore_mem>>
      %dma_start3A_289 = arith.constant 0 : i32
      %dma_start3A_290 = tpu.memref_slice %arg8[%add3A_238, %dma_start3A_289] : memref<8192x128xi32, #tpu.memory_space<hbm>> -> memref<128x128xi32, #tpu.memory_space<hbm>>
      %dma_start3A_291 = arith.constant 0 : i32
      %dma_start3A_292 = tpu.memref_slice %arg8[%add3A_238, %dma_start3A_291] : memref<8192x128xi32, #tpu.memory_space<hbm>> -> memref<128x128xi32, #tpu.memory_space<hbm>>
      tpu.enqueue_dma source(%arg12 : memref<128x128xi32, #tpu.memory_space<vmem>>) target(%dma_start3A_292 : memref<128x128xi32, #tpu.memory_space<hbm>>) target_semaphore(%run_scoped3A : memref<!tpu.dma_semaphore, #tpu.memory_space<semaphore_mem>>)
      %dma_wait3A_293 = arith.constant 0 : i32
      %dma_wait3A_294 = tpu.memref_slice %arg8[%add3A_238, %dma_wait3A_293] : memref<8192x128xi32, #tpu.memory_space<hbm>> -> memref<128x128xi32, #tpu.memory_space<hbm>>
      %dma_wait3A_295 = arith.constant 0 : i32
      %dma_wait3A_296 = tpu.memref_slice %arg8[%add3A_238, %dma_wait3A_295] : memref<8192x128xi32, #tpu.memory_space<hbm>> -> memref<128x128xi32, #tpu.memory_space<hbm>>
      tpu.wait_dma2 semaphore(%run_scoped3A : memref<!tpu.dma_semaphore, #tpu.memory_space<semaphore_mem>>) src(%arg12 : memref<128x128xi32, #tpu.memory_space<vmem>>) dst(%dma_wait3A_296 : memref<128x128xi32, #tpu.memory_space<hbm>>)
      tpu.yield
    }) : () -> ()
    %scan3A_239 = arith.constant 1 : i32
    %mul3A_240 = arith.constant 256 : i32
    %mul3A_241 = arith.muli %add3A, %mul3A_240 : i32
    %add3A_242 = arith.constant 90112 : i32
    %add3A_243 = arith.addi %add3A_242, %mul3A_241 : i32
    "tpu.region"() ({
      %run_scoped3A = tpu.sem_alloc : memref<!tpu.dma_semaphore, #tpu.memory_space<semaphore_mem>>
      %dma_start3A_289 = arith.constant 0 : i32
      %dma_start3A_290 = tpu.memref_slice %arg10[%dma_start3A_289] : memref<256xi32, #tpu.memory_space<vmem>> -> memref<256xi32, #tpu.memory_space<vmem>>
      %dma_start3A_291 = tpu.memref_slice %arg3[%add3A_243] : memref<98304xi32, #tpu.memory_space<hbm>> -> memref<256xi32, #tpu.memory_space<hbm>>
      %dma_start3A_292 = arith.constant 0 : i32
      %dma_start3A_293 = tpu.memref_slice %arg10[%dma_start3A_292] : memref<256xi32, #tpu.memory_space<vmem>> -> memref<256xi32, #tpu.memory_space<vmem>>
      %dma_start3A_294 = tpu.memref_slice %arg3[%add3A_243] : memref<98304xi32, #tpu.memory_space<hbm>> -> memref<256xi32, #tpu.memory_space<hbm>>
      tpu.enqueue_dma source(%dma_start3A_294 : memref<256xi32, #tpu.memory_space<hbm>>) target(%dma_start3A_293 : memref<256xi32, #tpu.memory_space<vmem>>) target_semaphore(%run_scoped3A : memref<!tpu.dma_semaphore, #tpu.memory_space<semaphore_mem>>)
      %dma_wait3A_295 = arith.constant 0 : i32
      %dma_wait3A_296 = tpu.memref_slice %arg10[%dma_wait3A_295] : memref<256xi32, #tpu.memory_space<vmem>> -> memref<256xi32, #tpu.memory_space<vmem>>
      %dma_wait3A_297 = tpu.memref_slice %arg3[%add3A_243] : memref<98304xi32, #tpu.memory_space<hbm>> -> memref<256xi32, #tpu.memory_space<hbm>>
      %dma_wait3A_298 = arith.constant 0 : i32
      %dma_wait3A_299 = tpu.memref_slice %arg10[%dma_wait3A_298] : memref<256xi32, #tpu.memory_space<vmem>> -> memref<256xi32, #tpu.memory_space<vmem>>
      %dma_wait3A_300 = tpu.memref_slice %arg3[%add3A_243] : memref<98304xi32, #tpu.memory_space<hbm>> -> memref<256xi32, #tpu.memory_space<hbm>>
      tpu.wait_dma2 semaphore(%run_scoped3A : memref<!tpu.dma_semaphore, #tpu.memory_space<semaphore_mem>>) src(%dma_wait3A_300 : memref<256xi32, #tpu.memory_space<hbm>>) dst(%dma_wait3A_299 : memref<256xi32, #tpu.memory_space<vmem>>)
      tpu.yield
    }) : () -> ()
    %dma_start3A_244 = arith.constant 0 : i32
    %dma_start3A_245 = tpu.memref_slice %arg10[%dma_start3A_244] : memref<256xi32, #tpu.memory_space<vmem>> -> memref<128xi32, #tpu.memory_space<vmem>>
    %dma_start3A_246 = arith.constant 0 : i32
    %dma_start3A_247 = arith.constant 0 : i32
    %dma_start3A_248 = tpu.memref_slice %arg2[%dma_start3A_246, %dma_start3A_247] : memref<131072x128xi32, #tpu.memory_space<hbm>> -> memref<131072x128xi32, #tpu.memory_space<hbm>>
    tpu.enqueue_indirect_dma source(%dma_start3A_248 : memref<131072x128xi32, #tpu.memory_space<hbm>>) target(%arg11 : memref<128x128xi32, #tpu.memory_space<vmem>>) offsets(%dma_start3A_245 : memref<128xi32, #tpu.memory_space<vmem>>) semaphore(%arg13 : memref<!tpu.dma_semaphore, #tpu.memory_space<semaphore_mem>>)
    %scan3A_249 = arith.constant 0 : i32
    %scan3A_250 = arith.constant 0 : i32
    %mul3A_251 = arith.constant 2 : i32
    %mul3A_252 = arith.muli %scan3A_250, %mul3A_251 : i32
    %add3A_253 = arith.constant 1 : i32
    %add3A_254 = arith.addi %mul3A_252, %add3A_253 : i32
    %mul3A_255 = arith.constant 128 : i32
    %mul3A_256 = arith.muli %add3A_254, %mul3A_255 : i32
    %dma_start3A_257 = tpu.memref_slice %arg10[%mul3A_256] : memref<256xi32, #tpu.memory_space<vmem>> -> memref<128xi32, #tpu.memory_space<vmem>>
    %dma_start3A_258 = arith.constant 0 : i32
    %dma_start3A_259 = arith.constant 0 : i32
    %dma_start3A_260 = tpu.memref_slice %arg2[%dma_start3A_258, %dma_start3A_259] : memref<131072x128xi32, #tpu.memory_space<hbm>> -> memref<131072x128xi32, #tpu.memory_space<hbm>>
    tpu.enqueue_indirect_dma source(%dma_start3A_260 : memref<131072x128xi32, #tpu.memory_space<hbm>>) target(%arg12 : memref<128x128xi32, #tpu.memory_space<vmem>>) offsets(%dma_start3A_257 : memref<128xi32, #tpu.memory_space<vmem>>) semaphore(%arg14 : memref<!tpu.dma_semaphore, #tpu.memory_space<semaphore_mem>>)
    %mul3A_261 = arith.constant 128 : i32
    %mul3A_262 = arith.muli %mul3A_252, %mul3A_261 : i32
    %dma_wait3A_263 = tpu.memref_slice %arg10[%mul3A_262] : memref<256xi32, #tpu.memory_space<vmem>> -> memref<128xi32, #tpu.memory_space<vmem>>
    %dma_wait3A_264 = arith.constant 0 : i32
    %dma_wait3A_265 = arith.constant 0 : i32
    %dma_wait3A_266 = tpu.memref_slice %arg2[%dma_wait3A_264, %dma_wait3A_265] : memref<131072x128xi32, #tpu.memory_space<hbm>> -> memref<131072x128xi32, #tpu.memory_space<hbm>>
    tpu.wait_indirect_dma semaphore(%arg13 : memref<!tpu.dma_semaphore, #tpu.memory_space<semaphore_mem>>) src(%dma_wait3A_266 : memref<131072x128xi32, #tpu.memory_space<hbm>>) dst(%arg11 : memref<128x128xi32, #tpu.memory_space<vmem>>)
    %mul3A_267 = arith.constant 128 : i32
    %mul3A_268 = arith.muli %mul3A_252, %mul3A_267 : i32
    %add3A_269 = arith.addi %mul3A_241, %mul3A_268 : i32
    "tpu.region"() ({
      %run_scoped3A = tpu.sem_alloc : memref<!tpu.dma_semaphore, #tpu.memory_space<semaphore_mem>>
      %dma_start3A_289 = arith.constant 0 : i32
      %dma_start3A_290 = tpu.memref_slice %arg9[%add3A_269, %dma_start3A_289] : memref<8192x128xi32, #tpu.memory_space<hbm>> -> memref<128x128xi32, #tpu.memory_space<hbm>>
      %dma_start3A_291 = arith.constant 0 : i32
      %dma_start3A_292 = tpu.memref_slice %arg9[%add3A_269, %dma_start3A_291] : memref<8192x128xi32, #tpu.memory_space<hbm>> -> memref<128x128xi32, #tpu.memory_space<hbm>>
      tpu.enqueue_dma source(%arg11 : memref<128x128xi32, #tpu.memory_space<vmem>>) target(%dma_start3A_292 : memref<128x128xi32, #tpu.memory_space<hbm>>) target_semaphore(%run_scoped3A : memref<!tpu.dma_semaphore, #tpu.memory_space<semaphore_mem>>)
      %dma_wait3A_293 = arith.constant 0 : i32
      %dma_wait3A_294 = tpu.memref_slice %arg9[%add3A_269, %dma_wait3A_293] : memref<8192x128xi32, #tpu.memory_space<hbm>> -> memref<128x128xi32, #tpu.memory_space<hbm>>
      %dma_wait3A_295 = arith.constant 0 : i32
      %dma_wait3A_296 = tpu.memref_slice %arg9[%add3A_269, %dma_wait3A_295] : memref<8192x128xi32, #tpu.memory_space<hbm>> -> memref<128x128xi32, #tpu.memory_space<hbm>>
      tpu.wait_dma2 semaphore(%run_scoped3A : memref<!tpu.dma_semaphore, #tpu.memory_space<semaphore_mem>>) src(%arg11 : memref<128x128xi32, #tpu.memory_space<vmem>>) dst(%dma_wait3A_296 : memref<128x128xi32, #tpu.memory_space<hbm>>)
      tpu.yield
    }) : () -> ()
    %add3A_270 = arith.constant 2 : i32
    %add3A_271 = arith.addi %mul3A_252, %add3A_270 : i32
    %lt3A_272 = arith.constant 2 : i32
    %lt3A_273 = arith.cmpi slt, %add3A_271, %lt3A_272 : i32
    %convert_element_type3A_274 = arith.extui %lt3A_273 : i1 to i32
    %cond3A_275 = arith.constant 0 : i32
    %cond3A_276 = arith.cmpi ne, %convert_element_type3A_274, %cond3A_275 : i32
    scf.if %cond3A_276 {
      %add3A_289 = arith.constant 2 : i32
      %add3A_290 = arith.addi %mul3A_252, %add3A_289 : i32
      %mul3A_291 = arith.constant 128 : i32
      %mul3A_292 = arith.muli %add3A_290, %mul3A_291 : i32
      %dma_start3A_293 = tpu.memref_slice %arg10[%mul3A_292] : memref<256xi32, #tpu.memory_space<vmem>> -> memref<128xi32, #tpu.memory_space<vmem>>
      %dma_start3A_294 = arith.constant 0 : i32
      %dma_start3A_295 = arith.constant 0 : i32
      %dma_start3A_296 = tpu.memref_slice %arg2[%dma_start3A_294, %dma_start3A_295] : memref<131072x128xi32, #tpu.memory_space<hbm>> -> memref<131072x128xi32, #tpu.memory_space<hbm>>
      tpu.enqueue_indirect_dma source(%dma_start3A_296 : memref<131072x128xi32, #tpu.memory_space<hbm>>) target(%arg11 : memref<128x128xi32, #tpu.memory_space<vmem>>) offsets(%dma_start3A_293 : memref<128xi32, #tpu.memory_space<vmem>>) semaphore(%arg13 : memref<!tpu.dma_semaphore, #tpu.memory_space<semaphore_mem>>)
    } else {
    }
    %add3A_277 = arith.constant 1 : i32
    %add3A_278 = arith.addi %mul3A_252, %add3A_277 : i32
    %mul3A_279 = arith.constant 128 : i32
    %mul3A_280 = arith.muli %add3A_278, %mul3A_279 : i32
    %dma_wait3A_281 = tpu.memref_slice %arg10[%mul3A_280] : memref<256xi32, #tpu.memory_space<vmem>> -> memref<128xi32, #tpu.memory_space<vmem>>
    %dma_wait3A_282 = arith.constant 0 : i32
    %dma_wait3A_283 = arith.constant 0 : i32
    %dma_wait3A_284 = tpu.memref_slice %arg2[%dma_wait3A_282, %dma_wait3A_283] : memref<131072x128xi32, #tpu.memory_space<hbm>> -> memref<131072x128xi32, #tpu.memory_space<hbm>>
    tpu.wait_indirect_dma semaphore(%arg14 : memref<!tpu.dma_semaphore, #tpu.memory_space<semaphore_mem>>) src(%dma_wait3A_284 : memref<131072x128xi32, #tpu.memory_space<hbm>>) dst(%arg12 : memref<128x128xi32, #tpu.memory_space<vmem>>)
    %mul3A_285 = arith.constant 128 : i32
    %mul3A_286 = arith.muli %add3A_278, %mul3A_285 : i32
    %add3A_287 = arith.addi %mul3A_241, %mul3A_286 : i32
    "tpu.region"() ({
      %run_scoped3A = tpu.sem_alloc : memref<!tpu.dma_semaphore, #tpu.memory_space<semaphore_mem>>
      %dma_start3A_289 = arith.constant 0 : i32
      %dma_start3A_290 = tpu.memref_slice %arg9[%add3A_287, %dma_start3A_289] : memref<8192x128xi32, #tpu.memory_space<hbm>> -> memref<128x128xi32, #tpu.memory_space<hbm>>
      %dma_start3A_291 = arith.constant 0 : i32
      %dma_start3A_292 = tpu.memref_slice %arg9[%add3A_287, %dma_start3A_291] : memref<8192x128xi32, #tpu.memory_space<hbm>> -> memref<128x128xi32, #tpu.memory_space<hbm>>
      tpu.enqueue_dma source(%arg12 : memref<128x128xi32, #tpu.memory_space<vmem>>) target(%dma_start3A_292 : memref<128x128xi32, #tpu.memory_space<hbm>>) target_semaphore(%run_scoped3A : memref<!tpu.dma_semaphore, #tpu.memory_space<semaphore_mem>>)
      %dma_wait3A_293 = arith.constant 0 : i32
      %dma_wait3A_294 = tpu.memref_slice %arg9[%add3A_287, %dma_wait3A_293] : memref<8192x128xi32, #tpu.memory_space<hbm>> -> memref<128x128xi32, #tpu.memory_space<hbm>>
      %dma_wait3A_295 = arith.constant 0 : i32
      %dma_wait3A_296 = tpu.memref_slice %arg9[%add3A_287, %dma_wait3A_295] : memref<8192x128xi32, #tpu.memory_space<hbm>> -> memref<128x128xi32, #tpu.memory_space<hbm>>
      tpu.wait_dma2 semaphore(%run_scoped3A : memref<!tpu.dma_semaphore, #tpu.memory_space<semaphore_mem>>) src(%arg12 : memref<128x128xi32, #tpu.memory_space<vmem>>) dst(%dma_wait3A_296 : memref<128x128xi32, #tpu.memory_space<hbm>>)
      tpu.yield
    }) : () -> ()
    %scan3A_288 = arith.constant 1 : i32
    return
  }
}

#map = affine_map<(d0, d1) -> (0, 0)>
#map1 = affine_map<(d0, d1) -> (0)>
module attributes {stable_mosaic.version = 14 : i64} {
  func.func @gather_kernel(%arg0: i32, %arg1: i32, %arg2: memref<131072x128xi32, #tpu.memory_space<hbm>>, %arg3: memref<131072xi32, #tpu.memory_space<hbm>>, %arg4: memref<16384x128xi32, #tpu.memory_space<hbm>>, %arg5: memref<16384x128xi32, #tpu.memory_space<hbm>>, %arg6: memref<16384x128xi32, #tpu.memory_space<hbm>>, %arg7: memref<16384x128xi32, #tpu.memory_space<hbm>>, %arg8: memref<512xi32, #tpu.memory_space<vmem>>, %arg9: memref<128x128xi32, #tpu.memory_space<vmem>>, %arg10: memref<128x128xi32, #tpu.memory_space<vmem>>, %arg11: memref<!tpu.dma_semaphore, #tpu.memory_space<semaphore_mem>>, %arg12: memref<!tpu.dma_semaphore, #tpu.memory_space<semaphore_mem>>) attributes {dimension_semantics = [#tpu.dimension_semantics<core_parallel>, #tpu.dimension_semantics<subcore_parallel>], iteration_bounds = array<i64: 2, 16>, scalar_prefetch = 0 : i64, scratch_operands = 5 : i64, tpu.core_type = #tpu.core_type<sc_vector_subcore>, window_params = [{transform_indices = #map}, {transform_indices = #map1}, {transform_indices = #map}, {transform_indices = #map}, {transform_indices = #map}, {transform_indices = #map}]} {
    %mul3A = arith.constant 2 : i32
    %mul3A_0 = arith.muli %arg1, %mul3A : i32
    %add3A = arith.addi %mul3A_0, %arg0 : i32
    %mul3A_1 = arith.constant 512 : i32
    %mul3A_2 = arith.muli %add3A, %mul3A_1 : i32
    %add3A_3 = arith.constant 0 : i32
    %add3A_4 = arith.addi %add3A_3, %mul3A_2 : i32
    "tpu.region"() ({
      %run_scoped3A = tpu.sem_alloc : memref<!tpu.dma_semaphore, #tpu.memory_space<semaphore_mem>>
      %dma_start3A_59 = arith.constant 0 : i32
      %dma_start3A_60 = tpu.memref_slice %arg8[%dma_start3A_59] : memref<512xi32, #tpu.memory_space<vmem>> -> memref<512xi32, #tpu.memory_space<vmem>>
      %dma_start3A_61 = tpu.memref_slice %arg3[%add3A_4] : memref<131072xi32, #tpu.memory_space<hbm>> -> memref<512xi32, #tpu.memory_space<hbm>>
      %dma_start3A_62 = arith.constant 0 : i32
      %dma_start3A_63 = tpu.memref_slice %arg8[%dma_start3A_62] : memref<512xi32, #tpu.memory_space<vmem>> -> memref<512xi32, #tpu.memory_space<vmem>>
      %dma_start3A_64 = tpu.memref_slice %arg3[%add3A_4] : memref<131072xi32, #tpu.memory_space<hbm>> -> memref<512xi32, #tpu.memory_space<hbm>>
      tpu.enqueue_dma source(%dma_start3A_64 : memref<512xi32, #tpu.memory_space<hbm>>) target(%dma_start3A_63 : memref<512xi32, #tpu.memory_space<vmem>>) target_semaphore(%run_scoped3A : memref<!tpu.dma_semaphore, #tpu.memory_space<semaphore_mem>>)
      %dma_wait3A = arith.constant 0 : i32
      %dma_wait3A_65 = tpu.memref_slice %arg8[%dma_wait3A] : memref<512xi32, #tpu.memory_space<vmem>> -> memref<512xi32, #tpu.memory_space<vmem>>
      %dma_wait3A_66 = tpu.memref_slice %arg3[%add3A_4] : memref<131072xi32, #tpu.memory_space<hbm>> -> memref<512xi32, #tpu.memory_space<hbm>>
      %dma_wait3A_67 = arith.constant 0 : i32
      %dma_wait3A_68 = tpu.memref_slice %arg8[%dma_wait3A_67] : memref<512xi32, #tpu.memory_space<vmem>> -> memref<512xi32, #tpu.memory_space<vmem>>
      %dma_wait3A_69 = tpu.memref_slice %arg3[%add3A_4] : memref<131072xi32, #tpu.memory_space<hbm>> -> memref<512xi32, #tpu.memory_space<hbm>>
      tpu.wait_dma2 semaphore(%run_scoped3A : memref<!tpu.dma_semaphore, #tpu.memory_space<semaphore_mem>>) src(%dma_wait3A_69 : memref<512xi32, #tpu.memory_space<hbm>>) dst(%dma_wait3A_68 : memref<512xi32, #tpu.memory_space<vmem>>)
      tpu.yield
    }) : () -> ()
    %dma_start3A = arith.constant 0 : i32
    %dma_start3A_5 = tpu.memref_slice %arg8[%dma_start3A] : memref<512xi32, #tpu.memory_space<vmem>> -> memref<128xi32, #tpu.memory_space<vmem>>
    %dma_start3A_6 = arith.constant 0 : i32
    %dma_start3A_7 = arith.constant 0 : i32
    %dma_start3A_8 = tpu.memref_slice %arg2[%dma_start3A_6, %dma_start3A_7] : memref<131072x128xi32, #tpu.memory_space<hbm>> -> memref<131072x128xi32, #tpu.memory_space<hbm>>
    tpu.enqueue_indirect_dma source(%dma_start3A_8 : memref<131072x128xi32, #tpu.memory_space<hbm>>) target(%arg9 : memref<128x128xi32, #tpu.memory_space<vmem>>) offsets(%dma_start3A_5 : memref<128xi32, #tpu.memory_space<vmem>>) semaphore(%arg11 : memref<!tpu.dma_semaphore, #tpu.memory_space<semaphore_mem>>)
    %scan3A = arith.constant 0 : i32
    %scan3A_9 = arith.constant 0 : i32
    %scan3A_10 = arith.constant 2 : i32
    %scan3A_11 = arith.addi %scan3A_9, %scan3A_10 : i32
    %scan3A_12 = arith.constant 1 : i32
    scf.for %scan3A_59 = %scan3A_9 to %scan3A_11 step %scan3A_12  : i32 {
      %mul3A_60 = arith.constant 2 : i32
      %mul3A_61 = arith.muli %scan3A_59, %mul3A_60 : i32
      %add3A_62 = arith.constant 1 : i32
      %add3A_63 = arith.addi %mul3A_61, %add3A_62 : i32
      %mul3A_64 = arith.constant 128 : i32
      %mul3A_65 = arith.muli %add3A_63, %mul3A_64 : i32
      %dma_start3A_66 = tpu.memref_slice %arg8[%mul3A_65] : memref<512xi32, #tpu.memory_space<vmem>> -> memref<128xi32, #tpu.memory_space<vmem>>
      %dma_start3A_67 = arith.constant 0 : i32
      %dma_start3A_68 = arith.constant 0 : i32
      %dma_start3A_69 = tpu.memref_slice %arg2[%dma_start3A_67, %dma_start3A_68] : memref<131072x128xi32, #tpu.memory_space<hbm>> -> memref<131072x128xi32, #tpu.memory_space<hbm>>
      tpu.enqueue_indirect_dma source(%dma_start3A_69 : memref<131072x128xi32, #tpu.memory_space<hbm>>) target(%arg10 : memref<128x128xi32, #tpu.memory_space<vmem>>) offsets(%dma_start3A_66 : memref<128xi32, #tpu.memory_space<vmem>>) semaphore(%arg12 : memref<!tpu.dma_semaphore, #tpu.memory_space<semaphore_mem>>)
      %mul3A_70 = arith.constant 128 : i32
      %mul3A_71 = arith.muli %mul3A_61, %mul3A_70 : i32
      %dma_wait3A = tpu.memref_slice %arg8[%mul3A_71] : memref<512xi32, #tpu.memory_space<vmem>> -> memref<128xi32, #tpu.memory_space<vmem>>
      %dma_wait3A_72 = arith.constant 0 : i32
      %dma_wait3A_73 = arith.constant 0 : i32
      %dma_wait3A_74 = tpu.memref_slice %arg2[%dma_wait3A_72, %dma_wait3A_73] : memref<131072x128xi32, #tpu.memory_space<hbm>> -> memref<131072x128xi32, #tpu.memory_space<hbm>>
      tpu.wait_indirect_dma semaphore(%arg11 : memref<!tpu.dma_semaphore, #tpu.memory_space<semaphore_mem>>) src(%dma_wait3A_74 : memref<131072x128xi32, #tpu.memory_space<hbm>>) dst(%arg9 : memref<128x128xi32, #tpu.memory_space<vmem>>)
      %mul3A_75 = arith.constant 128 : i32
      %mul3A_76 = arith.muli %mul3A_61, %mul3A_75 : i32
      %add3A_77 = arith.addi %mul3A_2, %mul3A_76 : i32
      "tpu.region"() ({
        %run_scoped3A = tpu.sem_alloc : memref<!tpu.dma_semaphore, #tpu.memory_space<semaphore_mem>>
        %dma_start3A_93 = arith.constant 0 : i32
        %dma_start3A_94 = tpu.memref_slice %arg4[%add3A_77, %dma_start3A_93] : memref<16384x128xi32, #tpu.memory_space<hbm>> -> memref<128x128xi32, #tpu.memory_space<hbm>>
        %dma_start3A_95 = arith.constant 0 : i32
        %dma_start3A_96 = tpu.memref_slice %arg4[%add3A_77, %dma_start3A_95] : memref<16384x128xi32, #tpu.memory_space<hbm>> -> memref<128x128xi32, #tpu.memory_space<hbm>>
        tpu.enqueue_dma source(%arg9 : memref<128x128xi32, #tpu.memory_space<vmem>>) target(%dma_start3A_96 : memref<128x128xi32, #tpu.memory_space<hbm>>) target_semaphore(%run_scoped3A : memref<!tpu.dma_semaphore, #tpu.memory_space<semaphore_mem>>)
        %dma_wait3A_97 = arith.constant 0 : i32
        %dma_wait3A_98 = tpu.memref_slice %arg4[%add3A_77, %dma_wait3A_97] : memref<16384x128xi32, #tpu.memory_space<hbm>> -> memref<128x128xi32, #tpu.memory_space<hbm>>
        %dma_wait3A_99 = arith.constant 0 : i32
        %dma_wait3A_100 = tpu.memref_slice %arg4[%add3A_77, %dma_wait3A_99] : memref<16384x128xi32, #tpu.memory_space<hbm>> -> memref<128x128xi32, #tpu.memory_space<hbm>>
        tpu.wait_dma2 semaphore(%run_scoped3A : memref<!tpu.dma_semaphore, #tpu.memory_space<semaphore_mem>>) src(%arg9 : memref<128x128xi32, #tpu.memory_space<vmem>>) dst(%dma_wait3A_100 : memref<128x128xi32, #tpu.memory_space<hbm>>)
        tpu.yield
      }) : () -> ()
      %add3A_78 = arith.constant 2 : i32
      %add3A_79 = arith.addi %mul3A_61, %add3A_78 : i32
      %lt3A = arith.constant 4 : i32
      %lt3A_80 = arith.cmpi slt, %add3A_79, %lt3A : i32
      %convert_element_type3A = arith.extui %lt3A_80 : i1 to i32
      %cond3A = arith.constant 0 : i32
      %cond3A_81 = arith.cmpi ne, %convert_element_type3A, %cond3A : i32
      scf.if %cond3A_81 {
        %add3A_93 = arith.constant 2 : i32
        %add3A_94 = arith.addi %mul3A_61, %add3A_93 : i32
        %mul3A_95 = arith.constant 128 : i32
        %mul3A_96 = arith.muli %add3A_94, %mul3A_95 : i32
        %dma_start3A_97 = tpu.memref_slice %arg8[%mul3A_96] : memref<512xi32, #tpu.memory_space<vmem>> -> memref<128xi32, #tpu.memory_space<vmem>>
        %dma_start3A_98 = arith.constant 0 : i32
        %dma_start3A_99 = arith.constant 0 : i32
        %dma_start3A_100 = tpu.memref_slice %arg2[%dma_start3A_98, %dma_start3A_99] : memref<131072x128xi32, #tpu.memory_space<hbm>> -> memref<131072x128xi32, #tpu.memory_space<hbm>>
        tpu.enqueue_indirect_dma source(%dma_start3A_100 : memref<131072x128xi32, #tpu.memory_space<hbm>>) target(%arg9 : memref<128x128xi32, #tpu.memory_space<vmem>>) offsets(%dma_start3A_97 : memref<128xi32, #tpu.memory_space<vmem>>) semaphore(%arg11 : memref<!tpu.dma_semaphore, #tpu.memory_space<semaphore_mem>>)
      } else {
      }
      %add3A_82 = arith.constant 1 : i32
      %add3A_83 = arith.addi %mul3A_61, %add3A_82 : i32
      %mul3A_84 = arith.constant 128 : i32
      %mul3A_85 = arith.muli %add3A_83, %mul3A_84 : i32
      %dma_wait3A_86 = tpu.memref_slice %arg8[%mul3A_85] : memref<512xi32, #tpu.memory_space<vmem>> -> memref<128xi32, #tpu.memory_space<vmem>>
      %dma_wait3A_87 = arith.constant 0 : i32
      %dma_wait3A_88 = arith.constant 0 : i32
      %dma_wait3A_89 = tpu.memref_slice %arg2[%dma_wait3A_87, %dma_wait3A_88] : memref<131072x128xi32, #tpu.memory_space<hbm>> -> memref<131072x128xi32, #tpu.memory_space<hbm>>
      tpu.wait_indirect_dma semaphore(%arg12 : memref<!tpu.dma_semaphore, #tpu.memory_space<semaphore_mem>>) src(%dma_wait3A_89 : memref<131072x128xi32, #tpu.memory_space<hbm>>) dst(%arg10 : memref<128x128xi32, #tpu.memory_space<vmem>>)
      %mul3A_90 = arith.constant 128 : i32
      %mul3A_91 = arith.muli %add3A_83, %mul3A_90 : i32
      %add3A_92 = arith.addi %mul3A_2, %mul3A_91 : i32
      "tpu.region"() ({
        %run_scoped3A = tpu.sem_alloc : memref<!tpu.dma_semaphore, #tpu.memory_space<semaphore_mem>>
        %dma_start3A_93 = arith.constant 0 : i32
        %dma_start3A_94 = tpu.memref_slice %arg4[%add3A_92, %dma_start3A_93] : memref<16384x128xi32, #tpu.memory_space<hbm>> -> memref<128x128xi32, #tpu.memory_space<hbm>>
        %dma_start3A_95 = arith.constant 0 : i32
        %dma_start3A_96 = tpu.memref_slice %arg4[%add3A_92, %dma_start3A_95] : memref<16384x128xi32, #tpu.memory_space<hbm>> -> memref<128x128xi32, #tpu.memory_space<hbm>>
        tpu.enqueue_dma source(%arg10 : memref<128x128xi32, #tpu.memory_space<vmem>>) target(%dma_start3A_96 : memref<128x128xi32, #tpu.memory_space<hbm>>) target_semaphore(%run_scoped3A : memref<!tpu.dma_semaphore, #tpu.memory_space<semaphore_mem>>)
        %dma_wait3A_97 = arith.constant 0 : i32
        %dma_wait3A_98 = tpu.memref_slice %arg4[%add3A_92, %dma_wait3A_97] : memref<16384x128xi32, #tpu.memory_space<hbm>> -> memref<128x128xi32, #tpu.memory_space<hbm>>
        %dma_wait3A_99 = arith.constant 0 : i32
        %dma_wait3A_100 = tpu.memref_slice %arg4[%add3A_92, %dma_wait3A_99] : memref<16384x128xi32, #tpu.memory_space<hbm>> -> memref<128x128xi32, #tpu.memory_space<hbm>>
        tpu.wait_dma2 semaphore(%run_scoped3A : memref<!tpu.dma_semaphore, #tpu.memory_space<semaphore_mem>>) src(%arg10 : memref<128x128xi32, #tpu.memory_space<vmem>>) dst(%dma_wait3A_100 : memref<128x128xi32, #tpu.memory_space<hbm>>)
        tpu.yield
      }) : () -> ()
    }
    %scan3A_13 = arith.constant 2 : i32
    %mul3A_14 = arith.constant 512 : i32
    %mul3A_15 = arith.muli %add3A, %mul3A_14 : i32
    %add3A_16 = arith.constant 32768 : i32
    %add3A_17 = arith.addi %add3A_16, %mul3A_15 : i32
    "tpu.region"() ({
      %run_scoped3A = tpu.sem_alloc : memref<!tpu.dma_semaphore, #tpu.memory_space<semaphore_mem>>
      %dma_start3A_59 = arith.constant 0 : i32
      %dma_start3A_60 = tpu.memref_slice %arg8[%dma_start3A_59] : memref<512xi32, #tpu.memory_space<vmem>> -> memref<512xi32, #tpu.memory_space<vmem>>
      %dma_start3A_61 = tpu.memref_slice %arg3[%add3A_17] : memref<131072xi32, #tpu.memory_space<hbm>> -> memref<512xi32, #tpu.memory_space<hbm>>
      %dma_start3A_62 = arith.constant 0 : i32
      %dma_start3A_63 = tpu.memref_slice %arg8[%dma_start3A_62] : memref<512xi32, #tpu.memory_space<vmem>> -> memref<512xi32, #tpu.memory_space<vmem>>
      %dma_start3A_64 = tpu.memref_slice %arg3[%add3A_17] : memref<131072xi32, #tpu.memory_space<hbm>> -> memref<512xi32, #tpu.memory_space<hbm>>
      tpu.enqueue_dma source(%dma_start3A_64 : memref<512xi32, #tpu.memory_space<hbm>>) target(%dma_start3A_63 : memref<512xi32, #tpu.memory_space<vmem>>) target_semaphore(%run_scoped3A : memref<!tpu.dma_semaphore, #tpu.memory_space<semaphore_mem>>)
      %dma_wait3A = arith.constant 0 : i32
      %dma_wait3A_65 = tpu.memref_slice %arg8[%dma_wait3A] : memref<512xi32, #tpu.memory_space<vmem>> -> memref<512xi32, #tpu.memory_space<vmem>>
      %dma_wait3A_66 = tpu.memref_slice %arg3[%add3A_17] : memref<131072xi32, #tpu.memory_space<hbm>> -> memref<512xi32, #tpu.memory_space<hbm>>
      %dma_wait3A_67 = arith.constant 0 : i32
      %dma_wait3A_68 = tpu.memref_slice %arg8[%dma_wait3A_67] : memref<512xi32, #tpu.memory_space<vmem>> -> memref<512xi32, #tpu.memory_space<vmem>>
      %dma_wait3A_69 = tpu.memref_slice %arg3[%add3A_17] : memref<131072xi32, #tpu.memory_space<hbm>> -> memref<512xi32, #tpu.memory_space<hbm>>
      tpu.wait_dma2 semaphore(%run_scoped3A : memref<!tpu.dma_semaphore, #tpu.memory_space<semaphore_mem>>) src(%dma_wait3A_69 : memref<512xi32, #tpu.memory_space<hbm>>) dst(%dma_wait3A_68 : memref<512xi32, #tpu.memory_space<vmem>>)
      tpu.yield
    }) : () -> ()
    %dma_start3A_18 = arith.constant 0 : i32
    %dma_start3A_19 = tpu.memref_slice %arg8[%dma_start3A_18] : memref<512xi32, #tpu.memory_space<vmem>> -> memref<128xi32, #tpu.memory_space<vmem>>
    %dma_start3A_20 = arith.constant 0 : i32
    %dma_start3A_21 = arith.constant 0 : i32
    %dma_start3A_22 = tpu.memref_slice %arg2[%dma_start3A_20, %dma_start3A_21] : memref<131072x128xi32, #tpu.memory_space<hbm>> -> memref<131072x128xi32, #tpu.memory_space<hbm>>
    tpu.enqueue_indirect_dma source(%dma_start3A_22 : memref<131072x128xi32, #tpu.memory_space<hbm>>) target(%arg9 : memref<128x128xi32, #tpu.memory_space<vmem>>) offsets(%dma_start3A_19 : memref<128xi32, #tpu.memory_space<vmem>>) semaphore(%arg11 : memref<!tpu.dma_semaphore, #tpu.memory_space<semaphore_mem>>)
    %scan3A_23 = arith.constant 0 : i32
    %scan3A_24 = arith.constant 0 : i32
    %scan3A_25 = arith.constant 2 : i32
    %scan3A_26 = arith.addi %scan3A_24, %scan3A_25 : i32
    %scan3A_27 = arith.constant 1 : i32
    scf.for %scan3A_59 = %scan3A_24 to %scan3A_26 step %scan3A_27  : i32 {
      %mul3A_60 = arith.constant 2 : i32
      %mul3A_61 = arith.muli %scan3A_59, %mul3A_60 : i32
      %add3A_62 = arith.constant 1 : i32
      %add3A_63 = arith.addi %mul3A_61, %add3A_62 : i32
      %mul3A_64 = arith.constant 128 : i32
      %mul3A_65 = arith.muli %add3A_63, %mul3A_64 : i32
      %dma_start3A_66 = tpu.memref_slice %arg8[%mul3A_65] : memref<512xi32, #tpu.memory_space<vmem>> -> memref<128xi32, #tpu.memory_space<vmem>>
      %dma_start3A_67 = arith.constant 0 : i32
      %dma_start3A_68 = arith.constant 0 : i32
      %dma_start3A_69 = tpu.memref_slice %arg2[%dma_start3A_67, %dma_start3A_68] : memref<131072x128xi32, #tpu.memory_space<hbm>> -> memref<131072x128xi32, #tpu.memory_space<hbm>>
      tpu.enqueue_indirect_dma source(%dma_start3A_69 : memref<131072x128xi32, #tpu.memory_space<hbm>>) target(%arg10 : memref<128x128xi32, #tpu.memory_space<vmem>>) offsets(%dma_start3A_66 : memref<128xi32, #tpu.memory_space<vmem>>) semaphore(%arg12 : memref<!tpu.dma_semaphore, #tpu.memory_space<semaphore_mem>>)
      %mul3A_70 = arith.constant 128 : i32
      %mul3A_71 = arith.muli %mul3A_61, %mul3A_70 : i32
      %dma_wait3A = tpu.memref_slice %arg8[%mul3A_71] : memref<512xi32, #tpu.memory_space<vmem>> -> memref<128xi32, #tpu.memory_space<vmem>>
      %dma_wait3A_72 = arith.constant 0 : i32
      %dma_wait3A_73 = arith.constant 0 : i32
      %dma_wait3A_74 = tpu.memref_slice %arg2[%dma_wait3A_72, %dma_wait3A_73] : memref<131072x128xi32, #tpu.memory_space<hbm>> -> memref<131072x128xi32, #tpu.memory_space<hbm>>
      tpu.wait_indirect_dma semaphore(%arg11 : memref<!tpu.dma_semaphore, #tpu.memory_space<semaphore_mem>>) src(%dma_wait3A_74 : memref<131072x128xi32, #tpu.memory_space<hbm>>) dst(%arg9 : memref<128x128xi32, #tpu.memory_space<vmem>>)
      %mul3A_75 = arith.constant 128 : i32
      %mul3A_76 = arith.muli %mul3A_61, %mul3A_75 : i32
      %add3A_77 = arith.addi %mul3A_15, %mul3A_76 : i32
      "tpu.region"() ({
        %run_scoped3A = tpu.sem_alloc : memref<!tpu.dma_semaphore, #tpu.memory_space<semaphore_mem>>
        %dma_start3A_93 = arith.constant 0 : i32
        %dma_start3A_94 = tpu.memref_slice %arg5[%add3A_77, %dma_start3A_93] : memref<16384x128xi32, #tpu.memory_space<hbm>> -> memref<128x128xi32, #tpu.memory_space<hbm>>
        %dma_start3A_95 = arith.constant 0 : i32
        %dma_start3A_96 = tpu.memref_slice %arg5[%add3A_77, %dma_start3A_95] : memref<16384x128xi32, #tpu.memory_space<hbm>> -> memref<128x128xi32, #tpu.memory_space<hbm>>
        tpu.enqueue_dma source(%arg9 : memref<128x128xi32, #tpu.memory_space<vmem>>) target(%dma_start3A_96 : memref<128x128xi32, #tpu.memory_space<hbm>>) target_semaphore(%run_scoped3A : memref<!tpu.dma_semaphore, #tpu.memory_space<semaphore_mem>>)
        %dma_wait3A_97 = arith.constant 0 : i32
        %dma_wait3A_98 = tpu.memref_slice %arg5[%add3A_77, %dma_wait3A_97] : memref<16384x128xi32, #tpu.memory_space<hbm>> -> memref<128x128xi32, #tpu.memory_space<hbm>>
        %dma_wait3A_99 = arith.constant 0 : i32
        %dma_wait3A_100 = tpu.memref_slice %arg5[%add3A_77, %dma_wait3A_99] : memref<16384x128xi32, #tpu.memory_space<hbm>> -> memref<128x128xi32, #tpu.memory_space<hbm>>
        tpu.wait_dma2 semaphore(%run_scoped3A : memref<!tpu.dma_semaphore, #tpu.memory_space<semaphore_mem>>) src(%arg9 : memref<128x128xi32, #tpu.memory_space<vmem>>) dst(%dma_wait3A_100 : memref<128x128xi32, #tpu.memory_space<hbm>>)
        tpu.yield
      }) : () -> ()
      %add3A_78 = arith.constant 2 : i32
      %add3A_79 = arith.addi %mul3A_61, %add3A_78 : i32
      %lt3A = arith.constant 4 : i32
      %lt3A_80 = arith.cmpi slt, %add3A_79, %lt3A : i32
      %convert_element_type3A = arith.extui %lt3A_80 : i1 to i32
      %cond3A = arith.constant 0 : i32
      %cond3A_81 = arith.cmpi ne, %convert_element_type3A, %cond3A : i32
      scf.if %cond3A_81 {
        %add3A_93 = arith.constant 2 : i32
        %add3A_94 = arith.addi %mul3A_61, %add3A_93 : i32
        %mul3A_95 = arith.constant 128 : i32
        %mul3A_96 = arith.muli %add3A_94, %mul3A_95 : i32
        %dma_start3A_97 = tpu.memref_slice %arg8[%mul3A_96] : memref<512xi32, #tpu.memory_space<vmem>> -> memref<128xi32, #tpu.memory_space<vmem>>
        %dma_start3A_98 = arith.constant 0 : i32
        %dma_start3A_99 = arith.constant 0 : i32
        %dma_start3A_100 = tpu.memref_slice %arg2[%dma_start3A_98, %dma_start3A_99] : memref<131072x128xi32, #tpu.memory_space<hbm>> -> memref<131072x128xi32, #tpu.memory_space<hbm>>
        tpu.enqueue_indirect_dma source(%dma_start3A_100 : memref<131072x128xi32, #tpu.memory_space<hbm>>) target(%arg9 : memref<128x128xi32, #tpu.memory_space<vmem>>) offsets(%dma_start3A_97 : memref<128xi32, #tpu.memory_space<vmem>>) semaphore(%arg11 : memref<!tpu.dma_semaphore, #tpu.memory_space<semaphore_mem>>)
      } else {
      }
      %add3A_82 = arith.constant 1 : i32
      %add3A_83 = arith.addi %mul3A_61, %add3A_82 : i32
      %mul3A_84 = arith.constant 128 : i32
      %mul3A_85 = arith.muli %add3A_83, %mul3A_84 : i32
      %dma_wait3A_86 = tpu.memref_slice %arg8[%mul3A_85] : memref<512xi32, #tpu.memory_space<vmem>> -> memref<128xi32, #tpu.memory_space<vmem>>
      %dma_wait3A_87 = arith.constant 0 : i32
      %dma_wait3A_88 = arith.constant 0 : i32
      %dma_wait3A_89 = tpu.memref_slice %arg2[%dma_wait3A_87, %dma_wait3A_88] : memref<131072x128xi32, #tpu.memory_space<hbm>> -> memref<131072x128xi32, #tpu.memory_space<hbm>>
      tpu.wait_indirect_dma semaphore(%arg12 : memref<!tpu.dma_semaphore, #tpu.memory_space<semaphore_mem>>) src(%dma_wait3A_89 : memref<131072x128xi32, #tpu.memory_space<hbm>>) dst(%arg10 : memref<128x128xi32, #tpu.memory_space<vmem>>)
      %mul3A_90 = arith.constant 128 : i32
      %mul3A_91 = arith.muli %add3A_83, %mul3A_90 : i32
      %add3A_92 = arith.addi %mul3A_15, %mul3A_91 : i32
      "tpu.region"() ({
        %run_scoped3A = tpu.sem_alloc : memref<!tpu.dma_semaphore, #tpu.memory_space<semaphore_mem>>
        %dma_start3A_93 = arith.constant 0 : i32
        %dma_start3A_94 = tpu.memref_slice %arg5[%add3A_92, %dma_start3A_93] : memref<16384x128xi32, #tpu.memory_space<hbm>> -> memref<128x128xi32, #tpu.memory_space<hbm>>
        %dma_start3A_95 = arith.constant 0 : i32
        %dma_start3A_96 = tpu.memref_slice %arg5[%add3A_92, %dma_start3A_95] : memref<16384x128xi32, #tpu.memory_space<hbm>> -> memref<128x128xi32, #tpu.memory_space<hbm>>
        tpu.enqueue_dma source(%arg10 : memref<128x128xi32, #tpu.memory_space<vmem>>) target(%dma_start3A_96 : memref<128x128xi32, #tpu.memory_space<hbm>>) target_semaphore(%run_scoped3A : memref<!tpu.dma_semaphore, #tpu.memory_space<semaphore_mem>>)
        %dma_wait3A_97 = arith.constant 0 : i32
        %dma_wait3A_98 = tpu.memref_slice %arg5[%add3A_92, %dma_wait3A_97] : memref<16384x128xi32, #tpu.memory_space<hbm>> -> memref<128x128xi32, #tpu.memory_space<hbm>>
        %dma_wait3A_99 = arith.constant 0 : i32
        %dma_wait3A_100 = tpu.memref_slice %arg5[%add3A_92, %dma_wait3A_99] : memref<16384x128xi32, #tpu.memory_space<hbm>> -> memref<128x128xi32, #tpu.memory_space<hbm>>
        tpu.wait_dma2 semaphore(%run_scoped3A : memref<!tpu.dma_semaphore, #tpu.memory_space<semaphore_mem>>) src(%arg10 : memref<128x128xi32, #tpu.memory_space<vmem>>) dst(%dma_wait3A_100 : memref<128x128xi32, #tpu.memory_space<hbm>>)
        tpu.yield
      }) : () -> ()
    }
    %scan3A_28 = arith.constant 2 : i32
    %mul3A_29 = arith.constant 512 : i32
    %mul3A_30 = arith.muli %add3A, %mul3A_29 : i32
    %add3A_31 = arith.constant 65536 : i32
    %add3A_32 = arith.addi %add3A_31, %mul3A_30 : i32
    "tpu.region"() ({
      %run_scoped3A = tpu.sem_alloc : memref<!tpu.dma_semaphore, #tpu.memory_space<semaphore_mem>>
      %dma_start3A_59 = arith.constant 0 : i32
      %dma_start3A_60 = tpu.memref_slice %arg8[%dma_start3A_59] : memref<512xi32, #tpu.memory_space<vmem>> -> memref<512xi32, #tpu.memory_space<vmem>>
      %dma_start3A_61 = tpu.memref_slice %arg3[%add3A_32] : memref<131072xi32, #tpu.memory_space<hbm>> -> memref<512xi32, #tpu.memory_space<hbm>>
      %dma_start3A_62 = arith.constant 0 : i32
      %dma_start3A_63 = tpu.memref_slice %arg8[%dma_start3A_62] : memref<512xi32, #tpu.memory_space<vmem>> -> memref<512xi32, #tpu.memory_space<vmem>>
      %dma_start3A_64 = tpu.memref_slice %arg3[%add3A_32] : memref<131072xi32, #tpu.memory_space<hbm>> -> memref<512xi32, #tpu.memory_space<hbm>>
      tpu.enqueue_dma source(%dma_start3A_64 : memref<512xi32, #tpu.memory_space<hbm>>) target(%dma_start3A_63 : memref<512xi32, #tpu.memory_space<vmem>>) target_semaphore(%run_scoped3A : memref<!tpu.dma_semaphore, #tpu.memory_space<semaphore_mem>>)
      %dma_wait3A = arith.constant 0 : i32
      %dma_wait3A_65 = tpu.memref_slice %arg8[%dma_wait3A] : memref<512xi32, #tpu.memory_space<vmem>> -> memref<512xi32, #tpu.memory_space<vmem>>
      %dma_wait3A_66 = tpu.memref_slice %arg3[%add3A_32] : memref<131072xi32, #tpu.memory_space<hbm>> -> memref<512xi32, #tpu.memory_space<hbm>>
      %dma_wait3A_67 = arith.constant 0 : i32
      %dma_wait3A_68 = tpu.memref_slice %arg8[%dma_wait3A_67] : memref<512xi32, #tpu.memory_space<vmem>> -> memref<512xi32, #tpu.memory_space<vmem>>
      %dma_wait3A_69 = tpu.memref_slice %arg3[%add3A_32] : memref<131072xi32, #tpu.memory_space<hbm>> -> memref<512xi32, #tpu.memory_space<hbm>>
      tpu.wait_dma2 semaphore(%run_scoped3A : memref<!tpu.dma_semaphore, #tpu.memory_space<semaphore_mem>>) src(%dma_wait3A_69 : memref<512xi32, #tpu.memory_space<hbm>>) dst(%dma_wait3A_68 : memref<512xi32, #tpu.memory_space<vmem>>)
      tpu.yield
    }) : () -> ()
    %dma_start3A_33 = arith.constant 0 : i32
    %dma_start3A_34 = tpu.memref_slice %arg8[%dma_start3A_33] : memref<512xi32, #tpu.memory_space<vmem>> -> memref<128xi32, #tpu.memory_space<vmem>>
    %dma_start3A_35 = arith.constant 0 : i32
    %dma_start3A_36 = arith.constant 0 : i32
    %dma_start3A_37 = tpu.memref_slice %arg2[%dma_start3A_35, %dma_start3A_36] : memref<131072x128xi32, #tpu.memory_space<hbm>> -> memref<131072x128xi32, #tpu.memory_space<hbm>>
    tpu.enqueue_indirect_dma source(%dma_start3A_37 : memref<131072x128xi32, #tpu.memory_space<hbm>>) target(%arg9 : memref<128x128xi32, #tpu.memory_space<vmem>>) offsets(%dma_start3A_34 : memref<128xi32, #tpu.memory_space<vmem>>) semaphore(%arg11 : memref<!tpu.dma_semaphore, #tpu.memory_space<semaphore_mem>>)
    %scan3A_38 = arith.constant 0 : i32
    %scan3A_39 = arith.constant 0 : i32
    %scan3A_40 = arith.constant 2 : i32
    %scan3A_41 = arith.addi %scan3A_39, %scan3A_40 : i32
    %scan3A_42 = arith.constant 1 : i32
    scf.for %scan3A_59 = %scan3A_39 to %scan3A_41 step %scan3A_42  : i32 {
      %mul3A_60 = arith.constant 2 : i32
      %mul3A_61 = arith.muli %scan3A_59, %mul3A_60 : i32
      %add3A_62 = arith.constant 1 : i32
      %add3A_63 = arith.addi %mul3A_61, %add3A_62 : i32
      %mul3A_64 = arith.constant 128 : i32
      %mul3A_65 = arith.muli %add3A_63, %mul3A_64 : i32
      %dma_start3A_66 = tpu.memref_slice %arg8[%mul3A_65] : memref<512xi32, #tpu.memory_space<vmem>> -> memref<128xi32, #tpu.memory_space<vmem>>
      %dma_start3A_67 = arith.constant 0 : i32
      %dma_start3A_68 = arith.constant 0 : i32
      %dma_start3A_69 = tpu.memref_slice %arg2[%dma_start3A_67, %dma_start3A_68] : memref<131072x128xi32, #tpu.memory_space<hbm>> -> memref<131072x128xi32, #tpu.memory_space<hbm>>
      tpu.enqueue_indirect_dma source(%dma_start3A_69 : memref<131072x128xi32, #tpu.memory_space<hbm>>) target(%arg10 : memref<128x128xi32, #tpu.memory_space<vmem>>) offsets(%dma_start3A_66 : memref<128xi32, #tpu.memory_space<vmem>>) semaphore(%arg12 : memref<!tpu.dma_semaphore, #tpu.memory_space<semaphore_mem>>)
      %mul3A_70 = arith.constant 128 : i32
      %mul3A_71 = arith.muli %mul3A_61, %mul3A_70 : i32
      %dma_wait3A = tpu.memref_slice %arg8[%mul3A_71] : memref<512xi32, #tpu.memory_space<vmem>> -> memref<128xi32, #tpu.memory_space<vmem>>
      %dma_wait3A_72 = arith.constant 0 : i32
      %dma_wait3A_73 = arith.constant 0 : i32
      %dma_wait3A_74 = tpu.memref_slice %arg2[%dma_wait3A_72, %dma_wait3A_73] : memref<131072x128xi32, #tpu.memory_space<hbm>> -> memref<131072x128xi32, #tpu.memory_space<hbm>>
      tpu.wait_indirect_dma semaphore(%arg11 : memref<!tpu.dma_semaphore, #tpu.memory_space<semaphore_mem>>) src(%dma_wait3A_74 : memref<131072x128xi32, #tpu.memory_space<hbm>>) dst(%arg9 : memref<128x128xi32, #tpu.memory_space<vmem>>)
      %mul3A_75 = arith.constant 128 : i32
      %mul3A_76 = arith.muli %mul3A_61, %mul3A_75 : i32
      %add3A_77 = arith.addi %mul3A_30, %mul3A_76 : i32
      "tpu.region"() ({
        %run_scoped3A = tpu.sem_alloc : memref<!tpu.dma_semaphore, #tpu.memory_space<semaphore_mem>>
        %dma_start3A_93 = arith.constant 0 : i32
        %dma_start3A_94 = tpu.memref_slice %arg6[%add3A_77, %dma_start3A_93] : memref<16384x128xi32, #tpu.memory_space<hbm>> -> memref<128x128xi32, #tpu.memory_space<hbm>>
        %dma_start3A_95 = arith.constant 0 : i32
        %dma_start3A_96 = tpu.memref_slice %arg6[%add3A_77, %dma_start3A_95] : memref<16384x128xi32, #tpu.memory_space<hbm>> -> memref<128x128xi32, #tpu.memory_space<hbm>>
        tpu.enqueue_dma source(%arg9 : memref<128x128xi32, #tpu.memory_space<vmem>>) target(%dma_start3A_96 : memref<128x128xi32, #tpu.memory_space<hbm>>) target_semaphore(%run_scoped3A : memref<!tpu.dma_semaphore, #tpu.memory_space<semaphore_mem>>)
        %dma_wait3A_97 = arith.constant 0 : i32
        %dma_wait3A_98 = tpu.memref_slice %arg6[%add3A_77, %dma_wait3A_97] : memref<16384x128xi32, #tpu.memory_space<hbm>> -> memref<128x128xi32, #tpu.memory_space<hbm>>
        %dma_wait3A_99 = arith.constant 0 : i32
        %dma_wait3A_100 = tpu.memref_slice %arg6[%add3A_77, %dma_wait3A_99] : memref<16384x128xi32, #tpu.memory_space<hbm>> -> memref<128x128xi32, #tpu.memory_space<hbm>>
        tpu.wait_dma2 semaphore(%run_scoped3A : memref<!tpu.dma_semaphore, #tpu.memory_space<semaphore_mem>>) src(%arg9 : memref<128x128xi32, #tpu.memory_space<vmem>>) dst(%dma_wait3A_100 : memref<128x128xi32, #tpu.memory_space<hbm>>)
        tpu.yield
      }) : () -> ()
      %add3A_78 = arith.constant 2 : i32
      %add3A_79 = arith.addi %mul3A_61, %add3A_78 : i32
      %lt3A = arith.constant 4 : i32
      %lt3A_80 = arith.cmpi slt, %add3A_79, %lt3A : i32
      %convert_element_type3A = arith.extui %lt3A_80 : i1 to i32
      %cond3A = arith.constant 0 : i32
      %cond3A_81 = arith.cmpi ne, %convert_element_type3A, %cond3A : i32
      scf.if %cond3A_81 {
        %add3A_93 = arith.constant 2 : i32
        %add3A_94 = arith.addi %mul3A_61, %add3A_93 : i32
        %mul3A_95 = arith.constant 128 : i32
        %mul3A_96 = arith.muli %add3A_94, %mul3A_95 : i32
        %dma_start3A_97 = tpu.memref_slice %arg8[%mul3A_96] : memref<512xi32, #tpu.memory_space<vmem>> -> memref<128xi32, #tpu.memory_space<vmem>>
        %dma_start3A_98 = arith.constant 0 : i32
        %dma_start3A_99 = arith.constant 0 : i32
        %dma_start3A_100 = tpu.memref_slice %arg2[%dma_start3A_98, %dma_start3A_99] : memref<131072x128xi32, #tpu.memory_space<hbm>> -> memref<131072x128xi32, #tpu.memory_space<hbm>>
        tpu.enqueue_indirect_dma source(%dma_start3A_100 : memref<131072x128xi32, #tpu.memory_space<hbm>>) target(%arg9 : memref<128x128xi32, #tpu.memory_space<vmem>>) offsets(%dma_start3A_97 : memref<128xi32, #tpu.memory_space<vmem>>) semaphore(%arg11 : memref<!tpu.dma_semaphore, #tpu.memory_space<semaphore_mem>>)
      } else {
      }
      %add3A_82 = arith.constant 1 : i32
      %add3A_83 = arith.addi %mul3A_61, %add3A_82 : i32
      %mul3A_84 = arith.constant 128 : i32
      %mul3A_85 = arith.muli %add3A_83, %mul3A_84 : i32
      %dma_wait3A_86 = tpu.memref_slice %arg8[%mul3A_85] : memref<512xi32, #tpu.memory_space<vmem>> -> memref<128xi32, #tpu.memory_space<vmem>>
      %dma_wait3A_87 = arith.constant 0 : i32
      %dma_wait3A_88 = arith.constant 0 : i32
      %dma_wait3A_89 = tpu.memref_slice %arg2[%dma_wait3A_87, %dma_wait3A_88] : memref<131072x128xi32, #tpu.memory_space<hbm>> -> memref<131072x128xi32, #tpu.memory_space<hbm>>
      tpu.wait_indirect_dma semaphore(%arg12 : memref<!tpu.dma_semaphore, #tpu.memory_space<semaphore_mem>>) src(%dma_wait3A_89 : memref<131072x128xi32, #tpu.memory_space<hbm>>) dst(%arg10 : memref<128x128xi32, #tpu.memory_space<vmem>>)
      %mul3A_90 = arith.constant 128 : i32
      %mul3A_91 = arith.muli %add3A_83, %mul3A_90 : i32
      %add3A_92 = arith.addi %mul3A_30, %mul3A_91 : i32
      "tpu.region"() ({
        %run_scoped3A = tpu.sem_alloc : memref<!tpu.dma_semaphore, #tpu.memory_space<semaphore_mem>>
        %dma_start3A_93 = arith.constant 0 : i32
        %dma_start3A_94 = tpu.memref_slice %arg6[%add3A_92, %dma_start3A_93] : memref<16384x128xi32, #tpu.memory_space<hbm>> -> memref<128x128xi32, #tpu.memory_space<hbm>>
        %dma_start3A_95 = arith.constant 0 : i32
        %dma_start3A_96 = tpu.memref_slice %arg6[%add3A_92, %dma_start3A_95] : memref<16384x128xi32, #tpu.memory_space<hbm>> -> memref<128x128xi32, #tpu.memory_space<hbm>>
        tpu.enqueue_dma source(%arg10 : memref<128x128xi32, #tpu.memory_space<vmem>>) target(%dma_start3A_96 : memref<128x128xi32, #tpu.memory_space<hbm>>) target_semaphore(%run_scoped3A : memref<!tpu.dma_semaphore, #tpu.memory_space<semaphore_mem>>)
        %dma_wait3A_97 = arith.constant 0 : i32
        %dma_wait3A_98 = tpu.memref_slice %arg6[%add3A_92, %dma_wait3A_97] : memref<16384x128xi32, #tpu.memory_space<hbm>> -> memref<128x128xi32, #tpu.memory_space<hbm>>
        %dma_wait3A_99 = arith.constant 0 : i32
        %dma_wait3A_100 = tpu.memref_slice %arg6[%add3A_92, %dma_wait3A_99] : memref<16384x128xi32, #tpu.memory_space<hbm>> -> memref<128x128xi32, #tpu.memory_space<hbm>>
        tpu.wait_dma2 semaphore(%run_scoped3A : memref<!tpu.dma_semaphore, #tpu.memory_space<semaphore_mem>>) src(%arg10 : memref<128x128xi32, #tpu.memory_space<vmem>>) dst(%dma_wait3A_100 : memref<128x128xi32, #tpu.memory_space<hbm>>)
        tpu.yield
      }) : () -> ()
    }
    %scan3A_43 = arith.constant 2 : i32
    %mul3A_44 = arith.constant 512 : i32
    %mul3A_45 = arith.muli %add3A, %mul3A_44 : i32
    %add3A_46 = arith.constant 98304 : i32
    %add3A_47 = arith.addi %add3A_46, %mul3A_45 : i32
    "tpu.region"() ({
      %run_scoped3A = tpu.sem_alloc : memref<!tpu.dma_semaphore, #tpu.memory_space<semaphore_mem>>
      %dma_start3A_59 = arith.constant 0 : i32
      %dma_start3A_60 = tpu.memref_slice %arg8[%dma_start3A_59] : memref<512xi32, #tpu.memory_space<vmem>> -> memref<512xi32, #tpu.memory_space<vmem>>
      %dma_start3A_61 = tpu.memref_slice %arg3[%add3A_47] : memref<131072xi32, #tpu.memory_space<hbm>> -> memref<512xi32, #tpu.memory_space<hbm>>
      %dma_start3A_62 = arith.constant 0 : i32
      %dma_start3A_63 = tpu.memref_slice %arg8[%dma_start3A_62] : memref<512xi32, #tpu.memory_space<vmem>> -> memref<512xi32, #tpu.memory_space<vmem>>
      %dma_start3A_64 = tpu.memref_slice %arg3[%add3A_47] : memref<131072xi32, #tpu.memory_space<hbm>> -> memref<512xi32, #tpu.memory_space<hbm>>
      tpu.enqueue_dma source(%dma_start3A_64 : memref<512xi32, #tpu.memory_space<hbm>>) target(%dma_start3A_63 : memref<512xi32, #tpu.memory_space<vmem>>) target_semaphore(%run_scoped3A : memref<!tpu.dma_semaphore, #tpu.memory_space<semaphore_mem>>)
      %dma_wait3A = arith.constant 0 : i32
      %dma_wait3A_65 = tpu.memref_slice %arg8[%dma_wait3A] : memref<512xi32, #tpu.memory_space<vmem>> -> memref<512xi32, #tpu.memory_space<vmem>>
      %dma_wait3A_66 = tpu.memref_slice %arg3[%add3A_47] : memref<131072xi32, #tpu.memory_space<hbm>> -> memref<512xi32, #tpu.memory_space<hbm>>
      %dma_wait3A_67 = arith.constant 0 : i32
      %dma_wait3A_68 = tpu.memref_slice %arg8[%dma_wait3A_67] : memref<512xi32, #tpu.memory_space<vmem>> -> memref<512xi32, #tpu.memory_space<vmem>>
      %dma_wait3A_69 = tpu.memref_slice %arg3[%add3A_47] : memref<131072xi32, #tpu.memory_space<hbm>> -> memref<512xi32, #tpu.memory_space<hbm>>
      tpu.wait_dma2 semaphore(%run_scoped3A : memref<!tpu.dma_semaphore, #tpu.memory_space<semaphore_mem>>) src(%dma_wait3A_69 : memref<512xi32, #tpu.memory_space<hbm>>) dst(%dma_wait3A_68 : memref<512xi32, #tpu.memory_space<vmem>>)
      tpu.yield
    }) : () -> ()
    %dma_start3A_48 = arith.constant 0 : i32
    %dma_start3A_49 = tpu.memref_slice %arg8[%dma_start3A_48] : memref<512xi32, #tpu.memory_space<vmem>> -> memref<128xi32, #tpu.memory_space<vmem>>
    %dma_start3A_50 = arith.constant 0 : i32
    %dma_start3A_51 = arith.constant 0 : i32
    %dma_start3A_52 = tpu.memref_slice %arg2[%dma_start3A_50, %dma_start3A_51] : memref<131072x128xi32, #tpu.memory_space<hbm>> -> memref<131072x128xi32, #tpu.memory_space<hbm>>
    tpu.enqueue_indirect_dma source(%dma_start3A_52 : memref<131072x128xi32, #tpu.memory_space<hbm>>) target(%arg9 : memref<128x128xi32, #tpu.memory_space<vmem>>) offsets(%dma_start3A_49 : memref<128xi32, #tpu.memory_space<vmem>>) semaphore(%arg11 : memref<!tpu.dma_semaphore, #tpu.memory_space<semaphore_mem>>)
    %scan3A_53 = arith.constant 0 : i32
    %scan3A_54 = arith.constant 0 : i32
    %scan3A_55 = arith.constant 2 : i32
    %scan3A_56 = arith.addi %scan3A_54, %scan3A_55 : i32
    %scan3A_57 = arith.constant 1 : i32
    scf.for %scan3A_59 = %scan3A_54 to %scan3A_56 step %scan3A_57  : i32 {
      %mul3A_60 = arith.constant 2 : i32
      %mul3A_61 = arith.muli %scan3A_59, %mul3A_60 : i32
      %add3A_62 = arith.constant 1 : i32
      %add3A_63 = arith.addi %mul3A_61, %add3A_62 : i32
      %mul3A_64 = arith.constant 128 : i32
      %mul3A_65 = arith.muli %add3A_63, %mul3A_64 : i32
      %dma_start3A_66 = tpu.memref_slice %arg8[%mul3A_65] : memref<512xi32, #tpu.memory_space<vmem>> -> memref<128xi32, #tpu.memory_space<vmem>>
      %dma_start3A_67 = arith.constant 0 : i32
      %dma_start3A_68 = arith.constant 0 : i32
      %dma_start3A_69 = tpu.memref_slice %arg2[%dma_start3A_67, %dma_start3A_68] : memref<131072x128xi32, #tpu.memory_space<hbm>> -> memref<131072x128xi32, #tpu.memory_space<hbm>>
      tpu.enqueue_indirect_dma source(%dma_start3A_69 : memref<131072x128xi32, #tpu.memory_space<hbm>>) target(%arg10 : memref<128x128xi32, #tpu.memory_space<vmem>>) offsets(%dma_start3A_66 : memref<128xi32, #tpu.memory_space<vmem>>) semaphore(%arg12 : memref<!tpu.dma_semaphore, #tpu.memory_space<semaphore_mem>>)
      %mul3A_70 = arith.constant 128 : i32
      %mul3A_71 = arith.muli %mul3A_61, %mul3A_70 : i32
      %dma_wait3A = tpu.memref_slice %arg8[%mul3A_71] : memref<512xi32, #tpu.memory_space<vmem>> -> memref<128xi32, #tpu.memory_space<vmem>>
      %dma_wait3A_72 = arith.constant 0 : i32
      %dma_wait3A_73 = arith.constant 0 : i32
      %dma_wait3A_74 = tpu.memref_slice %arg2[%dma_wait3A_72, %dma_wait3A_73] : memref<131072x128xi32, #tpu.memory_space<hbm>> -> memref<131072x128xi32, #tpu.memory_space<hbm>>
      tpu.wait_indirect_dma semaphore(%arg11 : memref<!tpu.dma_semaphore, #tpu.memory_space<semaphore_mem>>) src(%dma_wait3A_74 : memref<131072x128xi32, #tpu.memory_space<hbm>>) dst(%arg9 : memref<128x128xi32, #tpu.memory_space<vmem>>)
      %mul3A_75 = arith.constant 128 : i32
      %mul3A_76 = arith.muli %mul3A_61, %mul3A_75 : i32
      %add3A_77 = arith.addi %mul3A_45, %mul3A_76 : i32
      "tpu.region"() ({
        %run_scoped3A = tpu.sem_alloc : memref<!tpu.dma_semaphore, #tpu.memory_space<semaphore_mem>>
        %dma_start3A_93 = arith.constant 0 : i32
        %dma_start3A_94 = tpu.memref_slice %arg7[%add3A_77, %dma_start3A_93] : memref<16384x128xi32, #tpu.memory_space<hbm>> -> memref<128x128xi32, #tpu.memory_space<hbm>>
        %dma_start3A_95 = arith.constant 0 : i32
        %dma_start3A_96 = tpu.memref_slice %arg7[%add3A_77, %dma_start3A_95] : memref<16384x128xi32, #tpu.memory_space<hbm>> -> memref<128x128xi32, #tpu.memory_space<hbm>>
        tpu.enqueue_dma source(%arg9 : memref<128x128xi32, #tpu.memory_space<vmem>>) target(%dma_start3A_96 : memref<128x128xi32, #tpu.memory_space<hbm>>) target_semaphore(%run_scoped3A : memref<!tpu.dma_semaphore, #tpu.memory_space<semaphore_mem>>)
        %dma_wait3A_97 = arith.constant 0 : i32
        %dma_wait3A_98 = tpu.memref_slice %arg7[%add3A_77, %dma_wait3A_97] : memref<16384x128xi32, #tpu.memory_space<hbm>> -> memref<128x128xi32, #tpu.memory_space<hbm>>
        %dma_wait3A_99 = arith.constant 0 : i32
        %dma_wait3A_100 = tpu.memref_slice %arg7[%add3A_77, %dma_wait3A_99] : memref<16384x128xi32, #tpu.memory_space<hbm>> -> memref<128x128xi32, #tpu.memory_space<hbm>>
        tpu.wait_dma2 semaphore(%run_scoped3A : memref<!tpu.dma_semaphore, #tpu.memory_space<semaphore_mem>>) src(%arg9 : memref<128x128xi32, #tpu.memory_space<vmem>>) dst(%dma_wait3A_100 : memref<128x128xi32, #tpu.memory_space<hbm>>)
        tpu.yield
      }) : () -> ()
      %add3A_78 = arith.constant 2 : i32
      %add3A_79 = arith.addi %mul3A_61, %add3A_78 : i32
      %lt3A = arith.constant 4 : i32
      %lt3A_80 = arith.cmpi slt, %add3A_79, %lt3A : i32
      %convert_element_type3A = arith.extui %lt3A_80 : i1 to i32
      %cond3A = arith.constant 0 : i32
      %cond3A_81 = arith.cmpi ne, %convert_element_type3A, %cond3A : i32
      scf.if %cond3A_81 {
        %add3A_93 = arith.constant 2 : i32
        %add3A_94 = arith.addi %mul3A_61, %add3A_93 : i32
        %mul3A_95 = arith.constant 128 : i32
        %mul3A_96 = arith.muli %add3A_94, %mul3A_95 : i32
        %dma_start3A_97 = tpu.memref_slice %arg8[%mul3A_96] : memref<512xi32, #tpu.memory_space<vmem>> -> memref<128xi32, #tpu.memory_space<vmem>>
        %dma_start3A_98 = arith.constant 0 : i32
        %dma_start3A_99 = arith.constant 0 : i32
        %dma_start3A_100 = tpu.memref_slice %arg2[%dma_start3A_98, %dma_start3A_99] : memref<131072x128xi32, #tpu.memory_space<hbm>> -> memref<131072x128xi32, #tpu.memory_space<hbm>>
        tpu.enqueue_indirect_dma source(%dma_start3A_100 : memref<131072x128xi32, #tpu.memory_space<hbm>>) target(%arg9 : memref<128x128xi32, #tpu.memory_space<vmem>>) offsets(%dma_start3A_97 : memref<128xi32, #tpu.memory_space<vmem>>) semaphore(%arg11 : memref<!tpu.dma_semaphore, #tpu.memory_space<semaphore_mem>>)
      } else {
      }
      %add3A_82 = arith.constant 1 : i32
      %add3A_83 = arith.addi %mul3A_61, %add3A_82 : i32
      %mul3A_84 = arith.constant 128 : i32
      %mul3A_85 = arith.muli %add3A_83, %mul3A_84 : i32
      %dma_wait3A_86 = tpu.memref_slice %arg8[%mul3A_85] : memref<512xi32, #tpu.memory_space<vmem>> -> memref<128xi32, #tpu.memory_space<vmem>>
      %dma_wait3A_87 = arith.constant 0 : i32
      %dma_wait3A_88 = arith.constant 0 : i32
      %dma_wait3A_89 = tpu.memref_slice %arg2[%dma_wait3A_87, %dma_wait3A_88] : memref<131072x128xi32, #tpu.memory_space<hbm>> -> memref<131072x128xi32, #tpu.memory_space<hbm>>
      tpu.wait_indirect_dma semaphore(%arg12 : memref<!tpu.dma_semaphore, #tpu.memory_space<semaphore_mem>>) src(%dma_wait3A_89 : memref<131072x128xi32, #tpu.memory_space<hbm>>) dst(%arg10 : memref<128x128xi32, #tpu.memory_space<vmem>>)
      %mul3A_90 = arith.constant 128 : i32
      %mul3A_91 = arith.muli %add3A_83, %mul3A_90 : i32
      %add3A_92 = arith.addi %mul3A_45, %mul3A_91 : i32
      "tpu.region"() ({
        %run_scoped3A = tpu.sem_alloc : memref<!tpu.dma_semaphore, #tpu.memory_space<semaphore_mem>>
        %dma_start3A_93 = arith.constant 0 : i32
        %dma_start3A_94 = tpu.memref_slice %arg7[%add3A_92, %dma_start3A_93] : memref<16384x128xi32, #tpu.memory_space<hbm>> -> memref<128x128xi32, #tpu.memory_space<hbm>>
        %dma_start3A_95 = arith.constant 0 : i32
        %dma_start3A_96 = tpu.memref_slice %arg7[%add3A_92, %dma_start3A_95] : memref<16384x128xi32, #tpu.memory_space<hbm>> -> memref<128x128xi32, #tpu.memory_space<hbm>>
        tpu.enqueue_dma source(%arg10 : memref<128x128xi32, #tpu.memory_space<vmem>>) target(%dma_start3A_96 : memref<128x128xi32, #tpu.memory_space<hbm>>) target_semaphore(%run_scoped3A : memref<!tpu.dma_semaphore, #tpu.memory_space<semaphore_mem>>)
        %dma_wait3A_97 = arith.constant 0 : i32
        %dma_wait3A_98 = tpu.memref_slice %arg7[%add3A_92, %dma_wait3A_97] : memref<16384x128xi32, #tpu.memory_space<hbm>> -> memref<128x128xi32, #tpu.memory_space<hbm>>
        %dma_wait3A_99 = arith.constant 0 : i32
        %dma_wait3A_100 = tpu.memref_slice %arg7[%add3A_92, %dma_wait3A_99] : memref<16384x128xi32, #tpu.memory_space<hbm>> -> memref<128x128xi32, #tpu.memory_space<hbm>>
        tpu.wait_dma2 semaphore(%run_scoped3A : memref<!tpu.dma_semaphore, #tpu.memory_space<semaphore_mem>>) src(%arg10 : memref<128x128xi32, #tpu.memory_space<vmem>>) dst(%dma_wait3A_100 : memref<128x128xi32, #tpu.memory_space<hbm>>)
        tpu.yield
      }) : () -> ()
    }
    %scan3A_58 = arith.constant 2 : i32
    return
  }
}

module attributes {stable_mosaic.version = 14 : i64} {
  func.func @_pack_body(%arg0: i32, %arg1: memref<4096x256xf32, #tpu.memory_space<vmem>>, %arg2: memref<4096x128xi32, #tpu.memory_space<vmem>>) attributes {dimension_semantics = [#tpu.dimension_semantics<arbitrary>], iteration_bounds = array<i64: 32>, scalar_prefetch = 0 : i64, scratch_operands = 0 : i64, tpu.core_type = #tpu.core_type<tc>, window_params = [{transform_indices = @transform_0, window_bounds = array<i64: 4096, 256>}, {transform_indices = @transform_1, window_bounds = array<i64: 4096, 128>}]} {
    %get3A = arith.constant 0 : index
    %get3A_0 = arith.constant 0 : index
    %get3A_1 = vector.load %arg1[%get3A, %get3A_0] : memref<4096x256xf32, #tpu.memory_space<vmem>>, vector<4096x256xf32>
    %slice3A = vector.extract_strided_slice %get3A_1 {offsets = [0, 0], sizes = [4096, 128], strides = [1, 1]} : vector<4096x256xf32> to vector<4096x128xf32>
    %convert_element_type3A = arith.truncf %slice3A : vector<4096x128xf32> to vector<4096x128xbf16>
    %bitcast_convert_type3A = tpu.bitcast %convert_element_type3A : vector<4096x128xbf16> -> vector<4096x128xi16>
    %slice3A_2 = vector.extract_strided_slice %get3A_1 {offsets = [0, 128], sizes = [4096, 128], strides = [1, 1]} : vector<4096x256xf32> to vector<4096x128xf32>
    %convert_element_type3A_3 = arith.truncf %slice3A_2 : vector<4096x128xf32> to vector<4096x128xbf16>
    %bitcast_convert_type3A_4 = tpu.bitcast %convert_element_type3A_3 : vector<4096x128xbf16> -> vector<4096x128xi16>
    %convert_element_type3A_5 = arith.extui %bitcast_convert_type3A : vector<4096x128xi16> to vector<4096x128xi32>
    %convert_element_type3A_6 = arith.extui %bitcast_convert_type3A_4 : vector<4096x128xi16> to vector<4096x128xi32>
    %shift_left3A = arith.constant 16 : i32
    %shift_left3A_7 = vector.broadcast %shift_left3A : i32 to vector<4096x128xi32>
    %shift_left3A_8 = arith.shli %convert_element_type3A_6, %shift_left3A_7 : vector<4096x128xi32>
    %or3A = arith.ori %convert_element_type3A_5, %shift_left3A_8 : vector<4096x128xi32>
    %bitcast_convert_type3A_9 = tpu.bitcast %or3A : vector<4096x128xi32> -> vector<4096x128xi32>
    %swap3A = arith.constant 0 : index
    %swap3A_10 = arith.constant 0 : index
    %swap3A_11 = vector.load %arg2[%swap3A, %swap3A_10] : memref<4096x128xi32, #tpu.memory_space<vmem>>, vector<4096x128xi32>
    tpu.vector_store %arg2[%swap3A, %swap3A_10], %bitcast_convert_type3A_9 {strides = array<i32>} : memref<4096x128xi32, #tpu.memory_space<vmem>>, vector<4096x128xi32>,
    return
  }
  func.func @transform_0(%arg0: i32) -> (i32, i32) {
    %c0_i32 = arith.constant 0 : i32
    %c0_i32_0 = arith.constant 0 : i32
    return %arg0, %c0_i32 : i32, i32
  }
  func.func @transform_1(%arg0: i32) -> (i32, i32) {
    %c0_i32 = arith.constant 0 : i32
    %c0_i32_0 = arith.constant 0 : i32
    return %arg0, %c0_i32 : i32, i32
  }
}

module attributes {stable_mosaic.version = 14 : i64} {
  func.func @body(%arg0: i32, %arg1: memref<2048x128xi32, #tpu.memory_space<vmem>>, %arg2: memref<2048x128xi32, #tpu.memory_space<vmem>>, %arg3: memref<2048x128xi32, #tpu.memory_space<vmem>>, %arg4: memref<2048x128xi32, #tpu.memory_space<vmem>>, %arg5: memref<1024x256xbf16, #tpu.memory_space<vmem>>, %arg6: memref<1x256xf32, #tpu.memory_space<vmem>>, %arg7: memref<1024x256xbf16, #tpu.memory_space<vmem>>, %arg8: memref<4x256xf32, #tpu.memory_space<vmem>>, %arg9: memref<1x256xbf16, #tpu.memory_space<vmem>>, %arg10: memref<1x1xf32, #tpu.memory_space<vmem>>, %arg11: memref<8x2048xf32, #tpu.memory_space<vmem>>) attributes {dimension_semantics = [#tpu.dimension_semantics<arbitrary>], iteration_bounds = array<i64: 8>, scalar_prefetch = 0 : i64, scratch_operands = 0 : i64, tpu.core_type = #tpu.core_type<tc>, window_params = [{transform_indices = @transform_0, window_bounds = array<i64: 2048, 128>}, {transform_indices = @transform_1, window_bounds = array<i64: 2048, 128>}, {transform_indices = @transform_2, window_bounds = array<i64: 2048, 128>}, {transform_indices = @transform_3, window_bounds = array<i64: 2048, 128>}, {pipeline_mode = #tpu.pipeline_mode<synchronous>, transform_indices = @transform_4, window_bounds = array<i64: 1024, 256>}, {pipeline_mode = #tpu.pipeline_mode<synchronous>, transform_indices = @transform_5, window_bounds = array<i64: 1, 256>}, {pipeline_mode = #tpu.pipeline_mode<synchronous>, transform_indices = @transform_6, window_bounds = array<i64: 1024, 256>}, {pipeline_mode = #tpu.pipeline_mode<synchronous>, transform_indices = @transform_7, window_bounds = array<i64: 4, 256>}, {pipeline_mode = #tpu.pipeline_mode<synchronous>, transform_indices = @transform_8, window_bounds = array<i64: 1, 256>}, {pipeline_mode = #tpu.pipeline_mode<synchronous>, transform_indices = @transform_9, window_bounds = array<i64: 1, 1>}, {pipeline_mode = #tpu.pipeline_mode<synchronous>, transform_indices = @transform_10, window_bounds = array<i64: 8, 2048>}]} {
    %get3A = arith.constant 0 : index
    %get3A_0 = arith.constant 0 : index
    %get3A_1 = vector.load %arg6[%get3A, %get3A_0] : memref<1x256xf32, #tpu.memory_space<vmem>>, vector<1x256xf32>
    %get3A_2 = arith.constant 0 : index
    %get3A_3 = arith.constant 0 : index
    %get3A_4 = vector.load %arg1[%get3A_2, %get3A_3] : memref<2048x128xi32, #tpu.memory_space<vmem>>, vector<2048x128xi32>
    %shift_left3A = arith.constant 16 : i32
    %shift_left3A_5 = vector.broadcast %shift_left3A : i32 to vector<2048x128xi32>
    %shift_left3A_6 = arith.shli %get3A_4, %shift_left3A_5 : vector<2048x128xi32>
    %bitcast_convert_type3A = tpu.bitcast %shift_left3A_6 : vector<2048x128xi32> -> vector<2048x128xf32>
    %and3A = arith.constant -65536 : i32
    %and3A_7 = vector.broadcast %and3A : i32 to vector<2048x128xi32>
    %and3A_8 = arith.andi %get3A_4, %and3A_7 : vector<2048x128xi32>
    %bitcast_convert_type3A_9 = tpu.bitcast %and3A_8 : vector<2048x128xi32> -> vector<2048x128xf32>
    %concatenate3A = tpu.concatenate %bitcast_convert_type3A, %bitcast_convert_type3A_9 in 1 : vector<2048x128xf32>, vector<2048x128xf32> -> vector<2048x256xf32>
    %convert_element_type3A = arith.truncf %concatenate3A : vector<2048x256xf32> to vector<2048x256xbf16>
    %get3A_10 = arith.constant 0 : index
    %get3A_11 = arith.constant 0 : index
    %get3A_12 = vector.load %arg5[%get3A_10, %get3A_11] : memref<1024x256xbf16, #tpu.memory_space<vmem>>, vector<256x256xbf16>
    %dot_general3A = arith.constant dense<0.000000e+00> : vector<2048x256xf32>
    %dot_general3A_13 = tpu.matmul %convert_element_type3A, %get3A_12, %dot_general3A {dimension_numbers = #tpu.dot_dimension_numbers<[1], [0], [0], [1], [0, 0, 1, 1], [], []>, transpose_lhs_hint = false} : vector<2048x256xbf16>, vector<256x256xbf16>, vector<2048x256xf32> -> vector<2048x256xf32>
    %add3A = vector.broadcast %get3A_1 : vector<1x256xf32> to vector<2048x256xf32>
    %add3A_14 = arith.addf %add3A, %dot_general3A_13 : vector<2048x256xf32>
    %get3A_15 = arith.constant 0 : index
    %get3A_16 = arith.constant 0 : index
    %get3A_17 = vector.load %arg2[%get3A_15, %get3A_16] : memref<2048x128xi32, #tpu.memory_space<vmem>>, vector<2048x128xi32>
    %shift_left3A_18 = arith.constant 16 : i32
    %shift_left3A_19 = vector.broadcast %shift_left3A_18 : i32 to vector<2048x128xi32>
    %shift_left3A_20 = arith.shli %get3A_17, %shift_left3A_19 : vector<2048x128xi32>
    %bitcast_convert_type3A_21 = tpu.bitcast %shift_left3A_20 : vector<2048x128xi32> -> vector<2048x128xf32>
    %and3A_22 = arith.constant -65536 : i32
    %and3A_23 = vector.broadcast %and3A_22 : i32 to vector<2048x128xi32>
    %and3A_24 = arith.andi %get3A_17, %and3A_23 : vector<2048x128xi32>
    %bitcast_convert_type3A_25 = tpu.bitcast %and3A_24 : vector<2048x128xi32> -> vector<2048x128xf32>
    %concatenate3A_26 = tpu.concatenate %bitcast_convert_type3A_21, %bitcast_convert_type3A_25 in 1 : vector<2048x128xf32>, vector<2048x128xf32> -> vector<2048x256xf32>
    %convert_element_type3A_27 = arith.truncf %concatenate3A_26 : vector<2048x256xf32> to vector<2048x256xbf16>
    %get3A_28 = arith.constant 256 : index
    %get3A_29 = arith.constant 0 : index
    %get3A_30 = vector.load %arg5[%get3A_28, %get3A_29] : memref<1024x256xbf16, #tpu.memory_space<vmem>>, vector<256x256xbf16>
    %dot_general3A_31 = arith.constant dense<0.000000e+00> : vector<2048x256xf32>
    %dot_general3A_32 = tpu.matmul %convert_element_type3A_27, %get3A_30, %dot_general3A_31 {dimension_numbers = #tpu.dot_dimension_numbers<[1], [0], [0], [1], [0, 0, 1, 1], [], []>, transpose_lhs_hint = false} : vector<2048x256xbf16>, vector<256x256xbf16>, vector<2048x256xf32> -> vector<2048x256xf32>
    %add3A_33 = arith.addf %add3A_14, %dot_general3A_32 : vector<2048x256xf32>
    %get3A_34 = arith.constant 0 : index
    %get3A_35 = arith.constant 0 : index
    %get3A_36 = vector.load %arg3[%get3A_34, %get3A_35] : memref<2048x128xi32, #tpu.memory_space<vmem>>, vector<2048x128xi32>
    %shift_left3A_37 = arith.constant 16 : i32
    %shift_left3A_38 = vector.broadcast %shift_left3A_37 : i32 to vector<2048x128xi32>
    %shift_left3A_39 = arith.shli %get3A_36, %shift_left3A_38 : vector<2048x128xi32>
    %bitcast_convert_type3A_40 = tpu.bitcast %shift_left3A_39 : vector<2048x128xi32> -> vector<2048x128xf32>
    %and3A_41 = arith.constant -65536 : i32
    %and3A_42 = vector.broadcast %and3A_41 : i32 to vector<2048x128xi32>
    %and3A_43 = arith.andi %get3A_36, %and3A_42 : vector<2048x128xi32>
    %bitcast_convert_type3A_44 = tpu.bitcast %and3A_43 : vector<2048x128xi32> -> vector<2048x128xf32>
    %concatenate3A_45 = tpu.concatenate %bitcast_convert_type3A_40, %bitcast_convert_type3A_44 in 1 : vector<2048x128xf32>, vector<2048x128xf32> -> vector<2048x256xf32>
    %convert_element_type3A_46 = arith.truncf %concatenate3A_45 : vector<2048x256xf32> to vector<2048x256xbf16>
    %get3A_47 = arith.constant 512 : index
    %get3A_48 = arith.constant 0 : index
    %get3A_49 = vector.load %arg5[%get3A_47, %get3A_48] : memref<1024x256xbf16, #tpu.memory_space<vmem>>, vector<256x256xbf16>
    %dot_general3A_50 = arith.constant dense<0.000000e+00> : vector<2048x256xf32>
    %dot_general3A_51 = tpu.matmul %convert_element_type3A_46, %get3A_49, %dot_general3A_50 {dimension_numbers = #tpu.dot_dimension_numbers<[1], [0], [0], [1], [0, 0, 1, 1], [], []>, transpose_lhs_hint = false} : vector<2048x256xbf16>, vector<256x256xbf16>, vector<2048x256xf32> -> vector<2048x256xf32>
    %add3A_52 = arith.addf %add3A_33, %dot_general3A_51 : vector<2048x256xf32>
    %get3A_53 = arith.constant 0 : index
    %get3A_54 = arith.constant 0 : index
    %get3A_55 = vector.load %arg4[%get3A_53, %get3A_54] : memref<2048x128xi32, #tpu.memory_space<vmem>>, vector<2048x128xi32>
    %shift_left3A_56 = arith.constant 16 : i32
    %shift_left3A_57 = vector.broadcast %shift_left3A_56 : i32 to vector<2048x128xi32>
    %shift_left3A_58 = arith.shli %get3A_55, %shift_left3A_57 : vector<2048x128xi32>
    %bitcast_convert_type3A_59 = tpu.bitcast %shift_left3A_58 : vector<2048x128xi32> -> vector<2048x128xf32>
    %and3A_60 = arith.constant -65536 : i32
    %and3A_61 = vector.broadcast %and3A_60 : i32 to vector<2048x128xi32>
    %and3A_62 = arith.andi %get3A_55, %and3A_61 : vector<2048x128xi32>
    %bitcast_convert_type3A_63 = tpu.bitcast %and3A_62 : vector<2048x128xi32> -> vector<2048x128xf32>
    %concatenate3A_64 = tpu.concatenate %bitcast_convert_type3A_59, %bitcast_convert_type3A_63 in 1 : vector<2048x128xf32>, vector<2048x128xf32> -> vector<2048x256xf32>
    %convert_element_type3A_65 = arith.truncf %concatenate3A_64 : vector<2048x256xf32> to vector<2048x256xbf16>
    %get3A_66 = arith.constant 768 : index
    %get3A_67 = arith.constant 0 : index
    %get3A_68 = vector.load %arg5[%get3A_66, %get3A_67] : memref<1024x256xbf16, #tpu.memory_space<vmem>>, vector<256x256xbf16>
    %dot_general3A_69 = arith.constant dense<0.000000e+00> : vector<2048x256xf32>
    %dot_general3A_70 = tpu.matmul %convert_element_type3A_65, %get3A_68, %dot_general3A_69 {dimension_numbers = #tpu.dot_dimension_numbers<[1], [0], [0], [1], [0, 0, 1, 1], [], []>, transpose_lhs_hint = false} : vector<2048x256xbf16>, vector<256x256xbf16>, vector<2048x256xf32> -> vector<2048x256xf32>
    %add3A_71 = arith.addf %add3A_52, %dot_general3A_70 : vector<2048x256xf32>
    %max3A = arith.constant 0.000000e+00 : f32
    %max3A_72 = vector.broadcast %max3A : f32 to vector<2048x256xf32>
    %max3A_73 = arith.maximumf %add3A_71, %max3A_72 : vector<2048x256xf32>
    %convert_element_type3A_74 = arith.truncf %max3A_73 : vector<2048x256xf32> to vector<2048x256xbf16>
    %get3A_75 = arith.constant 0 : index
    %get3A_76 = arith.constant 0 : index
    %get3A_77 = vector.load %arg7[%get3A_75, %get3A_76] : memref<1024x256xbf16, #tpu.memory_space<vmem>>, vector<256x256xbf16>
    %dot_general3A_78 = arith.constant dense<0.000000e+00> : vector<2048x256xf32>
    %dot_general3A_79 = tpu.matmul %convert_element_type3A_74, %get3A_77, %dot_general3A_78 {dimension_numbers = #tpu.dot_dimension_numbers<[1], [0], [0], [1], [0, 0, 1, 1], [], []>, transpose_lhs_hint = false} : vector<2048x256xbf16>, vector<256x256xbf16>, vector<2048x256xf32> -> vector<2048x256xf32>
    %get3A_80 = arith.constant 0 : index
    %get3A_81 = arith.constant 0 : index
    %get3A_82 = vector.load %arg8[%get3A_80, %get3A_81] : memref<4x256xf32, #tpu.memory_space<vmem>>, vector<1x256xf32>
    %add3A_83 = vector.broadcast %get3A_82 : vector<1x256xf32> to vector<2048x256xf32>
    %add3A_84 = arith.addf %dot_general3A_79, %add3A_83 : vector<2048x256xf32>
    %convert_element_type3A_85 = arith.truncf %add3A_84 : vector<2048x256xf32> to vector<2048x256xbf16>
    %get3A_86 = arith.constant 256 : index
    %get3A_87 = arith.constant 0 : index
    %get3A_88 = vector.load %arg7[%get3A_86, %get3A_87] : memref<1024x256xbf16, #tpu.memory_space<vmem>>, vector<256x256xbf16>
    %dot_general3A_89 = arith.constant dense<0.000000e+00> : vector<2048x256xf32>
    %dot_general3A_90 = tpu.matmul %convert_element_type3A_85, %get3A_88, %dot_general3A_89 {dimension_numbers = #tpu.dot_dimension_numbers<[1], [0], [0], [1], [0, 0, 1, 1], [], []>, transpose_lhs_hint = false} : vector<2048x256xbf16>, vector<256x256xbf16>, vector<2048x256xf32> -> vector<2048x256xf32>
    %get3A_91 = arith.constant 1 : index
    %get3A_92 = arith.constant 0 : index
    %get3A_93 = vector.load %arg8[%get3A_91, %get3A_92] : memref<4x256xf32, #tpu.memory_space<vmem>>, vector<1x256xf32>
    %add3A_94 = vector.broadcast %get3A_93 : vector<1x256xf32> to vector<2048x256xf32>
    %add3A_95 = arith.addf %dot_general3A_90, %add3A_94 : vector<2048x256xf32>
    %max3A_96 = arith.constant 0.000000e+00 : f32
    %max3A_97 = vector.broadcast %max3A_96 : f32 to vector<2048x256xf32>
    %max3A_98 = arith.maximumf %add3A_95, %max3A_97 : vector<2048x256xf32>
    %convert_element_type3A_99 = arith.truncf %max3A_98 : vector<2048x256xf32> to vector<2048x256xbf16>
    %get3A_100 = arith.constant 512 : index
    %get3A_101 = arith.constant 0 : index
    %get3A_102 = vector.load %arg7[%get3A_100, %get3A_101] : memref<1024x256xbf16, #tpu.memory_space<vmem>>, vector<256x256xbf16>
    %dot_general3A_103 = arith.constant dense<0.000000e+00> : vector<2048x256xf32>
    %dot_general3A_104 = tpu.matmul %convert_element_type3A_99, %get3A_102, %dot_general3A_103 {dimension_numbers = #tpu.dot_dimension_numbers<[1], [0], [0], [1], [0, 0, 1, 1], [], []>, transpose_lhs_hint = false} : vector<2048x256xbf16>, vector<256x256xbf16>, vector<2048x256xf32> -> vector<2048x256xf32>
    %get3A_105 = arith.constant 2 : index
    %get3A_106 = arith.constant 0 : index
    %get3A_107 = vector.load %arg8[%get3A_105, %get3A_106] : memref<4x256xf32, #tpu.memory_space<vmem>>, vector<1x256xf32>
    %add3A_108 = vector.broadcast %get3A_107 : vector<1x256xf32> to vector<2048x256xf32>
    %add3A_109 = arith.addf %dot_general3A_104, %add3A_108 : vector<2048x256xf32>
    %max3A_110 = arith.constant 0.000000e+00 : f32
    %max3A_111 = vector.broadcast %max3A_110 : f32 to vector<2048x256xf32>
    %max3A_112 = arith.maximumf %add3A_109, %max3A_111 : vector<2048x256xf32>
    %convert_element_type3A_113 = arith.truncf %max3A_112 : vector<2048x256xf32> to vector<2048x256xbf16>
    %get3A_114 = arith.constant 768 : index
    %get3A_115 = arith.constant 0 : index
    %get3A_116 = vector.load %arg7[%get3A_114, %get3A_115] : memref<1024x256xbf16, #tpu.memory_space<vmem>>, vector<256x256xbf16>
    %dot_general3A_117 = arith.constant dense<0.000000e+00> : vector<2048x256xf32>
    %dot_general3A_118 = tpu.matmul %convert_element_type3A_113, %get3A_116, %dot_general3A_117 {dimension_numbers = #tpu.dot_dimension_numbers<[1], [0], [0], [1], [0, 0, 1, 1], [], []>, transpose_lhs_hint = false} : vector<2048x256xbf16>, vector<256x256xbf16>, vector<2048x256xf32> -> vector<2048x256xf32>
    %get3A_119 = arith.constant 3 : index
    %get3A_120 = arith.constant 0 : index
    %get3A_121 = vector.load %arg8[%get3A_119, %get3A_120] : memref<4x256xf32, #tpu.memory_space<vmem>>, vector<1x256xf32>
    %add3A_122 = vector.broadcast %get3A_121 : vector<1x256xf32> to vector<2048x256xf32>
    %add3A_123 = arith.addf %dot_general3A_118, %add3A_122 : vector<2048x256xf32>
    %max3A_124 = arith.constant 0.000000e+00 : f32
    %max3A_125 = vector.broadcast %max3A_124 : f32 to vector<2048x256xf32>
    %max3A_126 = arith.maximumf %add3A_123, %max3A_125 : vector<2048x256xf32>
    %convert_element_type3A_127 = arith.truncf %max3A_126 : vector<2048x256xf32> to vector<2048x256xbf16>
    %get3A_128 = arith.constant 0 : index
    %get3A_129 = arith.constant 0 : index
    %get3A_130 = vector.load %arg9[%get3A_128, %get3A_129] : memref<1x256xbf16, #tpu.memory_space<vmem>>, vector<1x256xbf16>
    %dot_general3A_131 = arith.constant dense<0.000000e+00> : vector<1x2048xf32>
    %dot_general3A_132 = tpu.matmul %get3A_130, %convert_element_type3A_127, %dot_general3A_131 {dimension_numbers = #tpu.dot_dimension_numbers<[1], [1], [0], [0], [0, 0, 1, 0], [], []>, transpose_lhs_hint = false} : vector<1x256xbf16>, vector<2048x256xbf16>, vector<1x2048xf32> -> vector<1x2048xf32>
    %get3A_133 = arith.constant 0 : index
    %get3A_134 = arith.constant 0 : index
    %get3A_135 = vector.load %arg10[%get3A_133, %get3A_134] : memref<1x1xf32, #tpu.memory_space<vmem>>, vector<1x1xf32>
    %add3A_136 = vector.broadcast %get3A_135 : vector<1x1xf32> to vector<1x2048xf32>
    %add3A_137 = arith.addf %dot_general3A_132, %add3A_136 : vector<1x2048xf32>
    %jit3A = arith.constant 1 : i32
    %div3A = arith.divsi %arg0, %jit3A : i32
    %sign3A = arith.constant 0 : i32
    %sign3A_138 = arith.cmpi sgt, %arg0, %sign3A : i32
    %sign3A_139 = arith.extui %sign3A_138 : i1 to i32
    %sign3A_140 = arith.constant 0 : i32
    %sign3A_141 = arith.cmpi slt, %arg0, %sign3A_140 : i32
    %sign3A_142 = arith.extui %sign3A_141 : i1 to i32
    %sign3A_143 = arith.subi %sign3A_139, %sign3A_142 : i32
    %sign3A_144 = arith.constant 0 : i32
    %sign3A_145 = arith.cmpi sgt, %jit3A, %sign3A_144 : i32
    %sign3A_146 = arith.extui %sign3A_145 : i1 to i32
    %sign3A_147 = arith.constant 0 : i32
    %sign3A_148 = arith.cmpi slt, %jit3A, %sign3A_147 : i32
    %sign3A_149 = arith.extui %sign3A_148 : i1 to i32
    %sign3A_150 = arith.subi %sign3A_146, %sign3A_149 : i32
    %ne3A = arith.cmpi ne, %sign3A_143, %sign3A_150 : i32
    %rem3A = arith.remsi %arg0, %jit3A : i32
    %ne3A_151 = arith.constant 0 : i32
    %ne3A_152 = arith.cmpi ne, %rem3A, %ne3A_151 : i32
    %and3A_153 = arith.andi %ne3A, %ne3A_152 : i1
    %sub3A = arith.constant 1 : i32
    %sub3A_154 = arith.subi %div3A, %sub3A : i32
    %select_n3A = arith.select %and3A_153, %sub3A_154, %div3A : i32
    %jit3A_155 = arith.constant 1 : i32
    %eq3A = arith.constant 0 : i32
    %eq3A_156 = arith.cmpi eq, %jit3A_155, %eq3A : i32
    %jit3A_157 = arith.constant 1 : i32
    %select_n3A_158 = arith.select %eq3A_156, %jit3A_157, %jit3A_155 : i32
    %rem3A_159 = arith.remsi %arg0, %select_n3A_158 : i32
    %ne3A_160 = arith.constant 0 : i32
    %ne3A_161 = arith.cmpi ne, %rem3A_159, %ne3A_160 : i32
    %lt3A = arith.constant 0 : i32
    %lt3A_162 = arith.cmpi slt, %rem3A_159, %lt3A : i32
    %lt3A_163 = arith.constant 0 : i32
    %lt3A_164 = arith.cmpi slt, %select_n3A_158, %lt3A_163 : i32
    %ne3A_165 = arith.xori %lt3A_162, %lt3A_164 : i1
    %and3A_166 = arith.andi %ne3A_165, %ne3A_161 : i1
    %add3A_167 = arith.addi %rem3A_159, %select_n3A_158 : i32
    %select_n3A_168 = arith.select %and3A_166, %add3A_167, %rem3A_159 : i32
    %mul3A = arith.constant 2048 : i32
    %mul3A_169 = arith.muli %select_n3A_168, %mul3A : i32
    %swap3A = arith.index_cast %select_n3A : i32 to index
    %swap3A_170 = arith.index_cast %mul3A_169 : i32 to index
    %swap3A_171 = vector.load %arg11[%swap3A, %swap3A_170] : memref<8x2048xf32, #tpu.memory_space<vmem>>, vector<1x2048xf32>
    tpu.vector_store %arg11[%swap3A, %swap3A_170], %add3A_137 {strides = array<i32>} : memref<8x2048xf32, #tpu.memory_space<vmem>>, vector<1x2048xf32>,
    return
  }
  func.func @transform_0(%arg0: i32) -> (i32, i32) {
    %c0_i32 = arith.constant 0 : i32
    %c0_i32_0 = arith.constant 0 : i32
    return %arg0, %c0_i32 : i32, i32
  }
  func.func @transform_1(%arg0: i32) -> (i32, i32) {
    %c0_i32 = arith.constant 0 : i32
    %c0_i32_0 = arith.constant 0 : i32
    return %arg0, %c0_i32 : i32, i32
  }
  func.func @transform_2(%arg0: i32) -> (i32, i32) {
    %c0_i32 = arith.constant 0 : i32
    %c0_i32_0 = arith.constant 0 : i32
    return %arg0, %c0_i32 : i32, i32
  }
  func.func @transform_3(%arg0: i32) -> (i32, i32) {
    %c0_i32 = arith.constant 0 : i32
    %c0_i32_0 = arith.constant 0 : i32
    return %arg0, %c0_i32 : i32, i32
  }
  func.func @transform_4(%arg0: i32) -> (i32, i32) {
    %c0_i32 = arith.constant 0 : i32
    %c0_i32_0 = arith.constant 0 : i32
    %c0_i32_1 = arith.constant 0 : i32
    return %c0_i32, %c0_i32_0 : i32, i32
  }
  func.func @transform_5(%arg0: i32) -> (i32, i32) {
    %c0_i32 = arith.constant 0 : i32
    %c0_i32_0 = arith.constant 0 : i32
    %c0_i32_1 = arith.constant 0 : i32
    return %c0_i32, %c0_i32_0 : i32, i32
  }
  func.func @transform_6(%arg0: i32) -> (i32, i32) {
    %c0_i32 = arith.constant 0 : i32
    %c0_i32_0 = arith.constant 0 : i32
    %c0_i32_1 = arith.constant 0 : i32
    return %c0_i32, %c0_i32_0 : i32, i32
  }
  func.func @transform_7(%arg0: i32) -> (i32, i32) {
    %c0_i32 = arith.constant 0 : i32
    %c0_i32_0 = arith.constant 0 : i32
    %c0_i32_1 = arith.constant 0 : i32
    return %c0_i32, %c0_i32_0 : i32, i32
  }
  func.func @transform_8(%arg0: i32) -> (i32, i32) {
    %c0_i32 = arith.constant 0 : i32
    %c0_i32_0 = arith.constant 0 : i32
    %c0_i32_1 = arith.constant 0 : i32
    return %c0_i32, %c0_i32_0 : i32, i32
  }
  func.func @transform_9(%arg0: i32) -> (i32, i32) {
    %c0_i32 = arith.constant 0 : i32
    %c0_i32_0 = arith.constant 0 : i32
    %c0_i32_1 = arith.constant 0 : i32
    return %c0_i32, %c0_i32_0 : i32, i32
  }
  func.func @transform_10(%arg0: i32) -> (i32, i32) {
    %c0_i32 = arith.constant 0 : i32
    %c0_i32_0 = arith.constant 0 : i32
    %c0_i32_1 = arith.constant 0 : i32
    return %c0_i32, %c0_i32_0 : i32, i32
  }
}

module attributes {stable_mosaic.version = 14 : i64} {
  func.func @body(%arg0: i32, %arg1: memref<1024x128xi32, #tpu.memory_space<vmem>>, %arg2: memref<1024x128xi32, #tpu.memory_space<vmem>>, %arg3: memref<1024x128xi32, #tpu.memory_space<vmem>>, %arg4: memref<1024x128xi32, #tpu.memory_space<vmem>>, %arg5: memref<1024x128xi32, #tpu.memory_space<vmem>>, %arg6: memref<1024x128xi32, #tpu.memory_space<vmem>>, %arg7: memref<1536x256xbf16, #tpu.memory_space<vmem>>, %arg8: memref<1x256xf32, #tpu.memory_space<vmem>>, %arg9: memref<1024x256xbf16, #tpu.memory_space<vmem>>, %arg10: memref<4x256xf32, #tpu.memory_space<vmem>>, %arg11: memref<1x256xbf16, #tpu.memory_space<vmem>>, %arg12: memref<1x1xf32, #tpu.memory_space<vmem>>, %arg13: memref<4x2048xf32, #tpu.memory_space<vmem>>) attributes {dimension_semantics = [#tpu.dimension_semantics<arbitrary>], iteration_bounds = array<i64: 8>, scalar_prefetch = 0 : i64, scratch_operands = 0 : i64, tpu.core_type = #tpu.core_type<tc>, window_params = [{transform_indices = @transform_0, window_bounds = array<i64: 1024, 128>}, {transform_indices = @transform_1, window_bounds = array<i64: 1024, 128>}, {transform_indices = @transform_2, window_bounds = array<i64: 1024, 128>}, {transform_indices = @transform_3, window_bounds = array<i64: 1024, 128>}, {transform_indices = @transform_4, window_bounds = array<i64: 1024, 128>}, {transform_indices = @transform_5, window_bounds = array<i64: 1024, 128>}, {pipeline_mode = #tpu.pipeline_mode<synchronous>, transform_indices = @transform_6, window_bounds = array<i64: 1536, 256>}, {pipeline_mode = #tpu.pipeline_mode<synchronous>, transform_indices = @transform_7, window_bounds = array<i64: 1, 256>}, {pipeline_mode = #tpu.pipeline_mode<synchronous>, transform_indices = @transform_8, window_bounds = array<i64: 1024, 256>}, {pipeline_mode = #tpu.pipeline_mode<synchronous>, transform_indices = @transform_9, window_bounds = array<i64: 4, 256>}, {pipeline_mode = #tpu.pipeline_mode<synchronous>, transform_indices = @transform_10, window_bounds = array<i64: 1, 256>}, {pipeline_mode = #tpu.pipeline_mode<synchronous>, transform_indices = @transform_11, window_bounds = array<i64: 1, 1>}, {pipeline_mode = #tpu.pipeline_mode<synchronous>, transform_indices = @transform_12, window_bounds = array<i64: 4, 2048>}]} {
    %get3A = arith.constant 0 : index
    %get3A_0 = arith.constant 0 : index
    %get3A_1 = vector.load %arg8[%get3A, %get3A_0] : memref<1x256xf32, #tpu.memory_space<vmem>>, vector<1x256xf32>
    %get3A_2 = arith.constant 0 : index
    %get3A_3 = arith.constant 0 : index
    %get3A_4 = vector.load %arg1[%get3A_2, %get3A_3] : memref<1024x128xi32, #tpu.memory_space<vmem>>, vector<1024x128xi32>
    %shift_left3A = arith.constant 16 : i32
    %shift_left3A_5 = vector.broadcast %shift_left3A : i32 to vector<1024x128xi32>
    %shift_left3A_6 = arith.shli %get3A_4, %shift_left3A_5 : vector<1024x128xi32>
    %bitcast_convert_type3A = tpu.bitcast %shift_left3A_6 : vector<1024x128xi32> -> vector<1024x128xf32>
    %and3A = arith.constant -65536 : i32
    %and3A_7 = vector.broadcast %and3A : i32 to vector<1024x128xi32>
    %and3A_8 = arith.andi %get3A_4, %and3A_7 : vector<1024x128xi32>
    %bitcast_convert_type3A_9 = tpu.bitcast %and3A_8 : vector<1024x128xi32> -> vector<1024x128xf32>
    %concatenate3A = tpu.concatenate %bitcast_convert_type3A, %bitcast_convert_type3A_9 in 1 : vector<1024x128xf32>, vector<1024x128xf32> -> vector<1024x256xf32>
    %convert_element_type3A = arith.truncf %concatenate3A : vector<1024x256xf32> to vector<1024x256xbf16>
    %get3A_10 = arith.constant 0 : index
    %get3A_11 = arith.constant 0 : index
    %get3A_12 = vector.load %arg7[%get3A_10, %get3A_11] : memref<1536x256xbf16, #tpu.memory_space<vmem>>, vector<256x256xbf16>
    %dot_general3A = arith.constant dense<0.000000e+00> : vector<1024x256xf32>
    %dot_general3A_13 = tpu.matmul %convert_element_type3A, %get3A_12, %dot_general3A {dimension_numbers = #tpu.dot_dimension_numbers<[1], [0], [0], [1], [0, 0, 1, 1], [], []>, transpose_lhs_hint = false} : vector<1024x256xbf16>, vector<256x256xbf16>, vector<1024x256xf32> -> vector<1024x256xf32>
    %add3A = vector.broadcast %get3A_1 : vector<1x256xf32> to vector<1024x256xf32>
    %add3A_14 = arith.addf %add3A, %dot_general3A_13 : vector<1024x256xf32>
    %get3A_15 = arith.constant 0 : index
    %get3A_16 = arith.constant 0 : index
    %get3A_17 = vector.load %arg2[%get3A_15, %get3A_16] : memref<1024x128xi32, #tpu.memory_space<vmem>>, vector<1024x128xi32>
    %shift_left3A_18 = arith.constant 16 : i32
    %shift_left3A_19 = vector.broadcast %shift_left3A_18 : i32 to vector<1024x128xi32>
    %shift_left3A_20 = arith.shli %get3A_17, %shift_left3A_19 : vector<1024x128xi32>
    %bitcast_convert_type3A_21 = tpu.bitcast %shift_left3A_20 : vector<1024x128xi32> -> vector<1024x128xf32>
    %and3A_22 = arith.constant -65536 : i32
    %and3A_23 = vector.broadcast %and3A_22 : i32 to vector<1024x128xi32>
    %and3A_24 = arith.andi %get3A_17, %and3A_23 : vector<1024x128xi32>
    %bitcast_convert_type3A_25 = tpu.bitcast %and3A_24 : vector<1024x128xi32> -> vector<1024x128xf32>
    %concatenate3A_26 = tpu.concatenate %bitcast_convert_type3A_21, %bitcast_convert_type3A_25 in 1 : vector<1024x128xf32>, vector<1024x128xf32> -> vector<1024x256xf32>
    %convert_element_type3A_27 = arith.truncf %concatenate3A_26 : vector<1024x256xf32> to vector<1024x256xbf16>
    %get3A_28 = arith.constant 256 : index
    %get3A_29 = arith.constant 0 : index
    %get3A_30 = vector.load %arg7[%get3A_28, %get3A_29] : memref<1536x256xbf16, #tpu.memory_space<vmem>>, vector<256x256xbf16>
    %dot_general3A_31 = arith.constant dense<0.000000e+00> : vector<1024x256xf32>
    %dot_general3A_32 = tpu.matmul %convert_element_type3A_27, %get3A_30, %dot_general3A_31 {dimension_numbers = #tpu.dot_dimension_numbers<[1], [0], [0], [1], [0, 0, 1, 1], [], []>, transpose_lhs_hint = false} : vector<1024x256xbf16>, vector<256x256xbf16>, vector<1024x256xf32> -> vector<1024x256xf32>
    %add3A_33 = arith.addf %add3A_14, %dot_general3A_32 : vector<1024x256xf32>
    %get3A_34 = arith.constant 0 : index
    %get3A_35 = arith.constant 0 : index
    %get3A_36 = vector.load %arg3[%get3A_34, %get3A_35] : memref<1024x128xi32, #tpu.memory_space<vmem>>, vector<1024x128xi32>
    %shift_left3A_37 = arith.constant 16 : i32
    %shift_left3A_38 = vector.broadcast %shift_left3A_37 : i32 to vector<1024x128xi32>
    %shift_left3A_39 = arith.shli %get3A_36, %shift_left3A_38 : vector<1024x128xi32>
    %bitcast_convert_type3A_40 = tpu.bitcast %shift_left3A_39 : vector<1024x128xi32> -> vector<1024x128xf32>
    %and3A_41 = arith.constant -65536 : i32
    %and3A_42 = vector.broadcast %and3A_41 : i32 to vector<1024x128xi32>
    %and3A_43 = arith.andi %get3A_36, %and3A_42 : vector<1024x128xi32>
    %bitcast_convert_type3A_44 = tpu.bitcast %and3A_43 : vector<1024x128xi32> -> vector<1024x128xf32>
    %concatenate3A_45 = tpu.concatenate %bitcast_convert_type3A_40, %bitcast_convert_type3A_44 in 1 : vector<1024x128xf32>, vector<1024x128xf32> -> vector<1024x256xf32>
    %convert_element_type3A_46 = arith.truncf %concatenate3A_45 : vector<1024x256xf32> to vector<1024x256xbf16>
    %get3A_47 = arith.constant 512 : index
    %get3A_48 = arith.constant 0 : index
    %get3A_49 = vector.load %arg7[%get3A_47, %get3A_48] : memref<1536x256xbf16, #tpu.memory_space<vmem>>, vector<256x256xbf16>
    %dot_general3A_50 = arith.constant dense<0.000000e+00> : vector<1024x256xf32>
    %dot_general3A_51 = tpu.matmul %convert_element_type3A_46, %get3A_49, %dot_general3A_50 {dimension_numbers = #tpu.dot_dimension_numbers<[1], [0], [0], [1], [0, 0, 1, 1], [], []>, transpose_lhs_hint = false} : vector<1024x256xbf16>, vector<256x256xbf16>, vector<1024x256xf32> -> vector<1024x256xf32>
    %add3A_52 = arith.addf %add3A_33, %dot_general3A_51 : vector<1024x256xf32>
    %get3A_53 = arith.constant 0 : index
    %get3A_54 = arith.constant 0 : index
    %get3A_55 = vector.load %arg4[%get3A_53, %get3A_54] : memref<1024x128xi32, #tpu.memory_space<vmem>>, vector<1024x128xi32>
    %shift_left3A_56 = arith.constant 16 : i32
    %shift_left3A_57 = vector.broadcast %shift_left3A_56 : i32 to vector<1024x128xi32>
    %shift_left3A_58 = arith.shli %get3A_55, %shift_left3A_57 : vector<1024x128xi32>
    %bitcast_convert_type3A_59 = tpu.bitcast %shift_left3A_58 : vector<1024x128xi32> -> vector<1024x128xf32>
    %and3A_60 = arith.constant -65536 : i32
    %and3A_61 = vector.broadcast %and3A_60 : i32 to vector<1024x128xi32>
    %and3A_62 = arith.andi %get3A_55, %and3A_61 : vector<1024x128xi32>
    %bitcast_convert_type3A_63 = tpu.bitcast %and3A_62 : vector<1024x128xi32> -> vector<1024x128xf32>
    %concatenate3A_64 = tpu.concatenate %bitcast_convert_type3A_59, %bitcast_convert_type3A_63 in 1 : vector<1024x128xf32>, vector<1024x128xf32> -> vector<1024x256xf32>
    %convert_element_type3A_65 = arith.truncf %concatenate3A_64 : vector<1024x256xf32> to vector<1024x256xbf16>
    %get3A_66 = arith.constant 768 : index
    %get3A_67 = arith.constant 0 : index
    %get3A_68 = vector.load %arg7[%get3A_66, %get3A_67] : memref<1536x256xbf16, #tpu.memory_space<vmem>>, vector<256x256xbf16>
    %dot_general3A_69 = arith.constant dense<0.000000e+00> : vector<1024x256xf32>
    %dot_general3A_70 = tpu.matmul %convert_element_type3A_65, %get3A_68, %dot_general3A_69 {dimension_numbers = #tpu.dot_dimension_numbers<[1], [0], [0], [1], [0, 0, 1, 1], [], []>, transpose_lhs_hint = false} : vector<1024x256xbf16>, vector<256x256xbf16>, vector<1024x256xf32> -> vector<1024x256xf32>
    %add3A_71 = arith.addf %add3A_52, %dot_general3A_70 : vector<1024x256xf32>
    %get3A_72 = arith.constant 0 : index
    %get3A_73 = arith.constant 0 : index
    %get3A_74 = vector.load %arg5[%get3A_72, %get3A_73] : memref<1024x128xi32, #tpu.memory_space<vmem>>, vector<1024x128xi32>
    %shift_left3A_75 = arith.constant 16 : i32
    %shift_left3A_76 = vector.broadcast %shift_left3A_75 : i32 to vector<1024x128xi32>
    %shift_left3A_77 = arith.shli %get3A_74, %shift_left3A_76 : vector<1024x128xi32>
    %bitcast_convert_type3A_78 = tpu.bitcast %shift_left3A_77 : vector<1024x128xi32> -> vector<1024x128xf32>
    %and3A_79 = arith.constant -65536 : i32
    %and3A_80 = vector.broadcast %and3A_79 : i32 to vector<1024x128xi32>
    %and3A_81 = arith.andi %get3A_74, %and3A_80 : vector<1024x128xi32>
    %bitcast_convert_type3A_82 = tpu.bitcast %and3A_81 : vector<1024x128xi32> -> vector<1024x128xf32>
    %concatenate3A_83 = tpu.concatenate %bitcast_convert_type3A_78, %bitcast_convert_type3A_82 in 1 : vector<1024x128xf32>, vector<1024x128xf32> -> vector<1024x256xf32>
    %convert_element_type3A_84 = arith.truncf %concatenate3A_83 : vector<1024x256xf32> to vector<1024x256xbf16>
    %get3A_85 = arith.constant 1024 : index
    %get3A_86 = arith.constant 0 : index
    %get3A_87 = vector.load %arg7[%get3A_85, %get3A_86] : memref<1536x256xbf16, #tpu.memory_space<vmem>>, vector<256x256xbf16>
    %dot_general3A_88 = arith.constant dense<0.000000e+00> : vector<1024x256xf32>
    %dot_general3A_89 = tpu.matmul %convert_element_type3A_84, %get3A_87, %dot_general3A_88 {dimension_numbers = #tpu.dot_dimension_numbers<[1], [0], [0], [1], [0, 0, 1, 1], [], []>, transpose_lhs_hint = false} : vector<1024x256xbf16>, vector<256x256xbf16>, vector<1024x256xf32> -> vector<1024x256xf32>
    %add3A_90 = arith.addf %add3A_71, %dot_general3A_89 : vector<1024x256xf32>
    %get3A_91 = arith.constant 0 : index
    %get3A_92 = arith.constant 0 : index
    %get3A_93 = vector.load %arg6[%get3A_91, %get3A_92] : memref<1024x128xi32, #tpu.memory_space<vmem>>, vector<1024x128xi32>
    %shift_left3A_94 = arith.constant 16 : i32
    %shift_left3A_95 = vector.broadcast %shift_left3A_94 : i32 to vector<1024x128xi32>
    %shift_left3A_96 = arith.shli %get3A_93, %shift_left3A_95 : vector<1024x128xi32>
    %bitcast_convert_type3A_97 = tpu.bitcast %shift_left3A_96 : vector<1024x128xi32> -> vector<1024x128xf32>
    %and3A_98 = arith.constant -65536 : i32
    %and3A_99 = vector.broadcast %and3A_98 : i32 to vector<1024x128xi32>
    %and3A_100 = arith.andi %get3A_93, %and3A_99 : vector<1024x128xi32>
    %bitcast_convert_type3A_101 = tpu.bitcast %and3A_100 : vector<1024x128xi32> -> vector<1024x128xf32>
    %concatenate3A_102 = tpu.concatenate %bitcast_convert_type3A_97, %bitcast_convert_type3A_101 in 1 : vector<1024x128xf32>, vector<1024x128xf32> -> vector<1024x256xf32>
    %convert_element_type3A_103 = arith.truncf %concatenate3A_102 : vector<1024x256xf32> to vector<1024x256xbf16>
    %get3A_104 = arith.constant 1280 : index
    %get3A_105 = arith.constant 0 : index
    %get3A_106 = vector.load %arg7[%get3A_104, %get3A_105] : memref<1536x256xbf16, #tpu.memory_space<vmem>>, vector<256x256xbf16>
    %dot_general3A_107 = arith.constant dense<0.000000e+00> : vector<1024x256xf32>
    %dot_general3A_108 = tpu.matmul %convert_element_type3A_103, %get3A_106, %dot_general3A_107 {dimension_numbers = #tpu.dot_dimension_numbers<[1], [0], [0], [1], [0, 0, 1, 1], [], []>, transpose_lhs_hint = false} : vector<1024x256xbf16>, vector<256x256xbf16>, vector<1024x256xf32> -> vector<1024x256xf32>
    %add3A_109 = arith.addf %add3A_90, %dot_general3A_108 : vector<1024x256xf32>
    %max3A = arith.constant 0.000000e+00 : f32
    %max3A_110 = vector.broadcast %max3A : f32 to vector<1024x256xf32>
    %max3A_111 = arith.maximumf %add3A_109, %max3A_110 : vector<1024x256xf32>
    %convert_element_type3A_112 = arith.truncf %max3A_111 : vector<1024x256xf32> to vector<1024x256xbf16>
    %get3A_113 = arith.constant 0 : index
    %get3A_114 = arith.constant 0 : index
    %get3A_115 = vector.load %arg9[%get3A_113, %get3A_114] : memref<1024x256xbf16, #tpu.memory_space<vmem>>, vector<256x256xbf16>
    %dot_general3A_116 = arith.constant dense<0.000000e+00> : vector<1024x256xf32>
    %dot_general3A_117 = tpu.matmul %convert_element_type3A_112, %get3A_115, %dot_general3A_116 {dimension_numbers = #tpu.dot_dimension_numbers<[1], [0], [0], [1], [0, 0, 1, 1], [], []>, transpose_lhs_hint = false} : vector<1024x256xbf16>, vector<256x256xbf16>, vector<1024x256xf32> -> vector<1024x256xf32>
    %get3A_118 = arith.constant 0 : index
    %get3A_119 = arith.constant 0 : index
    %get3A_120 = vector.load %arg10[%get3A_118, %get3A_119] : memref<4x256xf32, #tpu.memory_space<vmem>>, vector<1x256xf32>
    %add3A_121 = vector.broadcast %get3A_120 : vector<1x256xf32> to vector<1024x256xf32>
    %add3A_122 = arith.addf %dot_general3A_117, %add3A_121 : vector<1024x256xf32>
    %convert_element_type3A_123 = arith.truncf %add3A_122 : vector<1024x256xf32> to vector<1024x256xbf16>
    %get3A_124 = arith.constant 256 : index
    %get3A_125 = arith.constant 0 : index
    %get3A_126 = vector.load %arg9[%get3A_124, %get3A_125] : memref<1024x256xbf16, #tpu.memory_space<vmem>>, vector<256x256xbf16>
    %dot_general3A_127 = arith.constant dense<0.000000e+00> : vector<1024x256xf32>
    %dot_general3A_128 = tpu.matmul %convert_element_type3A_123, %get3A_126, %dot_general3A_127 {dimension_numbers = #tpu.dot_dimension_numbers<[1], [0], [0], [1], [0, 0, 1, 1], [], []>, transpose_lhs_hint = false} : vector<1024x256xbf16>, vector<256x256xbf16>, vector<1024x256xf32> -> vector<1024x256xf32>
    %get3A_129 = arith.constant 1 : index
    %get3A_130 = arith.constant 0 : index
    %get3A_131 = vector.load %arg10[%get3A_129, %get3A_130] : memref<4x256xf32, #tpu.memory_space<vmem>>, vector<1x256xf32>
    %add3A_132 = vector.broadcast %get3A_131 : vector<1x256xf32> to vector<1024x256xf32>
    %add3A_133 = arith.addf %dot_general3A_128, %add3A_132 : vector<1024x256xf32>
    %max3A_134 = arith.constant 0.000000e+00 : f32
    %max3A_135 = vector.broadcast %max3A_134 : f32 to vector<1024x256xf32>
    %max3A_136 = arith.maximumf %add3A_133, %max3A_135 : vector<1024x256xf32>
    %convert_element_type3A_137 = arith.truncf %max3A_136 : vector<1024x256xf32> to vector<1024x256xbf16>
    %get3A_138 = arith.constant 512 : index
    %get3A_139 = arith.constant 0 : index
    %get3A_140 = vector.load %arg9[%get3A_138, %get3A_139] : memref<1024x256xbf16, #tpu.memory_space<vmem>>, vector<256x256xbf16>
    %dot_general3A_141 = arith.constant dense<0.000000e+00> : vector<1024x256xf32>
    %dot_general3A_142 = tpu.matmul %convert_element_type3A_137, %get3A_140, %dot_general3A_141 {dimension_numbers = #tpu.dot_dimension_numbers<[1], [0], [0], [1], [0, 0, 1, 1], [], []>, transpose_lhs_hint = false} : vector<1024x256xbf16>, vector<256x256xbf16>, vector<1024x256xf32> -> vector<1024x256xf32>
    %get3A_143 = arith.constant 2 : index
    %get3A_144 = arith.constant 0 : index
    %get3A_145 = vector.load %arg10[%get3A_143, %get3A_144] : memref<4x256xf32, #tpu.memory_space<vmem>>, vector<1x256xf32>
    %add3A_146 = vector.broadcast %get3A_145 : vector<1x256xf32> to vector<1024x256xf32>
    %add3A_147 = arith.addf %dot_general3A_142, %add3A_146 : vector<1024x256xf32>
    %max3A_148 = arith.constant 0.000000e+00 : f32
    %max3A_149 = vector.broadcast %max3A_148 : f32 to vector<1024x256xf32>
    %max3A_150 = arith.maximumf %add3A_147, %max3A_149 : vector<1024x256xf32>
    %convert_element_type3A_151 = arith.truncf %max3A_150 : vector<1024x256xf32> to vector<1024x256xbf16>
    %get3A_152 = arith.constant 768 : index
    %get3A_153 = arith.constant 0 : index
    %get3A_154 = vector.load %arg9[%get3A_152, %get3A_153] : memref<1024x256xbf16, #tpu.memory_space<vmem>>, vector<256x256xbf16>
    %dot_general3A_155 = arith.constant dense<0.000000e+00> : vector<1024x256xf32>
    %dot_general3A_156 = tpu.matmul %convert_element_type3A_151, %get3A_154, %dot_general3A_155 {dimension_numbers = #tpu.dot_dimension_numbers<[1], [0], [0], [1], [0, 0, 1, 1], [], []>, transpose_lhs_hint = false} : vector<1024x256xbf16>, vector<256x256xbf16>, vector<1024x256xf32> -> vector<1024x256xf32>
    %get3A_157 = arith.constant 3 : index
    %get3A_158 = arith.constant 0 : index
    %get3A_159 = vector.load %arg10[%get3A_157, %get3A_158] : memref<4x256xf32, #tpu.memory_space<vmem>>, vector<1x256xf32>
    %add3A_160 = vector.broadcast %get3A_159 : vector<1x256xf32> to vector<1024x256xf32>
    %add3A_161 = arith.addf %dot_general3A_156, %add3A_160 : vector<1024x256xf32>
    %max3A_162 = arith.constant 0.000000e+00 : f32
    %max3A_163 = vector.broadcast %max3A_162 : f32 to vector<1024x256xf32>
    %max3A_164 = arith.maximumf %add3A_161, %max3A_163 : vector<1024x256xf32>
    %convert_element_type3A_165 = arith.truncf %max3A_164 : vector<1024x256xf32> to vector<1024x256xbf16>
    %get3A_166 = arith.constant 0 : index
    %get3A_167 = arith.constant 0 : index
    %get3A_168 = vector.load %arg11[%get3A_166, %get3A_167] : memref<1x256xbf16, #tpu.memory_space<vmem>>, vector<1x256xbf16>
    %dot_general3A_169 = arith.constant dense<0.000000e+00> : vector<1x1024xf32>
    %dot_general3A_170 = tpu.matmul %get3A_168, %convert_element_type3A_165, %dot_general3A_169 {dimension_numbers = #tpu.dot_dimension_numbers<[1], [1], [0], [0], [0, 0, 1, 0], [], []>, transpose_lhs_hint = false} : vector<1x256xbf16>, vector<1024x256xbf16>, vector<1x1024xf32> -> vector<1x1024xf32>
    %get3A_171 = arith.constant 0 : index
    %get3A_172 = arith.constant 0 : index
    %get3A_173 = vector.load %arg12[%get3A_171, %get3A_172] : memref<1x1xf32, #tpu.memory_space<vmem>>, vector<1x1xf32>
    %add3A_174 = vector.broadcast %get3A_173 : vector<1x1xf32> to vector<1x1024xf32>
    %add3A_175 = arith.addf %dot_general3A_170, %add3A_174 : vector<1x1024xf32>
    %jit3A = arith.constant 2 : i32
    %div3A = arith.divsi %arg0, %jit3A : i32
    %sign3A = arith.constant 0 : i32
    %sign3A_176 = arith.cmpi sgt, %arg0, %sign3A : i32
    %sign3A_177 = arith.extui %sign3A_176 : i1 to i32
    %sign3A_178 = arith.constant 0 : i32
    %sign3A_179 = arith.cmpi slt, %arg0, %sign3A_178 : i32
    %sign3A_180 = arith.extui %sign3A_179 : i1 to i32
    %sign3A_181 = arith.subi %sign3A_177, %sign3A_180 : i32
    %sign3A_182 = arith.constant 0 : i32
    %sign3A_183 = arith.cmpi sgt, %jit3A, %sign3A_182 : i32
    %sign3A_184 = arith.extui %sign3A_183 : i1 to i32
    %sign3A_185 = arith.constant 0 : i32
    %sign3A_186 = arith.cmpi slt, %jit3A, %sign3A_185 : i32
    %sign3A_187 = arith.extui %sign3A_186 : i1 to i32
    %sign3A_188 = arith.subi %sign3A_184, %sign3A_187 : i32
    %ne3A = arith.cmpi ne, %sign3A_181, %sign3A_188 : i32
    %rem3A = arith.remsi %arg0, %jit3A : i32
    %ne3A_189 = arith.constant 0 : i32
    %ne3A_190 = arith.cmpi ne, %rem3A, %ne3A_189 : i32
    %and3A_191 = arith.andi %ne3A, %ne3A_190 : i1
    %sub3A = arith.constant 1 : i32
    %sub3A_192 = arith.subi %div3A, %sub3A : i32
    %select_n3A = arith.select %and3A_191, %sub3A_192, %div3A : i32
    %jit3A_193 = arith.constant 2 : i32
    %eq3A = arith.constant 0 : i32
    %eq3A_194 = arith.cmpi eq, %jit3A_193, %eq3A : i32
    %jit3A_195 = arith.constant 1 : i32
    %select_n3A_196 = arith.select %eq3A_194, %jit3A_195, %jit3A_193 : i32
    %rem3A_197 = arith.remsi %arg0, %select_n3A_196 : i32
    %ne3A_198 = arith.constant 0 : i32
    %ne3A_199 = arith.cmpi ne, %rem3A_197, %ne3A_198 : i32
    %lt3A = arith.constant 0 : i32
    %lt3A_200 = arith.cmpi slt, %rem3A_197, %lt3A : i32
    %lt3A_201 = arith.constant 0 : i32
    %lt3A_202 = arith.cmpi slt, %select_n3A_196, %lt3A_201 : i32
    %ne3A_203 = arith.xori %lt3A_200, %lt3A_202 : i1
    %and3A_204 = arith.andi %ne3A_203, %ne3A_199 : i1
    %add3A_205 = arith.addi %rem3A_197, %select_n3A_196 : i32
    %select_n3A_206 = arith.select %and3A_204, %add3A_205, %rem3A_197 : i32
    %mul3A = arith.constant 1024 : i32
    %mul3A_207 = arith.muli %select_n3A_206, %mul3A : i32
    %swap3A = arith.index_cast %select_n3A : i32 to index
    %swap3A_208 = arith.index_cast %mul3A_207 : i32 to index
    %swap3A_209 = vector.load %arg13[%swap3A, %swap3A_208] : memref<4x2048xf32, #tpu.memory_space<vmem>>, vector<1x1024xf32>
    tpu.vector_store %arg13[%swap3A, %swap3A_208], %add3A_175 {strides = array<i32>} : memref<4x2048xf32, #tpu.memory_space<vmem>>, vector<1x1024xf32>,
    return
  }
  func.func @transform_0(%arg0: i32) -> (i32, i32) {
    %c0_i32 = arith.constant 0 : i32
    %c0_i32_0 = arith.constant 0 : i32
    return %arg0, %c0_i32 : i32, i32
  }
  func.func @transform_1(%arg0: i32) -> (i32, i32) {
    %c0_i32 = arith.constant 0 : i32
    %c0_i32_0 = arith.constant 0 : i32
    return %arg0, %c0_i32 : i32, i32
  }
  func.func @transform_2(%arg0: i32) -> (i32, i32) {
    %c0_i32 = arith.constant 0 : i32
    %c0_i32_0 = arith.constant 0 : i32
    return %arg0, %c0_i32 : i32, i32
  }
  func.func @transform_3(%arg0: i32) -> (i32, i32) {
    %c0_i32 = arith.constant 0 : i32
    %c0_i32_0 = arith.constant 0 : i32
    return %arg0, %c0_i32 : i32, i32
  }
  func.func @transform_4(%arg0: i32) -> (i32, i32) {
    %c0_i32 = arith.constant 0 : i32
    %c0_i32_0 = arith.constant 0 : i32
    return %arg0, %c0_i32 : i32, i32
  }
  func.func @transform_5(%arg0: i32) -> (i32, i32) {
    %c0_i32 = arith.constant 0 : i32
    %c0_i32_0 = arith.constant 0 : i32
    return %arg0, %c0_i32 : i32, i32
  }
  func.func @transform_6(%arg0: i32) -> (i32, i32) {
    %c0_i32 = arith.constant 0 : i32
    %c0_i32_0 = arith.constant 0 : i32
    %c0_i32_1 = arith.constant 0 : i32
    return %c0_i32, %c0_i32_0 : i32, i32
  }
  func.func @transform_7(%arg0: i32) -> (i32, i32) {
    %c0_i32 = arith.constant 0 : i32
    %c0_i32_0 = arith.constant 0 : i32
    %c0_i32_1 = arith.constant 0 : i32
    return %c0_i32, %c0_i32_0 : i32, i32
  }
  func.func @transform_8(%arg0: i32) -> (i32, i32) {
    %c0_i32 = arith.constant 0 : i32
    %c0_i32_0 = arith.constant 0 : i32
    %c0_i32_1 = arith.constant 0 : i32
    return %c0_i32, %c0_i32_0 : i32, i32
  }
  func.func @transform_9(%arg0: i32) -> (i32, i32) {
    %c0_i32 = arith.constant 0 : i32
    %c0_i32_0 = arith.constant 0 : i32
    %c0_i32_1 = arith.constant 0 : i32
    return %c0_i32, %c0_i32_0 : i32, i32
  }
  func.func @transform_10(%arg0: i32) -> (i32, i32) {
    %c0_i32 = arith.constant 0 : i32
    %c0_i32_0 = arith.constant 0 : i32
    %c0_i32_1 = arith.constant 0 : i32
    return %c0_i32, %c0_i32_0 : i32, i32
  }
  func.func @transform_11(%arg0: i32) -> (i32, i32) {
    %c0_i32 = arith.constant 0 : i32
    %c0_i32_0 = arith.constant 0 : i32
    %c0_i32_1 = arith.constant 0 : i32
    return %c0_i32, %c0_i32_0 : i32, i32
  }
  func.func @transform_12(%arg0: i32) -> (i32, i32) {
    %c0_i32 = arith.constant 0 : i32
    %c0_i32_0 = arith.constant 0 : i32
    %c0_i32_1 = arith.constant 0 : i32
    return %c0_i32, %c0_i32_0 : i32, i32
  }
}

</mosaic_0001>

<sc_bundles>
// kernel: kernel.11.cloned.1.call-start
scs
__scs_entry_jumppad:
0x0: {  	(pc) =	sbr.rel $0x88, $3  }
0x1: {  	(tag) =	ssettag $0x0;
	lr =	simm.s32 $0x1  }
0x2: {  	[smem:$0x3F8D] =	sst lr;
	_ =	strace $0xD0000000  }
0x3: {  	_ = 	snop  }
0x4: {  	_ = 	snop  }
0x5: {  	_ = 	snop  }
0x6: {  	_ = 	snop  }
0x7: {  	_ = 	snop  }
__scs_overlays_trampoline_lowered:
0x8: {  	[smem:$0x3F9C] =	sst s0  }
0x9: {  	[smem:$0x3F9D] =	sst s1  }
0xa: {  	[smem:$0x3F9E] =	sst s2  }
0xb: {  	[smem:$0x3F9F] =	sst s3  }
0xc: {  	[smem:$0x3FA0] =	sst s4  }
0xd: {  	[smem:$0x3FA1] =	sst s5  }
0xe: {  	[smem:$0x3FA2] =	sst s6  }
0xf: {  	[smem:$0x3FA3] =	sst s7  }
0x10: {  	[smem:$0x3FA4] =	sst s8  }
0x11: {  	[smem:$0x3FA5] =	sst s9;
	s0 =	simm.s32 @!p0 $0x0  }
0x12: {  	s1 =	sld [smem:$0x3F8B];
	s0 =	simm.s32 @p0 $0x1  }
0x13: {  	[smem:$0x3FA6] =	sst s0;
	s0 =	simm.s32 @!p1 $0x0  }
0x14: {  	s2 =	sld [smem:$0x3F8A];
	s0 =	simm.s32 @p1 $0x1  }
0x15: {  	[smem:$0x3FA7] =	sst s0;
	s0 =	simm.s32 @!p2 $0x0  }
0x16: {  	s3 =	sld [smem:$0x3FDB];
	s0 =	simm.s32 @p2 $0x1  }
0x17: {  	s4 =	simm.s32 $0x1BF5;
	[smem:$0x3FA9] =	sst s0  }
0x18: {  	s0 =	sld [smem:$0x3F8C];
	_ =	swait.ge [sflag:s4], $0x0  }
0x19: {  	s7 =	sld [smem:$0x3F8D]  }
0x1a: {  	s8 =	sadd.s32 $0xFFFFE003, lr  }
0x1b: {  	s9 =	sadd.s32 $0xFFFFFEF7, lr;
	s5 =	simm.s32 $0xFFFFFFFF;
	p2 =	slt.u32 s8, $0xFFFFF086  }
0x1c: {  	p1 =	slt.u32 s9, $0xF7A;
	s5 =	simm.s32 @!p2 $0x0  }
0x1d: {  	s5 =	simm.s32 @p1 $0x1;
	p0 =	seq.s32 s7, s2  }
0x1e: {  	s7 =	smul.u32 @!p0 $0xF7A, s2;
	p2 =	seq.s32 @!p0 s5, $0x0  }
0x1f: {  	s9 =	smul.u32 $0xF7A, s1;
	s8 =	simm.s32 @!p0 $0x1BF5;
	p2 =	por !p2, p0  }
0x20: {  	[sflag:s8] =	ssyncset.s32 @!p0 $0xFFFFF086;
	s6 =	sadd.s32 @!p0 s3, s7;
	s7 =	simm.s32 @!p0 $0x108  }
0x21: {  	s3 =	sadd.s32 s3, s9;
	s6 =	sadd.s32 @!p0 $0x88, s6;
	s7 =	simm.s32 @p2 $0x1082  }
0x22: {  	[simem:s7], [sflag:s8] =	dma.local @!p0 [hbm:s6], $0xF7A  }
0x23: {  	s9 =	sor.u32 $0xD0000000, s2;
	s6 =	simm.s32 $0x108;
	_ =	swait.ge @!p0 [sflag:s8], $0x0  }
0x24: {  	s3 =	sadd.s32 $0x88, s3;
	s6 =	simm.s32 @!p1 $0x1082;
	[sflag:s4] =	ssyncset.s32 $0xFFFFF086  }
0x25: {  	[simem:s6], [sflag:s4] =	dma.local [hbm:s3], $0xF7A  }
0x26: {  	[smem:$0x3F8D] =	sst s1;
	(tag) =	ssettag s2;
	_ =	strace s9  }
0x27: {  	s1 =	sld [smem:$0x3F9D]  }
0x28: {  	s2 =	sld [smem:$0x3F9E]  }
0x29: {  	s4 =	sld [smem:$0x3FA0]  }
0x2a: {  	p0 =	seq.s32 s5, $0x0;
	s5 =	sld [smem:$0x3FA1]  }
0x2b: {  	s6 =	sld [smem:$0x3FA2]  }
0x2c: {  	s7 =	sld [smem:$0x3FA3]  }
0x2d: {  	s3 =	simm.s32 $0x108;
	s8 =	sld [smem:$0x3FA4]  }
0x2e: {  	s3 =	simm.s32 @!p0 $0x1082;
	s9 =	sld [smem:$0x3FA5]  }
0x2f: {  	lr =	sadd.s32 s0, s3;
	s0 =	sld [smem:$0x3F9C]  }
0x30: {  	s3 =	sld [smem:$0x3F9F]  }
0x31: {  	[smem:$0x3FA8] =	sst s10  }
0x32: {  	s10 =	sld [smem:$0x3FA6];
	_ =	sdelay $0x3  }
0x33: {  	p0 =	seq.s32 s10, $0x1;
	s10 =	sld [smem:$0x3FA8];
	_ =	sdelay $0x3  }
0x34: {  	[smem:$0x3FA8] =	sst s10  }
0x35: {  	s10 =	sld [smem:$0x3FA7];
	_ =	sdelay $0x3  }
0x36: {  	p1 =	seq.s32 s10, $0x1;
	s10 =	sld [smem:$0x3FA8];
	_ =	sdelay $0x3  }
0x37: {  	[smem:$0x3FA8] =	sst s10  }
0x38: {  	s10 =	sld [smem:$0x3FA9]  }
0x39: {  	_ = 	snop;
	(pc) =	sbr.ind lr, $3  }
0x3a: {  	_ = 	snop  }
0x3b: {  	_ = 	snop  }
0x3c: {  	p2 =	seq.s32 s10, $0x1;
	s10 =	sld [smem:$0x3FA8]  }
0x3d: {  	_ =	shalt  }
0x3e: {  	_ =	shalt  }
0x3f: {  	_ =	shalt  }
0x40: {  	_ =	shalt  }
0x41: {  	_ =	shalt  }
0x42: {  	_ =	shalt  }
0x43: {  	_ =	shalt  }
0x44: {  	_ =	shalt  }
0x45: {  	_ =	shalt  }
0x46: {  	_ =	shalt  }
0x47: {  	_ =	shalt  }
0x48: {  	_ =	shalt  }
0x49: {  	_ =	shalt  }
0x4a: {  	_ =	shalt  }
0x4b: {  	_ =	shalt  }
0x4c: {  	_ =	shalt  }
0x4d: {  	_ =	shalt  }
0x4e: {  	_ =	shalt  }
0x4f: {  	_ =	shalt  }
0x50: {  	_ =	shalt  }
0x51: {  	_ =	shalt  }
0x52: {  	_ =	shalt  }
0x53: {  	_ =	shalt  }
0x54: {  	_ =	shalt  }
0x55: {  	_ =	shalt  }
0x56: {  	_ =	shalt  }
0x57: {  	_ =	shalt  }
0x58: {  	_ =	shalt  }
0x59: {  	_ =	shalt  }
0x5a: {  	_ =	shalt  }
0x5b: {  	_ =	shalt  }
0x5c: {  	_ =	shalt  }
0x5d: {  	_ =	shalt  }
0x5e: {  	_ =	shalt  }
0x5f: {  	_ =	shalt  }
0x60: {  	_ =	shalt  }
0x61: {  	_ =	shalt  }
0x62: {  	_ =	shalt  }
0x63: {  	_ =	shalt  }
0x64: {  	_ =	shalt  }
0x65: {  	_ =	shalt  }
0x66: {  	_ =	shalt  }
0x67: {  	_ =	shalt  }
0x68: {  	_ =	shalt  }
0x69: {  	_ =	shalt  }
0x6a: {  	_ =	shalt  }
0x6b: {  	_ =	shalt  }
0x6c: {  	_ =	shalt  }
0x6d: {  	_ =	shalt  }
0x6e: {  	_ =	shalt  }
0x6f: {  	_ =	shalt  }
0x70: {  	_ =	shalt  }
0x71: {  	_ =	shalt  }
0x72: {  	_ =	shalt  }
0x73: {  	_ =	shalt  }
0x74: {  	_ =	shalt  }
0x75: {  	_ =	shalt  }
0x76: {  	_ =	shalt  }
0x77: {  	_ =	shalt  }
0x78: {  	_ =	shalt  }
0x79: {  	_ =	shalt  }
0x7a: {  	_ =	shalt  }
0x7b: {  	_ =	shalt  }
0x7c: {  	_ =	shalt  }
0x7d: {  	_ =	shalt  }
0x7e: {  	_ =	shalt  }
0x7f: {  	_ =	shalt  }
0x80: {  	_ =	shalt  }
0x81: {  	_ =	shalt  }
0x82: {  	_ =	shalt  }
0x83: {  	_ =	shalt  }
0x84: {  	_ =	shalt  }
0x85: {  	_ =	shalt  }
0x86: {  	_ =	shalt  }
0x87: {  	_ =	shalt  }
.Lfunc_end0:
.L_simem_size_0:
called_computation_lowered:
.L_overlay_start_0:
0x88: {  	s2 =	sld [smem:$0x3FD9]  }
0x89: {  	s3 =	sld [smem:$0x3FFE];
	_ =	sdelay $0x1  }
0x8a: {  	s1 =	srdreg.scid  }
0x8b: {  	s0 =	sand.u32 $0x1, s1  }
0x8c: {  	s17 =	sshll.u32 s0, $0xA;
	s2 =	sadd.s32 s3, s2  }
0x8d: {  	s2 =	sadd.s32 s2, s17  }
0x8e: {  	[smem:$0x3FB4] =	sst s2  }
0x8f: {  	_ = 	snop  }
0x90: {  	(tm) =	ssettm $0x1  }
0x91: {  	s18 =	sld [smem:$0x3FFB];
	_ =	sdelay $0x3  }
0x92: {  	_ =	strace s18  }
0x93: {  	s2 =	sld [smem:$0x3FFC];
	_ =	sdelay $0x3  }
0x94: {  	_ =	strace s2  }
0x95: {  	s2 =	sld [smem:$0x3FFD];
	_ =	sdelay $0x3  }
0x96: {  	_ =	strace s2  }
0x97: {  	_ =	strace $0x8FFFFFFF  }
0x98: {  	s19 =	sld [smem:$0x3FDB];
	_ =	sdelay $0x1  }
0x99: {  	s20 =	simm.s32 $_scs_section_size  }
0x9a: {  	s4 =	simm.s32 $_size__tile_overlayer_lowered;
	s5 =	simm.s32 $_tile_overlayer_lowered  }
0x9b: {  	s6 =	simm.s32 $0x1BFF;
	s21 =	sshll.u32 s5, $0x1;
	s3 =	sadd.s32 s20, s19  }
0x9c: {  	s22 =	simm.s32 $0x0;
	s4 =	sshll.u32 s4, $0x1;
	s5 =	sadd.s32 s21, s3  }
0x9d: {  	[timem:s22], [sflag:s6] =	dma.local [hbm:s5], s4  }
0x9e: {  	_ =	swait.ge [sflag:s6], s4  }
0x9f: {  	s4 =	ssub.s32 $0x0, s4;
	[sflag:s6] =	ssyncset.done $0x0  }
0xa0: {  	[sflag:s6] =	ssyncadd.s32 s4;
	_ =	sdelay $0x1  }
0xa1: {  	s23 =	simm.s32 $0x1B8B  }
0xa2: {  	_ =	swait.ge [sflag:s23], $0x1  }
0xa3: {  	[sflag:s23] =	ssyncset.done $0x0  }
0xa4: {  	[sflag:s23] =	ssyncadd.s32 $0xFFFFFFFF  }
0xa5: {  	s4 =	sld [smem:$0x0]  }
0xa6: {  	s5 =	sand.u32 $0xFFFFFFFE, s1  }
0xa7: {  	p0 =	sne.s32 s1, s5  }
0xa8: {  	s5 =	sshll.u32 @p0 s5, $0xE  }
0xa9: {  	s5 =	sadd.s32 @p0 $0x11B8D, s5;
	s6 =	sshll.u32 @p0 s4, $0x11  }
0xaa: {  	s5 =	sor.u32 @p0 s6, s5  }
0xab: {  	[sflag:s5] =	ssyncadd.remote.s32 @p0 $0x1;
	_ =	sdelay $0x1  }
0xac: {  	s5 =	simm.s32 @p0 $0x1B8D  }
0xad: {  	_ =	swait.eq @p0 [sflag:s5], $0x1  }
0xae: {  	[sflag:s5] =	ssyncadd.s32 @p0 $0xFFFFFFFF  }
0xaf: {  	s6 =	sshll.u32 @!p0 s1, $0xE  }
0xb0: {  	s6 =	sor.u32 @!p0 $0x4000, s6;
	s5 =	simm.s32 @!p0 $0x1B8D  }
0xb1: {  	s4 =	sshll.u32 @!p0 s4, $0x11;
	s6 =	sadd.s32 @!p0 $0x11B8D, s6;
	_ =	swait.eq @!p0 [sflag:s5], $0x1  }
0xb2: {  	s4 =	sor.u32 @!p0 s4, s6;
	[sflag:s5] =	ssyncadd.s32 @!p0 $0xFFFFFFFF  }
0xb3: {  	s25 =	simm.s32 $0x1B8E;
	s24 =	sld [smem:$0x3FFE];
	[sflag:s4] =	ssyncadd.remote.s32 @!p0 $0x1  }
0xb4: {  	s26 =	simm.s32 $execute0_lowered;
	[smem:$0x3FD2] =	sst s25  }
0xb5: {  	s5 =	sshll.u32 s26, $0x1;
	_ =	strace $0x80000049;
	[dreg:$0x1] =	wrdreg $0xFFFFFFFF  }
0xb6: {  	s28 =	simm.s32 $_size_execute0_lowered;
	s3 =	sadd.s32 s3, s5;
	[dreg:$0x0] =	wrdreg $0x0  }
0xb7: {  	s5 =	sshll.u32 s28, $0x1;
	[dreg:$0x2] =	wrdreg s3  }
0xb8: {  	[dreg:$0x3] =	wrdreg s5  }
0xb9: {  	[dreg:$0x4] =	wrdreg $0xC0  }
0xba: {  	_ =	task [dreg:s22], $0x5FFFF  }
0xbb: {  	[dreg:$0x1] =	wrdreg $0xFFFFFFFF  }
0xbc: {  	[dreg:$0x0] =	wrdreg $0x60  }
0xbd: {  	[dreg:$0x2] =	wrdreg s24  }
0xbe: {  	[dreg:$0x3] =	wrdreg $0x9  }
0xbf: {  	_ =	task.clear_ibuf [dreg:s22], $0x4FFFF;
	_ =	strace $0x90000049  }
0xc0: {  	s29 =	simm.s32 $0x9;
	_ =	strace $0x8000004B  }
0xc1: {  	_ =	swait.ge [sflag:s29], $0x1  }
0xc2: {  	[sflag:s29] =	ssyncadd.s32 $0xFFFFFFFF  }
0xc3: {  	_ =	strace $0x9000004B  }
0xc4: {  	_ =	sfence  }
0xc5: {  	s30 =	sld [smem:$0x0];
	_ =	sdelay $0x2  }
0xc6: {  	s31 =	sshll.u32 s1, $0xD;
	s1 =	sshrl.u32 s1, $0x2  }
0xc7: {  	s4 =	sand.u32 $0x4000, s31;
	s1 =	sadd.s32 s1, s30  }
0xc8: {  	s0 =	sor.u32 s4, s0;
	s1 =	sshll.u32 s1, $0x11  }
0xc9: {  	s0 =	sor.u32 s1, s0  }
0xca: {  	s0 =	sadd.s32 $0x8F2B, s0  }
0xcb: {  	[sflag:s0] =	ssyncadd.remote.s32 $0x1  }
0xcc: {  	_ =	sfence.sel $0xFFFF  }
0xcd: {  	[dreg:$0x0] =	wrdreg $0xFFFFFFFF;
	(pc) =	sbr.abs _section_cstart, $3  }
0xce: {  	[dreg:$0x1] =	wrdreg $0xFFFFFFFF  }
0xcf: {  	_ =	task.clear_ibuf [dreg:s22], $0x2FFFF;
	_ =	strace $0x9FFFFFFF  }
0xd0: {  	(tm) =	ssettm $0x7FFFFFFF  }
0xd1: {  	_ =	shalt  }
tec
execute0_lowered:
.L_overlay_start_1:
0x0: {  	(tag) =	ssettag $0x1  }
0x1: {  	s1 =	srdreg.scid  }
0x2: {  	s0 =	stileid.u32;
	s1 =	sand.u32 $0x1, s1  }
0x3: {  	s2 =	sshll.u32 s0, $0xA;
	s3 =	sshll.u32 s1, $0x9  }
0x4: {  	s9 =	sor.u32 s3, s2  }
0x5: {  	s28 =	rddreg [dreg:$0x0];
	s3 =	sshrl.u32 s9, $0x3  }
0x6: {  	s2 =	simm.s32 $0x0;
	s26 =	sadd.s32 s3, s28  }
0x7: {  	[smem:$0x7FF] =	sst s2;
	s3 =	sadd.s32 $0x6600, s26  }
0x8: {  	_ =	strace $0x8000004A;
	[dreg:$0x2] =	wrdreg s3  }
0x9: {  	s3 =	simm.s32 $0x3;
	s4 =	rddreg [dreg:$0x2]  }
0xa: {  	[tilespmem:s2], [sflag:$0x3] =	stream.linear.gather [hbm4b:s4+s2], $0x200, $0x38;
	[tilespmem:$0x8200] =	vst v63  }
0xb: {  	_ =	swait.ge [sflag:s3], $0x200  }
0xc: {  	s5 =	simm.s32 $0x80;
	[sflag:s3] =	ssyncset.done $0x0  }
0xd: {  	s6 =	simm.s32 $0x200;
	s4 =	sadd.s32 $0xA600, s28;
	[sflag:s3] =	ssyncadd.s32 $0xFFFFFE00  }
0xe: {  	[tilespmem:s6], [sflag:$0x1] =	stream.indirect.gather [hbm4b:s4+s5], $0x80, s2, s5, $0xb8;
	[tilespmem:$0x8200] =	vst v63  }
0xf: {  	s7 =	simm.s32 $0x4200;
	s8 =	simm.s32 $0x1  }
0x10: {  	[tilespmem:s7], [sflag:$0x2] =	stream.indirect.gather [hbm4b:s4+s5], $0x80, s5, s5, $0xb8;
	[tilespmem:$0x8200] =	vst v63  }
0x11: {  	_ =	swait.ge [sflag:s8], $0x4000  }
0x12: {  	s15 =	sadd.s32 $0x30A600, s28;
	s29 =	sshll.u32 s9, $0x4;
	[sflag:s8] =	ssyncset.done $0x0  }
0x13: {  	s9 =	sadd.s32 s15, s29;
	[sflag:s8] =	ssyncadd.s32 $0xFFFFC000  }
0x14: {  	[hbm4b:s9+s2] =	stream.linear.scatter [tilespmem:s6], [sflag:$0x3], $0x4000, $0x38;
	[tilespmem:$0x8200] =	vst v63  }
0x15: {  	_ =	swait.ge [sflag:s3], $0x4000  }
0x16: {  	[sflag:s3] =	ssyncset.done $0x0  }
0x17: {  	s10 =	simm.s32 $0x100;
	s11 =	simm.s32 $0x2;
	[sflag:s3] =	ssyncadd.s32 $0xFFFFC000  }
0x18: {  	[tilespmem:s6], [sflag:$0x1] =	stream.indirect.gather [hbm4b:s4+s5], $0x80, s10, s5, $0xb8;
	[tilespmem:$0x8200] =	vst v63  }
0x19: {  	_ =	swait.ge [sflag:s11], $0x4000  }
0x1a: {  	s30 =	sor.u32 $0x800, s29;
	[sflag:s11] =	ssyncset.done $0x0  }
0x1b: {  	s12 =	sadd.s32 s15, s30;
	[sflag:s11] =	ssyncadd.s32 $0xFFFFC000  }
0x1c: {  	[hbm4b:s12+s2] =	stream.linear.scatter [tilespmem:s7], [sflag:$0x3], $0x4000, $0x38;
	[tilespmem:$0x8200] =	vst v63  }
0x1d: {  	_ =	swait.ge [sflag:s3], $0x4000  }
0x1e: {  	[sflag:s3] =	ssyncset.done $0x0  }
0x1f: {  	s13 =	simm.s32 $0x180;
	[sflag:s3] =	ssyncadd.s32 $0xFFFFC000  }
0x20: {  	[tilespmem:s7], [sflag:$0x2] =	stream.indirect.gather [hbm4b:s4+s5], $0x80, s13, s5, $0xb8;
	[tilespmem:$0x8200] =	vst v63  }
0x21: {  	_ =	swait.ge [sflag:s8], $0x4000  }
0x22: {  	[sflag:s8] =	ssyncset.done $0x0  }
0x23: {  	s14 =	sadd.s32 $0x1000, s9;
	[sflag:s8] =	ssyncadd.s32 $0xFFFFC000  }
0x24: {  	[hbm4b:s14+s2] =	stream.linear.scatter [tilespmem:s6], [sflag:$0x3], $0x4000, $0x38;
	[tilespmem:$0x8200] =	vst v63  }
0x25: {  	_ =	swait.ge [sflag:s3], $0x4000  }
0x26: {  	[sflag:s3] =	ssyncset.done $0x0  }
0x27: {  	[sflag:s3] =	ssyncadd.s32 $0xFFFFC000  }
0x28: {  	_ =	swait.ge [sflag:s11], $0x4000  }
0x29: {  	s0 =	sor.u32 $0x1800, s29;
	[sflag:s11] =	ssyncset.done $0x0  }
0x2a: {  	s15 =	sadd.s32 s15, s0;
	[sflag:s11] =	ssyncadd.s32 $0xFFFFC000  }
0x2b: {  	[hbm4b:s15+s2] =	stream.linear.scatter [tilespmem:s7], [sflag:$0x3], $0x4000, $0x38;
	[tilespmem:$0x8200] =	vst v63  }
0x2c: {  	_ =	swait.ge [sflag:s3], $0x4000  }
0x2d: {  	[sflag:s3] =	ssyncset.done $0x0  }
0x2e: {  	s16 =	sadd.s32 $0x7600, s26;
	[sflag:s3] =	ssyncadd.s32 $0xFFFFC000  }
0x2f: {  	[tilespmem:s2], [sflag:$0x3] =	stream.linear.gather [hbm4b:s16+s2], $0x200, $0x38;
	[tilespmem:$0x8200] =	vst v63  }
0x30: {  	_ =	swait.ge [sflag:s3], $0x200  }
0x31: {  	[sflag:s3] =	ssyncset.done $0x0  }
0x32: {  	[sflag:s3] =	ssyncadd.s32 $0xFFFFFE00  }
0x33: {  	[tilespmem:s6], [sflag:$0x1] =	stream.indirect.gather [hbm4b:s4+s5], $0x80, s2, s5, $0xb8;
	[tilespmem:$0x8200] =	vst v63  }
0x34: {  	_ = 	snop  }
0x35: {  	[tilespmem:s7], [sflag:$0x2] =	stream.indirect.gather [hbm4b:s4+s5], $0x80, s5, s5, $0xb8;
	[tilespmem:$0x8200] =	vst v63  }
0x36: {  	_ =	swait.ge [sflag:s8], $0x4000  }
0x37: {  	s20 =	sadd.s32 $0x34A600, s28;
	[sflag:s8] =	ssyncset.done $0x0  }
0x38: {  	s17 =	sadd.s32 s20, s29;
	[sflag:s8] =	ssyncadd.s32 $0xFFFFC000  }
0x39: {  	[hbm4b:s17+s2] =	stream.linear.scatter [tilespmem:s6], [sflag:$0x3], $0x4000, $0x38;
	[tilespmem:$0x8200] =	vst v63  }
0x3a: {  	_ =	swait.ge [sflag:s3], $0x4000  }
0x3b: {  	[sflag:s3] =	ssyncset.done $0x0  }
0x3c: {  	[sflag:s3] =	ssyncadd.s32 $0xFFFFC000  }
0x3d: {  	[tilespmem:s6], [sflag:$0x1] =	stream.indirect.gather [hbm4b:s4+s5], $0x80, s10, s5, $0xb8;
	[tilespmem:$0x8200] =	vst v63  }
0x3e: {  	_ =	swait.ge [sflag:s11], $0x4000  }
0x3f: {  	[sflag:s11] =	ssyncset.done $0x0  }
0x40: {  	s18 =	sadd.s32 s20, s30;
	[sflag:s11] =	ssyncadd.s32 $0xFFFFC000  }
0x41: {  	[hbm4b:s18+s2] =	stream.linear.scatter [tilespmem:s7], [sflag:$0x3], $0x4000, $0x38;
	[tilespmem:$0x8200] =	vst v63  }
0x42: {  	_ =	swait.ge [sflag:s3], $0x4000  }
0x43: {  	[sflag:s3] =	ssyncset.done $0x0  }
0x44: {  	[sflag:s3] =	ssyncadd.s32 $0xFFFFC000  }
0x45: {  	[tilespmem:s7], [sflag:$0x2] =	stream.indirect.gather [hbm4b:s4+s5], $0x80, s13, s5, $0xb8;
	[tilespmem:$0x8200] =	vst v63  }
0x46: {  	_ =	swait.ge [sflag:s8], $0x4000  }
0x47: {  	[sflag:s8] =	ssyncset.done $0x0  }
0x48: {  	s19 =	sadd.s32 $0x1000, s17;
	[sflag:s8] =	ssyncadd.s32 $0xFFFFC000  }
0x49: {  	[hbm4b:s19+s2] =	stream.linear.scatter [tilespmem:s6], [sflag:$0x3], $0x4000, $0x38;
	[tilespmem:$0x8200] =	vst v63  }
0x4a: {  	_ =	swait.ge [sflag:s3], $0x4000  }
0x4b: {  	[sflag:s3] =	ssyncset.done $0x0  }
0x4c: {  	[sflag:s3] =	ssyncadd.s32 $0xFFFFC000  }
0x4d: {  	_ =	swait.ge [sflag:s11], $0x4000  }
0x4e: {  	[sflag:s11] =	ssyncset.done $0x0  }
0x4f: {  	s20 =	sadd.s32 s20, s0;
	[dreg:$0x3] =	wrdreg s0;
	[sflag:s11] =	ssyncadd.s32 $0xFFFFC000  }
0x50: {  	[hbm4b:s20+s2] =	stream.linear.scatter [tilespmem:s7], [sflag:$0x3], $0x4000, $0x38;
	[tilespmem:$0x8200] =	vst v63  }
0x51: {  	_ =	swait.ge [sflag:s3], $0x4000  }
0x52: {  	[sflag:s3] =	ssyncset.done $0x0  }
0x53: {  	s21 =	sadd.s32 $0x8600, s26;
	[sflag:s3] =	ssyncadd.s32 $0xFFFFC000  }
0x54: {  	[tilespmem:s2], [sflag:$0x3] =	stream.linear.gather [hbm4b:s21+s2], $0x200, $0x38;
	[tilespmem:$0x8200] =	vst v63  }
0x55: {  	_ =	swait.ge [sflag:s3], $0x200  }
0x56: {  	[sflag:s3] =	ssyncset.done $0x0  }
0x57: {  	[sflag:s3] =	ssyncadd.s32 $0xFFFFFE00  }
0x58: {  	[tilespmem:s6], [sflag:$0x1] =	stream.indirect.gather [hbm4b:s4+s5], $0x80, s2, s5, $0xb8;
	[tilespmem:$0x8200] =	vst v63  }
0x59: {  	_ = 	snop  }
0x5a: {  	[tilespmem:s7], [sflag:$0x2] =	stream.indirect.gather [hbm4b:s4+s5], $0x80, s5, s5, $0xb8;
	[tilespmem:$0x8200] =	vst v63  }
0x5b: {  	_ =	swait.ge [sflag:s8], $0x4000  }
0x5c: {  	s25 =	sadd.s32 $0x38A600, s28;
	[sflag:s8] =	ssyncset.done $0x0  }
0x5d: {  	s22 =	sadd.s32 s25, s29;
	[sflag:s8] =	ssyncadd.s32 $0xFFFFC000  }
0x5e: {  	[hbm4b:s22+s2] =	stream.linear.scatter [tilespmem:s6], [sflag:$0x3], $0x4000, $0x38;
	[tilespmem:$0x8200] =	vst v63  }
0x5f: {  	_ =	swait.ge [sflag:s3], $0x4000  }
0x60: {  	[sflag:s3] =	ssyncset.done $0x0  }
0x61: {  	[sflag:s3] =	ssyncadd.s32 $0xFFFFC000  }
0x62: {  	[tilespmem:s6], [sflag:$0x1] =	stream.indirect.gather [hbm4b:s4+s5], $0x80, s10, s5, $0xb8;
	[tilespmem:$0x8200] =	vst v63  }
0x63: {  	_ =	swait.ge [sflag:s11], $0x4000  }
0x64: {  	[sflag:s11] =	ssyncset.done $0x0  }
0x65: {  	s23 =	sadd.s32 s25, s30;
	[sflag:s11] =	ssyncadd.s32 $0xFFFFC000  }
0x66: {  	[hbm4b:s23+s2] =	stream.linear.scatter [tilespmem:s7], [sflag:$0x3], $0x4000, $0x38;
	[tilespmem:$0x8200] =	vst v63  }
0x67: {  	_ =	swait.ge [sflag:s3], $0x4000  }
0x68: {  	[sflag:s3] =	ssyncset.done $0x0  }
0x69: {  	[sflag:s3] =	ssyncadd.s32 $0xFFFFC000  }
0x6a: {  	[tilespmem:s7], [sflag:$0x2] =	stream.indirect.gather [hbm4b:s4+s5], $0x80, s13, s5, $0xb8;
	[tilespmem:$0x8200] =	vst v63  }
0x6b: {  	_ =	swait.ge [sflag:s8], $0x4000  }
0x6c: {  	[sflag:s8] =	ssyncset.done $0x0  }
0x6d: {  	s24 =	sadd.s32 $0x1000, s22;
	[sflag:s8] =	ssyncadd.s32 $0xFFFFC000  }
0x6e: {  	[hbm4b:s24+s2] =	stream.linear.scatter [tilespmem:s6], [sflag:$0x3], $0x4000, $0x38;
	[tilespmem:$0x8200] =	vst v63  }
0x6f: {  	_ =	swait.ge [sflag:s3], $0x4000  }
0x70: {  	[sflag:s3] =	ssyncset.done $0x0  }
0x71: {  	[sflag:s3] =	ssyncadd.s32 $0xFFFFC000  }
0x72: {  	_ =	swait.ge [sflag:s11], $0x4000  }
0x73: {  	[sflag:s11] =	ssyncset.done $0x0  }
0x74: {  	s25 =	sadd.s32 s25, s0;
	[sflag:s11] =	ssyncadd.s32 $0xFFFFC000  }
0x75: {  	[hbm4b:s25+s2] =	stream.linear.scatter [tilespmem:s7], [sflag:$0x3], $0x4000, $0x38;
	[tilespmem:$0x8200] =	vst v63  }
0x76: {  	_ =	swait.ge [sflag:s3], $0x4000  }
0x77: {  	[sflag:s3] =	ssyncset.done $0x0  }
0x78: {  	s26 =	sadd.s32 $0x9600, s26;
	[sflag:s3] =	ssyncadd.s32 $0xFFFFC000  }
0x79: {  	[tilespmem:s2], [sflag:$0x3] =	stream.linear.gather [hbm4b:s26+s2], $0x200, $0x38;
	[tilespmem:$0x8200] =	vst v63  }
0x7a: {  	_ =	swait.ge [sflag:s3], $0x200  }
0x7b: {  	[sflag:s3] =	ssyncset.done $0x0  }
0x7c: {  	[sflag:s3] =	ssyncadd.s32 $0xFFFFFE00  }
0x7d: {  	[tilespmem:s6], [sflag:$0x1] =	stream.indirect.gather [hbm4b:s4+s5], $0x80, s2, s5, $0xb8;
	[tilespmem:$0x8200] =	vst v63  }
0x7e: {  	_ = 	snop  }
0x7f: {  	[tilespmem:s7], [sflag:$0x2] =	stream.indirect.gather [hbm4b:s4+s5], $0x80, s5, s5, $0xb8;
	[tilespmem:$0x8200] =	vst v63  }
0x80: {  	_ =	swait.ge [sflag:s8], $0x4000  }
0x81: {  	s0 =	sadd.s32 $0x3CA600, s28;
	[sflag:s8] =	ssyncset.done $0x0  }
0x82: {  	s28 =	sadd.s32 s0, s29;
	[sflag:s8] =	ssyncadd.s32 $0xFFFFC000  }
0x83: {  	[hbm4b:s28+s2] =	stream.linear.scatter [tilespmem:s6], [sflag:$0x3], $0x4000, $0x38;
	[tilespmem:$0x8200] =	vst v63  }
0x84: {  	_ =	swait.ge [sflag:s3], $0x4000  }
0x85: {  	[sflag:s3] =	ssyncset.done $0x0  }
0x86: {  	[sflag:s3] =	ssyncadd.s32 $0xFFFFC000  }
0x87: {  	[tilespmem:s6], [sflag:$0x1] =	stream.indirect.gather [hbm4b:s4+s5], $0x80, s10, s5, $0xb8;
	[tilespmem:$0x8200] =	vst v63  }
0x88: {  	_ =	swait.ge [sflag:s11], $0x4000  }
0x89: {  	[sflag:s11] =	ssyncset.done $0x0  }
0x8a: {  	s29 =	sadd.s32 s0, s30;
	[sflag:s11] =	ssyncadd.s32 $0xFFFFC000  }
0x8b: {  	[hbm4b:s29+s2] =	stream.linear.scatter [tilespmem:s7], [sflag:$0x3], $0x4000, $0x38;
	[tilespmem:$0x8200] =	vst v63  }
0x8c: {  	_ =	swait.ge [sflag:s3], $0x4000  }
0x8d: {  	[sflag:s3] =	ssyncset.done $0x0  }
0x8e: {  	[sflag:s3] =	ssyncadd.s32 $0xFFFFC000  }
0x8f: {  	[tilespmem:s7], [sflag:$0x2] =	stream.indirect.gather [hbm4b:s4+s5], $0x80, s13, s5, $0xb8;
	[tilespmem:$0x8200] =	vst v63  }
0x90: {  	_ =	swait.ge [sflag:s8], $0x4000  }
0x91: {  	s1 =	ssub.s32 $0x2, s1;
	[sflag:s8] =	ssyncset.done $0x0  }
0x92: {  	s31 =	sshrl.u32 s1, $0x1;
	s30 =	sadd.s32 $0x1000, s28;
	[sflag:s8] =	ssyncadd.s32 $0xFFFFC000  }
0x93: {  	[hbm4b:s30+s2] =	stream.linear.scatter [tilespmem:s6], [sflag:$0x3], $0x4000, $0x38;
	[tilespmem:$0x8200] =	vst v63  }
0x94: {  	s1 =	ssub.s32 s1, s31;
	_ =	swait.ge [sflag:s3], $0x4000  }
0x95: {  	s1 =	smax.u32 s1, $0x1;
	[sflag:s3] =	ssyncset.done $0x0  }
0x96: {  	p0 =	sne.s32 s1, $0x1;
	[sflag:s3] =	ssyncadd.s32 $0xFFFFC000  }
.Ltmp0:
0x97: {  	_ =	swait.ge [sflag:s11], $0x4000;
	(pc) =	sbr.rel @!p0 .LBB2_2-.Ltmp0, $4  }
0x98: {  	[sflag:s11] =	ssyncset.done $0x0;
	s31 =	rddreg [dreg:$0x3]  }
0x99: {  	s31 =	sadd.s32 s0, s31;
	[sflag:s11] =	ssyncadd.s32 $0xFFFFC000  }
0x9a: {  	[hbm4b:s31+s2] =	stream.linear.scatter [tilespmem:s7], [sflag:$0x3], $0x4000, $0x38;
	[tilespmem:$0x8200] =	vst v63  }
0x9b: {  	s1 =	sadd.s32 $0xFFFFFFFF, s1;
	_ =	swait.ge [sflag:s3], $0x4000  }
.LBB2_1:
0x9c: {  	[sflag:s3] =	ssyncset.done $0x0  }
0x9d: {  	s0 =	rddreg [dreg:$0x2];
	[sflag:s3] =	ssyncadd.s32 $0xFFFFC000  }
0x9e: {  	[tilespmem:s2], [sflag:$0x3] =	stream.linear.gather [hbm4b:s0+s2], $0x200, $0x38;
	[tilespmem:$0x8200] =	vst v63  }
0x9f: {  	_ =	swait.ge [sflag:s3], $0x200  }
0xa0: {  	[sflag:s3] =	ssyncset.done $0x0  }
0xa1: {  	[sflag:s3] =	ssyncadd.s32 $0xFFFFFE00  }
0xa2: {  	[tilespmem:s6], [sflag:$0x1] =	stream.indirect.gather [hbm4b:s4+s5], $0x80, s2, s5, $0xb8;
	[tilespmem:$0x8200] =	vst v63  }
0xa3: {  	_ = 	snop  }
0xa4: {  	[tilespmem:s7], [sflag:$0x2] =	stream.indirect.gather [hbm4b:s4+s5], $0x80, s5, s5, $0xb8;
	[tilespmem:$0x8200] =	vst v63  }
0xa5: {  	_ =	swait.ge [sflag:s8], $0x4000  }
0xa6: {  	[sflag:s8] =	ssyncset.done $0x0  }
0xa7: {  	[sflag:s8] =	ssyncadd.s32 $0xFFFFC000  }
0xa8: {  	[hbm4b:s9+s2] =	stream.linear.scatter [tilespmem:s6], [sflag:$0x3], $0x4000, $0x38;
	[tilespmem:$0x8200] =	vst v63  }
0xa9: {  	_ =	swait.ge [sflag:s3], $0x4000  }
0xaa: {  	[sflag:s3] =	ssyncset.done $0x0  }
0xab: {  	[sflag:s3] =	ssyncadd.s32 $0xFFFFC000  }
0xac: {  	[tilespmem:s6], [sflag:$0x1] =	stream.indirect.gather [hbm4b:s4+s5], $0x80, s10, s5, $0xb8;
	[tilespmem:$0x8200] =	vst v63  }
0xad: {  	_ =	swait.ge [sflag:s11], $0x4000  }
0xae: {  	[sflag:s11] =	ssyncset.done $0x0  }
0xaf: {  	[sflag:s11] =	ssyncadd.s32 $0xFFFFC000  }
0xb0: {  	[hbm4b:s12+s2] =	stream.linear.scatter [tilespmem:s7], [sflag:$0x3], $0x4000, $0x38;
	[tilespmem:$0x8200] =	vst v63  }
0xb1: {  	_ =	swait.ge [sflag:s3], $0x4000  }
0xb2: {  	[sflag:s3] =	ssyncset.done $0x0  }
0xb3: {  	[sflag:s3] =	ssyncadd.s32 $0xFFFFC000  }
0xb4: {  	[tilespmem:s7], [sflag:$0x2] =	stream.indirect.gather [hbm4b:s4+s5], $0x80, s13, s5, $0xb8;
	[tilespmem:$0x8200] =	vst v63  }
0xb5: {  	_ =	swait.ge [sflag:s8], $0x4000  }
0xb6: {  	[sflag:s8] =	ssyncset.done $0x0  }
0xb7: {  	[sflag:s8] =	ssyncadd.s32 $0xFFFFC000  }
0xb8: {  	[hbm4b:s14+s2] =	stream.linear.scatter [tilespmem:s6], [sflag:$0x3], $0x4000, $0x38;
	[tilespmem:$0x8200] =	vst v63  }
0xb9: {  	_ =	swait.ge [sflag:s3], $0x4000  }
0xba: {  	[sflag:s3] =	ssyncset.done $0x0  }
0xbb: {  	[sflag:s3] =	ssyncadd.s32 $0xFFFFC000  }
0xbc: {  	_ =	swait.ge [sflag:s11], $0x4000  }
0xbd: {  	[sflag:s11] =	ssyncset.done $0x0  }
0xbe: {  	[sflag:s11] =	ssyncadd.s32 $0xFFFFC000  }
0xbf: {  	[hbm4b:s15+s2] =	stream.linear.scatter [tilespmem:s7], [sflag:$0x3], $0x4000, $0x38;
	[tilespmem:$0x8200] =	vst v63  }
0xc0: {  	_ =	swait.ge [sflag:s3], $0x4000  }
0xc1: {  	[sflag:s3] =	ssyncset.done $0x0  }
0xc2: {  	[sflag:s3] =	ssyncadd.s32 $0xFFFFC000  }
0xc3: {  	[tilespmem:s2], [sflag:$0x3] =	stream.linear.gather [hbm4b:s16+s2], $0x200, $0x38;
	[tilespmem:$0x8200] =	vst v63  }
0xc4: {  	_ =	swait.ge [sflag:s3], $0x200  }
0xc5: {  	[sflag:s3] =	ssyncset.done $0x0  }
0xc6: {  	[sflag:s3] =	ssyncadd.s32 $0xFFFFFE00  }
0xc7: {  	[tilespmem:s6], [sflag:$0x1] =	stream.indirect.gather [hbm4b:s4+s5], $0x80, s2, s5, $0xb8;
	[tilespmem:$0x8200] =	vst v63  }
0xc8: {  	_ = 	snop  }
0xc9: {  	[tilespmem:s7], [sflag:$0x2] =	stream.indirect.gather [hbm4b:s4+s5], $0x80, s5, s5, $0xb8;
	[tilespmem:$0x8200] =	vst v63  }
0xca: {  	_ =	swait.ge [sflag:s8], $0x4000  }
0xcb: {  	[sflag:s8] =	ssyncset.done $0x0  }
0xcc: {  	[sflag:s8] =	ssyncadd.s32 $0xFFFFC000  }
0xcd: {  	[hbm4b:s17+s2] =	stream.linear.scatter [tilespmem:s6], [sflag:$0x3], $0x4000, $0x38;
	[tilespmem:$0x8200] =	vst v63  }
0xce: {  	_ =	swait.ge [sflag:s3], $0x4000  }
0xcf: {  	[sflag:s3] =	ssyncset.done $0x0  }
0xd0: {  	[sflag:s3] =	ssyncadd.s32 $0xFFFFC000  }
0xd1: {  	[tilespmem:s6], [sflag:$0x1] =	stream.indirect.gather [hbm4b:s4+s5], $0x80, s10, s5, $0xb8;
	[tilespmem:$0x8200] =	vst v63  }
0xd2: {  	_ =	swait.ge [sflag:s11], $0x4000  }
0xd3: {  	[sflag:s11] =	ssyncset.done $0x0  }
0xd4: {  	[sflag:s11] =	ssyncadd.s32 $0xFFFFC000  }
0xd5: {  	[hbm4b:s18+s2] =	stream.linear.scatter [tilespmem:s7], [sflag:$0x3], $0x4000, $0x38;
	[tilespmem:$0x8200] =	vst v63  }
0xd6: {  	_ =	swait.ge [sflag:s3], $0x4000  }
0xd7: {  	[sflag:s3] =	ssyncset.done $0x0  }
0xd8: {  	[sflag:s3] =	ssyncadd.s32 $0xFFFFC000  }
0xd9: {  	[tilespmem:s7], [sflag:$0x2] =	stream.indirect.gather [hbm4b:s4+s5], $0x80, s13, s5, $0xb8;
	[tilespmem:$0x8200] =	vst v63  }
0xda: {  	_ =	swait.ge [sflag:s8], $0x4000  }
0xdb: {  	[sflag:s8] =	ssyncset.done $0x0  }
0xdc: {  	[sflag:s8] =	ssyncadd.s32 $0xFFFFC000  }
0xdd: {  	[hbm4b:s19+s2] =	stream.linear.scatter [tilespmem:s6], [sflag:$0x3], $0x4000, $0x38;
	[tilespmem:$0x8200] =	vst v63  }
0xde: {  	_ =	swait.ge [sflag:s3], $0x4000  }
0xdf: {  	[sflag:s3] =	ssyncset.done $0x0  }
0xe0: {  	[sflag:s3] =	ssyncadd.s32 $0xFFFFC000  }
0xe1: {  	_ =	swait.ge [sflag:s11], $0x4000  }
0xe2: {  	[sflag:s11] =	ssyncset.done $0x0  }
0xe3: {  	[sflag:s11] =	ssyncadd.s32 $0xFFFFC000  }
0xe4: {  	[hbm4b:s20+s2] =	stream.linear.scatter [tilespmem:s7], [sflag:$0x3], $0x4000, $0x38;
	[tilespmem:$0x8200] =	vst v63  }
0xe5: {  	_ =	swait.ge [sflag:s3], $0x4000  }
0xe6: {  	[sflag:s3] =	ssyncset.done $0x0  }
0xe7: {  	[sflag:s3] =	ssyncadd.s32 $0xFFFFC000  }
0xe8: {  	[tilespmem:s2], [sflag:$0x3] =	stream.linear.gather [hbm4b:s21+s2], $0x200, $0x38;
	[tilespmem:$0x8200] =	vst v63  }
0xe9: {  	_ =	swait.ge [sflag:s3], $0x200  }
0xea: {  	[sflag:s3] =	ssyncset.done $0x0  }
0xeb: {  	[sflag:s3] =	ssyncadd.s32 $0xFFFFFE00  }
0xec: {  	[tilespmem:s6], [sflag:$0x1] =	stream.indirect.gather [hbm4b:s4+s5], $0x80, s2, s5, $0xb8;
	[tilespmem:$0x8200] =	vst v63  }
0xed: {  	_ = 	snop  }
0xee: {  	[tilespmem:s7], [sflag:$0x2] =	stream.indirect.gather [hbm4b:s4+s5], $0x80, s5, s5, $0xb8;
	[tilespmem:$0x8200] =	vst v63  }
0xef: {  	_ =	swait.ge [sflag:s8], $0x4000  }
0xf0: {  	[sflag:s8] =	ssyncset.done $0x0  }
0xf1: {  	[sflag:s8] =	ssyncadd.s32 $0xFFFFC000  }
0xf2: {  	[hbm4b:s22+s2] =	stream.linear.scatter [tilespmem:s6], [sflag:$0x3], $0x4000, $0x38;
	[tilespmem:$0x8200] =	vst v63  }
0xf3: {  	_ =	swait.ge [sflag:s3], $0x4000  }
0xf4: {  	[sflag:s3] =	ssyncset.done $0x0  }
0xf5: {  	[sflag:s3] =	ssyncadd.s32 $0xFFFFC000  }
0xf6: {  	[tilespmem:s6], [sflag:$0x1] =	stream.indirect.gather [hbm4b:s4+s5], $0x80, s10, s5, $0xb8;
	[tilespmem:$0x8200] =	vst v63  }
0xf7: {  	_ =	swait.ge [sflag:s11], $0x4000  }
0xf8: {  	[sflag:s11] =	ssyncset.done $0x0  }
0xf9: {  	[sflag:s11] =	ssyncadd.s32 $0xFFFFC000  }
0xfa: {  	[hbm4b:s23+s2] =	stream.linear.scatter [tilespmem:s7], [sflag:$0x3], $0x4000, $0x38;
	[tilespmem:$0x8200] =	vst v63  }
0xfb: {  	_ =	swait.ge [sflag:s3], $0x4000  }
0xfc: {  	[sflag:s3] =	ssyncset.done $0x0  }
0xfd: {  	[sflag:s3] =	ssyncadd.s32 $0xFFFFC000  }
0xfe: {  	[tilespmem:s7], [sflag:$0x2] =	stream.indirect.gather [hbm4b:s4+s5], $0x80, s13, s5, $0xb8;
	[tilespmem:$0x8200] =	vst v63  }
0xff: {  	_ =	swait.ge [sflag:s8], $0x4000  }
0x100: {  	[sflag:s8] =	ssyncset.done $0x0  }
0x101: {  	[sflag:s8] =	ssyncadd.s32 $0xFFFFC000  }
0x102: {  	[hbm4b:s24+s2] =	stream.linear.scatter [tilespmem:s6], [sflag:$0x3], $0x4000, $0x38;
	[tilespmem:$0x8200] =	vst v63  }
0x103: {  	_ =	swait.ge [sflag:s3], $0x4000  }
0x104: {  	[sflag:s3] =	ssyncset.done $0x0  }
0x105: {  	[sflag:s3] =	ssyncadd.s32 $0xFFFFC000  }
0x106: {  	_ =	swait.ge [sflag:s11], $0x4000  }
0x107: {  	[sflag:s11] =	ssyncset.done $0x0  }
0x108: {  	[sflag:s11] =	ssyncadd.s32 $0xFFFFC000  }
0x109: {  	[hbm4b:s25+s2] =	stream.linear.scatter [tilespmem:s7], [sflag:$0x3], $0x4000, $0x38;
	[tilespmem:$0x8200] =	vst v63  }
0x10a: {  	_ =	swait.ge [sflag:s3], $0x4000  }
0x10b: {  	[sflag:s3] =	ssyncset.done $0x0  }
0x10c: {  	[sflag:s3] =	ssyncadd.s32 $0xFFFFC000  }
0x10d: {  	[tilespmem:s2], [sflag:$0x3] =	stream.linear.gather [hbm4b:s26+s2], $0x200, $0x38;
	[tilespmem:$0x8200] =	vst v63  }
0x10e: {  	_ =	swait.ge [sflag:s3], $0x200  }
0x10f: {  	[sflag:s3] =	ssyncset.done $0x0  }
0x110: {  	[sflag:s3] =	ssyncadd.s32 $0xFFFFFE00  }
0x111: {  	[tilespmem:s6], [sflag:$0x1] =	stream.indirect.gather [hbm4b:s4+s5], $0x80, s2, s5, $0xb8;
	[tilespmem:$0x8200] =	vst v63  }
0x112: {  	_ = 	snop  }
0x113: {  	[tilespmem:s7], [sflag:$0x2] =	stream.indirect.gather [hbm4b:s4+s5], $0x80, s5, s5, $0xb8;
	[tilespmem:$0x8200] =	vst v63  }
0x114: {  	_ =	swait.ge [sflag:s8], $0x4000  }
0x115: {  	[sflag:s8] =	ssyncset.done $0x0  }
0x116: {  	[sflag:s8] =	ssyncadd.s32 $0xFFFFC000  }
0x117: {  	[hbm4b:s28+s2] =	stream.linear.scatter [tilespmem:s6], [sflag:$0x3], $0x4000, $0x38;
	[tilespmem:$0x8200] =	vst v63  }
0x118: {  	_ =	swait.ge [sflag:s3], $0x4000  }
0x119: {  	[sflag:s3] =	ssyncset.done $0x0  }
0x11a: {  	[sflag:s3] =	ssyncadd.s32 $0xFFFFC000  }
0x11b: {  	[tilespmem:s6], [sflag:$0x1] =	stream.indirect.gather [hbm4b:s4+s5], $0x80, s10, s5, $0xb8;
	[tilespmem:$0x8200] =	vst v63  }
0x11c: {  	_ =	swait.ge [sflag:s11], $0x4000  }
0x11d: {  	[sflag:s11] =	ssyncset.done $0x0  }
0x11e: {  	[sflag:s11] =	ssyncadd.s32 $0xFFFFC000  }
0x11f: {  	[hbm4b:s29+s2] =	stream.linear.scatter [tilespmem:s7], [sflag:$0x3], $0x4000, $0x38;
	[tilespmem:$0x8200] =	vst v63  }
0x120: {  	_ =	swait.ge [sflag:s3], $0x4000  }
0x121: {  	[sflag:s3] =	ssyncset.done $0x0  }
0x122: {  	[sflag:s3] =	ssyncadd.s32 $0xFFFFC000  }
0x123: {  	[tilespmem:s7], [sflag:$0x2] =	stream.indirect.gather [hbm4b:s4+s5], $0x80, s13, s5, $0xb8;
	[tilespmem:$0x8200] =	vst v63  }
0x124: {  	_ =	swait.ge [sflag:s8], $0x4000  }
0x125: {  	[sflag:s8] =	ssyncset.done $0x0  }
0x126: {  	[sflag:s8] =	ssyncadd.s32 $0xFFFFC000  }
0x127: {  	[hbm4b:s30+s2] =	stream.linear.scatter [tilespmem:s6], [sflag:$0x3], $0x4000, $0x38;
	[tilespmem:$0x8200] =	vst v63  }
0x128: {  	_ =	swait.ge [sflag:s3], $0x4000  }
0x129: {  	[sflag:s3] =	ssyncset.done $0x0  }
0x12a: {  	p0 =	sne.s32 s1, $0x1;
	[sflag:s3] =	ssyncadd.s32 $0xFFFFC000  }
.Ltmp1:
0x12b: {  	_ =	swait.ge [sflag:s11], $0x4000;
	(pc) =	sbr.rel @p0 .LBB2_1-.Ltmp1, $4  }
0x12c: {  	[sflag:s11] =	ssyncset.done $0x0  }
0x12d: {  	[sflag:s11] =	ssyncadd.s32 $0xFFFFC000  }
0x12e: {  	[hbm4b:s31+s2] =	stream.linear.scatter [tilespmem:s7], [sflag:$0x3], $0x4000, $0x38;
	[tilespmem:$0x8200] =	vst v63  }
0x12f: {  	s1 =	sadd.s32 $0xFFFFFFFF, s1;
	_ =	swait.ge [sflag:s3], $0x4000  }
.LBB2_2:
0x130: {  	[sflag:s3] =	ssyncset.done $0x0  }
0x131: {  	[sflag:s3] =	ssyncadd.s32 $0xFFFFC000  }
0x132: {  	_ =	sfence.sel $0x180000  }
0x133: {  	[bflag:$0x0] =	sbarrier.arrive $0xFFFF  }
0x134: {  	_ =	strace $0x9000004A  }
0x135: {  	s0 =	stileid.u32;
	[bflag:$0x2] =	sbarrier.arrive $0xFFFF  }
0x136: {  	p0 =	sne.s32 s0, $0x0;
	s0 =	rddreg [dreg:$0x1]  }
0x137: {  	s0 =	sadd.s32 @!p0 $0x100000, s0  }
0x138: {  	[sflag:s0] =	ssyncadd.tile.s32 @!p0 $0x1;
	_ =	shalt  }
.Lfunc_end2:
_tile_overlayer_lowered:
.L_overlay_start_2:
0x139: {  	(tag) =	ssettag $0x2  }
0x13a: {  	s0 =	rddreg [dreg:$0x0];
	s2 =	stileid.u32  }
0x13b: {  	s1 =	rddreg [dreg:$0x1];
	p0 =	sne.s32 s2, $0x0  }
0x13c: {  	s3 =	rddreg [dreg:$0x2];
	[bflag:$0x3] =	sbarrier.arrive $0xFFFF;
	s2 =	simm.s32 @!p0 $0x1C03  }
0x13d: {  	[timem:s3], [sflag:s2] =	dma.local @!p0 [hbm:s0], s1  }
0x13e: {  	s0 =	simm.s32 @!p0 $0x3  }
0x13f: {  	_ =	swait.ge @!p0 [sflag:s0], s1  }
0x140: {  	s1 =	ssub.s32 @!p0 $0x0, s1;
	[sflag:s0] =	ssyncset.done @!p0 $0x0  }
0x141: {  	[sflag:s0] =	ssyncadd.s32 @!p0 s1  }
0x142: {  	[bflag:$0x3] =	sbarrier.arrive $0xFFFF  }
0x143: {  	_ =	shalt  }

// kernel: kernel.14.cloned.1.call-start
scs
__scs_entry_jumppad:
0x0: {  	(pc) =	sbr.rel $0x88, $3  }
0x1: {  	(tag) =	ssettag $0x0;
	lr =	simm.s32 $0x1  }
0x2: {  	[smem:$0x3F8D] =	sst lr;
	_ =	strace $0xD0000000  }
0x3: {  	_ = 	snop  }
0x4: {  	_ = 	snop  }
0x5: {  	_ = 	snop  }
0x6: {  	_ = 	snop  }
0x7: {  	_ = 	snop  }
__scs_overlays_trampoline_lowered:
0x8: {  	[smem:$0x3F9C] =	sst s0  }
0x9: {  	[smem:$0x3F9D] =	sst s1  }
0xa: {  	[smem:$0x3F9E] =	sst s2  }
0xb: {  	[smem:$0x3F9F] =	sst s3  }
0xc: {  	[smem:$0x3FA0] =	sst s4  }
0xd: {  	[smem:$0x3FA1] =	sst s5  }
0xe: {  	[smem:$0x3FA2] =	sst s6  }
0xf: {  	[smem:$0x3FA3] =	sst s7  }
0x10: {  	[smem:$0x3FA4] =	sst s8  }
0x11: {  	[smem:$0x3FA5] =	sst s9;
	s0 =	simm.s32 @!p0 $0x0  }
0x12: {  	s1 =	sld [smem:$0x3F8B];
	s0 =	simm.s32 @p0 $0x1  }
0x13: {  	[smem:$0x3FA6] =	sst s0;
	s0 =	simm.s32 @!p1 $0x0  }
0x14: {  	s2 =	sld [smem:$0x3F8A];
	s0 =	simm.s32 @p1 $0x1  }
0x15: {  	[smem:$0x3FA7] =	sst s0;
	s0 =	simm.s32 @!p2 $0x0  }
0x16: {  	s3 =	sld [smem:$0x3FDB];
	s0 =	simm.s32 @p2 $0x1  }
0x17: {  	s4 =	simm.s32 $0x1BF5;
	[smem:$0x3FA9] =	sst s0  }
0x18: {  	s0 =	sld [smem:$0x3F8C];
	_ =	swait.ge [sflag:s4], $0x0  }
0x19: {  	s7 =	sld [smem:$0x3F8D]  }
0x1a: {  	s8 =	sadd.s32 $0xFFFFE003, lr  }
0x1b: {  	s9 =	sadd.s32 $0xFFFFFEF7, lr;
	s5 =	simm.s32 $0xFFFFFFFF;
	p2 =	slt.u32 s8, $0xFFFFF086  }
0x1c: {  	p1 =	slt.u32 s9, $0xF7A;
	s5 =	simm.s32 @!p2 $0x0  }
0x1d: {  	s5 =	simm.s32 @p1 $0x1;
	p0 =	seq.s32 s7, s2  }
0x1e: {  	s7 =	smul.u32 @!p0 $0xF7A, s2;
	p2 =	seq.s32 @!p0 s5, $0x0  }
0x1f: {  	s9 =	smul.u32 $0xF7A, s1;
	s8 =	simm.s32 @!p0 $0x1BF5;
	p2 =	por !p2, p0  }
0x20: {  	[sflag:s8] =	ssyncset.s32 @!p0 $0xFFFFF086;
	s6 =	sadd.s32 @!p0 s3, s7;
	s7 =	simm.s32 @!p0 $0x108  }
0x21: {  	s3 =	sadd.s32 s3, s9;
	s6 =	sadd.s32 @!p0 $0x88, s6;
	s7 =	simm.s32 @p2 $0x1082  }
0x22: {  	[simem:s7], [sflag:s8] =	dma.local @!p0 [hbm:s6], $0xF7A  }
0x23: {  	s9 =	sor.u32 $0xD0000000, s2;
	s6 =	simm.s32 $0x108;
	_ =	swait.ge @!p0 [sflag:s8], $0x0  }
0x24: {  	s3 =	sadd.s32 $0x88, s3;
	s6 =	simm.s32 @!p1 $0x1082;
	[sflag:s4] =	ssyncset.s32 $0xFFFFF086  }
0x25: {  	[simem:s6], [sflag:s4] =	dma.local [hbm:s3], $0xF7A  }
0x26: {  	[smem:$0x3F8D] =	sst s1;
	(tag) =	ssettag s2;
	_ =	strace s9  }
0x27: {  	s1 =	sld [smem:$0x3F9D]  }
0x28: {  	s2 =	sld [smem:$0x3F9E]  }
0x29: {  	s4 =	sld [smem:$0x3FA0]  }
0x2a: {  	p0 =	seq.s32 s5, $0x0;
	s5 =	sld [smem:$0x3FA1]  }
0x2b: {  	s6 =	sld [smem:$0x3FA2]  }
0x2c: {  	s7 =	sld [smem:$0x3FA3]  }
0x2d: {  	s3 =	simm.s32 $0x108;
	s8 =	sld [smem:$0x3FA4]  }
0x2e: {  	s3 =	simm.s32 @!p0 $0x1082;
	s9 =	sld [smem:$0x3FA5]  }
0x2f: {  	lr =	sadd.s32 s0, s3;
	s0 =	sld [smem:$0x3F9C]  }
0x30: {  	s3 =	sld [smem:$0x3F9F]  }
0x31: {  	[smem:$0x3FA8] =	sst s10  }
0x32: {  	s10 =	sld [smem:$0x3FA6];
	_ =	sdelay $0x3  }
0x33: {  	p0 =	seq.s32 s10, $0x1;
	s10 =	sld [smem:$0x3FA8];
	_ =	sdelay $0x3  }
0x34: {  	[smem:$0x3FA8] =	sst s10  }
0x35: {  	s10 =	sld [smem:$0x3FA7];
	_ =	sdelay $0x3  }
0x36: {  	p1 =	seq.s32 s10, $0x1;
	s10 =	sld [smem:$0x3FA8];
	_ =	sdelay $0x3  }
0x37: {  	[smem:$0x3FA8] =	sst s10  }
0x38: {  	s10 =	sld [smem:$0x3FA9]  }
0x39: {  	_ = 	snop;
	(pc) =	sbr.ind lr, $3  }
0x3a: {  	_ = 	snop  }
0x3b: {  	_ = 	snop  }
0x3c: {  	p2 =	seq.s32 s10, $0x1;
	s10 =	sld [smem:$0x3FA8]  }
0x3d: {  	_ =	shalt  }
0x3e: {  	_ =	shalt  }
0x3f: {  	_ =	shalt  }
0x40: {  	_ =	shalt  }
0x41: {  	_ =	shalt  }
0x42: {  	_ =	shalt  }
0x43: {  	_ =	shalt  }
0x44: {  	_ =	shalt  }
0x45: {  	_ =	shalt  }
0x46: {  	_ =	shalt  }
0x47: {  	_ =	shalt  }
0x48: {  	_ =	shalt  }
0x49: {  	_ =	shalt  }
0x4a: {  	_ =	shalt  }
0x4b: {  	_ =	shalt  }
0x4c: {  	_ =	shalt  }
0x4d: {  	_ =	shalt  }
0x4e: {  	_ =	shalt  }
0x4f: {  	_ =	shalt  }
0x50: {  	_ =	shalt  }
0x51: {  	_ =	shalt  }
0x52: {  	_ =	shalt  }
0x53: {  	_ =	shalt  }
0x54: {  	_ =	shalt  }
0x55: {  	_ =	shalt  }
0x56: {  	_ =	shalt  }
0x57: {  	_ =	shalt  }
0x58: {  	_ =	shalt  }
0x59: {  	_ =	shalt  }
0x5a: {  	_ =	shalt  }
0x5b: {  	_ =	shalt  }
0x5c: {  	_ =	shalt  }
0x5d: {  	_ =	shalt  }
0x5e: {  	_ =	shalt  }
0x5f: {  	_ =	shalt  }
0x60: {  	_ =	shalt  }
0x61: {  	_ =	shalt  }
0x62: {  	_ =	shalt  }
0x63: {  	_ =	shalt  }
0x64: {  	_ =	shalt  }
0x65: {  	_ =	shalt  }
0x66: {  	_ =	shalt  }
0x67: {  	_ =	shalt  }
0x68: {  	_ =	shalt  }
0x69: {  	_ =	shalt  }
0x6a: {  	_ =	shalt  }
0x6b: {  	_ =	shalt  }
0x6c: {  	_ =	shalt  }
0x6d: {  	_ =	shalt  }
0x6e: {  	_ =	shalt  }
0x6f: {  	_ =	shalt  }
0x70: {  	_ =	shalt  }
0x71: {  	_ =	shalt  }
0x72: {  	_ =	shalt  }
0x73: {  	_ =	shalt  }
0x74: {  	_ =	shalt  }
0x75: {  	_ =	shalt  }
0x76: {  	_ =	shalt  }
0x77: {  	_ =	shalt  }
0x78: {  	_ =	shalt  }
0x79: {  	_ =	shalt  }
0x7a: {  	_ =	shalt  }
0x7b: {  	_ =	shalt  }
0x7c: {  	_ =	shalt  }
0x7d: {  	_ =	shalt  }
0x7e: {  	_ =	shalt  }
0x7f: {  	_ =	shalt  }
0x80: {  	_ =	shalt  }
0x81: {  	_ =	shalt  }
0x82: {  	_ =	shalt  }
0x83: {  	_ =	shalt  }
0x84: {  	_ =	shalt  }
0x85: {  	_ =	shalt  }
0x86: {  	_ =	shalt  }
0x87: {  	_ =	shalt  }
.Lfunc_end0:
.L_simem_size_0:
called_computation.1_lowered:
.L_overlay_start_0:
0x88: {  	s2 =	sld [smem:$0x3FD9]  }
0x89: {  	s3 =	sld [smem:$0x3FFE];
	_ =	sdelay $0x1  }
0x8a: {  	s1 =	srdreg.scid  }
0x8b: {  	s0 =	sand.u32 $0x1, s1  }
0x8c: {  	s16 =	sshll.u32 s0, $0xA;
	s2 =	sadd.s32 s3, s2  }
0x8d: {  	s2 =	sadd.s32 s2, s16  }
0x8e: {  	[smem:$0x3FB4] =	sst s2  }
0x8f: {  	_ = 	snop  }
0x90: {  	(tm) =	ssettm $0x1  }
0x91: {  	s17 =	sld [smem:$0x3FFB];
	_ =	sdelay $0x3  }
0x92: {  	_ =	strace s17  }
0x93: {  	s2 =	sld [smem:$0x3FFC];
	_ =	sdelay $0x3  }
0x94: {  	_ =	strace s2  }
0x95: {  	s2 =	sld [smem:$0x3FFD];
	_ =	sdelay $0x3  }
0x96: {  	_ =	strace s2  }
0x97: {  	_ =	strace $0x8FFFFFFF  }
0x98: {  	s18 =	sld [smem:$0x3FDB];
	_ =	sdelay $0x1  }
0x99: {  	s19 =	simm.s32 $_scs_section_size  }
0x9a: {  	s4 =	simm.s32 $_size__tile_overlayer_lowered;
	s5 =	simm.s32 $_tile_overlayer_lowered  }
0x9b: {  	s22 =	simm.s32 $0x1BFF;
	s21 =	sshll.u32 s5, $0x1;
	s2 =	sadd.s32 s19, s18  }
0x9c: {  	s6 =	simm.s32 $0x0;
	s20 =	sshll.u32 s4, $0x1;
	s4 =	sadd.s32 s21, s2  }
0x9d: {  	[timem:s6], [sflag:s22] =	dma.local [hbm:s4], s20  }
0x9e: {  	_ =	swait.ge [sflag:s22], s20  }
0x9f: {  	s3 =	ssub.s32 $0x0, s20;
	[sflag:s22] =	ssyncset.done $0x0  }
0xa0: {  	[sflag:s22] =	ssyncadd.s32 s3;
	_ =	sdelay $0x1  }
0xa1: {  	s23 =	simm.s32 $0x1B8B  }
0xa2: {  	_ =	swait.ge [sflag:s23], $0x1  }
0xa3: {  	[sflag:s23] =	ssyncset.done $0x0  }
0xa4: {  	s25 =	simm.s32 $0x1B8E;
	s24 =	sld [smem:$0x3FFE];
	[sflag:s23] =	ssyncadd.s32 $0xFFFFFFFF  }
0xa5: {  	s26 =	simm.s32 $execute0_lowered;
	[smem:$0x3FD2] =	sst s25  }
0xa6: {  	s4 =	sshll.u32 s26, $0x1;
	_ =	strace $0x80000046;
	[dreg:$0x1] =	wrdreg $0xFFFFFFFF  }
0xa7: {  	s28 =	simm.s32 $_size_execute0_lowered;
	s2 =	sadd.s32 s2, s4;
	[dreg:$0x0] =	wrdreg $0x0  }
0xa8: {  	s4 =	sshll.u32 s28, $0x1;
	[dreg:$0x2] =	wrdreg s2  }
0xa9: {  	[dreg:$0x3] =	wrdreg s4  }
0xaa: {  	[dreg:$0x4] =	wrdreg $0xC0  }
0xab: {  	_ =	task [dreg:s6], $0x5FFFF  }
0xac: {  	[dreg:$0x1] =	wrdreg $0xFFFFFFFF  }
0xad: {  	[dreg:$0x0] =	wrdreg $0x60  }
0xae: {  	[dreg:$0x2] =	wrdreg s24  }
0xaf: {  	[dreg:$0x3] =	wrdreg $0xA  }
0xb0: {  	_ =	task.clear_ibuf [dreg:s6], $0x4FFFF;
	_ =	strace $0x90000046  }
0xb1: {  	s29 =	simm.s32 $0xA;
	_ =	strace $0x80000048  }
0xb2: {  	_ =	swait.ge [sflag:s29], $0x1  }
0xb3: {  	[sflag:s29] =	ssyncadd.s32 $0xFFFFFFFF  }
0xb4: {  	_ =	strace $0x90000048  }
0xb5: {  	_ =	sfence  }
0xb6: {  	s30 =	sld [smem:$0x0];
	_ =	sdelay $0x2  }
0xb7: {  	s31 =	sshll.u32 s1, $0xD;
	s1 =	sshrl.u32 s1, $0x2  }
0xb8: {  	s3 =	sand.u32 $0x4000, s31;
	s1 =	sadd.s32 s1, s30  }
0xb9: {  	s0 =	sor.u32 s3, s0;
	s1 =	sshll.u32 s1, $0x11  }
0xba: {  	s0 =	sor.u32 s1, s0  }
0xbb: {  	s0 =	sadd.s32 $0x8F2B, s0  }
0xbc: {  	[sflag:s0] =	ssyncadd.remote.s32 $0x1  }
0xbd: {  	_ =	sfence.sel $0xFFFF  }
0xbe: {  	[dreg:$0x0] =	wrdreg $0xFFFFFFFF;
	(pc) =	sbr.abs _section_cstart, $3  }
0xbf: {  	[dreg:$0x1] =	wrdreg $0xFFFFFFFF  }
0xc0: {  	_ =	task.clear_ibuf [dreg:s6], $0x2FFFF;
	_ =	strace $0x9FFFFFFF  }
0xc1: {  	(tm) =	ssettm $0x7FFFFFFF  }
tec
execute0_lowered:
.L_overlay_start_1:
0x0: {  	(tag) =	ssettag $0x1  }
0x1: {  	s1 =	srdreg.scid  }
0x2: {  	s0 =	stileid.u32;
	s1 =	sand.u32 $0x1, s1  }
0x3: {  	s2 =	sshll.u32 s0, $0xA;
	s3 =	sshll.u32 s1, $0x9  }
0x4: {  	s9 =	sor.u32 s3, s2  }
0x5: {  	s28 =	rddreg [dreg:$0x0];
	s3 =	sshrl.u32 s9, $0x3  }
0x6: {  	s2 =	simm.s32 $0x0;
	s26 =	sadd.s32 s3, s28  }
0x7: {  	[smem:$0x7FF] =	sst s2;
	s3 =	sadd.s32 $0x6E00, s26  }
0x8: {  	_ =	strace $0x80000047;
	[dreg:$0x2] =	wrdreg s3  }
0x9: {  	s3 =	simm.s32 $0x3;
	s4 =	rddreg [dreg:$0x2]  }
0xa: {  	[tilespmem:s2], [sflag:$0x3] =	stream.linear.gather [hbm4b:s4+s2], $0x200, $0x38;
	[tilespmem:$0x8200] =	vst v63  }
0xb: {  	_ =	swait.ge [sflag:s3], $0x200  }
0xc: {  	s5 =	simm.s32 $0x80;
	[sflag:s3] =	ssyncset.done $0x0  }
0xd: {  	s6 =	simm.s32 $0x200;
	s4 =	sadd.s32 $0xA600, s28;
	[sflag:s3] =	ssyncadd.s32 $0xFFFFFE00  }
0xe: {  	[tilespmem:s6], [sflag:$0x1] =	stream.indirect.gather [hbm4b:s4+s5], $0x80, s2, s5, $0xb8;
	[tilespmem:$0x8200] =	vst v63  }
0xf: {  	s7 =	simm.s32 $0x4200;
	s8 =	simm.s32 $0x1  }
0x10: {  	[tilespmem:s7], [sflag:$0x2] =	stream.indirect.gather [hbm4b:s4+s5], $0x80, s5, s5, $0xb8;
	[tilespmem:$0x8200] =	vst v63  }
0x11: {  	_ =	swait.ge [sflag:s8], $0x4000  }
0x12: {  	s15 =	sadd.s32 $0x20A600, s28;
	s29 =	sshll.u32 s9, $0x4;
	[sflag:s8] =	ssyncset.done $0x0  }
0x13: {  	s9 =	sadd.s32 s15, s29;
	[sflag:s8] =	ssyncadd.s32 $0xFFFFC000  }
0x14: {  	[hbm4b:s9+s2] =	stream.linear.scatter [tilespmem:s6], [sflag:$0x3], $0x4000, $0x38;
	[tilespmem:$0x8200] =	vst v63  }
0x15: {  	_ =	swait.ge [sflag:s3], $0x4000  }
0x16: {  	[sflag:s3] =	ssyncset.done $0x0  }
0x17: {  	s10 =	simm.s32 $0x100;
	s11 =	simm.s32 $0x2;
	[sflag:s3] =	ssyncadd.s32 $0xFFFFC000  }
0x18: {  	[tilespmem:s6], [sflag:$0x1] =	stream.indirect.gather [hbm4b:s4+s5], $0x80, s10, s5, $0xb8;
	[tilespmem:$0x8200] =	vst v63  }
0x19: {  	_ =	swait.ge [sflag:s11], $0x4000  }
0x1a: {  	s30 =	sor.u32 $0x800, s29;
	[sflag:s11] =	ssyncset.done $0x0  }
0x1b: {  	s12 =	sadd.s32 s15, s30;
	[sflag:s11] =	ssyncadd.s32 $0xFFFFC000  }
0x1c: {  	[hbm4b:s12+s2] =	stream.linear.scatter [tilespmem:s7], [sflag:$0x3], $0x4000, $0x38;
	[tilespmem:$0x8200] =	vst v63  }
0x1d: {  	_ =	swait.ge [sflag:s3], $0x4000  }
0x1e: {  	[sflag:s3] =	ssyncset.done $0x0  }
0x1f: {  	s13 =	simm.s32 $0x180;
	[sflag:s3] =	ssyncadd.s32 $0xFFFFC000  }
0x20: {  	[tilespmem:s7], [sflag:$0x2] =	stream.indirect.gather [hbm4b:s4+s5], $0x80, s13, s5, $0xb8;
	[tilespmem:$0x8200] =	vst v63  }
0x21: {  	_ =	swait.ge [sflag:s8], $0x4000  }
0x22: {  	[sflag:s8] =	ssyncset.done $0x0  }
0x23: {  	s14 =	sadd.s32 $0x1000, s9;
	[sflag:s8] =	ssyncadd.s32 $0xFFFFC000  }
0x24: {  	[hbm4b:s14+s2] =	stream.linear.scatter [tilespmem:s6], [sflag:$0x3], $0x4000, $0x38;
	[tilespmem:$0x8200] =	vst v63  }
0x25: {  	_ =	swait.ge [sflag:s3], $0x4000  }
0x26: {  	[sflag:s3] =	ssyncset.done $0x0  }
0x27: {  	[sflag:s3] =	ssyncadd.s32 $0xFFFFC000  }
0x28: {  	_ =	swait.ge [sflag:s11], $0x4000  }
0x29: {  	s0 =	sor.u32 $0x1800, s29;
	[sflag:s11] =	ssyncset.done $0x0  }
0x2a: {  	s15 =	sadd.s32 s15, s0;
	[sflag:s11] =	ssyncadd.s32 $0xFFFFC000  }
0x2b: {  	[hbm4b:s15+s2] =	stream.linear.scatter [tilespmem:s7], [sflag:$0x3], $0x4000, $0x38;
	[tilespmem:$0x8200] =	vst v63  }
0x2c: {  	_ =	swait.ge [sflag:s3], $0x4000  }
0x2d: {  	[sflag:s3] =	ssyncset.done $0x0  }
0x2e: {  	s16 =	sadd.s32 $0x7E00, s26;
	[sflag:s3] =	ssyncadd.s32 $0xFFFFC000  }
0x2f: {  	[tilespmem:s2], [sflag:$0x3] =	stream.linear.gather [hbm4b:s16+s2], $0x200, $0x38;
	[tilespmem:$0x8200] =	vst v63  }
0x30: {  	_ =	swait.ge [sflag:s3], $0x200  }
0x31: {  	[sflag:s3] =	ssyncset.done $0x0  }
0x32: {  	[sflag:s3] =	ssyncadd.s32 $0xFFFFFE00  }
0x33: {  	[tilespmem:s6], [sflag:$0x1] =	stream.indirect.gather [hbm4b:s4+s5], $0x80, s2, s5, $0xb8;
	[tilespmem:$0x8200] =	vst v63  }
0x34: {  	_ = 	snop  }
0x35: {  	[tilespmem:s7], [sflag:$0x2] =	stream.indirect.gather [hbm4b:s4+s5], $0x80, s5, s5, $0xb8;
	[tilespmem:$0x8200] =	vst v63  }
0x36: {  	_ =	swait.ge [sflag:s8], $0x4000  }
0x37: {  	s20 =	sadd.s32 $0x24A600, s28;
	[sflag:s8] =	ssyncset.done $0x0  }
0x38: {  	s17 =	sadd.s32 s20, s29;
	[sflag:s8] =	ssyncadd.s32 $0xFFFFC000  }
0x39: {  	[hbm4b:s17+s2] =	stream.linear.scatter [tilespmem:s6], [sflag:$0x3], $0x4000, $0x38;
	[tilespmem:$0x8200] =	vst v63  }
0x3a: {  	_ =	swait.ge [sflag:s3], $0x4000  }
0x3b: {  	[sflag:s3] =	ssyncset.done $0x0  }
0x3c: {  	[sflag:s3] =	ssyncadd.s32 $0xFFFFC000  }
0x3d: {  	[tilespmem:s6], [sflag:$0x1] =	stream.indirect.gather [hbm4b:s4+s5], $0x80, s10, s5, $0xb8;
	[tilespmem:$0x8200] =	vst v63  }
0x3e: {  	_ =	swait.ge [sflag:s11], $0x4000  }
0x3f: {  	[sflag:s11] =	ssyncset.done $0x0  }
0x40: {  	s18 =	sadd.s32 s20, s30;
	[sflag:s11] =	ssyncadd.s32 $0xFFFFC000  }
0x41: {  	[hbm4b:s18+s2] =	stream.linear.scatter [tilespmem:s7], [sflag:$0x3], $0x4000, $0x38;
	[tilespmem:$0x8200] =	vst v63  }
0x42: {  	_ =	swait.ge [sflag:s3], $0x4000  }
0x43: {  	[sflag:s3] =	ssyncset.done $0x0  }
0x44: {  	[sflag:s3] =	ssyncadd.s32 $0xFFFFC000  }
0x45: {  	[tilespmem:s7], [sflag:$0x2] =	stream.indirect.gather [hbm4b:s4+s5], $0x80, s13, s5, $0xb8;
	[tilespmem:$0x8200] =	vst v63  }
0x46: {  	_ =	swait.ge [sflag:s8], $0x4000  }
0x47: {  	[sflag:s8] =	ssyncset.done $0x0  }
0x48: {  	s19 =	sadd.s32 $0x1000, s17;
	[sflag:s8] =	ssyncadd.s32 $0xFFFFC000  }
0x49: {  	[hbm4b:s19+s2] =	stream.linear.scatter [tilespmem:s6], [sflag:$0x3], $0x4000, $0x38;
	[tilespmem:$0x8200] =	vst v63  }
0x4a: {  	_ =	swait.ge [sflag:s3], $0x4000  }
0x4b: {  	[sflag:s3] =	ssyncset.done $0x0  }
0x4c: {  	[sflag:s3] =	ssyncadd.s32 $0xFFFFC000  }
0x4d: {  	_ =	swait.ge [sflag:s11], $0x4000  }
0x4e: {  	[sflag:s11] =	ssyncset.done $0x0  }
0x4f: {  	s20 =	sadd.s32 s20, s0;
	[dreg:$0x3] =	wrdreg s0;
	[sflag:s11] =	ssyncadd.s32 $0xFFFFC000  }
0x50: {  	[hbm4b:s20+s2] =	stream.linear.scatter [tilespmem:s7], [sflag:$0x3], $0x4000, $0x38;
	[tilespmem:$0x8200] =	vst v63  }
0x51: {  	_ =	swait.ge [sflag:s3], $0x4000  }
0x52: {  	[sflag:s3] =	ssyncset.done $0x0  }
0x53: {  	s21 =	sadd.s32 $0x8E00, s26;
	[sflag:s3] =	ssyncadd.s32 $0xFFFFC000  }
0x54: {  	[tilespmem:s2], [sflag:$0x3] =	stream.linear.gather [hbm4b:s21+s2], $0x200, $0x38;
	[tilespmem:$0x8200] =	vst v63  }
0x55: {  	_ =	swait.ge [sflag:s3], $0x200  }
0x56: {  	[sflag:s3] =	ssyncset.done $0x0  }
0x57: {  	[sflag:s3] =	ssyncadd.s32 $0xFFFFFE00  }
0x58: {  	[tilespmem:s6], [sflag:$0x1] =	stream.indirect.gather [hbm4b:s4+s5], $0x80, s2, s5, $0xb8;
	[tilespmem:$0x8200] =	vst v63  }
0x59: {  	_ = 	snop  }
0x5a: {  	[tilespmem:s7], [sflag:$0x2] =	stream.indirect.gather [hbm4b:s4+s5], $0x80, s5, s5, $0xb8;
	[tilespmem:$0x8200] =	vst v63  }
0x5b: {  	_ =	swait.ge [sflag:s8], $0x4000  }
0x5c: {  	s25 =	sadd.s32 $0x28A600, s28;
	[sflag:s8] =	ssyncset.done $0x0  }
0x5d: {  	s22 =	sadd.s32 s25, s29;
	[sflag:s8] =	ssyncadd.s32 $0xFFFFC000  }
0x5e: {  	[hbm4b:s22+s2] =	stream.linear.scatter [tilespmem:s6], [sflag:$0x3], $0x4000, $0x38;
	[tilespmem:$0x8200] =	vst v63  }
0x5f: {  	_ =	swait.ge [sflag:s3], $0x4000  }
0x60: {  	[sflag:s3] =	ssyncset.done $0x0  }
0x61: {  	[sflag:s3] =	ssyncadd.s32 $0xFFFFC000  }
0x62: {  	[tilespmem:s6], [sflag:$0x1] =	stream.indirect.gather [hbm4b:s4+s5], $0x80, s10, s5, $0xb8;
	[tilespmem:$0x8200] =	vst v63  }
0x63: {  	_ =	swait.ge [sflag:s11], $0x4000  }
0x64: {  	[sflag:s11] =	ssyncset.done $0x0  }
0x65: {  	s23 =	sadd.s32 s25, s30;
	[sflag:s11] =	ssyncadd.s32 $0xFFFFC000  }
0x66: {  	[hbm4b:s23+s2] =	stream.linear.scatter [tilespmem:s7], [sflag:$0x3], $0x4000, $0x38;
	[tilespmem:$0x8200] =	vst v63  }
0x67: {  	_ =	swait.ge [sflag:s3], $0x4000  }
0x68: {  	[sflag:s3] =	ssyncset.done $0x0  }
0x69: {  	[sflag:s3] =	ssyncadd.s32 $0xFFFFC000  }
0x6a: {  	[tilespmem:s7], [sflag:$0x2] =	stream.indirect.gather [hbm4b:s4+s5], $0x80, s13, s5, $0xb8;
	[tilespmem:$0x8200] =	vst v63  }
0x6b: {  	_ =	swait.ge [sflag:s8], $0x4000  }
0x6c: {  	[sflag:s8] =	ssyncset.done $0x0  }
0x6d: {  	s24 =	sadd.s32 $0x1000, s22;
	[sflag:s8] =	ssyncadd.s32 $0xFFFFC000  }
0x6e: {  	[hbm4b:s24+s2] =	stream.linear.scatter [tilespmem:s6], [sflag:$0x3], $0x4000, $0x38;
	[tilespmem:$0x8200] =	vst v63  }
0x6f: {  	_ =	swait.ge [sflag:s3], $0x4000  }
0x70: {  	[sflag:s3] =	ssyncset.done $0x0  }
0x71: {  	[sflag:s3] =	ssyncadd.s32 $0xFFFFC000  }
0x72: {  	_ =	swait.ge [sflag:s11], $0x4000  }
0x73: {  	[sflag:s11] =	ssyncset.done $0x0  }
0x74: {  	s25 =	sadd.s32 s25, s0;
	[sflag:s11] =	ssyncadd.s32 $0xFFFFC000  }
0x75: {  	[hbm4b:s25+s2] =	stream.linear.scatter [tilespmem:s7], [sflag:$0x3], $0x4000, $0x38;
	[tilespmem:$0x8200] =	vst v63  }
0x76: {  	_ =	swait.ge [sflag:s3], $0x4000  }
0x77: {  	[sflag:s3] =	ssyncset.done $0x0  }
0x78: {  	s26 =	sadd.s32 $0x9E00, s26;
	[sflag:s3] =	ssyncadd.s32 $0xFFFFC000  }
0x79: {  	[tilespmem:s2], [sflag:$0x3] =	stream.linear.gather [hbm4b:s26+s2], $0x200, $0x38;
	[tilespmem:$0x8200] =	vst v63  }
0x7a: {  	_ =	swait.ge [sflag:s3], $0x200  }
0x7b: {  	[sflag:s3] =	ssyncset.done $0x0  }
0x7c: {  	[sflag:s3] =	ssyncadd.s32 $0xFFFFFE00  }
0x7d: {  	[tilespmem:s6], [sflag:$0x1] =	stream.indirect.gather [hbm4b:s4+s5], $0x80, s2, s5, $0xb8;
	[tilespmem:$0x8200] =	vst v63  }
0x7e: {  	_ = 	snop  }
0x7f: {  	[tilespmem:s7], [sflag:$0x2] =	stream.indirect.gather [hbm4b:s4+s5], $0x80, s5, s5, $0xb8;
	[tilespmem:$0x8200] =	vst v63  }
0x80: {  	_ =	swait.ge [sflag:s8], $0x4000  }
0x81: {  	s0 =	sadd.s32 $0x2CA600, s28;
	[sflag:s8] =	ssyncset.done $0x0  }
0x82: {  	s28 =	sadd.s32 s0, s29;
	[sflag:s8] =	ssyncadd.s32 $0xFFFFC000  }
0x83: {  	[hbm4b:s28+s2] =	stream.linear.scatter [tilespmem:s6], [sflag:$0x3], $0x4000, $0x38;
	[tilespmem:$0x8200] =	vst v63  }
0x84: {  	_ =	swait.ge [sflag:s3], $0x4000  }
0x85: {  	[sflag:s3] =	ssyncset.done $0x0  }
0x86: {  	[sflag:s3] =	ssyncadd.s32 $0xFFFFC000  }
0x87: {  	[tilespmem:s6], [sflag:$0x1] =	stream.indirect.gather [hbm4b:s4+s5], $0x80, s10, s5, $0xb8;
	[tilespmem:$0x8200] =	vst v63  }
0x88: {  	_ =	swait.ge [sflag:s11], $0x4000  }
0x89: {  	[sflag:s11] =	ssyncset.done $0x0  }
0x8a: {  	s29 =	sadd.s32 s0, s30;
	[sflag:s11] =	ssyncadd.s32 $0xFFFFC000  }
0x8b: {  	[hbm4b:s29+s2] =	stream.linear.scatter [tilespmem:s7], [sflag:$0x3], $0x4000, $0x38;
	[tilespmem:$0x8200] =	vst v63  }
0x8c: {  	_ =	swait.ge [sflag:s3], $0x4000  }
0x8d: {  	[sflag:s3] =	ssyncset.done $0x0  }
0x8e: {  	[sflag:s3] =	ssyncadd.s32 $0xFFFFC000  }
0x8f: {  	[tilespmem:s7], [sflag:$0x2] =	stream.indirect.gather [hbm4b:s4+s5], $0x80, s13, s5, $0xb8;
	[tilespmem:$0x8200] =	vst v63  }
0x90: {  	_ =	swait.ge [sflag:s8], $0x4000  }
0x91: {  	s1 =	ssub.s32 $0x2, s1;
	[sflag:s8] =	ssyncset.done $0x0  }
0x92: {  	s31 =	sshrl.u32 s1, $0x1;
	s30 =	sadd.s32 $0x1000, s28;
	[sflag:s8] =	ssyncadd.s32 $0xFFFFC000  }
0x93: {  	[hbm4b:s30+s2] =	stream.linear.scatter [tilespmem:s6], [sflag:$0x3], $0x4000, $0x38;
	[tilespmem:$0x8200] =	vst v63  }
0x94: {  	s1 =	ssub.s32 s1, s31;
	_ =	swait.ge [sflag:s3], $0x4000  }
0x95: {  	s1 =	smax.u32 s1, $0x1;
	[sflag:s3] =	ssyncset.done $0x0  }
0x96: {  	p0 =	sne.s32 s1, $0x1;
	[sflag:s3] =	ssyncadd.s32 $0xFFFFC000  }
.Ltmp0:
0x97: {  	_ =	swait.ge [sflag:s11], $0x4000;
	(pc) =	sbr.rel @!p0 .LBB2_2-.Ltmp0, $4  }
0x98: {  	[sflag:s11] =	ssyncset.done $0x0;
	s31 =	rddreg [dreg:$0x3]  }
0x99: {  	s31 =	sadd.s32 s0, s31;
	[sflag:s11] =	ssyncadd.s32 $0xFFFFC000  }
0x9a: {  	[hbm4b:s31+s2] =	stream.linear.scatter [tilespmem:s7], [sflag:$0x3], $0x4000, $0x38;
	[tilespmem:$0x8200] =	vst v63  }
0x9b: {  	s1 =	sadd.s32 $0xFFFFFFFF, s1;
	_ =	swait.ge [sflag:s3], $0x4000  }
.LBB2_1:
0x9c: {  	[sflag:s3] =	ssyncset.done $0x0  }
0x9d: {  	s0 =	rddreg [dreg:$0x2];
	[sflag:s3] =	ssyncadd.s32 $0xFFFFC000  }
0x9e: {  	[tilespmem:s2], [sflag:$0x3] =	stream.linear.gather [hbm4b:s0+s2], $0x200, $0x38;
	[tilespmem:$0x8200] =	vst v63  }
0x9f: {  	_ =	swait.ge [sflag:s3], $0x200  }
0xa0: {  	[sflag:s3] =	ssyncset.done $0x0  }
0xa1: {  	[sflag:s3] =	ssyncadd.s32 $0xFFFFFE00  }
0xa2: {  	[tilespmem:s6], [sflag:$0x1] =	stream.indirect.gather [hbm4b:s4+s5], $0x80, s2, s5, $0xb8;
	[tilespmem:$0x8200] =	vst v63  }
0xa3: {  	_ = 	snop  }
0xa4: {  	[tilespmem:s7], [sflag:$0x2] =	stream.indirect.gather [hbm4b:s4+s5], $0x80, s5, s5, $0xb8;
	[tilespmem:$0x8200] =	vst v63  }
0xa5: {  	_ =	swait.ge [sflag:s8], $0x4000  }
0xa6: {  	[sflag:s8] =	ssyncset.done $0x0  }
0xa7: {  	[sflag:s8] =	ssyncadd.s32 $0xFFFFC000  }
0xa8: {  	[hbm4b:s9+s2] =	stream.linear.scatter [tilespmem:s6], [sflag:$0x3], $0x4000, $0x38;
	[tilespmem:$0x8200] =	vst v63  }
0xa9: {  	_ =	swait.ge [sflag:s3], $0x4000  }
0xaa: {  	[sflag:s3] =	ssyncset.done $0x0  }
0xab: {  	[sflag:s3] =	ssyncadd.s32 $0xFFFFC000  }
0xac: {  	[tilespmem:s6], [sflag:$0x1] =	stream.indirect.gather [hbm4b:s4+s5], $0x80, s10, s5, $0xb8;
	[tilespmem:$0x8200] =	vst v63  }
0xad: {  	_ =	swait.ge [sflag:s11], $0x4000  }
0xae: {  	[sflag:s11] =	ssyncset.done $0x0  }
0xaf: {  	[sflag:s11] =	ssyncadd.s32 $0xFFFFC000  }
0xb0: {  	[hbm4b:s12+s2] =	stream.linear.scatter [tilespmem:s7], [sflag:$0x3], $0x4000, $0x38;
	[tilespmem:$0x8200] =	vst v63  }
0xb1: {  	_ =	swait.ge [sflag:s3], $0x4000  }
0xb2: {  	[sflag:s3] =	ssyncset.done $0x0  }
0xb3: {  	[sflag:s3] =	ssyncadd.s32 $0xFFFFC000  }
0xb4: {  	[tilespmem:s7], [sflag:$0x2] =	stream.indirect.gather [hbm4b:s4+s5], $0x80, s13, s5, $0xb8;
	[tilespmem:$0x8200] =	vst v63  }
0xb5: {  	_ =	swait.ge [sflag:s8], $0x4000  }
0xb6: {  	[sflag:s8] =	ssyncset.done $0x0  }
0xb7: {  	[sflag:s8] =	ssyncadd.s32 $0xFFFFC000  }
0xb8: {  	[hbm4b:s14+s2] =	stream.linear.scatter [tilespmem:s6], [sflag:$0x3], $0x4000, $0x38;
	[tilespmem:$0x8200] =	vst v63  }
0xb9: {  	_ =	swait.ge [sflag:s3], $0x4000  }
0xba: {  	[sflag:s3] =	ssyncset.done $0x0  }
0xbb: {  	[sflag:s3] =	ssyncadd.s32 $0xFFFFC000  }
0xbc: {  	_ =	swait.ge [sflag:s11], $0x4000  }
0xbd: {  	[sflag:s11] =	ssyncset.done $0x0  }
0xbe: {  	[sflag:s11] =	ssyncadd.s32 $0xFFFFC000  }
0xbf: {  	[hbm4b:s15+s2] =	stream.linear.scatter [tilespmem:s7], [sflag:$0x3], $0x4000, $0x38;
	[tilespmem:$0x8200] =	vst v63  }
0xc0: {  	_ =	swait.ge [sflag:s3], $0x4000  }
0xc1: {  	[sflag:s3] =	ssyncset.done $0x0  }
0xc2: {  	[sflag:s3] =	ssyncadd.s32 $0xFFFFC000  }
0xc3: {  	[tilespmem:s2], [sflag:$0x3] =	stream.linear.gather [hbm4b:s16+s2], $0x200, $0x38;
	[tilespmem:$0x8200] =	vst v63  }
0xc4: {  	_ =	swait.ge [sflag:s3], $0x200  }
0xc5: {  	[sflag:s3] =	ssyncset.done $0x0  }
0xc6: {  	[sflag:s3] =	ssyncadd.s32 $0xFFFFFE00  }
0xc7: {  	[tilespmem:s6], [sflag:$0x1] =	stream.indirect.gather [hbm4b:s4+s5], $0x80, s2, s5, $0xb8;
	[tilespmem:$0x8200] =	vst v63  }
0xc8: {  	_ = 	snop  }
0xc9: {  	[tilespmem:s7], [sflag:$0x2] =	stream.indirect.gather [hbm4b:s4+s5], $0x80, s5, s5, $0xb8;
	[tilespmem:$0x8200] =	vst v63  }
0xca: {  	_ =	swait.ge [sflag:s8], $0x4000  }
0xcb: {  	[sflag:s8] =	ssyncset.done $0x0  }
0xcc: {  	[sflag:s8] =	ssyncadd.s32 $0xFFFFC000  }
0xcd: {  	[hbm4b:s17+s2] =	stream.linear.scatter [tilespmem:s6], [sflag:$0x3], $0x4000, $0x38;
	[tilespmem:$0x8200] =	vst v63  }
0xce: {  	_ =	swait.ge [sflag:s3], $0x4000  }
0xcf: {  	[sflag:s3] =	ssyncset.done $0x0  }
0xd0: {  	[sflag:s3] =	ssyncadd.s32 $0xFFFFC000  }
0xd1: {  	[tilespmem:s6], [sflag:$0x1] =	stream.indirect.gather [hbm4b:s4+s5], $0x80, s10, s5, $0xb8;
	[tilespmem:$0x8200] =	vst v63  }
0xd2: {  	_ =	swait.ge [sflag:s11], $0x4000  }
0xd3: {  	[sflag:s11] =	ssyncset.done $0x0  }
0xd4: {  	[sflag:s11] =	ssyncadd.s32 $0xFFFFC000  }
0xd5: {  	[hbm4b:s18+s2] =	stream.linear.scatter [tilespmem:s7], [sflag:$0x3], $0x4000, $0x38;
	[tilespmem:$0x8200] =	vst v63  }
0xd6: {  	_ =	swait.ge [sflag:s3], $0x4000  }
0xd7: {  	[sflag:s3] =	ssyncset.done $0x0  }
0xd8: {  	[sflag:s3] =	ssyncadd.s32 $0xFFFFC000  }
0xd9: {  	[tilespmem:s7], [sflag:$0x2] =	stream.indirect.gather [hbm4b:s4+s5], $0x80, s13, s5, $0xb8;
	[tilespmem:$0x8200] =	vst v63  }
0xda: {  	_ =	swait.ge [sflag:s8], $0x4000  }
0xdb: {  	[sflag:s8] =	ssyncset.done $0x0  }
0xdc: {  	[sflag:s8] =	ssyncadd.s32 $0xFFFFC000  }
0xdd: {  	[hbm4b:s19+s2] =	stream.linear.scatter [tilespmem:s6], [sflag:$0x3], $0x4000, $0x38;
	[tilespmem:$0x8200] =	vst v63  }
0xde: {  	_ =	swait.ge [sflag:s3], $0x4000  }
0xdf: {  	[sflag:s3] =	ssyncset.done $0x0  }
0xe0: {  	[sflag:s3] =	ssyncadd.s32 $0xFFFFC000  }
0xe1: {  	_ =	swait.ge [sflag:s11], $0x4000  }
0xe2: {  	[sflag:s11] =	ssyncset.done $0x0  }
0xe3: {  	[sflag:s11] =	ssyncadd.s32 $0xFFFFC000  }
0xe4: {  	[hbm4b:s20+s2] =	stream.linear.scatter [tilespmem:s7], [sflag:$0x3], $0x4000, $0x38;
	[tilespmem:$0x8200] =	vst v63  }
0xe5: {  	_ =	swait.ge [sflag:s3], $0x4000  }
0xe6: {  	[sflag:s3] =	ssyncset.done $0x0  }
0xe7: {  	[sflag:s3] =	ssyncadd.s32 $0xFFFFC000  }
0xe8: {  	[tilespmem:s2], [sflag:$0x3] =	stream.linear.gather [hbm4b:s21+s2], $0x200, $0x38;
	[tilespmem:$0x8200] =	vst v63  }
0xe9: {  	_ =	swait.ge [sflag:s3], $0x200  }
0xea: {  	[sflag:s3] =	ssyncset.done $0x0  }
0xeb: {  	[sflag:s3] =	ssyncadd.s32 $0xFFFFFE00  }
0xec: {  	[tilespmem:s6], [sflag:$0x1] =	stream.indirect.gather [hbm4b:s4+s5], $0x80, s2, s5, $0xb8;
	[tilespmem:$0x8200] =	vst v63  }
0xed: {  	_ = 	snop  }
0xee: {  	[tilespmem:s7], [sflag:$0x2] =	stream.indirect.gather [hbm4b:s4+s5], $0x80, s5, s5, $0xb8;
	[tilespmem:$0x8200] =	vst v63  }
0xef: {  	_ =	swait.ge [sflag:s8], $0x4000  }
0xf0: {  	[sflag:s8] =	ssyncset.done $0x0  }
0xf1: {  	[sflag:s8] =	ssyncadd.s32 $0xFFFFC000  }
0xf2: {  	[hbm4b:s22+s2] =	stream.linear.scatter [tilespmem:s6], [sflag:$0x3], $0x4000, $0x38;
	[tilespmem:$0x8200] =	vst v63  }
0xf3: {  	_ =	swait.ge [sflag:s3], $0x4000  }
0xf4: {  	[sflag:s3] =	ssyncset.done $0x0  }
0xf5: {  	[sflag:s3] =	ssyncadd.s32 $0xFFFFC000  }
0xf6: {  	[tilespmem:s6], [sflag:$0x1] =	stream.indirect.gather [hbm4b:s4+s5], $0x80, s10, s5, $0xb8;
	[tilespmem:$0x8200] =	vst v63  }
0xf7: {  	_ =	swait.ge [sflag:s11], $0x4000  }
0xf8: {  	[sflag:s11] =	ssyncset.done $0x0  }
0xf9: {  	[sflag:s11] =	ssyncadd.s32 $0xFFFFC000  }
0xfa: {  	[hbm4b:s23+s2] =	stream.linear.scatter [tilespmem:s7], [sflag:$0x3], $0x4000, $0x38;
	[tilespmem:$0x8200] =	vst v63  }
0xfb: {  	_ =	swait.ge [sflag:s3], $0x4000  }
0xfc: {  	[sflag:s3] =	ssyncset.done $0x0  }
0xfd: {  	[sflag:s3] =	ssyncadd.s32 $0xFFFFC000  }
0xfe: {  	[tilespmem:s7], [sflag:$0x2] =	stream.indirect.gather [hbm4b:s4+s5], $0x80, s13, s5, $0xb8;
	[tilespmem:$0x8200] =	vst v63  }
0xff: {  	_ =	swait.ge [sflag:s8], $0x4000  }
0x100: {  	[sflag:s8] =	ssyncset.done $0x0  }
0x101: {  	[sflag:s8] =	ssyncadd.s32 $0xFFFFC000  }
0x102: {  	[hbm4b:s24+s2] =	stream.linear.scatter [tilespmem:s6], [sflag:$0x3], $0x4000, $0x38;
	[tilespmem:$0x8200] =	vst v63  }
0x103: {  	_ =	swait.ge [sflag:s3], $0x4000  }
0x104: {  	[sflag:s3] =	ssyncset.done $0x0  }
0x105: {  	[sflag:s3] =	ssyncadd.s32 $0xFFFFC000  }
0x106: {  	_ =	swait.ge [sflag:s11], $0x4000  }
0x107: {  	[sflag:s11] =	ssyncset.done $0x0  }
0x108: {  	[sflag:s11] =	ssyncadd.s32 $0xFFFFC000  }
0x109: {  	[hbm4b:s25+s2] =	stream.linear.scatter [tilespmem:s7], [sflag:$0x3], $0x4000, $0x38;
	[tilespmem:$0x8200] =	vst v63  }
0x10a: {  	_ =	swait.ge [sflag:s3], $0x4000  }
0x10b: {  	[sflag:s3] =	ssyncset.done $0x0  }
0x10c: {  	[sflag:s3] =	ssyncadd.s32 $0xFFFFC000  }
0x10d: {  	[tilespmem:s2], [sflag:$0x3] =	stream.linear.gather [hbm4b:s26+s2], $0x200, $0x38;
	[tilespmem:$0x8200] =	vst v63  }
0x10e: {  	_ =	swait.ge [sflag:s3], $0x200  }
0x10f: {  	[sflag:s3] =	ssyncset.done $0x0  }
0x110: {  	[sflag:s3] =	ssyncadd.s32 $0xFFFFFE00  }
0x111: {  	[tilespmem:s6], [sflag:$0x1] =	stream.indirect.gather [hbm4b:s4+s5], $0x80, s2, s5, $0xb8;
	[tilespmem:$0x8200] =	vst v63  }
0x112: {  	_ = 	snop  }
0x113: {  	[tilespmem:s7], [sflag:$0x2] =	stream.indirect.gather [hbm4b:s4+s5], $0x80, s5, s5, $0xb8;
	[tilespmem:$0x8200] =	vst v63  }
0x114: {  	_ =	swait.ge [sflag:s8], $0x4000  }
0x115: {  	[sflag:s8] =	ssyncset.done $0x0  }
0x116: {  	[sflag:s8] =	ssyncadd.s32 $0xFFFFC000  }
0x117: {  	[hbm4b:s28+s2] =	stream.linear.scatter [tilespmem:s6], [sflag:$0x3], $0x4000, $0x38;
	[tilespmem:$0x8200] =	vst v63  }
0x118: {  	_ =	swait.ge [sflag:s3], $0x4000  }
0x119: {  	[sflag:s3] =	ssyncset.done $0x0  }
0x11a: {  	[sflag:s3] =	ssyncadd.s32 $0xFFFFC000  }
0x11b: {  	[tilespmem:s6], [sflag:$0x1] =	stream.indirect.gather [hbm4b:s4+s5], $0x80, s10, s5, $0xb8;
	[tilespmem:$0x8200] =	vst v63  }
0x11c: {  	_ =	swait.ge [sflag:s11], $0x4000  }
0x11d: {  	[sflag:s11] =	ssyncset.done $0x0  }
0x11e: {  	[sflag:s11] =	ssyncadd.s32 $0xFFFFC000  }
0x11f: {  	[hbm4b:s29+s2] =	stream.linear.scatter [tilespmem:s7], [sflag:$0x3], $0x4000, $0x38;
	[tilespmem:$0x8200] =	vst v63  }
0x120: {  	_ =	swait.ge [sflag:s3], $0x4000  }
0x121: {  	[sflag:s3] =	ssyncset.done $0x0  }
0x122: {  	[sflag:s3] =	ssyncadd.s32 $0xFFFFC000  }
0x123: {  	[tilespmem:s7], [sflag:$0x2] =	stream.indirect.gather [hbm4b:s4+s5], $0x80, s13, s5, $0xb8;
	[tilespmem:$0x8200] =	vst v63  }
0x124: {  	_ =	swait.ge [sflag:s8], $0x4000  }
0x125: {  	[sflag:s8] =	ssyncset.done $0x0  }
0x126: {  	[sflag:s8] =	ssyncadd.s32 $0xFFFFC000  }
0x127: {  	[hbm4b:s30+s2] =	stream.linear.scatter [tilespmem:s6], [sflag:$0x3], $0x4000, $0x38;
	[tilespmem:$0x8200] =	vst v63  }
0x128: {  	_ =	swait.ge [sflag:s3], $0x4000  }
0x129: {  	[sflag:s3] =	ssyncset.done $0x0  }
0x12a: {  	p0 =	sne.s32 s1, $0x1;
	[sflag:s3] =	ssyncadd.s32 $0xFFFFC000  }
.Ltmp1:
0x12b: {  	_ =	swait.ge [sflag:s11], $0x4000;
	(pc) =	sbr.rel @p0 .LBB2_1-.Ltmp1, $4  }
0x12c: {  	[sflag:s11] =	ssyncset.done $0x0  }
0x12d: {  	[sflag:s11] =	ssyncadd.s32 $0xFFFFC000  }
0x12e: {  	[hbm4b:s31+s2] =	stream.linear.scatter [tilespmem:s7], [sflag:$0x3], $0x4000, $0x38;
	[tilespmem:$0x8200] =	vst v63  }
0x12f: {  	s1 =	sadd.s32 $0xFFFFFFFF, s1;
	_ =	swait.ge [sflag:s3], $0x4000  }
.LBB2_2:
0x130: {  	[sflag:s3] =	ssyncset.done $0x0  }
0x131: {  	[sflag:s3] =	ssyncadd.s32 $0xFFFFC000  }
0x132: {  	_ =	sfence.sel $0x180000  }
0x133: {  	[bflag:$0x0] =	sbarrier.arrive $0xFFFF  }
0x134: {  	_ =	strace $0x90000047  }
0x135: {  	s0 =	stileid.u32;
	[bflag:$0x2] =	sbarrier.arrive $0xFFFF  }
0x136: {  	p0 =	sne.s32 s0, $0x0;
	s0 =	rddreg [dreg:$0x1]  }
0x137: {  	s0 =	sadd.s32 @!p0 $0x100000, s0  }
0x138: {  	[sflag:s0] =	ssyncadd.tile.s32 @!p0 $0x1;
	_ =	shalt  }
.Lfunc_end2:
_tile_overlayer_lowered:
.L_overlay_start_2:
0x139: {  	(tag) =	ssettag $0x2  }
0x13a: {  	s0 =	rddreg [dreg:$0x0];
	s2 =	stileid.u32  }
0x13b: {  	s1 =	rddreg [dreg:$0x1];
	p0 =	sne.s32 s2, $0x0  }
0x13c: {  	s3 =	rddreg [dreg:$0x2];
	[bflag:$0x3] =	sbarrier.arrive $0xFFFF;
	s2 =	simm.s32 @!p0 $0x1C03  }
0x13d: {  	[timem:s3], [sflag:s2] =	dma.local @!p0 [hbm:s0], s1  }
0x13e: {  	s0 =	simm.s32 @!p0 $0x3  }
0x13f: {  	_ =	swait.ge @!p0 [sflag:s0], s1  }
0x140: {  	s1 =	ssub.s32 @!p0 $0x0, s1;
	[sflag:s0] =	ssyncset.done @!p0 $0x0  }
0x141: {  	[sflag:s0] =	ssyncadd.s32 @!p0 s1  }
0x142: {  	[bflag:$0x3] =	sbarrier.arrive $0xFFFF  }
0x143: {  	_ =	shalt  }

// kernel: kernel.17.cloned.1.call-start
scs
__scs_entry_jumppad:
0x0: {  	(pc) =	sbr.rel $0x88, $3  }
0x1: {  	(tag) =	ssettag $0x0;
	lr =	simm.s32 $0x1  }
0x2: {  	[smem:$0x3F8D] =	sst lr;
	_ =	strace $0xD0000000  }
0x3: {  	_ = 	snop  }
0x4: {  	_ = 	snop  }
0x5: {  	_ = 	snop  }
0x6: {  	_ = 	snop  }
0x7: {  	_ = 	snop  }
__scs_overlays_trampoline_lowered:
0x8: {  	[smem:$0x3F9C] =	sst s0  }
0x9: {  	[smem:$0x3F9D] =	sst s1  }
0xa: {  	[smem:$0x3F9E] =	sst s2  }
0xb: {  	[smem:$0x3F9F] =	sst s3  }
0xc: {  	[smem:$0x3FA0] =	sst s4  }
0xd: {  	[smem:$0x3FA1] =	sst s5  }
0xe: {  	[smem:$0x3FA2] =	sst s6  }
0xf: {  	[smem:$0x3FA3] =	sst s7  }
0x10: {  	[smem:$0x3FA4] =	sst s8  }
0x11: {  	[smem:$0x3FA5] =	sst s9;
	s0 =	simm.s32 @!p0 $0x0  }
0x12: {  	s1 =	sld [smem:$0x3F8B];
	s0 =	simm.s32 @p0 $0x1  }
0x13: {  	[smem:$0x3FA6] =	sst s0;
	s0 =	simm.s32 @!p1 $0x0  }
0x14: {  	s2 =	sld [smem:$0x3F8A];
	s0 =	simm.s32 @p1 $0x1  }
0x15: {  	[smem:$0x3FA7] =	sst s0;
	s0 =	simm.s32 @!p2 $0x0  }
0x16: {  	s3 =	sld [smem:$0x3FDB];
	s0 =	simm.s32 @p2 $0x1  }
0x17: {  	s4 =	simm.s32 $0x1BF5;
	[smem:$0x3FA9] =	sst s0  }
0x18: {  	s0 =	sld [smem:$0x3F8C];
	_ =	swait.ge [sflag:s4], $0x0  }
0x19: {  	s7 =	sld [smem:$0x3F8D]  }
0x1a: {  	s8 =	sadd.s32 $0xFFFFE003, lr  }
0x1b: {  	s9 =	sadd.s32 $0xFFFFFEF7, lr;
	s5 =	simm.s32 $0xFFFFFFFF;
	p2 =	slt.u32 s8, $0xFFFFF086  }
0x1c: {  	p1 =	slt.u32 s9, $0xF7A;
	s5 =	simm.s32 @!p2 $0x0  }
0x1d: {  	s5 =	simm.s32 @p1 $0x1;
	p0 =	seq.s32 s7, s2  }
0x1e: {  	s7 =	smul.u32 @!p0 $0xF7A, s2;
	p2 =	seq.s32 @!p0 s5, $0x0  }
0x1f: {  	s9 =	smul.u32 $0xF7A, s1;
	s8 =	simm.s32 @!p0 $0x1BF5;
	p2 =	por !p2, p0  }
0x20: {  	[sflag:s8] =	ssyncset.s32 @!p0 $0xFFFFF086;
	s6 =	sadd.s32 @!p0 s3, s7;
	s7 =	simm.s32 @!p0 $0x108  }
0x21: {  	s3 =	sadd.s32 s3, s9;
	s6 =	sadd.s32 @!p0 $0x88, s6;
	s7 =	simm.s32 @p2 $0x1082  }
0x22: {  	[simem:s7], [sflag:s8] =	dma.local @!p0 [hbm:s6], $0xF7A  }
0x23: {  	s9 =	sor.u32 $0xD0000000, s2;
	s6 =	simm.s32 $0x108;
	_ =	swait.ge @!p0 [sflag:s8], $0x0  }
0x24: {  	s3 =	sadd.s32 $0x88, s3;
	s6 =	simm.s32 @!p1 $0x1082;
	[sflag:s4] =	ssyncset.s32 $0xFFFFF086  }
0x25: {  	[simem:s6], [sflag:s4] =	dma.local [hbm:s3], $0xF7A  }
0x26: {  	[smem:$0x3F8D] =	sst s1;
	(tag) =	ssettag s2;
	_ =	strace s9  }
0x27: {  	s1 =	sld [smem:$0x3F9D]  }
0x28: {  	s2 =	sld [smem:$0x3F9E]  }
0x29: {  	s4 =	sld [smem:$0x3FA0]  }
0x2a: {  	p0 =	seq.s32 s5, $0x0;
	s5 =	sld [smem:$0x3FA1]  }
0x2b: {  	s6 =	sld [smem:$0x3FA2]  }
0x2c: {  	s7 =	sld [smem:$0x3FA3]  }
0x2d: {  	s3 =	simm.s32 $0x108;
	s8 =	sld [smem:$0x3FA4]  }
0x2e: {  	s3 =	simm.s32 @!p0 $0x1082;
	s9 =	sld [smem:$0x3FA5]  }
0x2f: {  	lr =	sadd.s32 s0, s3;
	s0 =	sld [smem:$0x3F9C]  }
0x30: {  	s3 =	sld [smem:$0x3F9F]  }
0x31: {  	[smem:$0x3FA8] =	sst s10  }
0x32: {  	s10 =	sld [smem:$0x3FA6];
	_ =	sdelay $0x3  }
0x33: {  	p0 =	seq.s32 s10, $0x1;
	s10 =	sld [smem:$0x3FA8];
	_ =	sdelay $0x3  }
0x34: {  	[smem:$0x3FA8] =	sst s10  }
0x35: {  	s10 =	sld [smem:$0x3FA7];
	_ =	sdelay $0x3  }
0x36: {  	p1 =	seq.s32 s10, $0x1;
	s10 =	sld [smem:$0x3FA8];
	_ =	sdelay $0x3  }
0x37: {  	[smem:$0x3FA8] =	sst s10  }
0x38: {  	s10 =	sld [smem:$0x3FA9]  }
0x39: {  	_ = 	snop;
	(pc) =	sbr.ind lr, $3  }
0x3a: {  	_ = 	snop  }
0x3b: {  	_ = 	snop  }
0x3c: {  	p2 =	seq.s32 s10, $0x1;
	s10 =	sld [smem:$0x3FA8]  }
0x3d: {  	_ =	shalt  }
0x3e: {  	_ =	shalt  }
0x3f: {  	_ =	shalt  }
0x40: {  	_ =	shalt  }
0x41: {  	_ =	shalt  }
0x42: {  	_ =	shalt  }
0x43: {  	_ =	shalt  }
0x44: {  	_ =	shalt  }
0x45: {  	_ =	shalt  }
0x46: {  	_ =	shalt  }
0x47: {  	_ =	shalt  }
0x48: {  	_ =	shalt  }
0x49: {  	_ =	shalt  }
0x4a: {  	_ =	shalt  }
0x4b: {  	_ =	shalt  }
0x4c: {  	_ =	shalt  }
0x4d: {  	_ =	shalt  }
0x4e: {  	_ =	shalt  }
0x4f: {  	_ =	shalt  }
0x50: {  	_ =	shalt  }
0x51: {  	_ =	shalt  }
0x52: {  	_ =	shalt  }
0x53: {  	_ =	shalt  }
0x54: {  	_ =	shalt  }
0x55: {  	_ =	shalt  }
0x56: {  	_ =	shalt  }
0x57: {  	_ =	shalt  }
0x58: {  	_ =	shalt  }
0x59: {  	_ =	shalt  }
0x5a: {  	_ =	shalt  }
0x5b: {  	_ =	shalt  }
0x5c: {  	_ =	shalt  }
0x5d: {  	_ =	shalt  }
0x5e: {  	_ =	shalt  }
0x5f: {  	_ =	shalt  }
0x60: {  	_ =	shalt  }
0x61: {  	_ =	shalt  }
0x62: {  	_ =	shalt  }
0x63: {  	_ =	shalt  }
0x64: {  	_ =	shalt  }
0x65: {  	_ =	shalt  }
0x66: {  	_ =	shalt  }
0x67: {  	_ =	shalt  }
0x68: {  	_ =	shalt  }
0x69: {  	_ =	shalt  }
0x6a: {  	_ =	shalt  }
0x6b: {  	_ =	shalt  }
0x6c: {  	_ =	shalt  }
0x6d: {  	_ =	shalt  }
0x6e: {  	_ =	shalt  }
0x6f: {  	_ =	shalt  }
0x70: {  	_ =	shalt  }
0x71: {  	_ =	shalt  }
0x72: {  	_ =	shalt  }
0x73: {  	_ =	shalt  }
0x74: {  	_ =	shalt  }
0x75: {  	_ =	shalt  }
0x76: {  	_ =	shalt  }
0x77: {  	_ =	shalt  }
0x78: {  	_ =	shalt  }
0x79: {  	_ =	shalt  }
0x7a: {  	_ =	shalt  }
0x7b: {  	_ =	shalt  }
0x7c: {  	_ =	shalt  }
0x7d: {  	_ =	shalt  }
0x7e: {  	_ =	shalt  }
0x7f: {  	_ =	shalt  }
0x80: {  	_ =	shalt  }
0x81: {  	_ =	shalt  }
0x82: {  	_ =	shalt  }
0x83: {  	_ =	shalt  }
0x84: {  	_ =	shalt  }
0x85: {  	_ =	shalt  }
0x86: {  	_ =	shalt  }
0x87: {  	_ =	shalt  }
.Lfunc_end0:
.L_simem_size_0:
called_computation.2_lowered:
.L_overlay_start_0:
0x88: {  	s2 =	sld [smem:$0x3FD9]  }
0x89: {  	s3 =	sld [smem:$0x3FFE];
	_ =	sdelay $0x1  }
0x8a: {  	s1 =	srdreg.scid  }
0x8b: {  	s0 =	sand.u32 $0x1, s1  }
0x8c: {  	s17 =	sshll.u32 s0, $0xA;
	s2 =	sadd.s32 s3, s2  }
0x8d: {  	s2 =	sadd.s32 s2, s17  }
0x8e: {  	[smem:$0x3FB4] =	sst s2  }
0x8f: {  	_ = 	snop  }
0x90: {  	(tm) =	ssettm $0x1  }
0x91: {  	s18 =	sld [smem:$0x3FFB];
	_ =	sdelay $0x3  }
0x92: {  	_ =	strace s18  }
0x93: {  	s2 =	sld [smem:$0x3FFC];
	_ =	sdelay $0x3  }
0x94: {  	_ =	strace s2  }
0x95: {  	s2 =	sld [smem:$0x3FFD];
	_ =	sdelay $0x3  }
0x96: {  	_ =	strace s2  }
0x97: {  	_ =	strace $0x8FFFFFFF  }
0x98: {  	s19 =	sld [smem:$0x3FDB];
	_ =	sdelay $0x1  }
0x99: {  	s20 =	simm.s32 $_scs_section_size  }
0x9a: {  	s4 =	simm.s32 $_size__tile_overlayer_lowered;
	s5 =	simm.s32 $_tile_overlayer_lowered  }
0x9b: {  	s6 =	simm.s32 $0x1BFF;
	s21 =	sshll.u32 s5, $0x1;
	s3 =	sadd.s32 s20, s19  }
0x9c: {  	s22 =	simm.s32 $0x0;
	s4 =	sshll.u32 s4, $0x1;
	s5 =	sadd.s32 s21, s3  }
0x9d: {  	[timem:s22], [sflag:s6] =	dma.local [hbm:s5], s4  }
0x9e: {  	_ =	swait.ge [sflag:s6], s4  }
0x9f: {  	s4 =	ssub.s32 $0x0, s4;
	[sflag:s6] =	ssyncset.done $0x0  }
0xa0: {  	[sflag:s6] =	ssyncadd.s32 s4;
	_ =	sdelay $0x1  }
0xa1: {  	s23 =	simm.s32 $0x1B8B  }
0xa2: {  	_ =	swait.ge [sflag:s23], $0x1  }
0xa3: {  	[sflag:s23] =	ssyncset.done $0x0  }
0xa4: {  	[sflag:s23] =	ssyncadd.s32 $0xFFFFFFFF  }
0xa5: {  	s4 =	sld [smem:$0x0]  }
0xa6: {  	s5 =	sand.u32 $0xFFFFFFFE, s1  }
0xa7: {  	p0 =	sne.s32 s1, s5  }
0xa8: {  	s5 =	sshll.u32 @p0 s5, $0xE  }
0xa9: {  	s5 =	sadd.s32 @p0 $0x11B8D, s5;
	s6 =	sshll.u32 @p0 s4, $0x11  }
0xaa: {  	s5 =	sor.u32 @p0 s6, s5  }
0xab: {  	[sflag:s5] =	ssyncadd.remote.s32 @p0 $0x1;
	_ =	sdelay $0x1  }
0xac: {  	s5 =	simm.s32 @p0 $0x1B8D  }
0xad: {  	_ =	swait.eq @p0 [sflag:s5], $0x1  }
0xae: {  	[sflag:s5] =	ssyncadd.s32 @p0 $0xFFFFFFFF  }
0xaf: {  	s6 =	sshll.u32 @!p0 s1, $0xE  }
0xb0: {  	s6 =	sor.u32 @!p0 $0x4000, s6;
	s5 =	simm.s32 @!p0 $0x1B8D  }
0xb1: {  	s4 =	sshll.u32 @!p0 s4, $0x11;
	s6 =	sadd.s32 @!p0 $0x11B8D, s6;
	_ =	swait.eq @!p0 [sflag:s5], $0x1  }
0xb2: {  	s4 =	sor.u32 @!p0 s4, s6;
	[sflag:s5] =	ssyncadd.s32 @!p0 $0xFFFFFFFF  }
0xb3: {  	s25 =	simm.s32 $0x1B8E;
	s24 =	sld [smem:$0x3FFE];
	[sflag:s4] =	ssyncadd.remote.s32 @!p0 $0x1  }
0xb4: {  	s26 =	simm.s32 $execute0_lowered;
	[smem:$0x3FD2] =	sst s25  }
0xb5: {  	s5 =	sshll.u32 s26, $0x1;
	_ =	strace $0x8000004F;
	[dreg:$0x1] =	wrdreg $0xFFFFFFFF  }
0xb6: {  	s28 =	simm.s32 $_size_execute0_lowered;
	s3 =	sadd.s32 s3, s5;
	[dreg:$0x0] =	wrdreg $0x0  }
0xb7: {  	s5 =	sshll.u32 s28, $0x1;
	[dreg:$0x2] =	wrdreg s3  }
0xb8: {  	[dreg:$0x3] =	wrdreg s5  }
0xb9: {  	[dreg:$0x4] =	wrdreg $0xC0  }
0xba: {  	_ =	task [dreg:s22], $0x5FFFF  }
0xbb: {  	[dreg:$0x1] =	wrdreg $0xFFFFFFFF  }
0xbc: {  	[dreg:$0x0] =	wrdreg $0x60  }
0xbd: {  	[dreg:$0x2] =	wrdreg s24  }
0xbe: {  	[dreg:$0x3] =	wrdreg $0xB  }
0xbf: {  	_ =	task.clear_ibuf [dreg:s22], $0x4FFFF;
	_ =	strace $0x9000004F  }
0xc0: {  	s29 =	simm.s32 $0xB;
	_ =	strace $0x80000051  }
0xc1: {  	_ =	swait.ge [sflag:s29], $0x1  }
0xc2: {  	[sflag:s29] =	ssyncadd.s32 $0xFFFFFFFF  }
0xc3: {  	_ =	strace $0x90000051  }
0xc4: {  	_ =	sfence  }
0xc5: {  	s30 =	sld [smem:$0x0];
	_ =	sdelay $0x2  }
0xc6: {  	s31 =	sshll.u32 s1, $0xD;
	s1 =	sshrl.u32 s1, $0x2  }
0xc7: {  	s4 =	sand.u32 $0x4000, s31;
	s1 =	sadd.s32 s1, s30  }
0xc8: {  	s0 =	sor.u32 s4, s0;
	s1 =	sshll.u32 s1, $0x11  }
0xc9: {  	s0 =	sor.u32 s1, s0  }
0xca: {  	s0 =	sadd.s32 $0x8F2B, s0  }
0xcb: {  	[sflag:s0] =	ssyncadd.remote.s32 $0x1  }
0xcc: {  	_ =	sfence.sel $0xFFFF  }
0xcd: {  	[dreg:$0x0] =	wrdreg $0xFFFFFFFF;
	(pc) =	sbr.abs _section_cstart, $3  }
0xce: {  	[dreg:$0x1] =	wrdreg $0xFFFFFFFF  }
0xcf: {  	_ =	task.clear_ibuf [dreg:s22], $0x2FFFF;
	_ =	strace $0x9FFFFFFF  }
0xd0: {  	(tm) =	ssettm $0x7FFFFFFF  }
0xd1: {  	_ =	shalt  }
tec
execute0_lowered:
.L_overlay_start_1:
0x0: {  	(tag) =	ssettag $0x1  }
0x1: {  	s1 =	srdreg.scid  }
0x2: {  	s0 =	stileid.u32;
	s28 =	sand.u32 $0x1, s1  }
0x3: {  	s31 =	sshll.u32 s0, $0x9;
	s2 =	sshll.u32 s28, $0x8  }
0x4: {  	s26 =	rddreg [dreg:$0x0];
	s10 =	sor.u32 s2, s31  }
0x5: {  	s1 =	rddreg [dreg:$0x1];
	s2 =	simm.s32 $0x0;
	s3 =	sshrl.u32 s10, $0x3  }
0x6: {  	[smem:$0x7FF] =	sst s2;
	s25 =	sadd.s32 s3, s26  }
0x7: {  	_ =	strace $0x80000050;
	s3 =	simm.s32 $0x3;
	s4 =	sadd.s32 $0x40A600, s25  }
0x8: {  	[tilespmem:s2], [sflag:$0x3] =	stream.linear.gather [hbm4b:s4+s2], $0x100, $0x38;
	[tilespmem:$0x8100] =	vst v63  }
0x9: {  	_ =	swait.ge [sflag:s3], $0x100  }
0xa: {  	s6 =	simm.s32 $0x80;
	[sflag:s3] =	ssyncset.done $0x0  }
0xb: {  	s7 =	simm.s32 $0x100;
	s5 =	sadd.s32 $0xA600, s26;
	[sflag:s3] =	ssyncadd.s32 $0xFFFFFF00  }
0xc: {  	[tilespmem:s7], [sflag:$0x1] =	stream.indirect.gather [hbm4b:s5+s6], $0x80, s2, s6, $0xb8;
	[tilespmem:$0x8100] =	vst v63  }
0xd: {  	s8 =	simm.s32 $0x4100;
	s9 =	simm.s32 $0x1  }
0xe: {  	[tilespmem:s8], [sflag:$0x2] =	stream.indirect.gather [hbm4b:s5+s6], $0x80, s6, s6, $0xb8;
	[tilespmem:$0x8100] =	vst v63  }
0xf: {  	_ =	swait.ge [sflag:s9], $0x4000  }
0x10: {  	s12 =	sadd.s32 $0x4CD600, s26;
	s30 =	sshll.u32 s10, $0x4;
	[sflag:s9] =	ssyncset.done $0x0  }
0x11: {  	s10 =	sadd.s32 s12, s30;
	[sflag:s9] =	ssyncadd.s32 $0xFFFFC000  }
0x12: {  	[hbm4b:s10+s2] =	stream.linear.scatter [tilespmem:s7], [sflag:$0x3], $0x4000, $0x38;
	[tilespmem:$0x8100] =	vst v63  }
0x13: {  	_ =	swait.ge [sflag:s3], $0x4000  }
0x14: {  	[sflag:s3] =	ssyncset.done $0x0  }
0x15: {  	s11 =	simm.s32 $0x2;
	[sflag:s3] =	ssyncadd.s32 $0xFFFFC000  }
0x16: {  	_ =	swait.ge [sflag:s11], $0x4000  }
0x17: {  	s29 =	sor.u32 $0x800, s30;
	[sflag:s11] =	ssyncset.done $0x0  }
0x18: {  	s12 =	sadd.s32 s12, s29;
	[sflag:s11] =	ssyncadd.s32 $0xFFFFC000  }
0x19: {  	[hbm4b:s12+s2] =	stream.linear.scatter [tilespmem:s8], [sflag:$0x3], $0x4000, $0x38;
	[tilespmem:$0x8100] =	vst v63  }
0x1a: {  	_ =	swait.ge [sflag:s3], $0x4000  }
0x1b: {  	[sflag:s3] =	ssyncset.done $0x0  }
0x1c: {  	s13 =	sadd.s32 $0x40AE00, s25;
	[sflag:s3] =	ssyncadd.s32 $0xFFFFC000  }
0x1d: {  	[tilespmem:s2], [sflag:$0x3] =	stream.linear.gather [hbm4b:s13+s2], $0x100, $0x38;
	[tilespmem:$0x8100] =	vst v63  }
0x1e: {  	_ =	swait.ge [sflag:s3], $0x100  }
0x1f: {  	[sflag:s3] =	ssyncset.done $0x0  }
0x20: {  	[sflag:s3] =	ssyncadd.s32 $0xFFFFFF00  }
0x21: {  	[tilespmem:s7], [sflag:$0x1] =	stream.indirect.gather [hbm4b:s5+s6], $0x80, s2, s6, $0xb8;
	[tilespmem:$0x8100] =	vst v63  }
0x22: {  	_ = 	snop  }
0x23: {  	[tilespmem:s8], [sflag:$0x2] =	stream.indirect.gather [hbm4b:s5+s6], $0x80, s6, s6, $0xb8;
	[tilespmem:$0x8100] =	vst v63  }
0x24: {  	_ =	swait.ge [sflag:s9], $0x4000  }
0x25: {  	s15 =	sadd.s32 $0x4ED600, s26;
	[sflag:s9] =	ssyncset.done $0x0  }
0x26: {  	s14 =	sadd.s32 s15, s30;
	[sflag:s9] =	ssyncadd.s32 $0xFFFFC000  }
0x27: {  	[hbm4b:s14+s2] =	stream.linear.scatter [tilespmem:s7], [sflag:$0x3], $0x4000, $0x38;
	[tilespmem:$0x8100] =	vst v63  }
0x28: {  	_ =	swait.ge [sflag:s3], $0x4000  }
0x29: {  	[sflag:s3] =	ssyncset.done $0x0  }
0x2a: {  	[sflag:s3] =	ssyncadd.s32 $0xFFFFC000  }
0x2b: {  	_ =	swait.ge [sflag:s11], $0x4000  }
0x2c: {  	[sflag:s11] =	ssyncset.done $0x0  }
0x2d: {  	s15 =	sadd.s32 s15, s29;
	[sflag:s11] =	ssyncadd.s32 $0xFFFFC000  }
0x2e: {  	[hbm4b:s15+s2] =	stream.linear.scatter [tilespmem:s8], [sflag:$0x3], $0x4000, $0x38;
	[tilespmem:$0x8100] =	vst v63  }
0x2f: {  	_ =	swait.ge [sflag:s3], $0x4000  }
0x30: {  	[sflag:s3] =	ssyncset.done $0x0  }
0x31: {  	s16 =	sadd.s32 $0x40B600, s25;
	[sflag:s3] =	ssyncadd.s32 $0xFFFFC000  }
0x32: {  	[tilespmem:s2], [sflag:$0x3] =	stream.linear.gather [hbm4b:s16+s2], $0x100, $0x38;
	[tilespmem:$0x8100] =	vst v63  }
0x33: {  	_ =	swait.ge [sflag:s3], $0x100  }
0x34: {  	[sflag:s3] =	ssyncset.done $0x0  }
0x35: {  	[sflag:s3] =	ssyncadd.s32 $0xFFFFFF00  }
0x36: {  	[tilespmem:s7], [sflag:$0x1] =	stream.indirect.gather [hbm4b:s5+s6], $0x80, s2, s6, $0xb8;
	[tilespmem:$0x8100] =	vst v63  }
0x37: {  	_ = 	snop  }
0x38: {  	[tilespmem:s8], [sflag:$0x2] =	stream.indirect.gather [hbm4b:s5+s6], $0x80, s6, s6, $0xb8;
	[tilespmem:$0x8100] =	vst v63  }
0x39: {  	_ =	swait.ge [sflag:s9], $0x4000  }
0x3a: {  	s18 =	sadd.s32 $0x50D600, s26;
	[sflag:s9] =	ssyncset.done $0x0  }
0x3b: {  	s17 =	sadd.s32 s18, s30;
	[sflag:s9] =	ssyncadd.s32 $0xFFFFC000  }
0x3c: {  	[hbm4b:s17+s2] =	stream.linear.scatter [tilespmem:s7], [sflag:$0x3], $0x4000, $0x38;
	[tilespmem:$0x8100] =	vst v63  }
0x3d: {  	_ =	swait.ge [sflag:s3], $0x4000  }
0x3e: {  	[sflag:s3] =	ssyncset.done $0x0  }
0x3f: {  	[sflag:s3] =	ssyncadd.s32 $0xFFFFC000  }
0x40: {  	_ =	swait.ge [sflag:s11], $0x4000  }
0x41: {  	[sflag:s11] =	ssyncset.done $0x0  }
0x42: {  	s18 =	sadd.s32 s18, s29;
	[sflag:s11] =	ssyncadd.s32 $0xFFFFC000  }
0x43: {  	[hbm4b:s18+s2] =	stream.linear.scatter [tilespmem:s8], [sflag:$0x3], $0x4000, $0x38;
	[tilespmem:$0x8100] =	vst v63  }
0x44: {  	_ =	swait.ge [sflag:s3], $0x4000  }
0x45: {  	[sflag:s3] =	ssyncset.done $0x0  }
0x46: {  	s19 =	sadd.s32 $0x40BE00, s25;
	[sflag:s3] =	ssyncadd.s32 $0xFFFFC000  }
0x47: {  	[tilespmem:s2], [sflag:$0x3] =	stream.linear.gather [hbm4b:s19+s2], $0x100, $0x38;
	[tilespmem:$0x8100] =	vst v63  }
0x48: {  	_ =	swait.ge [sflag:s3], $0x100  }
0x49: {  	[sflag:s3] =	ssyncset.done $0x0  }
0x4a: {  	[sflag:s3] =	ssyncadd.s32 $0xFFFFFF00  }
0x4b: {  	[tilespmem:s7], [sflag:$0x1] =	stream.indirect.gather [hbm4b:s5+s6], $0x80, s2, s6, $0xb8;
	[tilespmem:$0x8100] =	vst v63  }
0x4c: {  	_ = 	snop  }
0x4d: {  	[tilespmem:s8], [sflag:$0x2] =	stream.indirect.gather [hbm4b:s5+s6], $0x80, s6, s6, $0xb8;
	[tilespmem:$0x8100] =	vst v63  }
0x4e: {  	_ =	swait.ge [sflag:s9], $0x4000  }
0x4f: {  	s21 =	sadd.s32 $0x52D600, s26;
	[sflag:s9] =	ssyncset.done $0x0  }
0x50: {  	s20 =	sadd.s32 s21, s30;
	[sflag:s9] =	ssyncadd.s32 $0xFFFFC000  }
0x51: {  	[hbm4b:s20+s2] =	stream.linear.scatter [tilespmem:s7], [sflag:$0x3], $0x4000, $0x38;
	[tilespmem:$0x8100] =	vst v63  }
0x52: {  	_ =	swait.ge [sflag:s3], $0x4000  }
0x53: {  	[sflag:s3] =	ssyncset.done $0x0  }
0x54: {  	[sflag:s3] =	ssyncadd.s32 $0xFFFFC000  }
0x55: {  	_ =	swait.ge [sflag:s11], $0x4000  }
0x56: {  	[sflag:s11] =	ssyncset.done $0x0  }
0x57: {  	s21 =	sadd.s32 s21, s29;
	[sflag:s11] =	ssyncadd.s32 $0xFFFFC000  }
0x58: {  	[hbm4b:s21+s2] =	stream.linear.scatter [tilespmem:s8], [sflag:$0x3], $0x4000, $0x38;
	[tilespmem:$0x8100] =	vst v63  }
0x59: {  	_ =	swait.ge [sflag:s3], $0x4000  }
0x5a: {  	[sflag:s3] =	ssyncset.done $0x0  }
0x5b: {  	s22 =	sadd.s32 $0x40C600, s25;
	[sflag:s3] =	ssyncadd.s32 $0xFFFFC000  }
0x5c: {  	[tilespmem:s2], [sflag:$0x3] =	stream.linear.gather [hbm4b:s22+s2], $0x100, $0x38;
	[tilespmem:$0x8100] =	vst v63  }
0x5d: {  	_ =	swait.ge [sflag:s3], $0x100  }
0x5e: {  	[sflag:s3] =	ssyncset.done $0x0  }
0x5f: {  	[sflag:s3] =	ssyncadd.s32 $0xFFFFFF00  }
0x60: {  	[tilespmem:s7], [sflag:$0x1] =	stream.indirect.gather [hbm4b:s5+s6], $0x80, s2, s6, $0xb8;
	[tilespmem:$0x8100] =	vst v63  }
0x61: {  	_ = 	snop  }
0x62: {  	[tilespmem:s8], [sflag:$0x2] =	stream.indirect.gather [hbm4b:s5+s6], $0x80, s6, s6, $0xb8;
	[tilespmem:$0x8100] =	vst v63  }
0x63: {  	_ =	swait.ge [sflag:s9], $0x4000  }
0x64: {  	s24 =	sadd.s32 $0x54D600, s26;
	[sflag:s9] =	ssyncset.done $0x0  }
0x65: {  	s23 =	sadd.s32 s24, s30;
	[sflag:s9] =	ssyncadd.s32 $0xFFFFC000  }
0x66: {  	[hbm4b:s23+s2] =	stream.linear.scatter [tilespmem:s7], [sflag:$0x3], $0x4000, $0x38;
	[tilespmem:$0x8100] =	vst v63  }
0x67: {  	_ =	swait.ge [sflag:s3], $0x4000  }
0x68: {  	[sflag:s3] =	ssyncset.done $0x0  }
0x69: {  	[sflag:s3] =	ssyncadd.s32 $0xFFFFC000  }
0x6a: {  	_ =	swait.ge [sflag:s11], $0x4000  }
0x6b: {  	[sflag:s11] =	ssyncset.done $0x0  }
0x6c: {  	s24 =	sadd.s32 s24, s29;
	[sflag:s11] =	ssyncadd.s32 $0xFFFFC000  }
0x6d: {  	[hbm4b:s24+s2] =	stream.linear.scatter [tilespmem:s8], [sflag:$0x3], $0x4000, $0x38;
	[tilespmem:$0x8100] =	vst v63  }
0x6e: {  	_ =	swait.ge [sflag:s3], $0x4000  }
0x6f: {  	[sflag:s3] =	ssyncset.done $0x0  }
0x70: {  	s25 =	sadd.s32 $0x40CE00, s25;
	[sflag:s3] =	ssyncadd.s32 $0xFFFFC000  }
0x71: {  	[tilespmem:s2], [sflag:$0x3] =	stream.linear.gather [hbm4b:s25+s2], $0x100, $0x38;
	[tilespmem:$0x8100] =	vst v63  }
0x72: {  	_ =	swait.ge [sflag:s3], $0x100  }
0x73: {  	[sflag:s3] =	ssyncset.done $0x0  }
0x74: {  	[sflag:s3] =	ssyncadd.s32 $0xFFFFFF00  }
0x75: {  	[tilespmem:s7], [sflag:$0x1] =	stream.indirect.gather [hbm4b:s5+s6], $0x80, s2, s6, $0xb8;
	[tilespmem:$0x8100] =	vst v63  }
0x76: {  	_ = 	snop  }
0x77: {  	[tilespmem:s8], [sflag:$0x2] =	stream.indirect.gather [hbm4b:s5+s6], $0x80, s6, s6, $0xb8;
	[tilespmem:$0x8100] =	vst v63  }
0x78: {  	_ =	swait.ge [sflag:s9], $0x4000  }
0x79: {  	s31 =	sadd.s32 $0x56D600, s26;
	[sflag:s9] =	ssyncset.done $0x0  }
0x7a: {  	s28 =	ssub.s32 $0x2, s28;
	s26 =	sadd.s32 s31, s30;
	[sflag:s9] =	ssyncadd.s32 $0xFFFFC000  }
0x7b: {  	[hbm4b:s26+s2] =	stream.linear.scatter [tilespmem:s7], [sflag:$0x3], $0x4000, $0x38;
	[tilespmem:$0x8100] =	vst v63  }
0x7c: {  	s30 =	sshrl.u32 s28, $0x1;
	_ =	swait.ge [sflag:s3], $0x4000  }
0x7d: {  	s30 =	ssub.s32 s28, s30;
	[sflag:s3] =	ssyncset.done $0x0  }
0x7e: {  	s28 =	sadd.s32 s31, s29;
	s29 =	smax.u32 s30, $0x1;
	[sflag:s3] =	ssyncadd.s32 $0xFFFFC000  }
0x7f: {  	p0 =	sne.s32 s29, $0x1;
	_ =	swait.ge [sflag:s11], $0x4000  }
.Ltmp0:
0x80: {  	[sflag:s11] =	ssyncset.done $0x0;
	(pc) =	sbr.rel @!p0 .LBB2_2-.Ltmp0, $4  }
0x81: {  	[sflag:s11] =	ssyncadd.s32 $0xFFFFC000  }
0x82: {  	[hbm4b:s28+s2] =	stream.linear.scatter [tilespmem:s8], [sflag:$0x3], $0x4000, $0x38;
	[tilespmem:$0x8100] =	vst v63  }
0x83: {  	_ =	swait.ge [sflag:s3], $0x4000  }
0x84: {  	s29 =	sadd.s32 $0xFFFFFFFF, s29;
	[sflag:s3] =	ssyncset.done $0x0  }
.LBB2_1:
0x85: {  	p0 =	sne.s32 s29, $0x1;
	s29 =	sadd.s32 $0xFFFFFFFF, s29;
	[sflag:s3] =	ssyncadd.s32 $0xFFFFC000  }
0x86: {  	[tilespmem:s2], [sflag:$0x3] =	stream.linear.gather [hbm4b:s4+s2], $0x100, $0x38;
	[tilespmem:$0x8100] =	vst v63  }
0x87: {  	_ =	swait.ge [sflag:s3], $0x100  }
0x88: {  	[sflag:s3] =	ssyncset.done $0x0  }
0x89: {  	[sflag:s3] =	ssyncadd.s32 $0xFFFFFF00  }
0x8a: {  	[tilespmem:s7], [sflag:$0x1] =	stream.indirect.gather [hbm4b:s5+s6], $0x80, s2, s6, $0xb8;
	[tilespmem:$0x8100] =	vst v63  }
0x8b: {  	_ = 	snop  }
0x8c: {  	[tilespmem:s8], [sflag:$0x2] =	stream.indirect.gather [hbm4b:s5+s6], $0x80, s6, s6, $0xb8;
	[tilespmem:$0x8100] =	vst v63  }
0x8d: {  	_ =	swait.ge [sflag:s9], $0x4000  }
0x8e: {  	[sflag:s9] =	ssyncset.done $0x0  }
0x8f: {  	[sflag:s9] =	ssyncadd.s32 $0xFFFFC000  }
0x90: {  	[hbm4b:s10+s2] =	stream.linear.scatter [tilespmem:s7], [sflag:$0x3], $0x4000, $0x38;
	[tilespmem:$0x8100] =	vst v63  }
0x91: {  	_ =	swait.ge [sflag:s3], $0x4000  }
0x92: {  	[sflag:s3] =	ssyncset.done $0x0  }
0x93: {  	[sflag:s3] =	ssyncadd.s32 $0xFFFFC000  }
0x94: {  	_ =	swait.ge [sflag:s11], $0x4000  }
0x95: {  	[sflag:s11] =	ssyncset.done $0x0  }
0x96: {  	[sflag:s11] =	ssyncadd.s32 $0xFFFFC000  }
0x97: {  	[hbm4b:s12+s2] =	stream.linear.scatter [tilespmem:s8], [sflag:$0x3], $0x4000, $0x38;
	[tilespmem:$0x8100] =	vst v63  }
0x98: {  	_ =	swait.ge [sflag:s3], $0x4000  }
0x99: {  	[sflag:s3] =	ssyncset.done $0x0  }
0x9a: {  	[sflag:s3] =	ssyncadd.s32 $0xFFFFC000  }
0x9b: {  	[tilespmem:s2], [sflag:$0x3] =	stream.linear.gather [hbm4b:s13+s2], $0x100, $0x38;
	[tilespmem:$0x8100] =	vst v63  }
0x9c: {  	_ =	swait.ge [sflag:s3], $0x100  }
0x9d: {  	[sflag:s3] =	ssyncset.done $0x0  }
0x9e: {  	[sflag:s3] =	ssyncadd.s32 $0xFFFFFF00  }
0x9f: {  	[tilespmem:s7], [sflag:$0x1] =	stream.indirect.gather [hbm4b:s5+s6], $0x80, s2, s6, $0xb8;
	[tilespmem:$0x8100] =	vst v63  }
0xa0: {  	_ = 	snop  }
0xa1: {  	[tilespmem:s8], [sflag:$0x2] =	stream.indirect.gather [hbm4b:s5+s6], $0x80, s6, s6, $0xb8;
	[tilespmem:$0x8100] =	vst v63  }
0xa2: {  	_ =	swait.ge [sflag:s9], $0x4000  }
0xa3: {  	[sflag:s9] =	ssyncset.done $0x0  }
0xa4: {  	[sflag:s9] =	ssyncadd.s32 $0xFFFFC000  }
0xa5: {  	[hbm4b:s14+s2] =	stream.linear.scatter [tilespmem:s7], [sflag:$0x3], $0x4000, $0x38;
	[tilespmem:$0x8100] =	vst v63  }
0xa6: {  	_ =	swait.ge [sflag:s3], $0x4000  }
0xa7: {  	[sflag:s3] =	ssyncset.done $0x0  }
0xa8: {  	[sflag:s3] =	ssyncadd.s32 $0xFFFFC000  }
0xa9: {  	_ =	swait.ge [sflag:s11], $0x4000  }
0xaa: {  	[sflag:s11] =	ssyncset.done $0x0  }
0xab: {  	[sflag:s11] =	ssyncadd.s32 $0xFFFFC000  }
0xac: {  	[hbm4b:s15+s2] =	stream.linear.scatter [tilespmem:s8], [sflag:$0x3], $0x4000, $0x38;
	[tilespmem:$0x8100] =	vst v63  }
0xad: {  	_ =	swait.ge [sflag:s3], $0x4000  }
0xae: {  	[sflag:s3] =	ssyncset.done $0x0  }
0xaf: {  	[sflag:s3] =	ssyncadd.s32 $0xFFFFC000  }
0xb0: {  	[tilespmem:s2], [sflag:$0x3] =	stream.linear.gather [hbm4b:s16+s2], $0x100, $0x38;
	[tilespmem:$0x8100] =	vst v63  }
0xb1: {  	_ =	swait.ge [sflag:s3], $0x100  }
0xb2: {  	[sflag:s3] =	ssyncset.done $0x0  }
0xb3: {  	[sflag:s3] =	ssyncadd.s32 $0xFFFFFF00  }
0xb4: {  	[tilespmem:s7], [sflag:$0x1] =	stream.indirect.gather [hbm4b:s5+s6], $0x80, s2, s6, $0xb8;
	[tilespmem:$0x8100] =	vst v63  }
0xb5: {  	_ = 	snop  }
0xb6: {  	[tilespmem:s8], [sflag:$0x2] =	stream.indirect.gather [hbm4b:s5+s6], $0x80, s6, s6, $0xb8;
	[tilespmem:$0x8100] =	vst v63  }
0xb7: {  	_ =	swait.ge [sflag:s9], $0x4000  }
0xb8: {  	[sflag:s9] =	ssyncset.done $0x0  }
0xb9: {  	[sflag:s9] =	ssyncadd.s32 $0xFFFFC000  }
0xba: {  	[hbm4b:s17+s2] =	stream.linear.scatter [tilespmem:s7], [sflag:$0x3], $0x4000, $0x38;
	[tilespmem:$0x8100] =	vst v63  }
0xbb: {  	_ =	swait.ge [sflag:s3], $0x4000  }
0xbc: {  	[sflag:s3] =	ssyncset.done $0x0  }
0xbd: {  	[sflag:s3] =	ssyncadd.s32 $0xFFFFC000  }
0xbe: {  	_ =	swait.ge [sflag:s11], $0x4000  }
0xbf: {  	[sflag:s11] =	ssyncset.done $0x0  }
0xc0: {  	[sflag:s11] =	ssyncadd.s32 $0xFFFFC000  }
0xc1: {  	[hbm4b:s18+s2] =	stream.linear.scatter [tilespmem:s8], [sflag:$0x3], $0x4000, $0x38;
	[tilespmem:$0x8100] =	vst v63  }
0xc2: {  	_ =	swait.ge [sflag:s3], $0x4000  }
0xc3: {  	[sflag:s3] =	ssyncset.done $0x0  }
0xc4: {  	[sflag:s3] =	ssyncadd.s32 $0xFFFFC000  }
0xc5: {  	[tilespmem:s2], [sflag:$0x3] =	stream.linear.gather [hbm4b:s19+s2], $0x100, $0x38;
	[tilespmem:$0x8100] =	vst v63  }
0xc6: {  	_ =	swait.ge [sflag:s3], $0x100  }
0xc7: {  	[sflag:s3] =	ssyncset.done $0x0  }
0xc8: {  	[sflag:s3] =	ssyncadd.s32 $0xFFFFFF00  }
0xc9: {  	[tilespmem:s7], [sflag:$0x1] =	stream.indirect.gather [hbm4b:s5+s6], $0x80, s2, s6, $0xb8;
	[tilespmem:$0x8100] =	vst v63  }
0xca: {  	_ = 	snop  }
0xcb: {  	[tilespmem:s8], [sflag:$0x2] =	stream.indirect.gather [hbm4b:s5+s6], $0x80, s6, s6, $0xb8;
	[tilespmem:$0x8100] =	vst v63  }
0xcc: {  	_ =	swait.ge [sflag:s9], $0x4000  }
0xcd: {  	[sflag:s9] =	ssyncset.done $0x0  }
0xce: {  	[sflag:s9] =	ssyncadd.s32 $0xFFFFC000  }
0xcf: {  	[hbm4b:s20+s2] =	stream.linear.scatter [tilespmem:s7], [sflag:$0x3], $0x4000, $0x38;
	[tilespmem:$0x8100] =	vst v63  }
0xd0: {  	_ =	swait.ge [sflag:s3], $0x4000  }
0xd1: {  	[sflag:s3] =	ssyncset.done $0x0  }
0xd2: {  	[sflag:s3] =	ssyncadd.s32 $0xFFFFC000  }
0xd3: {  	_ =	swait.ge [sflag:s11], $0x4000  }
0xd4: {  	[sflag:s11] =	ssyncset.done $0x0  }
0xd5: {  	[sflag:s11] =	ssyncadd.s32 $0xFFFFC000  }
0xd6: {  	[hbm4b:s21+s2] =	stream.linear.scatter [tilespmem:s8], [sflag:$0x3], $0x4000, $0x38;
	[tilespmem:$0x8100] =	vst v63  }
0xd7: {  	_ =	swait.ge [sflag:s3], $0x4000  }
0xd8: {  	[sflag:s3] =	ssyncset.done $0x0  }
0xd9: {  	[sflag:s3] =	ssyncadd.s32 $0xFFFFC000  }
0xda: {  	[tilespmem:s2], [sflag:$0x3] =	stream.linear.gather [hbm4b:s22+s2], $0x100, $0x38;
	[tilespmem:$0x8100] =	vst v63  }
0xdb: {  	_ =	swait.ge [sflag:s3], $0x100  }
0xdc: {  	[sflag:s3] =	ssyncset.done $0x0  }
0xdd: {  	[sflag:s3] =	ssyncadd.s32 $0xFFFFFF00  }
0xde: {  	[tilespmem:s7], [sflag:$0x1] =	stream.indirect.gather [hbm4b:s5+s6], $0x80, s2, s6, $0xb8;
	[tilespmem:$0x8100] =	vst v63  }
0xdf: {  	_ = 	snop  }
0xe0: {  	[tilespmem:s8], [sflag:$0x2] =	stream.indirect.gather [hbm4b:s5+s6], $0x80, s6, s6, $0xb8;
	[tilespmem:$0x8100] =	vst v63  }
0xe1: {  	_ =	swait.ge [sflag:s9], $0x4000  }
0xe2: {  	[sflag:s9] =	ssyncset.done $0x0  }
0xe3: {  	[sflag:s9] =	ssyncadd.s32 $0xFFFFC000  }
0xe4: {  	[hbm4b:s23+s2] =	stream.linear.scatter [tilespmem:s7], [sflag:$0x3], $0x4000, $0x38;
	[tilespmem:$0x8100] =	vst v63  }
0xe5: {  	_ =	swait.ge [sflag:s3], $0x4000  }
0xe6: {  	[sflag:s3] =	ssyncset.done $0x0  }
0xe7: {  	[sflag:s3] =	ssyncadd.s32 $0xFFFFC000  }
0xe8: {  	_ =	swait.ge [sflag:s11], $0x4000  }
0xe9: {  	[sflag:s11] =	ssyncset.done $0x0  }
0xea: {  	[sflag:s11] =	ssyncadd.s32 $0xFFFFC000  }
0xeb: {  	[hbm4b:s24+s2] =	stream.linear.scatter [tilespmem:s8], [sflag:$0x3], $0x4000, $0x38;
	[tilespmem:$0x8100] =	vst v63  }
0xec: {  	_ =	swait.ge [sflag:s3], $0x4000  }
0xed: {  	[sflag:s3] =	ssyncset.done $0x0  }
0xee: {  	[sflag:s3] =	ssyncadd.s32 $0xFFFFC000  }
0xef: {  	[tilespmem:s2], [sflag:$0x3] =	stream.linear.gather [hbm4b:s25+s2], $0x100, $0x38;
	[tilespmem:$0x8100] =	vst v63  }
0xf0: {  	_ =	swait.ge [sflag:s3], $0x100  }
0xf1: {  	[sflag:s3] =	ssyncset.done $0x0  }
0xf2: {  	[sflag:s3] =	ssyncadd.s32 $0xFFFFFF00  }
0xf3: {  	[tilespmem:s7], [sflag:$0x1] =	stream.indirect.gather [hbm4b:s5+s6], $0x80, s2, s6, $0xb8;
	[tilespmem:$0x8100] =	vst v63  }
0xf4: {  	_ = 	snop  }
0xf5: {  	[tilespmem:s8], [sflag:$0x2] =	stream.indirect.gather [hbm4b:s5+s6], $0x80, s6, s6, $0xb8;
	[tilespmem:$0x8100] =	vst v63  }
0xf6: {  	_ =	swait.ge [sflag:s9], $0x4000  }
0xf7: {  	[sflag:s9] =	ssyncset.done $0x0  }
0xf8: {  	[sflag:s9] =	ssyncadd.s32 $0xFFFFC000  }
0xf9: {  	[hbm4b:s26+s2] =	stream.linear.scatter [tilespmem:s7], [sflag:$0x3], $0x4000, $0x38;
	[tilespmem:$0x8100] =	vst v63  }
0xfa: {  	_ =	swait.ge [sflag:s3], $0x4000  }
0xfb: {  	[sflag:s3] =	ssyncset.done $0x0  }
0xfc: {  	[sflag:s3] =	ssyncadd.s32 $0xFFFFC000  }
0xfd: {  	_ =	swait.ge [sflag:s11], $0x4000  }
.Ltmp1:
0xfe: {  	[sflag:s11] =	ssyncset.done $0x0;
	(pc) =	sbr.rel @p0 .LBB2_1-.Ltmp1, $4  }
0xff: {  	[sflag:s11] =	ssyncadd.s32 $0xFFFFC000  }
0x100: {  	[hbm4b:s28+s2] =	stream.linear.scatter [tilespmem:s8], [sflag:$0x3], $0x4000, $0x38;
	[tilespmem:$0x8100] =	vst v63  }
0x101: {  	_ =	swait.ge [sflag:s3], $0x4000  }
0x102: {  	[sflag:s3] =	ssyncset.done $0x0  }
.LBB2_2:
0x103: {  	[sflag:s3] =	ssyncadd.s32 $0xFFFFC000  }
0x104: {  	_ =	sfence.sel $0x180000  }
0x105: {  	[bflag:$0x0] =	sbarrier.arrive $0xFFFF  }
0x106: {  	p0 =	sne.s32 s0, $0x0;
	_ =	strace $0x90000050  }
0x107: {  	s0 =	sadd.s32 @!p0 $0x100000, s1;
	[bflag:$0x2] =	sbarrier.arrive $0xFFFF  }
0x108: {  	[sflag:s0] =	ssyncadd.tile.s32 @!p0 $0x1;
	_ =	shalt  }
.Lfunc_end2:
_tile_overlayer_lowered:
.L_overlay_start_2:
0x109: {  	(tag) =	ssettag $0x2  }
0x10a: {  	s0 =	rddreg [dreg:$0x0];
	s2 =	stileid.u32  }
0x10b: {  	s1 =	rddreg [dreg:$0x1];
	p0 =	sne.s32 s2, $0x0  }
0x10c: {  	s3 =	rddreg [dreg:$0x2];
	[bflag:$0x3] =	sbarrier.arrive $0xFFFF;
	s2 =	simm.s32 @!p0 $0x1C03  }
0x10d: {  	[timem:s3], [sflag:s2] =	dma.local @!p0 [hbm:s0], s1  }
0x10e: {  	s0 =	simm.s32 @!p0 $0x3  }
0x10f: {  	_ =	swait.ge @!p0 [sflag:s0], s1  }
0x110: {  	s1 =	ssub.s32 @!p0 $0x0, s1;
	[sflag:s0] =	ssyncset.done @!p0 $0x0  }
0x111: {  	[sflag:s0] =	ssyncadd.s32 @!p0 s1  }
0x112: {  	[bflag:$0x3] =	sbarrier.arrive $0xFFFF  }
0x113: {  	_ =	shalt  }

// kernel: kernel.20.cloned.1.call-start
scs
__scs_entry_jumppad:
0x0: {  	(pc) =	sbr.rel $0x88, $3  }
0x1: {  	(tag) =	ssettag $0x0;
	lr =	simm.s32 $0x1  }
0x2: {  	[smem:$0x3F8D] =	sst lr;
	_ =	strace $0xD0000000  }
0x3: {  	_ = 	snop  }
0x4: {  	_ = 	snop  }
0x5: {  	_ = 	snop  }
0x6: {  	_ = 	snop  }
0x7: {  	_ = 	snop  }
__scs_overlays_trampoline_lowered:
0x8: {  	[smem:$0x3F9C] =	sst s0  }
0x9: {  	[smem:$0x3F9D] =	sst s1  }
0xa: {  	[smem:$0x3F9E] =	sst s2  }
0xb: {  	[smem:$0x3F9F] =	sst s3  }
0xc: {  	[smem:$0x3FA0] =	sst s4  }
0xd: {  	[smem:$0x3FA1] =	sst s5  }
0xe: {  	[smem:$0x3FA2] =	sst s6  }
0xf: {  	[smem:$0x3FA3] =	sst s7  }
0x10: {  	[smem:$0x3FA4] =	sst s8  }
0x11: {  	[smem:$0x3FA5] =	sst s9;
	s0 =	simm.s32 @!p0 $0x0  }
0x12: {  	s1 =	sld [smem:$0x3F8B];
	s0 =	simm.s32 @p0 $0x1  }
0x13: {  	[smem:$0x3FA6] =	sst s0;
	s0 =	simm.s32 @!p1 $0x0  }
0x14: {  	s2 =	sld [smem:$0x3F8A];
	s0 =	simm.s32 @p1 $0x1  }
0x15: {  	[smem:$0x3FA7] =	sst s0;
	s0 =	simm.s32 @!p2 $0x0  }
0x16: {  	s3 =	sld [smem:$0x3FDB];
	s0 =	simm.s32 @p2 $0x1  }
0x17: {  	s4 =	simm.s32 $0x1BF5;
	[smem:$0x3FA9] =	sst s0  }
0x18: {  	s0 =	sld [smem:$0x3F8C];
	_ =	swait.ge [sflag:s4], $0x0  }
0x19: {  	s7 =	sld [smem:$0x3F8D]  }
0x1a: {  	s8 =	sadd.s32 $0xFFFFE003, lr  }
0x1b: {  	s9 =	sadd.s32 $0xFFFFFEF7, lr;
	s5 =	simm.s32 $0xFFFFFFFF;
	p2 =	slt.u32 s8, $0xFFFFF086  }
0x1c: {  	p1 =	slt.u32 s9, $0xF7A;
	s5 =	simm.s32 @!p2 $0x0  }
0x1d: {  	s5 =	simm.s32 @p1 $0x1;
	p0 =	seq.s32 s7, s2  }
0x1e: {  	s7 =	smul.u32 @!p0 $0xF7A, s2;
	p2 =	seq.s32 @!p0 s5, $0x0  }
0x1f: {  	s9 =	smul.u32 $0xF7A, s1;
	s8 =	simm.s32 @!p0 $0x1BF5;
	p2 =	por !p2, p0  }
0x20: {  	[sflag:s8] =	ssyncset.s32 @!p0 $0xFFFFF086;
	s6 =	sadd.s32 @!p0 s3, s7;
	s7 =	simm.s32 @!p0 $0x108  }
0x21: {  	s3 =	sadd.s32 s3, s9;
	s6 =	sadd.s32 @!p0 $0x88, s6;
	s7 =	simm.s32 @p2 $0x1082  }
0x22: {  	[simem:s7], [sflag:s8] =	dma.local @!p0 [hbm:s6], $0xF7A  }
0x23: {  	s9 =	sor.u32 $0xD0000000, s2;
	s6 =	simm.s32 $0x108;
	_ =	swait.ge @!p0 [sflag:s8], $0x0  }
0x24: {  	s3 =	sadd.s32 $0x88, s3;
	s6 =	simm.s32 @!p1 $0x1082;
	[sflag:s4] =	ssyncset.s32 $0xFFFFF086  }
0x25: {  	[simem:s6], [sflag:s4] =	dma.local [hbm:s3], $0xF7A  }
0x26: {  	[smem:$0x3F8D] =	sst s1;
	(tag) =	ssettag s2;
	_ =	strace s9  }
0x27: {  	s1 =	sld [smem:$0x3F9D]  }
0x28: {  	s2 =	sld [smem:$0x3F9E]  }
0x29: {  	s4 =	sld [smem:$0x3FA0]  }
0x2a: {  	p0 =	seq.s32 s5, $0x0;
	s5 =	sld [smem:$0x3FA1]  }
0x2b: {  	s6 =	sld [smem:$0x3FA2]  }
0x2c: {  	s7 =	sld [smem:$0x3FA3]  }
0x2d: {  	s3 =	simm.s32 $0x108;
	s8 =	sld [smem:$0x3FA4]  }
0x2e: {  	s3 =	simm.s32 @!p0 $0x1082;
	s9 =	sld [smem:$0x3FA5]  }
0x2f: {  	lr =	sadd.s32 s0, s3;
	s0 =	sld [smem:$0x3F9C]  }
0x30: {  	s3 =	sld [smem:$0x3F9F]  }
0x31: {  	[smem:$0x3FA8] =	sst s10  }
0x32: {  	s10 =	sld [smem:$0x3FA6];
	_ =	sdelay $0x3  }
0x33: {  	p0 =	seq.s32 s10, $0x1;
	s10 =	sld [smem:$0x3FA8];
	_ =	sdelay $0x3  }
0x34: {  	[smem:$0x3FA8] =	sst s10  }
0x35: {  	s10 =	sld [smem:$0x3FA7];
	_ =	sdelay $0x3  }
0x36: {  	p1 =	seq.s32 s10, $0x1;
	s10 =	sld [smem:$0x3FA8];
	_ =	sdelay $0x3  }
0x37: {  	[smem:$0x3FA8] =	sst s10  }
0x38: {  	s10 =	sld [smem:$0x3FA9]  }
0x39: {  	_ = 	snop;
	(pc) =	sbr.ind lr, $3  }
0x3a: {  	_ = 	snop  }
0x3b: {  	_ = 	snop  }
0x3c: {  	p2 =	seq.s32 s10, $0x1;
	s10 =	sld [smem:$0x3FA8]  }
0x3d: {  	_ =	shalt  }
0x3e: {  	_ =	shalt  }
0x3f: {  	_ =	shalt  }
0x40: {  	_ =	shalt  }
0x41: {  	_ =	shalt  }
0x42: {  	_ =	shalt  }
0x43: {  	_ =	shalt  }
0x44: {  	_ =	shalt  }
0x45: {  	_ =	shalt  }
0x46: {  	_ =	shalt  }
0x47: {  	_ =	shalt  }
0x48: {  	_ =	shalt  }
0x49: {  	_ =	shalt  }
0x4a: {  	_ =	shalt  }
0x4b: {  	_ =	shalt  }
0x4c: {  	_ =	shalt  }
0x4d: {  	_ =	shalt  }
0x4e: {  	_ =	shalt  }
0x4f: {  	_ =	shalt  }
0x50: {  	_ =	shalt  }
0x51: {  	_ =	shalt  }
0x52: {  	_ =	shalt  }
0x53: {  	_ =	shalt  }
0x54: {  	_ =	shalt  }
0x55: {  	_ =	shalt  }
0x56: {  	_ =	shalt  }
0x57: {  	_ =	shalt  }
0x58: {  	_ =	shalt  }
0x59: {  	_ =	shalt  }
0x5a: {  	_ =	shalt  }
0x5b: {  	_ =	shalt  }
0x5c: {  	_ =	shalt  }
0x5d: {  	_ =	shalt  }
0x5e: {  	_ =	shalt  }
0x5f: {  	_ =	shalt  }
0x60: {  	_ =	shalt  }
0x61: {  	_ =	shalt  }
0x62: {  	_ =	shalt  }
0x63: {  	_ =	shalt  }
0x64: {  	_ =	shalt  }
0x65: {  	_ =	shalt  }
0x66: {  	_ =	shalt  }
0x67: {  	_ =	shalt  }
0x68: {  	_ =	shalt  }
0x69: {  	_ =	shalt  }
0x6a: {  	_ =	shalt  }
0x6b: {  	_ =	shalt  }
0x6c: {  	_ =	shalt  }
0x6d: {  	_ =	shalt  }
0x6e: {  	_ =	shalt  }
0x6f: {  	_ =	shalt  }
0x70: {  	_ =	shalt  }
0x71: {  	_ =	shalt  }
0x72: {  	_ =	shalt  }
0x73: {  	_ =	shalt  }
0x74: {  	_ =	shalt  }
0x75: {  	_ =	shalt  }
0x76: {  	_ =	shalt  }
0x77: {  	_ =	shalt  }
0x78: {  	_ =	shalt  }
0x79: {  	_ =	shalt  }
0x7a: {  	_ =	shalt  }
0x7b: {  	_ =	shalt  }
0x7c: {  	_ =	shalt  }
0x7d: {  	_ =	shalt  }
0x7e: {  	_ =	shalt  }
0x7f: {  	_ =	shalt  }
0x80: {  	_ =	shalt  }
0x81: {  	_ =	shalt  }
0x82: {  	_ =	shalt  }
0x83: {  	_ =	shalt  }
0x84: {  	_ =	shalt  }
0x85: {  	_ =	shalt  }
0x86: {  	_ =	shalt  }
0x87: {  	_ =	shalt  }
.Lfunc_end0:
.L_simem_size_0:
called_computation.3_lowered:
.L_overlay_start_0:
0x88: {  	s2 =	sld [smem:$0x3FD9]  }
0x89: {  	s3 =	sld [smem:$0x3FFE];
	_ =	sdelay $0x1  }
0x8a: {  	s1 =	srdreg.scid  }
0x8b: {  	s0 =	sand.u32 $0x1, s1  }
0x8c: {  	s17 =	sshll.u32 s0, $0xA;
	s2 =	sadd.s32 s3, s2  }
0x8d: {  	s2 =	sadd.s32 s2, s17  }
0x8e: {  	[smem:$0x3FB4] =	sst s2  }
0x8f: {  	_ = 	snop  }
0x90: {  	(tm) =	ssettm $0x1  }
0x91: {  	s18 =	sld [smem:$0x3FFB];
	_ =	sdelay $0x3  }
0x92: {  	_ =	strace s18  }
0x93: {  	s2 =	sld [smem:$0x3FFC];
	_ =	sdelay $0x3  }
0x94: {  	_ =	strace s2  }
0x95: {  	s2 =	sld [smem:$0x3FFD];
	_ =	sdelay $0x3  }
0x96: {  	_ =	strace s2  }
0x97: {  	_ =	strace $0x8FFFFFFF  }
0x98: {  	s19 =	sld [smem:$0x3FDB];
	_ =	sdelay $0x1  }
0x99: {  	s20 =	simm.s32 $_scs_section_size  }
0x9a: {  	s4 =	simm.s32 $_size__tile_overlayer_lowered;
	s5 =	simm.s32 $_tile_overlayer_lowered  }
0x9b: {  	s6 =	simm.s32 $0x1BFF;
	s21 =	sshll.u32 s5, $0x1;
	s3 =	sadd.s32 s20, s19  }
0x9c: {  	s22 =	simm.s32 $0x0;
	s4 =	sshll.u32 s4, $0x1;
	s5 =	sadd.s32 s21, s3  }
0x9d: {  	[timem:s22], [sflag:s6] =	dma.local [hbm:s5], s4  }
0x9e: {  	_ =	swait.ge [sflag:s6], s4  }
0x9f: {  	s4 =	ssub.s32 $0x0, s4;
	[sflag:s6] =	ssyncset.done $0x0  }
0xa0: {  	[sflag:s6] =	ssyncadd.s32 s4;
	_ =	sdelay $0x1  }
0xa1: {  	s23 =	simm.s32 $0x1B8B  }
0xa2: {  	_ =	swait.ge [sflag:s23], $0x1  }
0xa3: {  	[sflag:s23] =	ssyncset.done $0x0  }
0xa4: {  	[sflag:s23] =	ssyncadd.s32 $0xFFFFFFFF  }
0xa5: {  	s4 =	sld [smem:$0x0]  }
0xa6: {  	s5 =	sand.u32 $0xFFFFFFFE, s1  }
0xa7: {  	p0 =	sne.s32 s1, s5  }
0xa8: {  	s5 =	sshll.u32 @p0 s5, $0xE  }
0xa9: {  	s5 =	sadd.s32 @p0 $0x11B8D, s5;
	s6 =	sshll.u32 @p0 s4, $0x11  }
0xaa: {  	s5 =	sor.u32 @p0 s6, s5  }
0xab: {  	[sflag:s5] =	ssyncadd.remote.s32 @p0 $0x1;
	_ =	sdelay $0x1  }
0xac: {  	s5 =	simm.s32 @p0 $0x1B8D  }
0xad: {  	_ =	swait.eq @p0 [sflag:s5], $0x1  }
0xae: {  	[sflag:s5] =	ssyncadd.s32 @p0 $0xFFFFFFFF  }
0xaf: {  	s6 =	sshll.u32 @!p0 s1, $0xE  }
0xb0: {  	s6 =	sor.u32 @!p0 $0x4000, s6;
	s5 =	simm.s32 @!p0 $0x1B8D  }
0xb1: {  	s4 =	sshll.u32 @!p0 s4, $0x11;
	s6 =	sadd.s32 @!p0 $0x11B8D, s6;
	_ =	swait.eq @!p0 [sflag:s5], $0x1  }
0xb2: {  	s4 =	sor.u32 @!p0 s4, s6;
	[sflag:s5] =	ssyncadd.s32 @!p0 $0xFFFFFFFF  }
0xb3: {  	s25 =	simm.s32 $0x1B8E;
	s24 =	sld [smem:$0x3FFE];
	[sflag:s4] =	ssyncadd.remote.s32 @!p0 $0x1  }
0xb4: {  	s26 =	simm.s32 $execute0_lowered;
	[smem:$0x3FD2] =	sst s25  }
0xb5: {  	s5 =	sshll.u32 s26, $0x1;
	_ =	strace $0x8000004C;
	[dreg:$0x1] =	wrdreg $0xFFFFFFFF  }
0xb6: {  	s28 =	simm.s32 $_size_execute0_lowered;
	s3 =	sadd.s32 s3, s5;
	[dreg:$0x0] =	wrdreg $0x0  }
0xb7: {  	s5 =	sshll.u32 s28, $0x1;
	[dreg:$0x2] =	wrdreg s3  }
0xb8: {  	[dreg:$0x3] =	wrdreg s5  }
0xb9: {  	[dreg:$0x4] =	wrdreg $0xC0  }
0xba: {  	_ =	task [dreg:s22], $0x5FFFF  }
0xbb: {  	[dreg:$0x1] =	wrdreg $0xFFFFFFFF  }
0xbc: {  	[dreg:$0x0] =	wrdreg $0x60  }
0xbd: {  	[dreg:$0x2] =	wrdreg s24  }
0xbe: {  	[dreg:$0x3] =	wrdreg $0xC  }
0xbf: {  	_ =	task.clear_ibuf [dreg:s22], $0x4FFFF;
	_ =	strace $0x9000004C  }
0xc0: {  	s29 =	simm.s32 $0xC;
	_ =	strace $0x8000004E  }
0xc1: {  	_ =	swait.ge [sflag:s29], $0x1  }
0xc2: {  	[sflag:s29] =	ssyncadd.s32 $0xFFFFFFFF  }
0xc3: {  	_ =	strace $0x9000004E  }
0xc4: {  	_ =	sfence  }
0xc5: {  	s30 =	sld [smem:$0x0];
	_ =	sdelay $0x2  }
0xc6: {  	s31 =	sshll.u32 s1, $0xD;
	s1 =	sshrl.u32 s1, $0x2  }
0xc7: {  	s4 =	sand.u32 $0x4000, s31;
	s1 =	sadd.s32 s1, s30  }
0xc8: {  	s0 =	sor.u32 s4, s0;
	s1 =	sshll.u32 s1, $0x11  }
0xc9: {  	s0 =	sor.u32 s1, s0  }
0xca: {  	s0 =	sadd.s32 $0x8F2B, s0  }
0xcb: {  	[sflag:s0] =	ssyncadd.remote.s32 $0x1  }
0xcc: {  	_ =	sfence.sel $0xFFFF  }
0xcd: {  	[dreg:$0x0] =	wrdreg $0xFFFFFFFF;
	(pc) =	sbr.abs _section_cstart, $3  }
0xce: {  	[dreg:$0x1] =	wrdreg $0xFFFFFFFF  }
0xcf: {  	_ =	task.clear_ibuf [dreg:s22], $0x2FFFF;
	_ =	strace $0x9FFFFFFF  }
0xd0: {  	(tm) =	ssettm $0x7FFFFFFF  }
0xd1: {  	_ =	shalt  }
tec
execute0_lowered:
.L_overlay_start_1:
0x0: {  	(tag) =	ssettag $0x1  }
0x1: {  	s1 =	srdreg.scid  }
0x2: {  	s0 =	stileid.u32;
	s28 =	sand.u32 $0x1, s1  }
0x3: {  	s31 =	sshll.u32 s0, $0x9;
	s2 =	sshll.u32 s28, $0x8  }
0x4: {  	s26 =	rddreg [dreg:$0x0];
	s10 =	sor.u32 s2, s31  }
0x5: {  	s1 =	rddreg [dreg:$0x1];
	s2 =	simm.s32 $0x0;
	s3 =	sshrl.u32 s10, $0x3  }
0x6: {  	[smem:$0x7FF] =	sst s2;
	s25 =	sadd.s32 s3, s26  }
0x7: {  	_ =	strace $0x8000004D;
	s3 =	simm.s32 $0x3;
	s4 =	sadd.s32 $0x40AA00, s25  }
0x8: {  	[tilespmem:s2], [sflag:$0x3] =	stream.linear.gather [hbm4b:s4+s2], $0x100, $0x38;
	[tilespmem:$0x8100] =	vst v63  }
0x9: {  	_ =	swait.ge [sflag:s3], $0x100  }
0xa: {  	s6 =	simm.s32 $0x80;
	[sflag:s3] =	ssyncset.done $0x0  }
0xb: {  	s7 =	simm.s32 $0x100;
	s5 =	sadd.s32 $0xA600, s26;
	[sflag:s3] =	ssyncadd.s32 $0xFFFFFF00  }
0xc: {  	[tilespmem:s7], [sflag:$0x1] =	stream.indirect.gather [hbm4b:s5+s6], $0x80, s2, s6, $0xb8;
	[tilespmem:$0x8100] =	vst v63  }
0xd: {  	s8 =	simm.s32 $0x4100;
	s9 =	simm.s32 $0x1  }
0xe: {  	[tilespmem:s8], [sflag:$0x2] =	stream.indirect.gather [hbm4b:s5+s6], $0x80, s6, s6, $0xb8;
	[tilespmem:$0x8100] =	vst v63  }
0xf: {  	_ =	swait.ge [sflag:s9], $0x4000  }
0x10: {  	s12 =	sadd.s32 $0x40D600, s26;
	s30 =	sshll.u32 s10, $0x4;
	[sflag:s9] =	ssyncset.done $0x0  }
0x11: {  	s10 =	sadd.s32 s12, s30;
	[sflag:s9] =	ssyncadd.s32 $0xFFFFC000  }
0x12: {  	[hbm4b:s10+s2] =	stream.linear.scatter [tilespmem:s7], [sflag:$0x3], $0x4000, $0x38;
	[tilespmem:$0x8100] =	vst v63  }
0x13: {  	_ =	swait.ge [sflag:s3], $0x4000  }
0x14: {  	[sflag:s3] =	ssyncset.done $0x0  }
0x15: {  	s11 =	simm.s32 $0x2;
	[sflag:s3] =	ssyncadd.s32 $0xFFFFC000  }
0x16: {  	_ =	swait.ge [sflag:s11], $0x4000  }
0x17: {  	s29 =	sor.u32 $0x800, s30;
	[sflag:s11] =	ssyncset.done $0x0  }
0x18: {  	s12 =	sadd.s32 s12, s29;
	[sflag:s11] =	ssyncadd.s32 $0xFFFFC000  }
0x19: {  	[hbm4b:s12+s2] =	stream.linear.scatter [tilespmem:s8], [sflag:$0x3], $0x4000, $0x38;
	[tilespmem:$0x8100] =	vst v63  }
0x1a: {  	_ =	swait.ge [sflag:s3], $0x4000  }
0x1b: {  	[sflag:s3] =	ssyncset.done $0x0  }
0x1c: {  	s13 =	sadd.s32 $0x40B200, s25;
	[sflag:s3] =	ssyncadd.s32 $0xFFFFC000  }
0x1d: {  	[tilespmem:s2], [sflag:$0x3] =	stream.linear.gather [hbm4b:s13+s2], $0x100, $0x38;
	[tilespmem:$0x8100] =	vst v63  }
0x1e: {  	_ =	swait.ge [sflag:s3], $0x100  }
0x1f: {  	[sflag:s3] =	ssyncset.done $0x0  }
0x20: {  	[sflag:s3] =	ssyncadd.s32 $0xFFFFFF00  }
0x21: {  	[tilespmem:s7], [sflag:$0x1] =	stream.indirect.gather [hbm4b:s5+s6], $0x80, s2, s6, $0xb8;
	[tilespmem:$0x8100] =	vst v63  }
0x22: {  	_ = 	snop  }
0x23: {  	[tilespmem:s8], [sflag:$0x2] =	stream.indirect.gather [hbm4b:s5+s6], $0x80, s6, s6, $0xb8;
	[tilespmem:$0x8100] =	vst v63  }
0x24: {  	_ =	swait.ge [sflag:s9], $0x4000  }
0x25: {  	s15 =	sadd.s32 $0x42D600, s26;
	[sflag:s9] =	ssyncset.done $0x0  }
0x26: {  	s14 =	sadd.s32 s15, s30;
	[sflag:s9] =	ssyncadd.s32 $0xFFFFC000  }
0x27: {  	[hbm4b:s14+s2] =	stream.linear.scatter [tilespmem:s7], [sflag:$0x3], $0x4000, $0x38;
	[tilespmem:$0x8100] =	vst v63  }
0x28: {  	_ =	swait.ge [sflag:s3], $0x4000  }
0x29: {  	[sflag:s3] =	ssyncset.done $0x0  }
0x2a: {  	[sflag:s3] =	ssyncadd.s32 $0xFFFFC000  }
0x2b: {  	_ =	swait.ge [sflag:s11], $0x4000  }
0x2c: {  	[sflag:s11] =	ssyncset.done $0x0  }
0x2d: {  	s15 =	sadd.s32 s15, s29;
	[sflag:s11] =	ssyncadd.s32 $0xFFFFC000  }
0x2e: {  	[hbm4b:s15+s2] =	stream.linear.scatter [tilespmem:s8], [sflag:$0x3], $0x4000, $0x38;
	[tilespmem:$0x8100] =	vst v63  }
0x2f: {  	_ =	swait.ge [sflag:s3], $0x4000  }
0x30: {  	[sflag:s3] =	ssyncset.done $0x0  }
0x31: {  	s16 =	sadd.s32 $0x40BA00, s25;
	[sflag:s3] =	ssyncadd.s32 $0xFFFFC000  }
0x32: {  	[tilespmem:s2], [sflag:$0x3] =	stream.linear.gather [hbm4b:s16+s2], $0x100, $0x38;
	[tilespmem:$0x8100] =	vst v63  }
0x33: {  	_ =	swait.ge [sflag:s3], $0x100  }
0x34: {  	[sflag:s3] =	ssyncset.done $0x0  }
0x35: {  	[sflag:s3] =	ssyncadd.s32 $0xFFFFFF00  }
0x36: {  	[tilespmem:s7], [sflag:$0x1] =	stream.indirect.gather [hbm4b:s5+s6], $0x80, s2, s6, $0xb8;
	[tilespmem:$0x8100] =	vst v63  }
0x37: {  	_ = 	snop  }
0x38: {  	[tilespmem:s8], [sflag:$0x2] =	stream.indirect.gather [hbm4b:s5+s6], $0x80, s6, s6, $0xb8;
	[tilespmem:$0x8100] =	vst v63  }
0x39: {  	_ =	swait.ge [sflag:s9], $0x4000  }
0x3a: {  	s18 =	sadd.s32 $0x44D600, s26;
	[sflag:s9] =	ssyncset.done $0x0  }
0x3b: {  	s17 =	sadd.s32 s18, s30;
	[sflag:s9] =	ssyncadd.s32 $0xFFFFC000  }
0x3c: {  	[hbm4b:s17+s2] =	stream.linear.scatter [tilespmem:s7], [sflag:$0x3], $0x4000, $0x38;
	[tilespmem:$0x8100] =	vst v63  }
0x3d: {  	_ =	swait.ge [sflag:s3], $0x4000  }
0x3e: {  	[sflag:s3] =	ssyncset.done $0x0  }
0x3f: {  	[sflag:s3] =	ssyncadd.s32 $0xFFFFC000  }
0x40: {  	_ =	swait.ge [sflag:s11], $0x4000  }
0x41: {  	[sflag:s11] =	ssyncset.done $0x0  }
0x42: {  	s18 =	sadd.s32 s18, s29;
	[sflag:s11] =	ssyncadd.s32 $0xFFFFC000  }
0x43: {  	[hbm4b:s18+s2] =	stream.linear.scatter [tilespmem:s8], [sflag:$0x3], $0x4000, $0x38;
	[tilespmem:$0x8100] =	vst v63  }
0x44: {  	_ =	swait.ge [sflag:s3], $0x4000  }
0x45: {  	[sflag:s3] =	ssyncset.done $0x0  }
0x46: {  	s19 =	sadd.s32 $0x40C200, s25;
	[sflag:s3] =	ssyncadd.s32 $0xFFFFC000  }
0x47: {  	[tilespmem:s2], [sflag:$0x3] =	stream.linear.gather [hbm4b:s19+s2], $0x100, $0x38;
	[tilespmem:$0x8100] =	vst v63  }
0x48: {  	_ =	swait.ge [sflag:s3], $0x100  }
0x49: {  	[sflag:s3] =	ssyncset.done $0x0  }
0x4a: {  	[sflag:s3] =	ssyncadd.s32 $0xFFFFFF00  }
0x4b: {  	[tilespmem:s7], [sflag:$0x1] =	stream.indirect.gather [hbm4b:s5+s6], $0x80, s2, s6, $0xb8;
	[tilespmem:$0x8100] =	vst v63  }
0x4c: {  	_ = 	snop  }
0x4d: {  	[tilespmem:s8], [sflag:$0x2] =	stream.indirect.gather [hbm4b:s5+s6], $0x80, s6, s6, $0xb8;
	[tilespmem:$0x8100] =	vst v63  }
0x4e: {  	_ =	swait.ge [sflag:s9], $0x4000  }
0x4f: {  	s21 =	sadd.s32 $0x46D600, s26;
	[sflag:s9] =	ssyncset.done $0x0  }
0x50: {  	s20 =	sadd.s32 s21, s30;
	[sflag:s9] =	ssyncadd.s32 $0xFFFFC000  }
0x51: {  	[hbm4b:s20+s2] =	stream.linear.scatter [tilespmem:s7], [sflag:$0x3], $0x4000, $0x38;
	[tilespmem:$0x8100] =	vst v63  }
0x52: {  	_ =	swait.ge [sflag:s3], $0x4000  }
0x53: {  	[sflag:s3] =	ssyncset.done $0x0  }
0x54: {  	[sflag:s3] =	ssyncadd.s32 $0xFFFFC000  }
0x55: {  	_ =	swait.ge [sflag:s11], $0x4000  }
0x56: {  	[sflag:s11] =	ssyncset.done $0x0  }
0x57: {  	s21 =	sadd.s32 s21, s29;
	[sflag:s11] =	ssyncadd.s32 $0xFFFFC000  }
0x58: {  	[hbm4b:s21+s2] =	stream.linear.scatter [tilespmem:s8], [sflag:$0x3], $0x4000, $0x38;
	[tilespmem:$0x8100] =	vst v63  }
0x59: {  	_ =	swait.ge [sflag:s3], $0x4000  }
0x5a: {  	[sflag:s3] =	ssyncset.done $0x0  }
0x5b: {  	s22 =	sadd.s32 $0x40CA00, s25;
	[sflag:s3] =	ssyncadd.s32 $0xFFFFC000  }
0x5c: {  	[tilespmem:s2], [sflag:$0x3] =	stream.linear.gather [hbm4b:s22+s2], $0x100, $0x38;
	[tilespmem:$0x8100] =	vst v63  }
0x5d: {  	_ =	swait.ge [sflag:s3], $0x100  }
0x5e: {  	[sflag:s3] =	ssyncset.done $0x0  }
0x5f: {  	[sflag:s3] =	ssyncadd.s32 $0xFFFFFF00  }
0x60: {  	[tilespmem:s7], [sflag:$0x1] =	stream.indirect.gather [hbm4b:s5+s6], $0x80, s2, s6, $0xb8;
	[tilespmem:$0x8100] =	vst v63  }
0x61: {  	_ = 	snop  }
0x62: {  	[tilespmem:s8], [sflag:$0x2] =	stream.indirect.gather [hbm4b:s5+s6], $0x80, s6, s6, $0xb8;
	[tilespmem:$0x8100] =	vst v63  }
0x63: {  	_ =	swait.ge [sflag:s9], $0x4000  }
0x64: {  	s24 =	sadd.s32 $0x48D600, s26;
	[sflag:s9] =	ssyncset.done $0x0  }
0x65: {  	s23 =	sadd.s32 s24, s30;
	[sflag:s9] =	ssyncadd.s32 $0xFFFFC000  }
0x66: {  	[hbm4b:s23+s2] =	stream.linear.scatter [tilespmem:s7], [sflag:$0x3], $0x4000, $0x38;
	[tilespmem:$0x8100] =	vst v63  }
0x67: {  	_ =	swait.ge [sflag:s3], $0x4000  }
0x68: {  	[sflag:s3] =	ssyncset.done $0x0  }
0x69: {  	[sflag:s3] =	ssyncadd.s32 $0xFFFFC000  }
0x6a: {  	_ =	swait.ge [sflag:s11], $0x4000  }
0x6b: {  	[sflag:s11] =	ssyncset.done $0x0  }
0x6c: {  	s24 =	sadd.s32 s24, s29;
	[sflag:s11] =	ssyncadd.s32 $0xFFFFC000  }
0x6d: {  	[hbm4b:s24+s2] =	stream.linear.scatter [tilespmem:s8], [sflag:$0x3], $0x4000, $0x38;
	[tilespmem:$0x8100] =	vst v63  }
0x6e: {  	_ =	swait.ge [sflag:s3], $0x4000  }
0x6f: {  	[sflag:s3] =	ssyncset.done $0x0  }
0x70: {  	s25 =	sadd.s32 $0x40D200, s25;
	[sflag:s3] =	ssyncadd.s32 $0xFFFFC000  }
0x71: {  	[tilespmem:s2], [sflag:$0x3] =	stream.linear.gather [hbm4b:s25+s2], $0x100, $0x38;
	[tilespmem:$0x8100] =	vst v63  }
0x72: {  	_ =	swait.ge [sflag:s3], $0x100  }
0x73: {  	[sflag:s3] =	ssyncset.done $0x0  }
0x74: {  	[sflag:s3] =	ssyncadd.s32 $0xFFFFFF00  }
0x75: {  	[tilespmem:s7], [sflag:$0x1] =	stream.indirect.gather [hbm4b:s5+s6], $0x80, s2, s6, $0xb8;
	[tilespmem:$0x8100] =	vst v63  }
0x76: {  	_ = 	snop  }
0x77: {  	[tilespmem:s8], [sflag:$0x2] =	stream.indirect.gather [hbm4b:s5+s6], $0x80, s6, s6, $0xb8;
	[tilespmem:$0x8100] =	vst v63  }
0x78: {  	_ =	swait.ge [sflag:s9], $0x4000  }
0x79: {  	s31 =	sadd.s32 $0x4AD600, s26;
	[sflag:s9] =	ssyncset.done $0x0  }
0x7a: {  	s28 =	ssub.s32 $0x2, s28;
	s26 =	sadd.s32 s31, s30;
	[sflag:s9] =	ssyncadd.s32 $0xFFFFC000  }
0x7b: {  	[hbm4b:s26+s2] =	stream.linear.scatter [tilespmem:s7], [sflag:$0x3], $0x4000, $0x38;
	[tilespmem:$0x8100] =	vst v63  }
0x7c: {  	s30 =	sshrl.u32 s28, $0x1;
	_ =	swait.ge [sflag:s3], $0x4000  }
0x7d: {  	s30 =	ssub.s32 s28, s30;
	[sflag:s3] =	ssyncset.done $0x0  }
0x7e: {  	s28 =	sadd.s32 s31, s29;
	s29 =	smax.u32 s30, $0x1;
	[sflag:s3] =	ssyncadd.s32 $0xFFFFC000  }
0x7f: {  	p0 =	sne.s32 s29, $0x1;
	_ =	swait.ge [sflag:s11], $0x4000  }
.Ltmp0:
0x80: {  	[sflag:s11] =	ssyncset.done $0x0;
	(pc) =	sbr.rel @!p0 .LBB2_2-.Ltmp0, $4  }
0x81: {  	[sflag:s11] =	ssyncadd.s32 $0xFFFFC000  }
0x82: {  	[hbm4b:s28+s2] =	stream.linear.scatter [tilespmem:s8], [sflag:$0x3], $0x4000, $0x38;
	[tilespmem:$0x8100] =	vst v63  }
0x83: {  	_ =	swait.ge [sflag:s3], $0x4000  }
0x84: {  	s29 =	sadd.s32 $0xFFFFFFFF, s29;
	[sflag:s3] =	ssyncset.done $0x0  }
.LBB2_1:
0x85: {  	p0 =	sne.s32 s29, $0x1;
	s29 =	sadd.s32 $0xFFFFFFFF, s29;
	[sflag:s3] =	ssyncadd.s32 $0xFFFFC000  }
0x86: {  	[tilespmem:s2], [sflag:$0x3] =	stream.linear.gather [hbm4b:s4+s2], $0x100, $0x38;
	[tilespmem:$0x8100] =	vst v63  }
0x87: {  	_ =	swait.ge [sflag:s3], $0x100  }
0x88: {  	[sflag:s3] =	ssyncset.done $0x0  }
0x89: {  	[sflag:s3] =	ssyncadd.s32 $0xFFFFFF00  }
0x8a: {  	[tilespmem:s7], [sflag:$0x1] =	stream.indirect.gather [hbm4b:s5+s6], $0x80, s2, s6, $0xb8;
	[tilespmem:$0x8100] =	vst v63  }
0x8b: {  	_ = 	snop  }
0x8c: {  	[tilespmem:s8], [sflag:$0x2] =	stream.indirect.gather [hbm4b:s5+s6], $0x80, s6, s6, $0xb8;
	[tilespmem:$0x8100] =	vst v63  }
0x8d: {  	_ =	swait.ge [sflag:s9], $0x4000  }
0x8e: {  	[sflag:s9] =	ssyncset.done $0x0  }
0x8f: {  	[sflag:s9] =	ssyncadd.s32 $0xFFFFC000  }
0x90: {  	[hbm4b:s10+s2] =	stream.linear.scatter [tilespmem:s7], [sflag:$0x3], $0x4000, $0x38;
	[tilespmem:$0x8100] =	vst v63  }
0x91: {  	_ =	swait.ge [sflag:s3], $0x4000  }
0x92: {  	[sflag:s3] =	ssyncset.done $0x0  }
0x93: {  	[sflag:s3] =	ssyncadd.s32 $0xFFFFC000  }
0x94: {  	_ =	swait.ge [sflag:s11], $0x4000  }
0x95: {  	[sflag:s11] =	ssyncset.done $0x0  }
0x96: {  	[sflag:s11] =	ssyncadd.s32 $0xFFFFC000  }
0x97: {  	[hbm4b:s12+s2] =	stream.linear.scatter [tilespmem:s8], [sflag:$0x3], $0x4000, $0x38;
	[tilespmem:$0x8100] =	vst v63  }
0x98: {  	_ =	swait.ge [sflag:s3], $0x4000  }
0x99: {  	[sflag:s3] =	ssyncset.done $0x0  }
0x9a: {  	[sflag:s3] =	ssyncadd.s32 $0xFFFFC000  }
0x9b: {  	[tilespmem:s2], [sflag:$0x3] =	stream.linear.gather [hbm4b:s13+s2], $0x100, $0x38;
	[tilespmem:$0x8100] =	vst v63  }
0x9c: {  	_ =	swait.ge [sflag:s3], $0x100  }
0x9d: {  	[sflag:s3] =	ssyncset.done $0x0  }
0x9e: {  	[sflag:s3] =	ssyncadd.s32 $0xFFFFFF00  }
0x9f: {  	[tilespmem:s7], [sflag:$0x1] =	stream.indirect.gather [hbm4b:s5+s6], $0x80, s2, s6, $0xb8;
	[tilespmem:$0x8100] =	vst v63  }
0xa0: {  	_ = 	snop  }
0xa1: {  	[tilespmem:s8], [sflag:$0x2] =	stream.indirect.gather [hbm4b:s5+s6], $0x80, s6, s6, $0xb8;
	[tilespmem:$0x8100] =	vst v63  }
0xa2: {  	_ =	swait.ge [sflag:s9], $0x4000  }
0xa3: {  	[sflag:s9] =	ssyncset.done $0x0  }
0xa4: {  	[sflag:s9] =	ssyncadd.s32 $0xFFFFC000  }
0xa5: {  	[hbm4b:s14+s2] =	stream.linear.scatter [tilespmem:s7], [sflag:$0x3], $0x4000, $0x38;
	[tilespmem:$0x8100] =	vst v63  }
0xa6: {  	_ =	swait.ge [sflag:s3], $0x4000  }
0xa7: {  	[sflag:s3] =	ssyncset.done $0x0  }
0xa8: {  	[sflag:s3] =	ssyncadd.s32 $0xFFFFC000  }
0xa9: {  	_ =	swait.ge [sflag:s11], $0x4000  }
0xaa: {  	[sflag:s11] =	ssyncset.done $0x0  }
0xab: {  	[sflag:s11] =	ssyncadd.s32 $0xFFFFC000  }
0xac: {  	[hbm4b:s15+s2] =	stream.linear.scatter [tilespmem:s8], [sflag:$0x3], $0x4000, $0x38;
	[tilespmem:$0x8100] =	vst v63  }
0xad: {  	_ =	swait.ge [sflag:s3], $0x4000  }
0xae: {  	[sflag:s3] =	ssyncset.done $0x0  }
0xaf: {  	[sflag:s3] =	ssyncadd.s32 $0xFFFFC000  }
0xb0: {  	[tilespmem:s2], [sflag:$0x3] =	stream.linear.gather [hbm4b:s16+s2], $0x100, $0x38;
	[tilespmem:$0x8100] =	vst v63  }
0xb1: {  	_ =	swait.ge [sflag:s3], $0x100  }
0xb2: {  	[sflag:s3] =	ssyncset.done $0x0  }
0xb3: {  	[sflag:s3] =	ssyncadd.s32 $0xFFFFFF00  }
0xb4: {  	[tilespmem:s7], [sflag:$0x1] =	stream.indirect.gather [hbm4b:s5+s6], $0x80, s2, s6, $0xb8;
	[tilespmem:$0x8100] =	vst v63  }
0xb5: {  	_ = 	snop  }
0xb6: {  	[tilespmem:s8], [sflag:$0x2] =	stream.indirect.gather [hbm4b:s5+s6], $0x80, s6, s6, $0xb8;
	[tilespmem:$0x8100] =	vst v63  }
0xb7: {  	_ =	swait.ge [sflag:s9], $0x4000  }
0xb8: {  	[sflag:s9] =	ssyncset.done $0x0  }
0xb9: {  	[sflag:s9] =	ssyncadd.s32 $0xFFFFC000  }
0xba: {  	[hbm4b:s17+s2] =	stream.linear.scatter [tilespmem:s7], [sflag:$0x3], $0x4000, $0x38;
	[tilespmem:$0x8100] =	vst v63  }
0xbb: {  	_ =	swait.ge [sflag:s3], $0x4000  }
0xbc: {  	[sflag:s3] =	ssyncset.done $0x0  }
0xbd: {  	[sflag:s3] =	ssyncadd.s32 $0xFFFFC000  }
0xbe: {  	_ =	swait.ge [sflag:s11], $0x4000  }
0xbf: {  	[sflag:s11] =	ssyncset.done $0x0  }
0xc0: {  	[sflag:s11] =	ssyncadd.s32 $0xFFFFC000  }
0xc1: {  	[hbm4b:s18+s2] =	stream.linear.scatter [tilespmem:s8], [sflag:$0x3], $0x4000, $0x38;
	[tilespmem:$0x8100] =	vst v63  }
0xc2: {  	_ =	swait.ge [sflag:s3], $0x4000  }
0xc3: {  	[sflag:s3] =	ssyncset.done $0x0  }
0xc4: {  	[sflag:s3] =	ssyncadd.s32 $0xFFFFC000  }
0xc5: {  	[tilespmem:s2], [sflag:$0x3] =	stream.linear.gather [hbm4b:s19+s2], $0x100, $0x38;
	[tilespmem:$0x8100] =	vst v63  }
0xc6: {  	_ =	swait.ge [sflag:s3], $0x100  }
0xc7: {  	[sflag:s3] =	ssyncset.done $0x0  }
0xc8: {  	[sflag:s3] =	ssyncadd.s32 $0xFFFFFF00  }
0xc9: {  	[tilespmem:s7], [sflag:$0x1] =	stream.indirect.gather [hbm4b:s5+s6], $0x80, s2, s6, $0xb8;
	[tilespmem:$0x8100] =	vst v63  }
0xca: {  	_ = 	snop  }
0xcb: {  	[tilespmem:s8], [sflag:$0x2] =	stream.indirect.gather [hbm4b:s5+s6], $0x80, s6, s6, $0xb8;
	[tilespmem:$0x8100] =	vst v63  }
0xcc: {  	_ =	swait.ge [sflag:s9], $0x4000  }
0xcd: {  	[sflag:s9] =	ssyncset.done $0x0  }
0xce: {  	[sflag:s9] =	ssyncadd.s32 $0xFFFFC000  }
0xcf: {  	[hbm4b:s20+s2] =	stream.linear.scatter [tilespmem:s7], [sflag:$0x3], $0x4000, $0x38;
	[tilespmem:$0x8100] =	vst v63  }
0xd0: {  	_ =	swait.ge [sflag:s3], $0x4000  }
0xd1: {  	[sflag:s3] =	ssyncset.done $0x0  }
0xd2: {  	[sflag:s3] =	ssyncadd.s32 $0xFFFFC000  }
0xd3: {  	_ =	swait.ge [sflag:s11], $0x4000  }
0xd4: {  	[sflag:s11] =	ssyncset.done $0x0  }
0xd5: {  	[sflag:s11] =	ssyncadd.s32 $0xFFFFC000  }
0xd6: {  	[hbm4b:s21+s2] =	stream.linear.scatter [tilespmem:s8], [sflag:$0x3], $0x4000, $0x38;
	[tilespmem:$0x8100] =	vst v63  }
0xd7: {  	_ =	swait.ge [sflag:s3], $0x4000  }
0xd8: {  	[sflag:s3] =	ssyncset.done $0x0  }
0xd9: {  	[sflag:s3] =	ssyncadd.s32 $0xFFFFC000  }
0xda: {  	[tilespmem:s2], [sflag:$0x3] =	stream.linear.gather [hbm4b:s22+s2], $0x100, $0x38;
	[tilespmem:$0x8100] =	vst v63  }
0xdb: {  	_ =	swait.ge [sflag:s3], $0x100  }
0xdc: {  	[sflag:s3] =	ssyncset.done $0x0  }
0xdd: {  	[sflag:s3] =	ssyncadd.s32 $0xFFFFFF00  }
0xde: {  	[tilespmem:s7], [sflag:$0x1] =	stream.indirect.gather [hbm4b:s5+s6], $0x80, s2, s6, $0xb8;
	[tilespmem:$0x8100] =	vst v63  }
0xdf: {  	_ = 	snop  }
0xe0: {  	[tilespmem:s8], [sflag:$0x2] =	stream.indirect.gather [hbm4b:s5+s6], $0x80, s6, s6, $0xb8;
	[tilespmem:$0x8100] =	vst v63  }
0xe1: {  	_ =	swait.ge [sflag:s9], $0x4000  }
0xe2: {  	[sflag:s9] =	ssyncset.done $0x0  }
0xe3: {  	[sflag:s9] =	ssyncadd.s32 $0xFFFFC000  }
0xe4: {  	[hbm4b:s23+s2] =	stream.linear.scatter [tilespmem:s7], [sflag:$0x3], $0x4000, $0x38;
	[tilespmem:$0x8100] =	vst v63  }
0xe5: {  	_ =	swait.ge [sflag:s3], $0x4000  }
0xe6: {  	[sflag:s3] =	ssyncset.done $0x0  }
0xe7: {  	[sflag:s3] =	ssyncadd.s32 $0xFFFFC000  }
0xe8: {  	_ =	swait.ge [sflag:s11], $0x4000  }
0xe9: {  	[sflag:s11] =	ssyncset.done $0x0  }
0xea: {  	[sflag:s11] =	ssyncadd.s32 $0xFFFFC000  }
0xeb: {  	[hbm4b:s24+s2] =	stream.linear.scatter [tilespmem:s8], [sflag:$0x3], $0x4000, $0x38;
	[tilespmem:$0x8100] =	vst v63  }
0xec: {  	_ =	swait.ge [sflag:s3], $0x4000  }
0xed: {  	[sflag:s3] =	ssyncset.done $0x0  }
0xee: {  	[sflag:s3] =	ssyncadd.s32 $0xFFFFC000  }
0xef: {  	[tilespmem:s2], [sflag:$0x3] =	stream.linear.gather [hbm4b:s25+s2], $0x100, $0x38;
	[tilespmem:$0x8100] =	vst v63  }
0xf0: {  	_ =	swait.ge [sflag:s3], $0x100  }
0xf1: {  	[sflag:s3] =	ssyncset.done $0x0  }
0xf2: {  	[sflag:s3] =	ssyncadd.s32 $0xFFFFFF00  }
0xf3: {  	[tilespmem:s7], [sflag:$0x1] =	stream.indirect.gather [hbm4b:s5+s6], $0x80, s2, s6, $0xb8;
	[tilespmem:$0x8100] =	vst v63  }
0xf4: {  	_ = 	snop  }
0xf5: {  	[tilespmem:s8], [sflag:$0x2] =	stream.indirect.gather [hbm4b:s5+s6], $0x80, s6, s6, $0xb8;
	[tilespmem:$0x8100] =	vst v63  }
0xf6: {  	_ =	swait.ge [sflag:s9], $0x4000  }
0xf7: {  	[sflag:s9] =	ssyncset.done $0x0  }
0xf8: {  	[sflag:s9] =	ssyncadd.s32 $0xFFFFC000  }
0xf9: {  	[hbm4b:s26+s2] =	stream.linear.scatter [tilespmem:s7], [sflag:$0x3], $0x4000, $0x38;
	[tilespmem:$0x8100] =	vst v63  }
0xfa: {  	_ =	swait.ge [sflag:s3], $0x4000  }
0xfb: {  	[sflag:s3] =	ssyncset.done $0x0  }
0xfc: {  	[sflag:s3] =	ssyncadd.s32 $0xFFFFC000  }
0xfd: {  	_ =	swait.ge [sflag:s11], $0x4000  }
.Ltmp1:
0xfe: {  	[sflag:s11] =	ssyncset.done $0x0;
	(pc) =	sbr.rel @p0 .LBB2_1-.Ltmp1, $4  }
0xff: {  	[sflag:s11] =	ssyncadd.s32 $0xFFFFC000  }
0x100: {  	[hbm4b:s28+s2] =	stream.linear.scatter [tilespmem:s8], [sflag:$0x3], $0x4000, $0x38;
	[tilespmem:$0x8100] =	vst v63  }
0x101: {  	_ =	swait.ge [sflag:s3], $0x4000  }
0x102: {  	[sflag:s3] =	ssyncset.done $0x0  }
.LBB2_2:
0x103: {  	[sflag:s3] =	ssyncadd.s32 $0xFFFFC000  }
0x104: {  	_ =	sfence.sel $0x180000  }
0x105: {  	[bflag:$0x0] =	sbarrier.arrive $0xFFFF  }
0x106: {  	p0 =	sne.s32 s0, $0x0;
	_ =	strace $0x9000004D  }
0x107: {  	s0 =	sadd.s32 @!p0 $0x100000, s1;
	[bflag:$0x2] =	sbarrier.arrive $0xFFFF  }
0x108: {  	[sflag:s0] =	ssyncadd.tile.s32 @!p0 $0x1;
	_ =	shalt  }
.Lfunc_end2:
_tile_overlayer_lowered:
.L_overlay_start_2:
0x109: {  	(tag) =	ssettag $0x2  }
0x10a: {  	s0 =	rddreg [dreg:$0x0];
	s2 =	stileid.u32  }
0x10b: {  	s1 =	rddreg [dreg:$0x1];
	p0 =	sne.s32 s2, $0x0  }
0x10c: {  	s3 =	rddreg [dreg:$0x2];
	[bflag:$0x3] =	sbarrier.arrive $0xFFFF;
	s2 =	simm.s32 @!p0 $0x1C03  }
0x10d: {  	[timem:s3], [sflag:s2] =	dma.local @!p0 [hbm:s0], s1  }
0x10e: {  	s0 =	simm.s32 @!p0 $0x3  }
0x10f: {  	_ =	swait.ge @!p0 [sflag:s0], s1  }
0x110: {  	s1 =	ssub.s32 @!p0 $0x0, s1;
	[sflag:s0] =	ssyncset.done @!p0 $0x0  }
0x111: {  	[sflag:s0] =	ssyncadd.s32 @!p0 s1  }
0x112: {  	[bflag:$0x3] =	sbarrier.arrive $0xFFFF  }
0x113: {  	_ =	shalt  }

</sc_bundles>
